<compile_context>
chip_gen: v7x
topology: tpu7x:2x2x1
jax: 0.10.2.dev20260603
libtpu: 0.0.44.dev20260713+nightly
codegen_flags: <defaults>
</compile_context>

<pallas_src>
import functools
import math

import jax
import jax.numpy as jnp
from jax import lax
from jax.experimental import pallas as pl
from jax.experimental.pallas import tpu as pltpu
from jax.experimental.pallas import tpu_sc as plsc

N = 10000
E = 160000
NW = 32
CH = 128
NCH = 40
PW = NCH * CH
E_PAD = NW * PW
NACC = 10240
TRASH = 10000
TPR = NACC // 16
BLK = 3200
BLKN = 1000
INV_SQRT_D = 1.0 / math.sqrt(128.0)

_mesh = plsc.VectorSubcoreMesh(core_axis_name="c", subcore_axis_name="s")


@functools.partial(
    pl.kernel,
    mesh=_mesh,
    out_type=jax.ShapeDtypeStruct((E_PAD, 128), jnp.float32),
    scratch_types=[
        pltpu.VMEM((NCH, CH), jnp.int32),
        pltpu.VMEM((2 * CH, 128), jnp.float32),
        pltpu.SemaphoreType.DMA,
        pltpu.SemaphoreType.DMA,
    ],
)
def _gather_q(q_hbm, idx_hbm, qg_hbm, idx_v, rows_v, gsem, wsem):
    wid = lax.axis_index("s") * 2 + lax.axis_index("c")
    pltpu.sync_copy(idx_hbm.at[wid], idx_v)
    base = wid * PW

    pltpu.async_copy(q_hbm.at[idx_v.at[0]], rows_v.at[pl.ds(0, CH)], gsem)

    def body(j, carry):
        cur = rows_v.at[pl.ds((j % 2) * CH, CH)]
        nxt = rows_v.at[pl.ds(((j + 1) % 2) * CH, CH)]

        @pl.when(j >= 1)
        def _():
            pltpu.make_async_copy(
                q_hbm.at[pl.ds(0, CH)], nxt, wsem).wait()

        @pl.when(j + 1 < NCH)
        def _():
            pltpu.async_copy(q_hbm.at[idx_v.at[j + 1]], nxt, gsem)

        pltpu.make_async_copy(q_hbm.at[pl.ds(0, CH)], cur, gsem).wait()
        pltpu.async_copy(cur, qg_hbm.at[pl.ds(base + j * CH, CH)], wsem)
        return carry

    lax.fori_loop(0, NCH, body, 0)
    pltpu.make_async_copy(
        q_hbm.at[pl.ds(0, CH)], rows_v.at[pl.ds(0, CH)], wsem).wait()


def _head_mat(nf, group):
    f = lax.broadcasted_iota(jnp.int32, (nf, 8), 0)
    h = lax.broadcasted_iota(jnp.int32, (nf, 8), 1)
    return jnp.where(f // group == h, 1.0, 0.0).astype(jnp.float32)


def _edge_body(k0_r, k1_r, v0_r, v1_r, qg_r, w_r, ex_r):
    qg = qg_r[...]
    p0 = k0_r[...] * qg[:, :32]
    p1 = k1_r[...] * qg[:, 32:]
    g0 = _head_mat(32, 4)
    g1 = _head_mat(96, 12)
    e8 = (jnp.dot(p0, g0, preferred_element_type=jnp.float32)
          + jnp.dot(p1, g1, preferred_element_type=jnp.float32)) * INV_SQRT_D
    ex = jnp.exp(e8)
    eh0 = jnp.dot(ex, g0.T, preferred_element_type=jnp.float32)
    eh1 = jnp.dot(ex, g1.T, preferred_element_type=jnp.float32)
    w_r[...] = jnp.concatenate([eh0 * v0_r[...], eh1 * v1_r[...]], axis=1)
    ex_r[...] = jnp.concatenate([eh0, eh1], axis=1)


def _edge_math(k0, k1, v0, v1, qg):
    nblk = E // BLK
    return pl.pallas_call(
        _edge_body,
        grid=(nblk,),
        in_specs=[
            pl.BlockSpec((BLK, 32), lambda i: (i, 0)),
            pl.BlockSpec((BLK, 96), lambda i: (i, 0)),
            pl.BlockSpec((BLK, 32), lambda i: (i, 0)),
            pl.BlockSpec((BLK, 96), lambda i: (i, 0)),
            pl.BlockSpec((BLK, 128), lambda i: (i, 0)),
        ],
        out_specs=[
            pl.BlockSpec((BLK, 128), lambda i: (i, 0)),
            pl.BlockSpec((BLK, 128), lambda i: (i, 0)),
        ],
        out_shape=[
            jax.ShapeDtypeStruct((E_PAD, 128), jnp.float32),
            jax.ShapeDtypeStruct((E_PAD, 128), jnp.float32),
        ],
    )(k0, k1, v0, v1, qg)


@functools.partial(
    pl.kernel,
    mesh=_mesh,
    out_type=jax.ShapeDtypeStruct((2, NACC, 128), jnp.float32),
    scratch_types=[
        pltpu.VMEM((NCH, CH), jnp.int32),
        pltpu.VMEM((2 * CH, 128), jnp.float32),
        pltpu.VMEM((16, 128), jnp.float32),
        pltpu.VMEM_SHARED((NACC, 128), jnp.float32),
        pltpu.SemaphoreType.DMA,
        pltpu.SemaphoreType.DMA,
    ],
)
def _scatter_rows(x_hbm, idx_hbm, acc_hbm, idx_v, x_v, z_u, u_sh, gsem, ssem):
    c = lax.axis_index("c")
    sc = lax.axis_index("s")
    wid = sc * 2 + c
    zero16 = jnp.zeros((16,), jnp.float32)
    for r in range(16):
        for g in range(8):
            z_u[r, pl.ds(g * 16, 16)] = zero16
    row0 = sc * TPR

    def zbody(t, carry):
        pltpu.sync_copy(z_u, u_sh.at[pl.ds(row0 + t * 16, 16)])
        return carry

    lax.fori_loop(0, TPR // 16, zbody, 0)
    plsc.subcore_barrier()

    pltpu.sync_copy(idx_hbm.at[wid], idx_v)
    base = wid * PW

    pltpu.async_copy(x_hbm.at[pl.ds(base, CH)], x_v.at[pl.ds(0, CH)], gsem)

    def body(j, carry):
        cur = x_v.at[pl.ds((j % 2) * CH, CH)]
        nxt = x_v.at[pl.ds(((j + 1) % 2) * CH, CH)]

        @pl.when(j >= 1)
        def _():
            pltpu.make_async_copy(x_hbm.at[pl.ds(0, CH)], nxt, ssem).wait()

        @pl.when(j + 1 < NCH)
        def _():
            pltpu.async_copy(
                x_hbm.at[pl.ds(base + (j + 1) * CH, CH)], nxt, gsem)

        pltpu.make_async_copy(x_hbm.at[pl.ds(0, CH)], cur, gsem).wait()
        pltpu.async_copy(cur, u_sh.at[idx_v.at[j]], ssem, add=True)
        return carry

    lax.fori_loop(0, NCH, body, 0)
    pltpu.make_async_copy(
        x_hbm.at[pl.ds(0, CH)], x_v.at[pl.ds(0, CH)], ssem).wait()
    plsc.subcore_barrier()

    def ebody(t, carry):
        buf = x_v.at[pl.ds(0, CH)]
        pltpu.sync_copy(u_sh.at[pl.ds(row0 + t * CH, CH)], buf)
        pltpu.sync_copy(buf, acc_hbm.at[c, pl.ds(row0 + t * CH, CH)])
        return carry

    lax.fori_loop(0, TPR // CH, ebody, 0)


def _norm_body(up_r, rp_r, o0_r, o1_r):
    u = up_r[0] + up_r[1]
    rep = rp_r[0] + rp_r[1]
    out = u / (rep + 1e-9)
    o0_r[...] = out[:, :32]
    o1_r[...] = out[:, 32:]


def _normalize(up, rp):
    return pl.pallas_call(
        _norm_body,
        grid=(N // BLKN,),
        in_specs=[
            pl.BlockSpec((2, BLKN, 128), lambda i: (0, i, 0)),
            pl.BlockSpec((2, BLKN, 128), lambda i: (0, i, 0)),
        ],
        out_specs=[
            pl.BlockSpec((BLKN, 32), lambda i: (i, 0)),
            pl.BlockSpec((BLKN, 96), lambda i: (i, 0)),
        ],
        out_shape=[
            jax.ShapeDtypeStruct((N, 32), jnp.float32),
            jax.ShapeDtypeStruct((N, 96), jnp.float32),
        ],
    )(up, rp)


def kernel(edge_index, qry_0, qry_1, key_0, key_1, val_0, val_1):
    dst = edge_index[1].astype(jnp.int32)
    qcat = jnp.concatenate(
        [qry_0.reshape(N, 32), qry_1.reshape(N, 96)], axis=1)
    k0 = key_0.reshape(E, 32)
    k1 = key_1.reshape(E, 96)
    v0 = val_0.reshape(E, 32)
    v1 = val_1.reshape(E, 96)
    idx_g = jnp.concatenate(
        [dst, jnp.zeros((E_PAD - E,), jnp.int32)]).reshape(NW, NCH, CH)
    idx_s = jnp.concatenate(
        [dst, jnp.full((E_PAD - E,), TRASH, jnp.int32)]).reshape(NW, NCH, CH)

    qg = _gather_q(qcat, idx_g)
    w, exr = _edge_math(k0, k1, v0, v1, qg)
    up = _scatter_rows(w, idx_s)
    rp = _scatter_rows(exr, idx_s)
    o0, o1 = _normalize(up, rp)
    return o0.reshape(N, 32, 1), o1.reshape(N, 32, 3)

# --- scband reference (transcript-rebuilt; emitter-appended) ---
"""Pipeline reference for scband-gmabse3-32813550141527 (READ-ONLY COPY).

The authoritative reference and input builder live on the scoring server;
editing this copy changes nothing except your own understanding.
"""

import jax, jax.numpy as jnp
import numpy as np

N = 10000
E = 160000
H = 8
C0 = 32
C1 = 32
N_DIMS = C0 * 1 + C1 * 3  # f_key.n_dims = 32*1 + 32*3 = 128


def fiber2head(f0, f1, n_heads):
    # reshape each degree's features [M, c, 2d+1] -> [M, H, (c//H)*(2d+1)] and concat over last dim
    h0 = f0.reshape(f0.shape[0], n_heads, -1)
    h1 = f1.reshape(f1.shape[0], n_heads, -1)
    return jnp.concatenate([h0, h1], axis=-1)


def edge_softmax(e, dst, num_nodes):
    # numerically-stable softmax over incoming edges of each dst node, per head
    m = jax.ops.segment_max(e, dst, num_segments=num_nodes)
    m = jnp.where(jnp.isfinite(m), m, 0.0)
    ex = jnp.exp(e - m[dst])
    s = jax.ops.segment_sum(ex, dst, num_segments=num_nodes)
    return ex / (s[dst] + 1e-9)


def setup_inputs(seed: int = 0) -> dict:
    key = jax.random.key(seed)
    ks = jax.random.split(key, 8)
    edge_index = jax.random.randint(ks[0], (2, E), 0, N)
    qry_0 = jax.random.normal(ks[1], (N, C0, 1), dtype=jnp.float32)
    qry_1 = jax.random.normal(ks[2], (N, C1, 3), dtype=jnp.float32)
    key_0 = jax.random.normal(ks[3], (E, C0, 1), dtype=jnp.float32)
    key_1 = jax.random.normal(ks[4], (E, C1, 3), dtype=jnp.float32)
    val_0 = jax.random.normal(ks[5], (E, C0, 1), dtype=jnp.float32)
    val_1 = jax.random.normal(ks[6], (E, C1, 3), dtype=jnp.float32)
    return {"edge_index": edge_index, "qry_0": qry_0, "qry_1": qry_1,
            "key_0": key_0, "key_1": key_1, "val_0": val_0, "val_1": val_1}


def reference(edge_index, qry_0, qry_1, key_0, key_1, val_0, val_1):
    dst = edge_index[1]
    # per-edge values reshaped to heads: [E, H, cv//H, 2d+1]
    v0 = val_0.reshape(E, H, C0 // H, 1)
    v1 = val_1.reshape(E, H, C1 // H, 3)
    # fiber2head for keys (edges) and queries (nodes): [*, H, n_dims//H]
    k = fiber2head(key_0, key_1, H)
    q = fiber2head(qry_0, qry_1, H)
    # e_dot_v('k','q','e'): dot edge key with dst-node query -> [E, H]
    e = jnp.sum(k * q[dst], axis=-1) / np.sqrt(N_DIMS)
    # edge_softmax over incoming edges per dst node
    a = edge_softmax(e, dst, N)
    # udf_u_mul_e + sum aggregation per output degree
    out0 = jax.ops.segment_sum(a[:, :, None, None] * v0, dst, num_segments=N).reshape(N, C0, 1)
    out1 = jax.ops.segment_sum(a[:, :, None, None] * v1, dst, num_segments=N).reshape(N, C1, 3)
    return out0, out1

if __name__ == "__main__":
    import jax
    _d = setup_inputs()
    print(jax.jit(kernel)(*tuple(_d.values())))

</pallas_src>

<mosaic_0001>
#map = affine_map<(d0, d1) -> (0, 0)>
#map1 = affine_map<(d0, d1) -> (0, 0, 0)>
module attributes {stable_mosaic.version = 14 : i64} {
  func.func @_gather_q(%arg0: i32, %arg1: i32, %arg2: memref<10000x128xf32, #tpu.memory_space<hbm>>, %arg3: memref<32x40x128xi32, #tpu.memory_space<hbm>>, %arg4: memref<163840x128xf32, #tpu.memory_space<hbm>>, %arg5: memref<40x128xi32, #tpu.memory_space<vmem>>, %arg6: memref<256x128xf32, #tpu.memory_space<vmem>>, %arg7: memref<!tpu.dma_semaphore, #tpu.memory_space<semaphore_mem>>, %arg8: memref<!tpu.dma_semaphore, #tpu.memory_space<semaphore_mem>>) attributes {dimension_semantics = [#tpu.dimension_semantics<core_parallel>, #tpu.dimension_semantics<subcore_parallel>], iteration_bounds = array<i64: 2, 16>, scalar_prefetch = 0 : i64, scratch_operands = 4 : i64, tpu.core_type = #tpu.core_type<sc_vector_subcore>, window_params = [{transform_indices = #map}, {transform_indices = #map1}, {transform_indices = #map}]} {
    %mul3A = arith.constant 2 : i32
    %mul3A_0 = arith.muli %arg1, %mul3A : i32
    %add3A = arith.addi %mul3A_0, %arg0 : i32
    "tpu.region"() ({
      %run_scoped3A = tpu.sem_alloc : memref<!tpu.dma_semaphore, #tpu.memory_space<semaphore_mem>>
      %dma_start3A_28 = arith.constant 0 : i32
      %dma_start3A_29 = arith.constant 0 : i32
      %dma_start3A_30 = tpu.memref_slice %arg3[%add3A, %dma_start3A_28, %dma_start3A_29] : memref<32x40x128xi32, #tpu.memory_space<hbm>> -> memref<1x40x128xi32, #tpu.memory_space<hbm>>
      %dma_start3A_31 = tpu.memref_squeeze %dma_start3A_30 : memref<1x40x128xi32, #tpu.memory_space<hbm>> -> memref<40x128xi32, #tpu.memory_space<hbm>>
      %dma_start3A_32 = arith.constant 0 : i32
      %dma_start3A_33 = arith.constant 0 : i32
      %dma_start3A_34 = tpu.memref_slice %arg3[%add3A, %dma_start3A_32, %dma_start3A_33] : memref<32x40x128xi32, #tpu.memory_space<hbm>> -> memref<1x40x128xi32, #tpu.memory_space<hbm>>
      %dma_start3A_35 = tpu.memref_squeeze %dma_start3A_34 : memref<1x40x128xi32, #tpu.memory_space<hbm>> -> memref<40x128xi32, #tpu.memory_space<hbm>>
      tpu.enqueue_dma source(%dma_start3A_35 : memref<40x128xi32, #tpu.memory_space<hbm>>) target(%arg5 : memref<40x128xi32, #tpu.memory_space<vmem>>) target_semaphore(%run_scoped3A : memref<!tpu.dma_semaphore, #tpu.memory_space<semaphore_mem>>)
      %dma_wait3A_36 = arith.constant 0 : i32
      %dma_wait3A_37 = arith.constant 0 : i32
      %dma_wait3A_38 = tpu.memref_slice %arg3[%add3A, %dma_wait3A_36, %dma_wait3A_37] : memref<32x40x128xi32, #tpu.memory_space<hbm>> -> memref<1x40x128xi32, #tpu.memory_space<hbm>>
      %dma_wait3A_39 = tpu.memref_squeeze %dma_wait3A_38 : memref<1x40x128xi32, #tpu.memory_space<hbm>> -> memref<40x128xi32, #tpu.memory_space<hbm>>
      %dma_wait3A_40 = arith.constant 0 : i32
      %dma_wait3A_41 = arith.constant 0 : i32
      %dma_wait3A_42 = tpu.memref_slice %arg3[%add3A, %dma_wait3A_40, %dma_wait3A_41] : memref<32x40x128xi32, #tpu.memory_space<hbm>> -> memref<1x40x128xi32, #tpu.memory_space<hbm>>
      %dma_wait3A_43 = tpu.memref_squeeze %dma_wait3A_42 : memref<1x40x128xi32, #tpu.memory_space<hbm>> -> memref<40x128xi32, #tpu.memory_space<hbm>>
      tpu.wait_dma2 semaphore(%run_scoped3A : memref<!tpu.dma_semaphore, #tpu.memory_space<semaphore_mem>>) src(%dma_wait3A_43 : memref<40x128xi32, #tpu.memory_space<hbm>>) dst(%arg5 : memref<40x128xi32, #tpu.memory_space<vmem>>)
      tpu.yield
    }) : () -> ()
    %mul3A_1 = arith.constant 5120 : i32
    %mul3A_2 = arith.muli %add3A, %mul3A_1 : i32
    %dma_start3A = arith.constant 0 : i32
    %dma_start3A_3 = arith.constant 0 : i32
    %dma_start3A_4 = arith.constant 0 : i32
    %dma_start3A_5 = tpu.memref_slice %arg6[%dma_start3A_3, %dma_start3A_4] : memref<256x128xf32, #tpu.memory_space<vmem>> -> memref<128x128xf32, #tpu.memory_space<vmem>>
    %dma_start3A_6 = arith.constant 0 : i32
    %dma_start3A_7 = tpu.memref_slice %arg5[%dma_start3A, %dma_start3A_6] : memref<40x128xi32, #tpu.memory_space<vmem>> -> memref<1x128xi32, #tpu.memory_space<vmem>>
    %dma_start3A_8 = tpu.memref_squeeze %dma_start3A_7 : memref<1x128xi32, #tpu.memory_space<vmem>> -> memref<128xi32, #tpu.memory_space<vmem>>
    %dma_start3A_9 = arith.constant 0 : i32
    %dma_start3A_10 = arith.constant 0 : i32
    %dma_start3A_11 = tpu.memref_slice %arg2[%dma_start3A_9, %dma_start3A_10] : memref<10000x128xf32, #tpu.memory_space<hbm>> -> memref<10000x128xf32, #tpu.memory_space<hbm>>
    tpu.enqueue_indirect_dma source(%dma_start3A_11 : memref<10000x128xf32, #tpu.memory_space<hbm>>) target(%dma_start3A_5 : memref<128x128xf32, #tpu.memory_space<vmem>>) offsets(%dma_start3A_8 : memref<128xi32, #tpu.memory_space<vmem>>) semaphore(%arg7 : memref<!tpu.dma_semaphore, #tpu.memory_space<semaphore_mem>>)
    %scan3A = arith.constant 0 : i32
    %scan3A_12 = arith.constant 0 : i32
    %scan3A_13 = arith.constant 40 : i32
    %scan3A_14 = arith.addi %scan3A_12, %scan3A_13 : i32
    %scan3A_15 = arith.constant 1 : i32
    scf.for %scan3A_28 = %scan3A_12 to %scan3A_14 step %scan3A_15  : i32 {
      %jit3A = arith.constant 2 : i32
      %eq3A = arith.constant 0 : i32
      %eq3A_29 = arith.cmpi eq, %jit3A, %eq3A : i32
      %jit3A_30 = arith.constant 1 : i32
      %select_n3A = arith.select %eq3A_29, %jit3A_30, %jit3A : i32
      %rem3A = arith.remsi %scan3A_28, %select_n3A : i32
      %ne3A = arith.constant 0 : i32
      %ne3A_31 = arith.cmpi ne, %rem3A, %ne3A : i32
      %lt3A = arith.constant 0 : i32
      %lt3A_32 = arith.cmpi slt, %rem3A, %lt3A : i32
      %lt3A_33 = arith.constant 0 : i32
      %lt3A_34 = arith.cmpi slt, %select_n3A, %lt3A_33 : i32
      %ne3A_35 = arith.xori %lt3A_32, %lt3A_34 : i1
      %and3A = arith.andi %ne3A_35, %ne3A_31 : i1
      %add3A_36 = arith.addi %rem3A, %select_n3A : i32
      %select_n3A_37 = arith.select %and3A, %add3A_36, %rem3A : i32
      %mul3A_38 = arith.constant 128 : i32
      %mul3A_39 = arith.muli %select_n3A_37, %mul3A_38 : i32
      %add3A_40 = arith.constant 1 : i32
      %add3A_41 = arith.addi %scan3A_28, %add3A_40 : i32
      %jit3A_42 = arith.constant 2 : i32
      %eq3A_43 = arith.constant 0 : i32
      %eq3A_44 = arith.cmpi eq, %jit3A_42, %eq3A_43 : i32
      %jit3A_45 = arith.constant 1 : i32
      %select_n3A_46 = arith.select %eq3A_44, %jit3A_45, %jit3A_42 : i32
      %rem3A_47 = arith.remsi %add3A_41, %select_n3A_46 : i32
      %ne3A_48 = arith.constant 0 : i32
      %ne3A_49 = arith.cmpi ne, %rem3A_47, %ne3A_48 : i32
      %lt3A_50 = arith.constant 0 : i32
      %lt3A_51 = arith.cmpi slt, %rem3A_47, %lt3A_50 : i32
      %lt3A_52 = arith.constant 0 : i32
      %lt3A_53 = arith.cmpi slt, %select_n3A_46, %lt3A_52 : i32
      %ne3A_54 = arith.xori %lt3A_51, %lt3A_53 : i1
      %and3A_55 = arith.andi %ne3A_54, %ne3A_49 : i1
      %add3A_56 = arith.addi %rem3A_47, %select_n3A_46 : i32
      %select_n3A_57 = arith.select %and3A_55, %add3A_56, %rem3A_47 : i32
      %mul3A_58 = arith.constant 128 : i32
      %mul3A_59 = arith.muli %select_n3A_57, %mul3A_58 : i32
      %ge3A = arith.constant 1 : i32
      %ge3A_60 = arith.cmpi sge, %scan3A_28, %ge3A : i32
      %convert_element_type3A = arith.extui %ge3A_60 : i1 to i32
      %cond3A = arith.constant 0 : i32
      %cond3A_61 = arith.cmpi ne, %convert_element_type3A, %cond3A : i32
      scf.if %cond3A_61 {
        %dma_wait3A_90 = arith.constant 0 : i32
        %dma_wait3A_91 = tpu.memref_slice %arg6[%mul3A_59, %dma_wait3A_90] : memref<256x128xf32, #tpu.memory_space<vmem>> -> memref<128x128xf32, #tpu.memory_space<vmem>>
        %dma_wait3A_92 = arith.constant 0 : i32
        %dma_wait3A_93 = arith.constant 0 : i32
        %dma_wait3A_94 = tpu.memref_slice %arg2[%dma_wait3A_92, %dma_wait3A_93] : memref<10000x128xf32, #tpu.memory_space<hbm>> -> memref<128x128xf32, #tpu.memory_space<hbm>>
        %dma_wait3A_95 = arith.constant 0 : i32
        %dma_wait3A_96 = tpu.memref_slice %arg6[%mul3A_59, %dma_wait3A_95] : memref<256x128xf32, #tpu.memory_space<vmem>> -> memref<128x128xf32, #tpu.memory_space<vmem>>
        %dma_wait3A_97 = arith.constant 0 : i32
        %dma_wait3A_98 = arith.constant 0 : i32
        %dma_wait3A_99 = tpu.memref_slice %arg2[%dma_wait3A_97, %dma_wait3A_98] : memref<10000x128xf32, #tpu.memory_space<hbm>> -> memref<128x128xf32, #tpu.memory_space<hbm>>
        tpu.wait_dma2 semaphore(%arg8 : memref<!tpu.dma_semaphore, #tpu.memory_space<semaphore_mem>>) src(%dma_wait3A_99 : memref<128x128xf32, #tpu.memory_space<hbm>>) dst(%dma_wait3A_96 : memref<128x128xf32, #tpu.memory_space<vmem>>)
      } else {
      }
      %add3A_62 = arith.constant 1 : i32
      %add3A_63 = arith.addi %scan3A_28, %add3A_62 : i32
      %lt3A_64 = arith.constant 40 : i32
      %lt3A_65 = arith.cmpi slt, %add3A_63, %lt3A_64 : i32
      %convert_element_type3A_66 = arith.extui %lt3A_65 : i1 to i32
      %cond3A_67 = arith.constant 0 : i32
      %cond3A_68 = arith.cmpi ne, %convert_element_type3A_66, %cond3A_67 : i32
      scf.if %cond3A_68 {
        %add3A_90 = arith.constant 1 : i32
        %add3A_91 = arith.addi %scan3A_28, %add3A_90 : i32
        %dma_start3A_92 = arith.constant 0 : i32
        %dma_start3A_93 = tpu.memref_slice %arg6[%mul3A_59, %dma_start3A_92] : memref<256x128xf32, #tpu.memory_space<vmem>> -> memref<128x128xf32, #tpu.memory_space<vmem>>
        %dma_start3A_94 = arith.constant 0 : i32
        %dma_start3A_95 = tpu.memref_slice %arg5[%add3A_91, %dma_start3A_94] : memref<40x128xi32, #tpu.memory_space<vmem>> -> memref<1x128xi32, #tpu.memory_space<vmem>>
        %dma_start3A_96 = tpu.memref_squeeze %dma_start3A_95 : memref<1x128xi32, #tpu.memory_space<vmem>> -> memref<128xi32, #tpu.memory_space<vmem>>
        %dma_start3A_97 = arith.constant 0 : i32
        %dma_start3A_98 = arith.constant 0 : i32
        %dma_start3A_99 = tpu.memref_slice %arg2[%dma_start3A_97, %dma_start3A_98] : memref<10000x128xf32, #tpu.memory_space<hbm>> -> memref<10000x128xf32, #tpu.memory_space<hbm>>
        tpu.enqueue_indirect_dma source(%dma_start3A_99 : memref<10000x128xf32, #tpu.memory_space<hbm>>) target(%dma_start3A_93 : memref<128x128xf32, #tpu.memory_space<vmem>>) offsets(%dma_start3A_96 : memref<128xi32, #tpu.memory_space<vmem>>) semaphore(%arg7 : memref<!tpu.dma_semaphore, #tpu.memory_space<semaphore_mem>>)
      } else {
      }
      %dma_wait3A_69 = arith.constant 0 : i32
      %dma_wait3A_70 = tpu.memref_slice %arg6[%mul3A_39, %dma_wait3A_69] : memref<256x128xf32, #tpu.memory_space<vmem>> -> memref<128x128xf32, #tpu.memory_space<vmem>>
      %dma_wait3A_71 = arith.constant 0 : i32
      %dma_wait3A_72 = arith.constant 0 : i32
      %dma_wait3A_73 = tpu.memref_slice %arg2[%dma_wait3A_71, %dma_wait3A_72] : memref<10000x128xf32, #tpu.memory_space<hbm>> -> memref<128x128xf32, #tpu.memory_space<hbm>>
      %dma_wait3A_74 = arith.constant 0 : i32
      %dma_wait3A_75 = tpu.memref_slice %arg6[%mul3A_39, %dma_wait3A_74] : memref<256x128xf32, #tpu.memory_space<vmem>> -> memref<128x128xf32, #tpu.memory_space<vmem>>
      %dma_wait3A_76 = arith.constant 0 : i32
      %dma_wait3A_77 = arith.constant 0 : i32
      %dma_wait3A_78 = tpu.memref_slice %arg2[%dma_wait3A_76, %dma_wait3A_77] : memref<10000x128xf32, #tpu.memory_space<hbm>> -> memref<128x128xf32, #tpu.memory_space<hbm>>
      tpu.wait_dma2 semaphore(%arg7 : memref<!tpu.dma_semaphore, #tpu.memory_space<semaphore_mem>>) src(%dma_wait3A_78 : memref<128x128xf32, #tpu.memory_space<hbm>>) dst(%dma_wait3A_75 : memref<128x128xf32, #tpu.memory_space<vmem>>)
      %mul3A_79 = arith.constant 128 : i32
      %mul3A_80 = arith.muli %scan3A_28, %mul3A_79 : i32
      %add3A_81 = arith.addi %mul3A_2, %mul3A_80 : i32
      %dma_start3A_82 = arith.constant 0 : i32
      %dma_start3A_83 = tpu.memref_slice %arg6[%mul3A_39, %dma_start3A_82] : memref<256x128xf32, #tpu.memory_space<vmem>> -> memref<128x128xf32, #tpu.memory_space<vmem>>
      %dma_start3A_84 = arith.constant 0 : i32
      %dma_start3A_85 = tpu.memref_slice %arg4[%add3A_81, %dma_start3A_84] : memref<163840x128xf32, #tpu.memory_space<hbm>> -> memref<128x128xf32, #tpu.memory_space<hbm>>
      %dma_start3A_86 = arith.constant 0 : i32
      %dma_start3A_87 = tpu.memref_slice %arg4[%add3A_81, %dma_start3A_86] : memref<163840x128xf32, #tpu.memory_space<hbm>> -> memref<128x128xf32, #tpu.memory_space<hbm>>
      %dma_start3A_88 = arith.constant 0 : i32
      %dma_start3A_89 = tpu.memref_slice %arg6[%mul3A_39, %dma_start3A_88] : memref<256x128xf32, #tpu.memory_space<vmem>> -> memref<128x128xf32, #tpu.memory_space<vmem>>
      tpu.enqueue_dma source(%dma_start3A_89 : memref<128x128xf32, #tpu.memory_space<vmem>>) target(%dma_start3A_87 : memref<128x128xf32, #tpu.memory_space<hbm>>) target_semaphore(%arg8 : memref<!tpu.dma_semaphore, #tpu.memory_space<semaphore_mem>>)
    }
    %scan3A_16 = arith.constant 40 : i32
    %dma_wait3A = arith.constant 0 : i32
    %dma_wait3A_17 = arith.constant 0 : i32
    %dma_wait3A_18 = tpu.memref_slice %arg6[%dma_wait3A, %dma_wait3A_17] : memref<256x128xf32, #tpu.memory_space<vmem>> -> memref<128x128xf32, #tpu.memory_space<vmem>>
    %dma_wait3A_19 = arith.constant 0 : i32
    %dma_wait3A_20 = arith.constant 0 : i32
    %dma_wait3A_21 = tpu.memref_slice %arg2[%dma_wait3A_19, %dma_wait3A_20] : memref<10000x128xf32, #tpu.memory_space<hbm>> -> memref<128x128xf32, #tpu.memory_space<hbm>>
    %dma_wait3A_22 = arith.constant 0 : i32
    %dma_wait3A_23 = arith.constant 0 : i32
    %dma_wait3A_24 = tpu.memref_slice %arg6[%dma_wait3A_22, %dma_wait3A_23] : memref<256x128xf32, #tpu.memory_space<vmem>> -> memref<128x128xf32, #tpu.memory_space<vmem>>
    %dma_wait3A_25 = arith.constant 0 : i32
    %dma_wait3A_26 = arith.constant 0 : i32
    %dma_wait3A_27 = tpu.memref_slice %arg2[%dma_wait3A_25, %dma_wait3A_26] : memref<10000x128xf32, #tpu.memory_space<hbm>> -> memref<128x128xf32, #tpu.memory_space<hbm>>
    tpu.wait_dma2 semaphore(%arg8 : memref<!tpu.dma_semaphore, #tpu.memory_space<semaphore_mem>>) src(%dma_wait3A_27 : memref<128x128xf32, #tpu.memory_space<hbm>>) dst(%dma_wait3A_24 : memref<128x128xf32, #tpu.memory_space<vmem>>)
    return
  }
}

#map = affine_map<(d0, d1) -> (0, 0)>
#map1 = affine_map<(d0, d1) -> (0, 0, 0)>
module attributes {stable_mosaic.version = 14 : i64} {
  func.func @_scatter_rows(%arg0: i32, %arg1: i32, %arg2: memref<163840x128xf32, #tpu.memory_space<hbm>>, %arg3: memref<32x40x128xi32, #tpu.memory_space<hbm>>, %arg4: memref<2x10240x128xf32, #tpu.memory_space<hbm>>, %arg5: memref<40x128xi32, #tpu.memory_space<vmem>>, %arg6: memref<256x128xf32, #tpu.memory_space<vmem>>, %arg7: memref<16x128xf32, #tpu.memory_space<vmem>>, %arg8: memref<10240x128xf32, #tpu.memory_space<vmem_shared>>, %arg9: memref<!tpu.dma_semaphore, #tpu.memory_space<semaphore_mem>>, %arg10: memref<!tpu.dma_semaphore, #tpu.memory_space<semaphore_mem>>) attributes {dimension_semantics = [#tpu.dimension_semantics<core_parallel>, #tpu.dimension_semantics<subcore_parallel>], iteration_bounds = array<i64: 2, 16>, scalar_prefetch = 0 : i64, scratch_operands = 6 : i64, tpu.core_type = #tpu.core_type<sc_vector_subcore>, window_params = [{transform_indices = #map}, {transform_indices = #map1}, {transform_indices = #map1}]} {
    %mul3A = arith.constant 2 : i32
    %mul3A_0 = arith.muli %arg1, %mul3A : i32
    %add3A = arith.addi %mul3A_0, %arg0 : i32
    %broadcast_in_dim3A = arith.constant 0.000000e+00 : f32
    %broadcast_in_dim3A_1 = vector.broadcast %broadcast_in_dim3A : f32 to vector<16xf32>
    %swap3A = arith.constant 0 : i32
    %swap3A_2 = arith.index_cast %swap3A : i32 to index
    %swap3A_3 = arith.constant 0 : index
    %swap3A_4 = tpu.vector_load %arg7[%swap3A_2, %swap3A_3] {strides = array<i32>} : memref<16x128xf32, #tpu.memory_space<vmem>>, vector<1x16xf32>,
    %swap3A_5 = vector.shape_cast %swap3A_4 : vector<1x16xf32> to vector<16xf32>
    %swap3A_6 = vector.shape_cast %broadcast_in_dim3A_1 : vector<16xf32> to vector<1x16xf32>
    tpu.vector_store %arg7[%swap3A_2, %swap3A_3], %swap3A_6 {strides = array<i32>} : memref<16x128xf32, #tpu.memory_space<vmem>>, vector<1x16xf32>,
    %swap3A_7 = arith.constant 0 : i32
    %swap3A_8 = arith.index_cast %swap3A_7 : i32 to index
    %swap3A_9 = arith.constant 16 : index
    %swap3A_10 = tpu.vector_load %arg7[%swap3A_8, %swap3A_9] {strides = array<i32>} : memref<16x128xf32, #tpu.memory_space<vmem>>, vector<1x16xf32>,
    %swap3A_11 = vector.shape_cast %swap3A_10 : vector<1x16xf32> to vector<16xf32>
    %swap3A_12 = vector.shape_cast %broadcast_in_dim3A_1 : vector<16xf32> to vector<1x16xf32>
    tpu.vector_store %arg7[%swap3A_8, %swap3A_9], %swap3A_12 {strides = array<i32>} : memref<16x128xf32, #tpu.memory_space<vmem>>, vector<1x16xf32>,
    %swap3A_13 = arith.constant 0 : i32
    %swap3A_14 = arith.index_cast %swap3A_13 : i32 to index
    %swap3A_15 = arith.constant 32 : index
    %swap3A_16 = tpu.vector_load %arg7[%swap3A_14, %swap3A_15] {strides = array<i32>} : memref<16x128xf32, #tpu.memory_space<vmem>>, vector<1x16xf32>,
    %swap3A_17 = vector.shape_cast %swap3A_16 : vector<1x16xf32> to vector<16xf32>
    %swap3A_18 = vector.shape_cast %broadcast_in_dim3A_1 : vector<16xf32> to vector<1x16xf32>
    tpu.vector_store %arg7[%swap3A_14, %swap3A_15], %swap3A_18 {strides = array<i32>} : memref<16x128xf32, #tpu.memory_space<vmem>>, vector<1x16xf32>,
    %swap3A_19 = arith.constant 0 : i32
    %swap3A_20 = arith.index_cast %swap3A_19 : i32 to index
    %swap3A_21 = arith.constant 48 : index
    %swap3A_22 = tpu.vector_load %arg7[%swap3A_20, %swap3A_21] {strides = array<i32>} : memref<16x128xf32, #tpu.memory_space<vmem>>, vector<1x16xf32>,
    %swap3A_23 = vector.shape_cast %swap3A_22 : vector<1x16xf32> to vector<16xf32>
    %swap3A_24 = vector.shape_cast %broadcast_in_dim3A_1 : vector<16xf32> to vector<1x16xf32>
    tpu.vector_store %arg7[%swap3A_20, %swap3A_21], %swap3A_24 {strides = array<i32>} : memref<16x128xf32, #tpu.memory_space<vmem>>, vector<1x16xf32>,
    %swap3A_25 = arith.constant 0 : i32
    %swap3A_26 = arith.index_cast %swap3A_25 : i32 to index
    %swap3A_27 = arith.constant 64 : index
    %swap3A_28 = tpu.vector_load %arg7[%swap3A_26, %swap3A_27] {strides = array<i32>} : memref<16x128xf32, #tpu.memory_space<vmem>>, vector<1x16xf32>,
    %swap3A_29 = vector.shape_cast %swap3A_28 : vector<1x16xf32> to vector<16xf32>
    %swap3A_30 = vector.shape_cast %broadcast_in_dim3A_1 : vector<16xf32> to vector<1x16xf32>
    tpu.vector_store %arg7[%swap3A_26, %swap3A_27], %swap3A_30 {strides = array<i32>} : memref<16x128xf32, #tpu.memory_space<vmem>>, vector<1x16xf32>,
    %swap3A_31 = arith.constant 0 : i32
    %swap3A_32 = arith.index_cast %swap3A_31 : i32 to index
    %swap3A_33 = arith.constant 80 : index
    %swap3A_34 = tpu.vector_load %arg7[%swap3A_32, %swap3A_33] {strides = array<i32>} : memref<16x128xf32, #tpu.memory_space<vmem>>, vector<1x16xf32>,
    %swap3A_35 = vector.shape_cast %swap3A_34 : vector<1x16xf32> to vector<16xf32>
    %swap3A_36 = vector.shape_cast %broadcast_in_dim3A_1 : vector<16xf32> to vector<1x16xf32>
    tpu.vector_store %arg7[%swap3A_32, %swap3A_33], %swap3A_36 {strides = array<i32>} : memref<16x128xf32, #tpu.memory_space<vmem>>, vector<1x16xf32>,
    %swap3A_37 = arith.constant 0 : i32
    %swap3A_38 = arith.index_cast %swap3A_37 : i32 to index
    %swap3A_39 = arith.constant 96 : index
    %swap3A_40 = tpu.vector_load %arg7[%swap3A_38, %swap3A_39] {strides = array<i32>} : memref<16x128xf32, #tpu.memory_space<vmem>>, vector<1x16xf32>,
    %swap3A_41 = vector.shape_cast %swap3A_40 : vector<1x16xf32> to vector<16xf32>
    %swap3A_42 = vector.shape_cast %broadcast_in_dim3A_1 : vector<16xf32> to vector<1x16xf32>
    tpu.vector_store %arg7[%swap3A_38, %swap3A_39], %swap3A_42 {strides = array<i32>} : memref<16x128xf32, #tpu.memory_space<vmem>>, vector<1x16xf32>,
    %swap3A_43 = arith.constant 0 : i32
    %swap3A_44 = arith.index_cast %swap3A_43 : i32 to index
    %swap3A_45 = arith.constant 112 : index
    %swap3A_46 = tpu.vector_load %arg7[%swap3A_44, %swap3A_45] {strides = array<i32>} : memref<16x128xf32, #tpu.memory_space<vmem>>, vector<1x16xf32>,
    %swap3A_47 = vector.shape_cast %swap3A_46 : vector<1x16xf32> to vector<16xf32>
    %swap3A_48 = vector.shape_cast %broadcast_in_dim3A_1 : vector<16xf32> to vector<1x16xf32>
    tpu.vector_store %arg7[%swap3A_44, %swap3A_45], %swap3A_48 {strides = array<i32>} : memref<16x128xf32, #tpu.memory_space<vmem>>, vector<1x16xf32>,
    %swap3A_49 = arith.constant 1 : i32
    %swap3A_50 = arith.index_cast %swap3A_49 : i32 to index
    %swap3A_51 = arith.constant 0 : index
    %swap3A_52 = tpu.vector_load %arg7[%swap3A_50, %swap3A_51] {strides = array<i32>} : memref<16x128xf32, #tpu.memory_space<vmem>>, vector<1x16xf32>,
    %swap3A_53 = vector.shape_cast %swap3A_52 : vector<1x16xf32> to vector<16xf32>
    %swap3A_54 = vector.shape_cast %broadcast_in_dim3A_1 : vector<16xf32> to vector<1x16xf32>
    tpu.vector_store %arg7[%swap3A_50, %swap3A_51], %swap3A_54 {strides = array<i32>} : memref<16x128xf32, #tpu.memory_space<vmem>>, vector<1x16xf32>,
    %swap3A_55 = arith.constant 1 : i32
    %swap3A_56 = arith.index_cast %swap3A_55 : i32 to index
    %swap3A_57 = arith.constant 16 : index
    %swap3A_58 = tpu.vector_load %arg7[%swap3A_56, %swap3A_57] {strides = array<i32>} : memref<16x128xf32, #tpu.memory_space<vmem>>, vector<1x16xf32>,
    %swap3A_59 = vector.shape_cast %swap3A_58 : vector<1x16xf32> to vector<16xf32>
    %swap3A_60 = vector.shape_cast %broadcast_in_dim3A_1 : vector<16xf32> to vector<1x16xf32>
    tpu.vector_store %arg7[%swap3A_56, %swap3A_57], %swap3A_60 {strides = array<i32>} : memref<16x128xf32, #tpu.memory_space<vmem>>, vector<1x16xf32>,
    %swap3A_61 = arith.constant 1 : i32
    %swap3A_62 = arith.index_cast %swap3A_61 : i32 to index
    %swap3A_63 = arith.constant 32 : index
    %swap3A_64 = tpu.vector_load %arg7[%swap3A_62, %swap3A_63] {strides = array<i32>} : memref<16x128xf32, #tpu.memory_space<vmem>>, vector<1x16xf32>,
    %swap3A_65 = vector.shape_cast %swap3A_64 : vector<1x16xf32> to vector<16xf32>
    %swap3A_66 = vector.shape_cast %broadcast_in_dim3A_1 : vector<16xf32> to vector<1x16xf32>
    tpu.vector_store %arg7[%swap3A_62, %swap3A_63], %swap3A_66 {strides = array<i32>} : memref<16x128xf32, #tpu.memory_space<vmem>>, vector<1x16xf32>,
    %swap3A_67 = arith.constant 1 : i32
    %swap3A_68 = arith.index_cast %swap3A_67 : i32 to index
    %swap3A_69 = arith.constant 48 : index
    %swap3A_70 = tpu.vector_load %arg7[%swap3A_68, %swap3A_69] {strides = array<i32>} : memref<16x128xf32, #tpu.memory_space<vmem>>, vector<1x16xf32>,
    %swap3A_71 = vector.shape_cast %swap3A_70 : vector<1x16xf32> to vector<16xf32>
    %swap3A_72 = vector.shape_cast %broadcast_in_dim3A_1 : vector<16xf32> to vector<1x16xf32>
    tpu.vector_store %arg7[%swap3A_68, %swap3A_69], %swap3A_72 {strides = array<i32>} : memref<16x128xf32, #tpu.memory_space<vmem>>, vector<1x16xf32>,
    %swap3A_73 = arith.constant 1 : i32
    %swap3A_74 = arith.index_cast %swap3A_73 : i32 to index
    %swap3A_75 = arith.constant 64 : index
    %swap3A_76 = tpu.vector_load %arg7[%swap3A_74, %swap3A_75] {strides = array<i32>} : memref<16x128xf32, #tpu.memory_space<vmem>>, vector<1x16xf32>,
    %swap3A_77 = vector.shape_cast %swap3A_76 : vector<1x16xf32> to vector<16xf32>
    %swap3A_78 = vector.shape_cast %broadcast_in_dim3A_1 : vector<16xf32> to vector<1x16xf32>
    tpu.vector_store %arg7[%swap3A_74, %swap3A_75], %swap3A_78 {strides = array<i32>} : memref<16x128xf32, #tpu.memory_space<vmem>>, vector<1x16xf32>,
    %swap3A_79 = arith.constant 1 : i32
    %swap3A_80 = arith.index_cast %swap3A_79 : i32 to index
    %swap3A_81 = arith.constant 80 : index
    %swap3A_82 = tpu.vector_load %arg7[%swap3A_80, %swap3A_81] {strides = array<i32>} : memref<16x128xf32, #tpu.memory_space<vmem>>, vector<1x16xf32>,
    %swap3A_83 = vector.shape_cast %swap3A_82 : vector<1x16xf32> to vector<16xf32>
    %swap3A_84 = vector.shape_cast %broadcast_in_dim3A_1 : vector<16xf32> to vector<1x16xf32>
    tpu.vector_store %arg7[%swap3A_80, %swap3A_81], %swap3A_84 {strides = array<i32>} : memref<16x128xf32, #tpu.memory_space<vmem>>, vector<1x16xf32>,
    %swap3A_85 = arith.constant 1 : i32
    %swap3A_86 = arith.index_cast %swap3A_85 : i32 to index
    %swap3A_87 = arith.constant 96 : index
    %swap3A_88 = tpu.vector_load %arg7[%swap3A_86, %swap3A_87] {strides = array<i32>} : memref<16x128xf32, #tpu.memory_space<vmem>>, vector<1x16xf32>,
    %swap3A_89 = vector.shape_cast %swap3A_88 : vector<1x16xf32> to vector<16xf32>
    %swap3A_90 = vector.shape_cast %broadcast_in_dim3A_1 : vector<16xf32> to vector<1x16xf32>
    tpu.vector_store %arg7[%swap3A_86, %swap3A_87], %swap3A_90 {strides = array<i32>} : memref<16x128xf32, #tpu.memory_space<vmem>>, vector<1x16xf32>,
    %swap3A_91 = arith.constant 1 : i32
    %swap3A_92 = arith.index_cast %swap3A_91 : i32 to index
    %swap3A_93 = arith.constant 112 : index
    %swap3A_94 = tpu.vector_load %arg7[%swap3A_92, %swap3A_93] {strides = array<i32>} : memref<16x128xf32, #tpu.memory_space<vmem>>, vector<1x16xf32>,
    %swap3A_95 = vector.shape_cast %swap3A_94 : vector<1x16xf32> to vector<16xf32>
    %swap3A_96 = vector.shape_cast %broadcast_in_dim3A_1 : vector<16xf32> to vector<1x16xf32>
    tpu.vector_store %arg7[%swap3A_92, %swap3A_93], %swap3A_96 {strides = array<i32>} : memref<16x128xf32, #tpu.memory_space<vmem>>, vector<1x16xf32>,
    %swap3A_97 = arith.constant 2 : i32
    %swap3A_98 = arith.index_cast %swap3A_97 : i32 to index
    %swap3A_99 = arith.constant 0 : index
    %swap3A_100 = tpu.vector_load %arg7[%swap3A_98, %swap3A_99] {strides = array<i32>} : memref<16x128xf32, #tpu.memory_space<vmem>>, vector<1x16xf32>,
    %swap3A_101 = vector.shape_cast %swap3A_100 : vector<1x16xf32> to vector<16xf32>
    %swap3A_102 = vector.shape_cast %broadcast_in_dim3A_1 : vector<16xf32> to vector<1x16xf32>
    tpu.vector_store %arg7[%swap3A_98, %swap3A_99], %swap3A_102 {strides = array<i32>} : memref<16x128xf32, #tpu.memory_space<vmem>>, vector<1x16xf32>,
    %swap3A_103 = arith.constant 2 : i32
    %swap3A_104 = arith.index_cast %swap3A_103 : i32 to index
    %swap3A_105 = arith.constant 16 : index
    %swap3A_106 = tpu.vector_load %arg7[%swap3A_104, %swap3A_105] {strides = array<i32>} : memref<16x128xf32, #tpu.memory_space<vmem>>, vector<1x16xf32>,
    %swap3A_107 = vector.shape_cast %swap3A_106 : vector<1x16xf32> to vector<16xf32>
    %swap3A_108 = vector.shape_cast %broadcast_in_dim3A_1 : vector<16xf32> to vector<1x16xf32>
    tpu.vector_store %arg7[%swap3A_104, %swap3A_105], %swap3A_108 {strides = array<i32>} : memref<16x128xf32, #tpu.memory_space<vmem>>, vector<1x16xf32>,
    %swap3A_109 = arith.constant 2 : i32
    %swap3A_110 = arith.index_cast %swap3A_109 : i32 to index
    %swap3A_111 = arith.constant 32 : index
    %swap3A_112 = tpu.vector_load %arg7[%swap3A_110, %swap3A_111] {strides = array<i32>} : memref<16x128xf32, #tpu.memory_space<vmem>>, vector<1x16xf32>,
    %swap3A_113 = vector.shape_cast %swap3A_112 : vector<1x16xf32> to vector<16xf32>
    %swap3A_114 = vector.shape_cast %broadcast_in_dim3A_1 : vector<16xf32> to vector<1x16xf32>
    tpu.vector_store %arg7[%swap3A_110, %swap3A_111], %swap3A_114 {strides = array<i32>} : memref<16x128xf32, #tpu.memory_space<vmem>>, vector<1x16xf32>,
    %swap3A_115 = arith.constant 2 : i32
    %swap3A_116 = arith.index_cast %swap3A_115 : i32 to index
    %swap3A_117 = arith.constant 48 : index
    %swap3A_118 = tpu.vector_load %arg7[%swap3A_116, %swap3A_117] {strides = array<i32>} : memref<16x128xf32, #tpu.memory_space<vmem>>, vector<1x16xf32>,
    %swap3A_119 = vector.shape_cast %swap3A_118 : vector<1x16xf32> to vector<16xf32>
    %swap3A_120 = vector.shape_cast %broadcast_in_dim3A_1 : vector<16xf32> to vector<1x16xf32>
    tpu.vector_store %arg7[%swap3A_116, %swap3A_117], %swap3A_120 {strides = array<i32>} : memref<16x128xf32, #tpu.memory_space<vmem>>, vector<1x16xf32>,
    %swap3A_121 = arith.constant 2 : i32
    %swap3A_122 = arith.index_cast %swap3A_121 : i32 to index
    %swap3A_123 = arith.constant 64 : index
    %swap3A_124 = tpu.vector_load %arg7[%swap3A_122, %swap3A_123] {strides = array<i32>} : memref<16x128xf32, #tpu.memory_space<vmem>>, vector<1x16xf32>,
    %swap3A_125 = vector.shape_cast %swap3A_124 : vector<1x16xf32> to vector<16xf32>
    %swap3A_126 = vector.shape_cast %broadcast_in_dim3A_1 : vector<16xf32> to vector<1x16xf32>
    tpu.vector_store %arg7[%swap3A_122, %swap3A_123], %swap3A_126 {strides = array<i32>} : memref<16x128xf32, #tpu.memory_space<vmem>>, vector<1x16xf32>,
    %swap3A_127 = arith.constant 2 : i32
    %swap3A_128 = arith.index_cast %swap3A_127 : i32 to index
    %swap3A_129 = arith.constant 80 : index
    %swap3A_130 = tpu.vector_load %arg7[%swap3A_128, %swap3A_129] {strides = array<i32>} : memref<16x128xf32, #tpu.memory_space<vmem>>, vector<1x16xf32>,
    %swap3A_131 = vector.shape_cast %swap3A_130 : vector<1x16xf32> to vector<16xf32>
    %swap3A_132 = vector.shape_cast %broadcast_in_dim3A_1 : vector<16xf32> to vector<1x16xf32>
    tpu.vector_store %arg7[%swap3A_128, %swap3A_129], %swap3A_132 {strides = array<i32>} : memref<16x128xf32, #tpu.memory_space<vmem>>, vector<1x16xf32>,
    %swap3A_133 = arith.constant 2 : i32
    %swap3A_134 = arith.index_cast %swap3A_133 : i32 to index
    %swap3A_135 = arith.constant 96 : index
    %swap3A_136 = tpu.vector_load %arg7[%swap3A_134, %swap3A_135] {strides = array<i32>} : memref<16x128xf32, #tpu.memory_space<vmem>>, vector<1x16xf32>,
    %swap3A_137 = vector.shape_cast %swap3A_136 : vector<1x16xf32> to vector<16xf32>
    %swap3A_138 = vector.shape_cast %broadcast_in_dim3A_1 : vector<16xf32> to vector<1x16xf32>
    tpu.vector_store %arg7[%swap3A_134, %swap3A_135], %swap3A_138 {strides = array<i32>} : memref<16x128xf32, #tpu.memory_space<vmem>>, vector<1x16xf32>,
    %swap3A_139 = arith.constant 2 : i32
    %swap3A_140 = arith.index_cast %swap3A_139 : i32 to index
    %swap3A_141 = arith.constant 112 : index
    %swap3A_142 = tpu.vector_load %arg7[%swap3A_140, %swap3A_141] {strides = array<i32>} : memref<16x128xf32, #tpu.memory_space<vmem>>, vector<1x16xf32>,
    %swap3A_143 = vector.shape_cast %swap3A_142 : vector<1x16xf32> to vector<16xf32>
    %swap3A_144 = vector.shape_cast %broadcast_in_dim3A_1 : vector<16xf32> to vector<1x16xf32>
    tpu.vector_store %arg7[%swap3A_140, %swap3A_141], %swap3A_144 {strides = array<i32>} : memref<16x128xf32, #tpu.memory_space<vmem>>, vector<1x16xf32>,
    %swap3A_145 = arith.constant 3 : i32
    %swap3A_146 = arith.index_cast %swap3A_145 : i32 to index
    %swap3A_147 = arith.constant 0 : index
    %swap3A_148 = tpu.vector_load %arg7[%swap3A_146, %swap3A_147] {strides = array<i32>} : memref<16x128xf32, #tpu.memory_space<vmem>>, vector<1x16xf32>,
    %swap3A_149 = vector.shape_cast %swap3A_148 : vector<1x16xf32> to vector<16xf32>
    %swap3A_150 = vector.shape_cast %broadcast_in_dim3A_1 : vector<16xf32> to vector<1x16xf32>
    tpu.vector_store %arg7[%swap3A_146, %swap3A_147], %swap3A_150 {strides = array<i32>} : memref<16x128xf32, #tpu.memory_space<vmem>>, vector<1x16xf32>,
    %swap3A_151 = arith.constant 3 : i32
    %swap3A_152 = arith.index_cast %swap3A_151 : i32 to index
    %swap3A_153 = arith.constant 16 : index
    %swap3A_154 = tpu.vector_load %arg7[%swap3A_152, %swap3A_153] {strides = array<i32>} : memref<16x128xf32, #tpu.memory_space<vmem>>, vector<1x16xf32>,
    %swap3A_155 = vector.shape_cast %swap3A_154 : vector<1x16xf32> to vector<16xf32>
    %swap3A_156 = vector.shape_cast %broadcast_in_dim3A_1 : vector<16xf32> to vector<1x16xf32>
    tpu.vector_store %arg7[%swap3A_152, %swap3A_153], %swap3A_156 {strides = array<i32>} : memref<16x128xf32, #tpu.memory_space<vmem>>, vector<1x16xf32>,
    %swap3A_157 = arith.constant 3 : i32
    %swap3A_158 = arith.index_cast %swap3A_157 : i32 to index
    %swap3A_159 = arith.constant 32 : index
    %swap3A_160 = tpu.vector_load %arg7[%swap3A_158, %swap3A_159] {strides = array<i32>} : memref<16x128xf32, #tpu.memory_space<vmem>>, vector<1x16xf32>,
    %swap3A_161 = vector.shape_cast %swap3A_160 : vector<1x16xf32> to vector<16xf32>
    %swap3A_162 = vector.shape_cast %broadcast_in_dim3A_1 : vector<16xf32> to vector<1x16xf32>
    tpu.vector_store %arg7[%swap3A_158, %swap3A_159], %swap3A_162 {strides = array<i32>} : memref<16x128xf32, #tpu.memory_space<vmem>>, vector<1x16xf32>,
    %swap3A_163 = arith.constant 3 : i32
    %swap3A_164 = arith.index_cast %swap3A_163 : i32 to index
    %swap3A_165 = arith.constant 48 : index
    %swap3A_166 = tpu.vector_load %arg7[%swap3A_164, %swap3A_165] {strides = array<i32>} : memref<16x128xf32, #tpu.memory_space<vmem>>, vector<1x16xf32>,
    %swap3A_167 = vector.shape_cast %swap3A_166 : vector<1x16xf32> to vector<16xf32>
    %swap3A_168 = vector.shape_cast %broadcast_in_dim3A_1 : vector<16xf32> to vector<1x16xf32>
    tpu.vector_store %arg7[%swap3A_164, %swap3A_165], %swap3A_168 {strides = array<i32>} : memref<16x128xf32, #tpu.memory_space<vmem>>, vector<1x16xf32>,
    %swap3A_169 = arith.constant 3 : i32
    %swap3A_170 = arith.index_cast %swap3A_169 : i32 to index
    %swap3A_171 = arith.constant 64 : index
    %swap3A_172 = tpu.vector_load %arg7[%swap3A_170, %swap3A_171] {strides = array<i32>} : memref<16x128xf32, #tpu.memory_space<vmem>>, vector<1x16xf32>,
    %swap3A_173 = vector.shape_cast %swap3A_172 : vector<1x16xf32> to vector<16xf32>
    %swap3A_174 = vector.shape_cast %broadcast_in_dim3A_1 : vector<16xf32> to vector<1x16xf32>
    tpu.vector_store %arg7[%swap3A_170, %swap3A_171], %swap3A_174 {strides = array<i32>} : memref<16x128xf32, #tpu.memory_space<vmem>>, vector<1x16xf32>,
    %swap3A_175 = arith.constant 3 : i32
    %swap3A_176 = arith.index_cast %swap3A_175 : i32 to index
    %swap3A_177 = arith.constant 80 : index
    %swap3A_178 = tpu.vector_load %arg7[%swap3A_176, %swap3A_177] {strides = array<i32>} : memref<16x128xf32, #tpu.memory_space<vmem>>, vector<1x16xf32>,
    %swap3A_179 = vector.shape_cast %swap3A_178 : vector<1x16xf32> to vector<16xf32>
    %swap3A_180 = vector.shape_cast %broadcast_in_dim3A_1 : vector<16xf32> to vector<1x16xf32>
    tpu.vector_store %arg7[%swap3A_176, %swap3A_177], %swap3A_180 {strides = array<i32>} : memref<16x128xf32, #tpu.memory_space<vmem>>, vector<1x16xf32>,
    %swap3A_181 = arith.constant 3 : i32
    %swap3A_182 = arith.index_cast %swap3A_181 : i32 to index
    %swap3A_183 = arith.constant 96 : index
    %swap3A_184 = tpu.vector_load %arg7[%swap3A_182, %swap3A_183] {strides = array<i32>} : memref<16x128xf32, #tpu.memory_space<vmem>>, vector<1x16xf32>,
    %swap3A_185 = vector.shape_cast %swap3A_184 : vector<1x16xf32> to vector<16xf32>
    %swap3A_186 = vector.shape_cast %broadcast_in_dim3A_1 : vector<16xf32> to vector<1x16xf32>
    tpu.vector_store %arg7[%swap3A_182, %swap3A_183], %swap3A_186 {strides = array<i32>} : memref<16x128xf32, #tpu.memory_space<vmem>>, vector<1x16xf32>,
    %swap3A_187 = arith.constant 3 : i32
    %swap3A_188 = arith.index_cast %swap3A_187 : i32 to index
    %swap3A_189 = arith.constant 112 : index
    %swap3A_190 = tpu.vector_load %arg7[%swap3A_188, %swap3A_189] {strides = array<i32>} : memref<16x128xf32, #tpu.memory_space<vmem>>, vector<1x16xf32>,
    %swap3A_191 = vector.shape_cast %swap3A_190 : vector<1x16xf32> to vector<16xf32>
    %swap3A_192 = vector.shape_cast %broadcast_in_dim3A_1 : vector<16xf32> to vector<1x16xf32>
    tpu.vector_store %arg7[%swap3A_188, %swap3A_189], %swap3A_192 {strides = array<i32>} : memref<16x128xf32, #tpu.memory_space<vmem>>, vector<1x16xf32>,
    %swap3A_193 = arith.constant 4 : i32
    %swap3A_194 = arith.index_cast %swap3A_193 : i32 to index
    %swap3A_195 = arith.constant 0 : index
    %swap3A_196 = tpu.vector_load %arg7[%swap3A_194, %swap3A_195] {strides = array<i32>} : memref<16x128xf32, #tpu.memory_space<vmem>>, vector<1x16xf32>,
    %swap3A_197 = vector.shape_cast %swap3A_196 : vector<1x16xf32> to vector<16xf32>
    %swap3A_198 = vector.shape_cast %broadcast_in_dim3A_1 : vector<16xf32> to vector<1x16xf32>
    tpu.vector_store %arg7[%swap3A_194, %swap3A_195], %swap3A_198 {strides = array<i32>} : memref<16x128xf32, #tpu.memory_space<vmem>>, vector<1x16xf32>,
    %swap3A_199 = arith.constant 4 : i32
    %swap3A_200 = arith.index_cast %swap3A_199 : i32 to index
    %swap3A_201 = arith.constant 16 : index
    %swap3A_202 = tpu.vector_load %arg7[%swap3A_200, %swap3A_201] {strides = array<i32>} : memref<16x128xf32, #tpu.memory_space<vmem>>, vector<1x16xf32>,
    %swap3A_203 = vector.shape_cast %swap3A_202 : vector<1x16xf32> to vector<16xf32>
    %swap3A_204 = vector.shape_cast %broadcast_in_dim3A_1 : vector<16xf32> to vector<1x16xf32>
    tpu.vector_store %arg7[%swap3A_200, %swap3A_201], %swap3A_204 {strides = array<i32>} : memref<16x128xf32, #tpu.memory_space<vmem>>, vector<1x16xf32>,
    %swap3A_205 = arith.constant 4 : i32
    %swap3A_206 = arith.index_cast %swap3A_205 : i32 to index
    %swap3A_207 = arith.constant 32 : index
    %swap3A_208 = tpu.vector_load %arg7[%swap3A_206, %swap3A_207] {strides = array<i32>} : memref<16x128xf32, #tpu.memory_space<vmem>>, vector<1x16xf32>,
    %swap3A_209 = vector.shape_cast %swap3A_208 : vector<1x16xf32> to vector<16xf32>
    %swap3A_210 = vector.shape_cast %broadcast_in_dim3A_1 : vector<16xf32> to vector<1x16xf32>
    tpu.vector_store %arg7[%swap3A_206, %swap3A_207], %swap3A_210 {strides = array<i32>} : memref<16x128xf32, #tpu.memory_space<vmem>>, vector<1x16xf32>,
    %swap3A_211 = arith.constant 4 : i32
    %swap3A_212 = arith.index_cast %swap3A_211 : i32 to index
    %swap3A_213 = arith.constant 48 : index
    %swap3A_214 = tpu.vector_load %arg7[%swap3A_212, %swap3A_213] {strides = array<i32>} : memref<16x128xf32, #tpu.memory_space<vmem>>, vector<1x16xf32>,
    %swap3A_215 = vector.shape_cast %swap3A_214 : vector<1x16xf32> to vector<16xf32>
    %swap3A_216 = vector.shape_cast %broadcast_in_dim3A_1 : vector<16xf32> to vector<1x16xf32>
    tpu.vector_store %arg7[%swap3A_212, %swap3A_213], %swap3A_216 {strides = array<i32>} : memref<16x128xf32, #tpu.memory_space<vmem>>, vector<1x16xf32>,
    %swap3A_217 = arith.constant 4 : i32
    %swap3A_218 = arith.index_cast %swap3A_217 : i32 to index
    %swap3A_219 = arith.constant 64 : index
    %swap3A_220 = tpu.vector_load %arg7[%swap3A_218, %swap3A_219] {strides = array<i32>} : memref<16x128xf32, #tpu.memory_space<vmem>>, vector<1x16xf32>,
    %swap3A_221 = vector.shape_cast %swap3A_220 : vector<1x16xf32> to vector<16xf32>
    %swap3A_222 = vector.shape_cast %broadcast_in_dim3A_1 : vector<16xf32> to vector<1x16xf32>
    tpu.vector_store %arg7[%swap3A_218, %swap3A_219], %swap3A_222 {strides = array<i32>} : memref<16x128xf32, #tpu.memory_space<vmem>>, vector<1x16xf32>,
    %swap3A_223 = arith.constant 4 : i32
    %swap3A_224 = arith.index_cast %swap3A_223 : i32 to index
    %swap3A_225 = arith.constant 80 : index
    %swap3A_226 = tpu.vector_load %arg7[%swap3A_224, %swap3A_225] {strides = array<i32>} : memref<16x128xf32, #tpu.memory_space<vmem>>, vector<1x16xf32>,
    %swap3A_227 = vector.shape_cast %swap3A_226 : vector<1x16xf32> to vector<16xf32>
    %swap3A_228 = vector.shape_cast %broadcast_in_dim3A_1 : vector<16xf32> to vector<1x16xf32>
    tpu.vector_store %arg7[%swap3A_224, %swap3A_225], %swap3A_228 {strides = array<i32>} : memref<16x128xf32, #tpu.memory_space<vmem>>, vector<1x16xf32>,
    %swap3A_229 = arith.constant 4 : i32
    %swap3A_230 = arith.index_cast %swap3A_229 : i32 to index
    %swap3A_231 = arith.constant 96 : index
    %swap3A_232 = tpu.vector_load %arg7[%swap3A_230, %swap3A_231] {strides = array<i32>} : memref<16x128xf32, #tpu.memory_space<vmem>>, vector<1x16xf32>,
    %swap3A_233 = vector.shape_cast %swap3A_232 : vector<1x16xf32> to vector<16xf32>
    %swap3A_234 = vector.shape_cast %broadcast_in_dim3A_1 : vector<16xf32> to vector<1x16xf32>
    tpu.vector_store %arg7[%swap3A_230, %swap3A_231], %swap3A_234 {strides = array<i32>} : memref<16x128xf32, #tpu.memory_space<vmem>>, vector<1x16xf32>,
    %swap3A_235 = arith.constant 4 : i32
    %swap3A_236 = arith.index_cast %swap3A_235 : i32 to index
    %swap3A_237 = arith.constant 112 : index
    %swap3A_238 = tpu.vector_load %arg7[%swap3A_236, %swap3A_237] {strides = array<i32>} : memref<16x128xf32, #tpu.memory_space<vmem>>, vector<1x16xf32>,
    %swap3A_239 = vector.shape_cast %swap3A_238 : vector<1x16xf32> to vector<16xf32>
    %swap3A_240 = vector.shape_cast %broadcast_in_dim3A_1 : vector<16xf32> to vector<1x16xf32>
    tpu.vector_store %arg7[%swap3A_236, %swap3A_237], %swap3A_240 {strides = array<i32>} : memref<16x128xf32, #tpu.memory_space<vmem>>, vector<1x16xf32>,
    %swap3A_241 = arith.constant 5 : i32
    %swap3A_242 = arith.index_cast %swap3A_241 : i32 to index
    %swap3A_243 = arith.constant 0 : index
    %swap3A_244 = tpu.vector_load %arg7[%swap3A_242, %swap3A_243] {strides = array<i32>} : memref<16x128xf32, #tpu.memory_space<vmem>>, vector<1x16xf32>,
    %swap3A_245 = vector.shape_cast %swap3A_244 : vector<1x16xf32> to vector<16xf32>
    %swap3A_246 = vector.shape_cast %broadcast_in_dim3A_1 : vector<16xf32> to vector<1x16xf32>
    tpu.vector_store %arg7[%swap3A_242, %swap3A_243], %swap3A_246 {strides = array<i32>} : memref<16x128xf32, #tpu.memory_space<vmem>>, vector<1x16xf32>,
    %swap3A_247 = arith.constant 5 : i32
    %swap3A_248 = arith.index_cast %swap3A_247 : i32 to index
    %swap3A_249 = arith.constant 16 : index
    %swap3A_250 = tpu.vector_load %arg7[%swap3A_248, %swap3A_249] {strides = array<i32>} : memref<16x128xf32, #tpu.memory_space<vmem>>, vector<1x16xf32>,
    %swap3A_251 = vector.shape_cast %swap3A_250 : vector<1x16xf32> to vector<16xf32>
    %swap3A_252 = vector.shape_cast %broadcast_in_dim3A_1 : vector<16xf32> to vector<1x16xf32>
    tpu.vector_store %arg7[%swap3A_248, %swap3A_249], %swap3A_252 {strides = array<i32>} : memref<16x128xf32, #tpu.memory_space<vmem>>, vector<1x16xf32>,
    %swap3A_253 = arith.constant 5 : i32
    %swap3A_254 = arith.index_cast %swap3A_253 : i32 to index
    %swap3A_255 = arith.constant 32 : index
    %swap3A_256 = tpu.vector_load %arg7[%swap3A_254, %swap3A_255] {strides = array<i32>} : memref<16x128xf32, #tpu.memory_space<vmem>>, vector<1x16xf32>,
    %swap3A_257 = vector.shape_cast %swap3A_256 : vector<1x16xf32> to vector<16xf32>
    %swap3A_258 = vector.shape_cast %broadcast_in_dim3A_1 : vector<16xf32> to vector<1x16xf32>
    tpu.vector_store %arg7[%swap3A_254, %swap3A_255], %swap3A_258 {strides = array<i32>} : memref<16x128xf32, #tpu.memory_space<vmem>>, vector<1x16xf32>,
    %swap3A_259 = arith.constant 5 : i32
    %swap3A_260 = arith.index_cast %swap3A_259 : i32 to index
    %swap3A_261 = arith.constant 48 : index
    %swap3A_262 = tpu.vector_load %arg7[%swap3A_260, %swap3A_261] {strides = array<i32>} : memref<16x128xf32, #tpu.memory_space<vmem>>, vector<1x16xf32>,
    %swap3A_263 = vector.shape_cast %swap3A_262 : vector<1x16xf32> to vector<16xf32>
    %swap3A_264 = vector.shape_cast %broadcast_in_dim3A_1 : vector<16xf32> to vector<1x16xf32>
    tpu.vector_store %arg7[%swap3A_260, %swap3A_261], %swap3A_264 {strides = array<i32>} : memref<16x128xf32, #tpu.memory_space<vmem>>, vector<1x16xf32>,
    %swap3A_265 = arith.constant 5 : i32
    %swap3A_266 = arith.index_cast %swap3A_265 : i32 to index
    %swap3A_267 = arith.constant 64 : index
    %swap3A_268 = tpu.vector_load %arg7[%swap3A_266, %swap3A_267] {strides = array<i32>} : memref<16x128xf32, #tpu.memory_space<vmem>>, vector<1x16xf32>,
    %swap3A_269 = vector.shape_cast %swap3A_268 : vector<1x16xf32> to vector<16xf32>
    %swap3A_270 = vector.shape_cast %broadcast_in_dim3A_1 : vector<16xf32> to vector<1x16xf32>
    tpu.vector_store %arg7[%swap3A_266, %swap3A_267], %swap3A_270 {strides = array<i32>} : memref<16x128xf32, #tpu.memory_space<vmem>>, vector<1x16xf32>,
    %swap3A_271 = arith.constant 5 : i32
    %swap3A_272 = arith.index_cast %swap3A_271 : i32 to index
    %swap3A_273 = arith.constant 80 : index
    %swap3A_274 = tpu.vector_load %arg7[%swap3A_272, %swap3A_273] {strides = array<i32>} : memref<16x128xf32, #tpu.memory_space<vmem>>, vector<1x16xf32>,
    %swap3A_275 = vector.shape_cast %swap3A_274 : vector<1x16xf32> to vector<16xf32>
    %swap3A_276 = vector.shape_cast %broadcast_in_dim3A_1 : vector<16xf32> to vector<1x16xf32>
    tpu.vector_store %arg7[%swap3A_272, %swap3A_273], %swap3A_276 {strides = array<i32>} : memref<16x128xf32, #tpu.memory_space<vmem>>, vector<1x16xf32>,
    %swap3A_277 = arith.constant 5 : i32
    %swap3A_278 = arith.index_cast %swap3A_277 : i32 to index
    %swap3A_279 = arith.constant 96 : index
    %swap3A_280 = tpu.vector_load %arg7[%swap3A_278, %swap3A_279] {strides = array<i32>} : memref<16x128xf32, #tpu.memory_space<vmem>>, vector<1x16xf32>,
    %swap3A_281 = vector.shape_cast %swap3A_280 : vector<1x16xf32> to vector<16xf32>
    %swap3A_282 = vector.shape_cast %broadcast_in_dim3A_1 : vector<16xf32> to vector<1x16xf32>
    tpu.vector_store %arg7[%swap3A_278, %swap3A_279], %swap3A_282 {strides = array<i32>} : memref<16x128xf32, #tpu.memory_space<vmem>>, vector<1x16xf32>,
    %swap3A_283 = arith.constant 5 : i32
    %swap3A_284 = arith.index_cast %swap3A_283 : i32 to index
    %swap3A_285 = arith.constant 112 : index
    %swap3A_286 = tpu.vector_load %arg7[%swap3A_284, %swap3A_285] {strides = array<i32>} : memref<16x128xf32, #tpu.memory_space<vmem>>, vector<1x16xf32>,
    %swap3A_287 = vector.shape_cast %swap3A_286 : vector<1x16xf32> to vector<16xf32>
    %swap3A_288 = vector.shape_cast %broadcast_in_dim3A_1 : vector<16xf32> to vector<1x16xf32>
    tpu.vector_store %arg7[%swap3A_284, %swap3A_285], %swap3A_288 {strides = array<i32>} : memref<16x128xf32, #tpu.memory_space<vmem>>, vector<1x16xf32>,
    %swap3A_289 = arith.constant 6 : i32
    %swap3A_290 = arith.index_cast %swap3A_289 : i32 to index
    %swap3A_291 = arith.constant 0 : index
    %swap3A_292 = tpu.vector_load %arg7[%swap3A_290, %swap3A_291] {strides = array<i32>} : memref<16x128xf32, #tpu.memory_space<vmem>>, vector<1x16xf32>,
    %swap3A_293 = vector.shape_cast %swap3A_292 : vector<1x16xf32> to vector<16xf32>
    %swap3A_294 = vector.shape_cast %broadcast_in_dim3A_1 : vector<16xf32> to vector<1x16xf32>
    tpu.vector_store %arg7[%swap3A_290, %swap3A_291], %swap3A_294 {strides = array<i32>} : memref<16x128xf32, #tpu.memory_space<vmem>>, vector<1x16xf32>,
    %swap3A_295 = arith.constant 6 : i32
    %swap3A_296 = arith.index_cast %swap3A_295 : i32 to index
    %swap3A_297 = arith.constant 16 : index
    %swap3A_298 = tpu.vector_load %arg7[%swap3A_296, %swap3A_297] {strides = array<i32>} : memref<16x128xf32, #tpu.memory_space<vmem>>, vector<1x16xf32>,
    %swap3A_299 = vector.shape_cast %swap3A_298 : vector<1x16xf32> to vector<16xf32>
    %swap3A_300 = vector.shape_cast %broadcast_in_dim3A_1 : vector<16xf32> to vector<1x16xf32>
    tpu.vector_store %arg7[%swap3A_296, %swap3A_297], %swap3A_300 {strides = array<i32>} : memref<16x128xf32, #tpu.memory_space<vmem>>, vector<1x16xf32>,
    %swap3A_301 = arith.constant 6 : i32
    %swap3A_302 = arith.index_cast %swap3A_301 : i32 to index
    %swap3A_303 = arith.constant 32 : index
    %swap3A_304 = tpu.vector_load %arg7[%swap3A_302, %swap3A_303] {strides = array<i32>} : memref<16x128xf32, #tpu.memory_space<vmem>>, vector<1x16xf32>,
    %swap3A_305 = vector.shape_cast %swap3A_304 : vector<1x16xf32> to vector<16xf32>
    %swap3A_306 = vector.shape_cast %broadcast_in_dim3A_1 : vector<16xf32> to vector<1x16xf32>
    tpu.vector_store %arg7[%swap3A_302, %swap3A_303], %swap3A_306 {strides = array<i32>} : memref<16x128xf32, #tpu.memory_space<vmem>>, vector<1x16xf32>,
    %swap3A_307 = arith.constant 6 : i32
    %swap3A_308 = arith.index_cast %swap3A_307 : i32 to index
    %swap3A_309 = arith.constant 48 : index
    %swap3A_310 = tpu.vector_load %arg7[%swap3A_308, %swap3A_309] {strides = array<i32>} : memref<16x128xf32, #tpu.memory_space<vmem>>, vector<1x16xf32>,
    %swap3A_311 = vector.shape_cast %swap3A_310 : vector<1x16xf32> to vector<16xf32>
    %swap3A_312 = vector.shape_cast %broadcast_in_dim3A_1 : vector<16xf32> to vector<1x16xf32>
    tpu.vector_store %arg7[%swap3A_308, %swap3A_309], %swap3A_312 {strides = array<i32>} : memref<16x128xf32, #tpu.memory_space<vmem>>, vector<1x16xf32>,
    %swap3A_313 = arith.constant 6 : i32
    %swap3A_314 = arith.index_cast %swap3A_313 : i32 to index
    %swap3A_315 = arith.constant 64 : index
    %swap3A_316 = tpu.vector_load %arg7[%swap3A_314, %swap3A_315] {strides = array<i32>} : memref<16x128xf32, #tpu.memory_space<vmem>>, vector<1x16xf32>,
    %swap3A_317 = vector.shape_cast %swap3A_316 : vector<1x16xf32> to vector<16xf32>
    %swap3A_318 = vector.shape_cast %broadcast_in_dim3A_1 : vector<16xf32> to vector<1x16xf32>
    tpu.vector_store %arg7[%swap3A_314, %swap3A_315], %swap3A_318 {strides = array<i32>} : memref<16x128xf32, #tpu.memory_space<vmem>>, vector<1x16xf32>,
    %swap3A_319 = arith.constant 6 : i32
    %swap3A_320 = arith.index_cast %swap3A_319 : i32 to index
    %swap3A_321 = arith.constant 80 : index
    %swap3A_322 = tpu.vector_load %arg7[%swap3A_320, %swap3A_321] {strides = array<i32>} : memref<16x128xf32, #tpu.memory_space<vmem>>, vector<1x16xf32>,
    %swap3A_323 = vector.shape_cast %swap3A_322 : vector<1x16xf32> to vector<16xf32>
    %swap3A_324 = vector.shape_cast %broadcast_in_dim3A_1 : vector<16xf32> to vector<1x16xf32>
    tpu.vector_store %arg7[%swap3A_320, %swap3A_321], %swap3A_324 {strides = array<i32>} : memref<16x128xf32, #tpu.memory_space<vmem>>, vector<1x16xf32>,
    %swap3A_325 = arith.constant 6 : i32
    %swap3A_326 = arith.index_cast %swap3A_325 : i32 to index
    %swap3A_327 = arith.constant 96 : index
    %swap3A_328 = tpu.vector_load %arg7[%swap3A_326, %swap3A_327] {strides = array<i32>} : memref<16x128xf32, #tpu.memory_space<vmem>>, vector<1x16xf32>,
    %swap3A_329 = vector.shape_cast %swap3A_328 : vector<1x16xf32> to vector<16xf32>
    %swap3A_330 = vector.shape_cast %broadcast_in_dim3A_1 : vector<16xf32> to vector<1x16xf32>
    tpu.vector_store %arg7[%swap3A_326, %swap3A_327], %swap3A_330 {strides = array<i32>} : memref<16x128xf32, #tpu.memory_space<vmem>>, vector<1x16xf32>,
    %swap3A_331 = arith.constant 6 : i32
    %swap3A_332 = arith.index_cast %swap3A_331 : i32 to index
    %swap3A_333 = arith.constant 112 : index
    %swap3A_334 = tpu.vector_load %arg7[%swap3A_332, %swap3A_333] {strides = array<i32>} : memref<16x128xf32, #tpu.memory_space<vmem>>, vector<1x16xf32>,
    %swap3A_335 = vector.shape_cast %swap3A_334 : vector<1x16xf32> to vector<16xf32>
    %swap3A_336 = vector.shape_cast %broadcast_in_dim3A_1 : vector<16xf32> to vector<1x16xf32>
    tpu.vector_store %arg7[%swap3A_332, %swap3A_333], %swap3A_336 {strides = array<i32>} : memref<16x128xf32, #tpu.memory_space<vmem>>, vector<1x16xf32>,
    %swap3A_337 = arith.constant 7 : i32
    %swap3A_338 = arith.index_cast %swap3A_337 : i32 to index
    %swap3A_339 = arith.constant 0 : index
    %swap3A_340 = tpu.vector_load %arg7[%swap3A_338, %swap3A_339] {strides = array<i32>} : memref<16x128xf32, #tpu.memory_space<vmem>>, vector<1x16xf32>,
    %swap3A_341 = vector.shape_cast %swap3A_340 : vector<1x16xf32> to vector<16xf32>
    %swap3A_342 = vector.shape_cast %broadcast_in_dim3A_1 : vector<16xf32> to vector<1x16xf32>
    tpu.vector_store %arg7[%swap3A_338, %swap3A_339], %swap3A_342 {strides = array<i32>} : memref<16x128xf32, #tpu.memory_space<vmem>>, vector<1x16xf32>,
    %swap3A_343 = arith.constant 7 : i32
    %swap3A_344 = arith.index_cast %swap3A_343 : i32 to index
    %swap3A_345 = arith.constant 16 : index
    %swap3A_346 = tpu.vector_load %arg7[%swap3A_344, %swap3A_345] {strides = array<i32>} : memref<16x128xf32, #tpu.memory_space<vmem>>, vector<1x16xf32>,
    %swap3A_347 = vector.shape_cast %swap3A_346 : vector<1x16xf32> to vector<16xf32>
    %swap3A_348 = vector.shape_cast %broadcast_in_dim3A_1 : vector<16xf32> to vector<1x16xf32>
    tpu.vector_store %arg7[%swap3A_344, %swap3A_345], %swap3A_348 {strides = array<i32>} : memref<16x128xf32, #tpu.memory_space<vmem>>, vector<1x16xf32>,
    %swap3A_349 = arith.constant 7 : i32
    %swap3A_350 = arith.index_cast %swap3A_349 : i32 to index
    %swap3A_351 = arith.constant 32 : index
    %swap3A_352 = tpu.vector_load %arg7[%swap3A_350, %swap3A_351] {strides = array<i32>} : memref<16x128xf32, #tpu.memory_space<vmem>>, vector<1x16xf32>,
    %swap3A_353 = vector.shape_cast %swap3A_352 : vector<1x16xf32> to vector<16xf32>
    %swap3A_354 = vector.shape_cast %broadcast_in_dim3A_1 : vector<16xf32> to vector<1x16xf32>
    tpu.vector_store %arg7[%swap3A_350, %swap3A_351], %swap3A_354 {strides = array<i32>} : memref<16x128xf32, #tpu.memory_space<vmem>>, vector<1x16xf32>,
    %swap3A_355 = arith.constant 7 : i32
    %swap3A_356 = arith.index_cast %swap3A_355 : i32 to index
    %swap3A_357 = arith.constant 48 : index
    %swap3A_358 = tpu.vector_load %arg7[%swap3A_356, %swap3A_357] {strides = array<i32>} : memref<16x128xf32, #tpu.memory_space<vmem>>, vector<1x16xf32>,
    %swap3A_359 = vector.shape_cast %swap3A_358 : vector<1x16xf32> to vector<16xf32>
    %swap3A_360 = vector.shape_cast %broadcast_in_dim3A_1 : vector<16xf32> to vector<1x16xf32>
    tpu.vector_store %arg7[%swap3A_356, %swap3A_357], %swap3A_360 {strides = array<i32>} : memref<16x128xf32, #tpu.memory_space<vmem>>, vector<1x16xf32>,
    %swap3A_361 = arith.constant 7 : i32
    %swap3A_362 = arith.index_cast %swap3A_361 : i32 to index
    %swap3A_363 = arith.constant 64 : index
    %swap3A_364 = tpu.vector_load %arg7[%swap3A_362, %swap3A_363] {strides = array<i32>} : memref<16x128xf32, #tpu.memory_space<vmem>>, vector<1x16xf32>,
    %swap3A_365 = vector.shape_cast %swap3A_364 : vector<1x16xf32> to vector<16xf32>
    %swap3A_366 = vector.shape_cast %broadcast_in_dim3A_1 : vector<16xf32> to vector<1x16xf32>
    tpu.vector_store %arg7[%swap3A_362, %swap3A_363], %swap3A_366 {strides = array<i32>} : memref<16x128xf32, #tpu.memory_space<vmem>>, vector<1x16xf32>,
    %swap3A_367 = arith.constant 7 : i32
    %swap3A_368 = arith.index_cast %swap3A_367 : i32 to index
    %swap3A_369 = arith.constant 80 : index
    %swap3A_370 = tpu.vector_load %arg7[%swap3A_368, %swap3A_369] {strides = array<i32>} : memref<16x128xf32, #tpu.memory_space<vmem>>, vector<1x16xf32>,
    %swap3A_371 = vector.shape_cast %swap3A_370 : vector<1x16xf32> to vector<16xf32>
    %swap3A_372 = vector.shape_cast %broadcast_in_dim3A_1 : vector<16xf32> to vector<1x16xf32>
    tpu.vector_store %arg7[%swap3A_368, %swap3A_369], %swap3A_372 {strides = array<i32>} : memref<16x128xf32, #tpu.memory_space<vmem>>, vector<1x16xf32>,
    %swap3A_373 = arith.constant 7 : i32
    %swap3A_374 = arith.index_cast %swap3A_373 : i32 to index
    %swap3A_375 = arith.constant 96 : index
    %swap3A_376 = tpu.vector_load %arg7[%swap3A_374, %swap3A_375] {strides = array<i32>} : memref<16x128xf32, #tpu.memory_space<vmem>>, vector<1x16xf32>,
    %swap3A_377 = vector.shape_cast %swap3A_376 : vector<1x16xf32> to vector<16xf32>
    %swap3A_378 = vector.shape_cast %broadcast_in_dim3A_1 : vector<16xf32> to vector<1x16xf32>
    tpu.vector_store %arg7[%swap3A_374, %swap3A_375], %swap3A_378 {strides = array<i32>} : memref<16x128xf32, #tpu.memory_space<vmem>>, vector<1x16xf32>,
    %swap3A_379 = arith.constant 7 : i32
    %swap3A_380 = arith.index_cast %swap3A_379 : i32 to index
    %swap3A_381 = arith.constant 112 : index
    %swap3A_382 = tpu.vector_load %arg7[%swap3A_380, %swap3A_381] {strides = array<i32>} : memref<16x128xf32, #tpu.memory_space<vmem>>, vector<1x16xf32>,
    %swap3A_383 = vector.shape_cast %swap3A_382 : vector<1x16xf32> to vector<16xf32>
    %swap3A_384 = vector.shape_cast %broadcast_in_dim3A_1 : vector<16xf32> to vector<1x16xf32>
    tpu.vector_store %arg7[%swap3A_380, %swap3A_381], %swap3A_384 {strides = array<i32>} : memref<16x128xf32, #tpu.memory_space<vmem>>, vector<1x16xf32>,
    %swap3A_385 = arith.constant 8 : i32
    %swap3A_386 = arith.index_cast %swap3A_385 : i32 to index
    %swap3A_387 = arith.constant 0 : index
    %swap3A_388 = tpu.vector_load %arg7[%swap3A_386, %swap3A_387] {strides = array<i32>} : memref<16x128xf32, #tpu.memory_space<vmem>>, vector<1x16xf32>,
    %swap3A_389 = vector.shape_cast %swap3A_388 : vector<1x16xf32> to vector<16xf32>
    %swap3A_390 = vector.shape_cast %broadcast_in_dim3A_1 : vector<16xf32> to vector<1x16xf32>
    tpu.vector_store %arg7[%swap3A_386, %swap3A_387], %swap3A_390 {strides = array<i32>} : memref<16x128xf32, #tpu.memory_space<vmem>>, vector<1x16xf32>,
    %swap3A_391 = arith.constant 8 : i32
    %swap3A_392 = arith.index_cast %swap3A_391 : i32 to index
    %swap3A_393 = arith.constant 16 : index
    %swap3A_394 = tpu.vector_load %arg7[%swap3A_392, %swap3A_393] {strides = array<i32>} : memref<16x128xf32, #tpu.memory_space<vmem>>, vector<1x16xf32>,
    %swap3A_395 = vector.shape_cast %swap3A_394 : vector<1x16xf32> to vector<16xf32>
    %swap3A_396 = vector.shape_cast %broadcast_in_dim3A_1 : vector<16xf32> to vector<1x16xf32>
    tpu.vector_store %arg7[%swap3A_392, %swap3A_393], %swap3A_396 {strides = array<i32>} : memref<16x128xf32, #tpu.memory_space<vmem>>, vector<1x16xf32>,
    %swap3A_397 = arith.constant 8 : i32
    %swap3A_398 = arith.index_cast %swap3A_397 : i32 to index
    %swap3A_399 = arith.constant 32 : index
    %swap3A_400 = tpu.vector_load %arg7[%swap3A_398, %swap3A_399] {strides = array<i32>} : memref<16x128xf32, #tpu.memory_space<vmem>>, vector<1x16xf32>,
    %swap3A_401 = vector.shape_cast %swap3A_400 : vector<1x16xf32> to vector<16xf32>
    %swap3A_402 = vector.shape_cast %broadcast_in_dim3A_1 : vector<16xf32> to vector<1x16xf32>
    tpu.vector_store %arg7[%swap3A_398, %swap3A_399], %swap3A_402 {strides = array<i32>} : memref<16x128xf32, #tpu.memory_space<vmem>>, vector<1x16xf32>,
    %swap3A_403 = arith.constant 8 : i32
    %swap3A_404 = arith.index_cast %swap3A_403 : i32 to index
    %swap3A_405 = arith.constant 48 : index
    %swap3A_406 = tpu.vector_load %arg7[%swap3A_404, %swap3A_405] {strides = array<i32>} : memref<16x128xf32, #tpu.memory_space<vmem>>, vector<1x16xf32>,
    %swap3A_407 = vector.shape_cast %swap3A_406 : vector<1x16xf32> to vector<16xf32>
    %swap3A_408 = vector.shape_cast %broadcast_in_dim3A_1 : vector<16xf32> to vector<1x16xf32>
    tpu.vector_store %arg7[%swap3A_404, %swap3A_405], %swap3A_408 {strides = array<i32>} : memref<16x128xf32, #tpu.memory_space<vmem>>, vector<1x16xf32>,
    %swap3A_409 = arith.constant 8 : i32
    %swap3A_410 = arith.index_cast %swap3A_409 : i32 to index
    %swap3A_411 = arith.constant 64 : index
    %swap3A_412 = tpu.vector_load %arg7[%swap3A_410, %swap3A_411] {strides = array<i32>} : memref<16x128xf32, #tpu.memory_space<vmem>>, vector<1x16xf32>,
    %swap3A_413 = vector.shape_cast %swap3A_412 : vector<1x16xf32> to vector<16xf32>
    %swap3A_414 = vector.shape_cast %broadcast_in_dim3A_1 : vector<16xf32> to vector<1x16xf32>
    tpu.vector_store %arg7[%swap3A_410, %swap3A_411], %swap3A_414 {strides = array<i32>} : memref<16x128xf32, #tpu.memory_space<vmem>>, vector<1x16xf32>,
    %swap3A_415 = arith.constant 8 : i32
    %swap3A_416 = arith.index_cast %swap3A_415 : i32 to index
    %swap3A_417 = arith.constant 80 : index
    %swap3A_418 = tpu.vector_load %arg7[%swap3A_416, %swap3A_417] {strides = array<i32>} : memref<16x128xf32, #tpu.memory_space<vmem>>, vector<1x16xf32>,
    %swap3A_419 = vector.shape_cast %swap3A_418 : vector<1x16xf32> to vector<16xf32>
    %swap3A_420 = vector.shape_cast %broadcast_in_dim3A_1 : vector<16xf32> to vector<1x16xf32>
    tpu.vector_store %arg7[%swap3A_416, %swap3A_417], %swap3A_420 {strides = array<i32>} : memref<16x128xf32, #tpu.memory_space<vmem>>, vector<1x16xf32>,
    %swap3A_421 = arith.constant 8 : i32
    %swap3A_422 = arith.index_cast %swap3A_421 : i32 to index
    %swap3A_423 = arith.constant 96 : index
    %swap3A_424 = tpu.vector_load %arg7[%swap3A_422, %swap3A_423] {strides = array<i32>} : memref<16x128xf32, #tpu.memory_space<vmem>>, vector<1x16xf32>,
    %swap3A_425 = vector.shape_cast %swap3A_424 : vector<1x16xf32> to vector<16xf32>
    %swap3A_426 = vector.shape_cast %broadcast_in_dim3A_1 : vector<16xf32> to vector<1x16xf32>
    tpu.vector_store %arg7[%swap3A_422, %swap3A_423], %swap3A_426 {strides = array<i32>} : memref<16x128xf32, #tpu.memory_space<vmem>>, vector<1x16xf32>,
    %swap3A_427 = arith.constant 8 : i32
    %swap3A_428 = arith.index_cast %swap3A_427 : i32 to index
    %swap3A_429 = arith.constant 112 : index
    %swap3A_430 = tpu.vector_load %arg7[%swap3A_428, %swap3A_429] {strides = array<i32>} : memref<16x128xf32, #tpu.memory_space<vmem>>, vector<1x16xf32>,
    %swap3A_431 = vector.shape_cast %swap3A_430 : vector<1x16xf32> to vector<16xf32>
    %swap3A_432 = vector.shape_cast %broadcast_in_dim3A_1 : vector<16xf32> to vector<1x16xf32>
    tpu.vector_store %arg7[%swap3A_428, %swap3A_429], %swap3A_432 {strides = array<i32>} : memref<16x128xf32, #tpu.memory_space<vmem>>, vector<1x16xf32>,
    %swap3A_433 = arith.constant 9 : i32
    %swap3A_434 = arith.index_cast %swap3A_433 : i32 to index
    %swap3A_435 = arith.constant 0 : index
    %swap3A_436 = tpu.vector_load %arg7[%swap3A_434, %swap3A_435] {strides = array<i32>} : memref<16x128xf32, #tpu.memory_space<vmem>>, vector<1x16xf32>,
    %swap3A_437 = vector.shape_cast %swap3A_436 : vector<1x16xf32> to vector<16xf32>
    %swap3A_438 = vector.shape_cast %broadcast_in_dim3A_1 : vector<16xf32> to vector<1x16xf32>
    tpu.vector_store %arg7[%swap3A_434, %swap3A_435], %swap3A_438 {strides = array<i32>} : memref<16x128xf32, #tpu.memory_space<vmem>>, vector<1x16xf32>,
    %swap3A_439 = arith.constant 9 : i32
    %swap3A_440 = arith.index_cast %swap3A_439 : i32 to index
    %swap3A_441 = arith.constant 16 : index
    %swap3A_442 = tpu.vector_load %arg7[%swap3A_440, %swap3A_441] {strides = array<i32>} : memref<16x128xf32, #tpu.memory_space<vmem>>, vector<1x16xf32>,
    %swap3A_443 = vector.shape_cast %swap3A_442 : vector<1x16xf32> to vector<16xf32>
    %swap3A_444 = vector.shape_cast %broadcast_in_dim3A_1 : vector<16xf32> to vector<1x16xf32>
    tpu.vector_store %arg7[%swap3A_440, %swap3A_441], %swap3A_444 {strides = array<i32>} : memref<16x128xf32, #tpu.memory_space<vmem>>, vector<1x16xf32>,
    %swap3A_445 = arith.constant 9 : i32
    %swap3A_446 = arith.index_cast %swap3A_445 : i32 to index
    %swap3A_447 = arith.constant 32 : index
    %swap3A_448 = tpu.vector_load %arg7[%swap3A_446, %swap3A_447] {strides = array<i32>} : memref<16x128xf32, #tpu.memory_space<vmem>>, vector<1x16xf32>,
    %swap3A_449 = vector.shape_cast %swap3A_448 : vector<1x16xf32> to vector<16xf32>
    %swap3A_450 = vector.shape_cast %broadcast_in_dim3A_1 : vector<16xf32> to vector<1x16xf32>
    tpu.vector_store %arg7[%swap3A_446, %swap3A_447], %swap3A_450 {strides = array<i32>} : memref<16x128xf32, #tpu.memory_space<vmem>>, vector<1x16xf32>,
    %swap3A_451 = arith.constant 9 : i32
    %swap3A_452 = arith.index_cast %swap3A_451 : i32 to index
    %swap3A_453 = arith.constant 48 : index
    %swap3A_454 = tpu.vector_load %arg7[%swap3A_452, %swap3A_453] {strides = array<i32>} : memref<16x128xf32, #tpu.memory_space<vmem>>, vector<1x16xf32>,
    %swap3A_455 = vector.shape_cast %swap3A_454 : vector<1x16xf32> to vector<16xf32>
    %swap3A_456 = vector.shape_cast %broadcast_in_dim3A_1 : vector<16xf32> to vector<1x16xf32>
    tpu.vector_store %arg7[%swap3A_452, %swap3A_453], %swap3A_456 {strides = array<i32>} : memref<16x128xf32, #tpu.memory_space<vmem>>, vector<1x16xf32>,
    %swap3A_457 = arith.constant 9 : i32
    %swap3A_458 = arith.index_cast %swap3A_457 : i32 to index
    %swap3A_459 = arith.constant 64 : index
    %swap3A_460 = tpu.vector_load %arg7[%swap3A_458, %swap3A_459] {strides = array<i32>} : memref<16x128xf32, #tpu.memory_space<vmem>>, vector<1x16xf32>,
    %swap3A_461 = vector.shape_cast %swap3A_460 : vector<1x16xf32> to vector<16xf32>
    %swap3A_462 = vector.shape_cast %broadcast_in_dim3A_1 : vector<16xf32> to vector<1x16xf32>
    tpu.vector_store %arg7[%swap3A_458, %swap3A_459], %swap3A_462 {strides = array<i32>} : memref<16x128xf32, #tpu.memory_space<vmem>>, vector<1x16xf32>,
    %swap3A_463 = arith.constant 9 : i32
    %swap3A_464 = arith.index_cast %swap3A_463 : i32 to index
    %swap3A_465 = arith.constant 80 : index
    %swap3A_466 = tpu.vector_load %arg7[%swap3A_464, %swap3A_465] {strides = array<i32>} : memref<16x128xf32, #tpu.memory_space<vmem>>, vector<1x16xf32>,
    %swap3A_467 = vector.shape_cast %swap3A_466 : vector<1x16xf32> to vector<16xf32>
    %swap3A_468 = vector.shape_cast %broadcast_in_dim3A_1 : vector<16xf32> to vector<1x16xf32>
    tpu.vector_store %arg7[%swap3A_464, %swap3A_465], %swap3A_468 {strides = array<i32>} : memref<16x128xf32, #tpu.memory_space<vmem>>, vector<1x16xf32>,
    %swap3A_469 = arith.constant 9 : i32
    %swap3A_470 = arith.index_cast %swap3A_469 : i32 to index
    %swap3A_471 = arith.constant 96 : index
    %swap3A_472 = tpu.vector_load %arg7[%swap3A_470, %swap3A_471] {strides = array<i32>} : memref<16x128xf32, #tpu.memory_space<vmem>>, vector<1x16xf32>,
    %swap3A_473 = vector.shape_cast %swap3A_472 : vector<1x16xf32> to vector<16xf32>
    %swap3A_474 = vector.shape_cast %broadcast_in_dim3A_1 : vector<16xf32> to vector<1x16xf32>
    tpu.vector_store %arg7[%swap3A_470, %swap3A_471], %swap3A_474 {strides = array<i32>} : memref<16x128xf32, #tpu.memory_space<vmem>>, vector<1x16xf32>,
    %swap3A_475 = arith.constant 9 : i32
    %swap3A_476 = arith.index_cast %swap3A_475 : i32 to index
    %swap3A_477 = arith.constant 112 : index
    %swap3A_478 = tpu.vector_load %arg7[%swap3A_476, %swap3A_477] {strides = array<i32>} : memref<16x128xf32, #tpu.memory_space<vmem>>, vector<1x16xf32>,
    %swap3A_479 = vector.shape_cast %swap3A_478 : vector<1x16xf32> to vector<16xf32>
    %swap3A_480 = vector.shape_cast %broadcast_in_dim3A_1 : vector<16xf32> to vector<1x16xf32>
    tpu.vector_store %arg7[%swap3A_476, %swap3A_477], %swap3A_480 {strides = array<i32>} : memref<16x128xf32, #tpu.memory_space<vmem>>, vector<1x16xf32>,
    %swap3A_481 = arith.constant 10 : i32
    %swap3A_482 = arith.index_cast %swap3A_481 : i32 to index
    %swap3A_483 = arith.constant 0 : index
    %swap3A_484 = tpu.vector_load %arg7[%swap3A_482, %swap3A_483] {strides = array<i32>} : memref<16x128xf32, #tpu.memory_space<vmem>>, vector<1x16xf32>,
    %swap3A_485 = vector.shape_cast %swap3A_484 : vector<1x16xf32> to vector<16xf32>
    %swap3A_486 = vector.shape_cast %broadcast_in_dim3A_1 : vector<16xf32> to vector<1x16xf32>
    tpu.vector_store %arg7[%swap3A_482, %swap3A_483], %swap3A_486 {strides = array<i32>} : memref<16x128xf32, #tpu.memory_space<vmem>>, vector<1x16xf32>,
    %swap3A_487 = arith.constant 10 : i32
    %swap3A_488 = arith.index_cast %swap3A_487 : i32 to index
    %swap3A_489 = arith.constant 16 : index
    %swap3A_490 = tpu.vector_load %arg7[%swap3A_488, %swap3A_489] {strides = array<i32>} : memref<16x128xf32, #tpu.memory_space<vmem>>, vector<1x16xf32>,
    %swap3A_491 = vector.shape_cast %swap3A_490 : vector<1x16xf32> to vector<16xf32>
    %swap3A_492 = vector.shape_cast %broadcast_in_dim3A_1 : vector<16xf32> to vector<1x16xf32>
    tpu.vector_store %arg7[%swap3A_488, %swap3A_489], %swap3A_492 {strides = array<i32>} : memref<16x128xf32, #tpu.memory_space<vmem>>, vector<1x16xf32>,
    %swap3A_493 = arith.constant 10 : i32
    %swap3A_494 = arith.index_cast %swap3A_493 : i32 to index
    %swap3A_495 = arith.constant 32 : index
    %swap3A_496 = tpu.vector_load %arg7[%swap3A_494, %swap3A_495] {strides = array<i32>} : memref<16x128xf32, #tpu.memory_space<vmem>>, vector<1x16xf32>,
    %swap3A_497 = vector.shape_cast %swap3A_496 : vector<1x16xf32> to vector<16xf32>
    %swap3A_498 = vector.shape_cast %broadcast_in_dim3A_1 : vector<16xf32> to vector<1x16xf32>
    tpu.vector_store %arg7[%swap3A_494, %swap3A_495], %swap3A_498 {strides = array<i32>} : memref<16x128xf32, #tpu.memory_space<vmem>>, vector<1x16xf32>,
    %swap3A_499 = arith.constant 10 : i32
    %swap3A_500 = arith.index_cast %swap3A_499 : i32 to index
    %swap3A_501 = arith.constant 48 : index
    %swap3A_502 = tpu.vector_load %arg7[%swap3A_500, %swap3A_501] {strides = array<i32>} : memref<16x128xf32, #tpu.memory_space<vmem>>, vector<1x16xf32>,
    %swap3A_503 = vector.shape_cast %swap3A_502 : vector<1x16xf32> to vector<16xf32>
    %swap3A_504 = vector.shape_cast %broadcast_in_dim3A_1 : vector<16xf32> to vector<1x16xf32>
    tpu.vector_store %arg7[%swap3A_500, %swap3A_501], %swap3A_504 {strides = array<i32>} : memref<16x128xf32, #tpu.memory_space<vmem>>, vector<1x16xf32>,
    %swap3A_505 = arith.constant 10 : i32
    %swap3A_506 = arith.index_cast %swap3A_505 : i32 to index
    %swap3A_507 = arith.constant 64 : index
    %swap3A_508 = tpu.vector_load %arg7[%swap3A_506, %swap3A_507] {strides = array<i32>} : memref<16x128xf32, #tpu.memory_space<vmem>>, vector<1x16xf32>,
    %swap3A_509 = vector.shape_cast %swap3A_508 : vector<1x16xf32> to vector<16xf32>
    %swap3A_510 = vector.shape_cast %broadcast_in_dim3A_1 : vector<16xf32> to vector<1x16xf32>
    tpu.vector_store %arg7[%swap3A_506, %swap3A_507], %swap3A_510 {strides = array<i32>} : memref<16x128xf32, #tpu.memory_space<vmem>>, vector<1x16xf32>,
    %swap3A_511 = arith.constant 10 : i32
    %swap3A_512 = arith.index_cast %swap3A_511 : i32 to index
    %swap3A_513 = arith.constant 80 : index
    %swap3A_514 = tpu.vector_load %arg7[%swap3A_512, %swap3A_513] {strides = array<i32>} : memref<16x128xf32, #tpu.memory_space<vmem>>, vector<1x16xf32>,
    %swap3A_515 = vector.shape_cast %swap3A_514 : vector<1x16xf32> to vector<16xf32>
    %swap3A_516 = vector.shape_cast %broadcast_in_dim3A_1 : vector<16xf32> to vector<1x16xf32>
    tpu.vector_store %arg7[%swap3A_512, %swap3A_513], %swap3A_516 {strides = array<i32>} : memref<16x128xf32, #tpu.memory_space<vmem>>, vector<1x16xf32>,
    %swap3A_517 = arith.constant 10 : i32
    %swap3A_518 = arith.index_cast %swap3A_517 : i32 to index
    %swap3A_519 = arith.constant 96 : index
    %swap3A_520 = tpu.vector_load %arg7[%swap3A_518, %swap3A_519] {strides = array<i32>} : memref<16x128xf32, #tpu.memory_space<vmem>>, vector<1x16xf32>,
    %swap3A_521 = vector.shape_cast %swap3A_520 : vector<1x16xf32> to vector<16xf32>
    %swap3A_522 = vector.shape_cast %broadcast_in_dim3A_1 : vector<16xf32> to vector<1x16xf32>
    tpu.vector_store %arg7[%swap3A_518, %swap3A_519], %swap3A_522 {strides = array<i32>} : memref<16x128xf32, #tpu.memory_space<vmem>>, vector<1x16xf32>,
    %swap3A_523 = arith.constant 10 : i32
    %swap3A_524 = arith.index_cast %swap3A_523 : i32 to index
    %swap3A_525 = arith.constant 112 : index
    %swap3A_526 = tpu.vector_load %arg7[%swap3A_524, %swap3A_525] {strides = array<i32>} : memref<16x128xf32, #tpu.memory_space<vmem>>, vector<1x16xf32>,
    %swap3A_527 = vector.shape_cast %swap3A_526 : vector<1x16xf32> to vector<16xf32>
    %swap3A_528 = vector.shape_cast %broadcast_in_dim3A_1 : vector<16xf32> to vector<1x16xf32>
    tpu.vector_store %arg7[%swap3A_524, %swap3A_525], %swap3A_528 {strides = array<i32>} : memref<16x128xf32, #tpu.memory_space<vmem>>, vector<1x16xf32>,
    %swap3A_529 = arith.constant 11 : i32
    %swap3A_530 = arith.index_cast %swap3A_529 : i32 to index
    %swap3A_531 = arith.constant 0 : index
    %swap3A_532 = tpu.vector_load %arg7[%swap3A_530, %swap3A_531] {strides = array<i32>} : memref<16x128xf32, #tpu.memory_space<vmem>>, vector<1x16xf32>,
    %swap3A_533 = vector.shape_cast %swap3A_532 : vector<1x16xf32> to vector<16xf32>
    %swap3A_534 = vector.shape_cast %broadcast_in_dim3A_1 : vector<16xf32> to vector<1x16xf32>
    tpu.vector_store %arg7[%swap3A_530, %swap3A_531], %swap3A_534 {strides = array<i32>} : memref<16x128xf32, #tpu.memory_space<vmem>>, vector<1x16xf32>,
    %swap3A_535 = arith.constant 11 : i32
    %swap3A_536 = arith.index_cast %swap3A_535 : i32 to index
    %swap3A_537 = arith.constant 16 : index
    %swap3A_538 = tpu.vector_load %arg7[%swap3A_536, %swap3A_537] {strides = array<i32>} : memref<16x128xf32, #tpu.memory_space<vmem>>, vector<1x16xf32>,
    %swap3A_539 = vector.shape_cast %swap3A_538 : vector<1x16xf32> to vector<16xf32>
    %swap3A_540 = vector.shape_cast %broadcast_in_dim3A_1 : vector<16xf32> to vector<1x16xf32>
    tpu.vector_store %arg7[%swap3A_536, %swap3A_537], %swap3A_540 {strides = array<i32>} : memref<16x128xf32, #tpu.memory_space<vmem>>, vector<1x16xf32>,
    %swap3A_541 = arith.constant 11 : i32
    %swap3A_542 = arith.index_cast %swap3A_541 : i32 to index
    %swap3A_543 = arith.constant 32 : index
    %swap3A_544 = tpu.vector_load %arg7[%swap3A_542, %swap3A_543] {strides = array<i32>} : memref<16x128xf32, #tpu.memory_space<vmem>>, vector<1x16xf32>,
    %swap3A_545 = vector.shape_cast %swap3A_544 : vector<1x16xf32> to vector<16xf32>
    %swap3A_546 = vector.shape_cast %broadcast_in_dim3A_1 : vector<16xf32> to vector<1x16xf32>
    tpu.vector_store %arg7[%swap3A_542, %swap3A_543], %swap3A_546 {strides = array<i32>} : memref<16x128xf32, #tpu.memory_space<vmem>>, vector<1x16xf32>,
    %swap3A_547 = arith.constant 11 : i32
    %swap3A_548 = arith.index_cast %swap3A_547 : i32 to index
    %swap3A_549 = arith.constant 48 : index
    %swap3A_550 = tpu.vector_load %arg7[%swap3A_548, %swap3A_549] {strides = array<i32>} : memref<16x128xf32, #tpu.memory_space<vmem>>, vector<1x16xf32>,
    %swap3A_551 = vector.shape_cast %swap3A_550 : vector<1x16xf32> to vector<16xf32>
    %swap3A_552 = vector.shape_cast %broadcast_in_dim3A_1 : vector<16xf32> to vector<1x16xf32>
    tpu.vector_store %arg7[%swap3A_548, %swap3A_549], %swap3A_552 {strides = array<i32>} : memref<16x128xf32, #tpu.memory_space<vmem>>, vector<1x16xf32>,
    %swap3A_553 = arith.constant 11 : i32
    %swap3A_554 = arith.index_cast %swap3A_553 : i32 to index
    %swap3A_555 = arith.constant 64 : index
    %swap3A_556 = tpu.vector_load %arg7[%swap3A_554, %swap3A_555] {strides = array<i32>} : memref<16x128xf32, #tpu.memory_space<vmem>>, vector<1x16xf32>,
    %swap3A_557 = vector.shape_cast %swap3A_556 : vector<1x16xf32> to vector<16xf32>
    %swap3A_558 = vector.shape_cast %broadcast_in_dim3A_1 : vector<16xf32> to vector<1x16xf32>
    tpu.vector_store %arg7[%swap3A_554, %swap3A_555], %swap3A_558 {strides = array<i32>} : memref<16x128xf32, #tpu.memory_space<vmem>>, vector<1x16xf32>,
    %swap3A_559 = arith.constant 11 : i32
    %swap3A_560 = arith.index_cast %swap3A_559 : i32 to index
    %swap3A_561 = arith.constant 80 : index
    %swap3A_562 = tpu.vector_load %arg7[%swap3A_560, %swap3A_561] {strides = array<i32>} : memref<16x128xf32, #tpu.memory_space<vmem>>, vector<1x16xf32>,
    %swap3A_563 = vector.shape_cast %swap3A_562 : vector<1x16xf32> to vector<16xf32>
    %swap3A_564 = vector.shape_cast %broadcast_in_dim3A_1 : vector<16xf32> to vector<1x16xf32>
    tpu.vector_store %arg7[%swap3A_560, %swap3A_561], %swap3A_564 {strides = array<i32>} : memref<16x128xf32, #tpu.memory_space<vmem>>, vector<1x16xf32>,
    %swap3A_565 = arith.constant 11 : i32
    %swap3A_566 = arith.index_cast %swap3A_565 : i32 to index
    %swap3A_567 = arith.constant 96 : index
    %swap3A_568 = tpu.vector_load %arg7[%swap3A_566, %swap3A_567] {strides = array<i32>} : memref<16x128xf32, #tpu.memory_space<vmem>>, vector<1x16xf32>,
    %swap3A_569 = vector.shape_cast %swap3A_568 : vector<1x16xf32> to vector<16xf32>
    %swap3A_570 = vector.shape_cast %broadcast_in_dim3A_1 : vector<16xf32> to vector<1x16xf32>
    tpu.vector_store %arg7[%swap3A_566, %swap3A_567], %swap3A_570 {strides = array<i32>} : memref<16x128xf32, #tpu.memory_space<vmem>>, vector<1x16xf32>,
    %swap3A_571 = arith.constant 11 : i32
    %swap3A_572 = arith.index_cast %swap3A_571 : i32 to index
    %swap3A_573 = arith.constant 112 : index
    %swap3A_574 = tpu.vector_load %arg7[%swap3A_572, %swap3A_573] {strides = array<i32>} : memref<16x128xf32, #tpu.memory_space<vmem>>, vector<1x16xf32>,
    %swap3A_575 = vector.shape_cast %swap3A_574 : vector<1x16xf32> to vector<16xf32>
    %swap3A_576 = vector.shape_cast %broadcast_in_dim3A_1 : vector<16xf32> to vector<1x16xf32>
    tpu.vector_store %arg7[%swap3A_572, %swap3A_573], %swap3A_576 {strides = array<i32>} : memref<16x128xf32, #tpu.memory_space<vmem>>, vector<1x16xf32>,
    %swap3A_577 = arith.constant 12 : i32
    %swap3A_578 = arith.index_cast %swap3A_577 : i32 to index
    %swap3A_579 = arith.constant 0 : index
    %swap3A_580 = tpu.vector_load %arg7[%swap3A_578, %swap3A_579] {strides = array<i32>} : memref<16x128xf32, #tpu.memory_space<vmem>>, vector<1x16xf32>,
    %swap3A_581 = vector.shape_cast %swap3A_580 : vector<1x16xf32> to vector<16xf32>
    %swap3A_582 = vector.shape_cast %broadcast_in_dim3A_1 : vector<16xf32> to vector<1x16xf32>
    tpu.vector_store %arg7[%swap3A_578, %swap3A_579], %swap3A_582 {strides = array<i32>} : memref<16x128xf32, #tpu.memory_space<vmem>>, vector<1x16xf32>,
    %swap3A_583 = arith.constant 12 : i32
    %swap3A_584 = arith.index_cast %swap3A_583 : i32 to index
    %swap3A_585 = arith.constant 16 : index
    %swap3A_586 = tpu.vector_load %arg7[%swap3A_584, %swap3A_585] {strides = array<i32>} : memref<16x128xf32, #tpu.memory_space<vmem>>, vector<1x16xf32>,
    %swap3A_587 = vector.shape_cast %swap3A_586 : vector<1x16xf32> to vector<16xf32>
    %swap3A_588 = vector.shape_cast %broadcast_in_dim3A_1 : vector<16xf32> to vector<1x16xf32>
    tpu.vector_store %arg7[%swap3A_584, %swap3A_585], %swap3A_588 {strides = array<i32>} : memref<16x128xf32, #tpu.memory_space<vmem>>, vector<1x16xf32>,
    %swap3A_589 = arith.constant 12 : i32
    %swap3A_590 = arith.index_cast %swap3A_589 : i32 to index
    %swap3A_591 = arith.constant 32 : index
    %swap3A_592 = tpu.vector_load %arg7[%swap3A_590, %swap3A_591] {strides = array<i32>} : memref<16x128xf32, #tpu.memory_space<vmem>>, vector<1x16xf32>,
    %swap3A_593 = vector.shape_cast %swap3A_592 : vector<1x16xf32> to vector<16xf32>
    %swap3A_594 = vector.shape_cast %broadcast_in_dim3A_1 : vector<16xf32> to vector<1x16xf32>
    tpu.vector_store %arg7[%swap3A_590, %swap3A_591], %swap3A_594 {strides = array<i32>} : memref<16x128xf32, #tpu.memory_space<vmem>>, vector<1x16xf32>,
    %swap3A_595 = arith.constant 12 : i32
    %swap3A_596 = arith.index_cast %swap3A_595 : i32 to index
    %swap3A_597 = arith.constant 48 : index
    %swap3A_598 = tpu.vector_load %arg7[%swap3A_596, %swap3A_597] {strides = array<i32>} : memref<16x128xf32, #tpu.memory_space<vmem>>, vector<1x16xf32>,
    %swap3A_599 = vector.shape_cast %swap3A_598 : vector<1x16xf32> to vector<16xf32>
    %swap3A_600 = vector.shape_cast %broadcast_in_dim3A_1 : vector<16xf32> to vector<1x16xf32>
    tpu.vector_store %arg7[%swap3A_596, %swap3A_597], %swap3A_600 {strides = array<i32>} : memref<16x128xf32, #tpu.memory_space<vmem>>, vector<1x16xf32>,
    %swap3A_601 = arith.constant 12 : i32
    %swap3A_602 = arith.index_cast %swap3A_601 : i32 to index
    %swap3A_603 = arith.constant 64 : index
    %swap3A_604 = tpu.vector_load %arg7[%swap3A_602, %swap3A_603] {strides = array<i32>} : memref<16x128xf32, #tpu.memory_space<vmem>>, vector<1x16xf32>,
    %swap3A_605 = vector.shape_cast %swap3A_604 : vector<1x16xf32> to vector<16xf32>
    %swap3A_606 = vector.shape_cast %broadcast_in_dim3A_1 : vector<16xf32> to vector<1x16xf32>
    tpu.vector_store %arg7[%swap3A_602, %swap3A_603], %swap3A_606 {strides = array<i32>} : memref<16x128xf32, #tpu.memory_space<vmem>>, vector<1x16xf32>,
    %swap3A_607 = arith.constant 12 : i32
    %swap3A_608 = arith.index_cast %swap3A_607 : i32 to index
    %swap3A_609 = arith.constant 80 : index
    %swap3A_610 = tpu.vector_load %arg7[%swap3A_608, %swap3A_609] {strides = array<i32>} : memref<16x128xf32, #tpu.memory_space<vmem>>, vector<1x16xf32>,
    %swap3A_611 = vector.shape_cast %swap3A_610 : vector<1x16xf32> to vector<16xf32>
    %swap3A_612 = vector.shape_cast %broadcast_in_dim3A_1 : vector<16xf32> to vector<1x16xf32>
    tpu.vector_store %arg7[%swap3A_608, %swap3A_609], %swap3A_612 {strides = array<i32>} : memref<16x128xf32, #tpu.memory_space<vmem>>, vector<1x16xf32>,
    %swap3A_613 = arith.constant 12 : i32
    %swap3A_614 = arith.index_cast %swap3A_613 : i32 to index
    %swap3A_615 = arith.constant 96 : index
    %swap3A_616 = tpu.vector_load %arg7[%swap3A_614, %swap3A_615] {strides = array<i32>} : memref<16x128xf32, #tpu.memory_space<vmem>>, vector<1x16xf32>,
    %swap3A_617 = vector.shape_cast %swap3A_616 : vector<1x16xf32> to vector<16xf32>
    %swap3A_618 = vector.shape_cast %broadcast_in_dim3A_1 : vector<16xf32> to vector<1x16xf32>
    tpu.vector_store %arg7[%swap3A_614, %swap3A_615], %swap3A_618 {strides = array<i32>} : memref<16x128xf32, #tpu.memory_space<vmem>>, vector<1x16xf32>,
    %swap3A_619 = arith.constant 12 : i32
    %swap3A_620 = arith.index_cast %swap3A_619 : i32 to index
    %swap3A_621 = arith.constant 112 : index
    %swap3A_622 = tpu.vector_load %arg7[%swap3A_620, %swap3A_621] {strides = array<i32>} : memref<16x128xf32, #tpu.memory_space<vmem>>, vector<1x16xf32>,
    %swap3A_623 = vector.shape_cast %swap3A_622 : vector<1x16xf32> to vector<16xf32>
    %swap3A_624 = vector.shape_cast %broadcast_in_dim3A_1 : vector<16xf32> to vector<1x16xf32>
    tpu.vector_store %arg7[%swap3A_620, %swap3A_621], %swap3A_624 {strides = array<i32>} : memref<16x128xf32, #tpu.memory_space<vmem>>, vector<1x16xf32>,
    %swap3A_625 = arith.constant 13 : i32
    %swap3A_626 = arith.index_cast %swap3A_625 : i32 to index
    %swap3A_627 = arith.constant 0 : index
    %swap3A_628 = tpu.vector_load %arg7[%swap3A_626, %swap3A_627] {strides = array<i32>} : memref<16x128xf32, #tpu.memory_space<vmem>>, vector<1x16xf32>,
    %swap3A_629 = vector.shape_cast %swap3A_628 : vector<1x16xf32> to vector<16xf32>
    %swap3A_630 = vector.shape_cast %broadcast_in_dim3A_1 : vector<16xf32> to vector<1x16xf32>
    tpu.vector_store %arg7[%swap3A_626, %swap3A_627], %swap3A_630 {strides = array<i32>} : memref<16x128xf32, #tpu.memory_space<vmem>>, vector<1x16xf32>,
    %swap3A_631 = arith.constant 13 : i32
    %swap3A_632 = arith.index_cast %swap3A_631 : i32 to index
    %swap3A_633 = arith.constant 16 : index
    %swap3A_634 = tpu.vector_load %arg7[%swap3A_632, %swap3A_633] {strides = array<i32>} : memref<16x128xf32, #tpu.memory_space<vmem>>, vector<1x16xf32>,
    %swap3A_635 = vector.shape_cast %swap3A_634 : vector<1x16xf32> to vector<16xf32>
    %swap3A_636 = vector.shape_cast %broadcast_in_dim3A_1 : vector<16xf32> to vector<1x16xf32>
    tpu.vector_store %arg7[%swap3A_632, %swap3A_633], %swap3A_636 {strides = array<i32>} : memref<16x128xf32, #tpu.memory_space<vmem>>, vector<1x16xf32>,
    %swap3A_637 = arith.constant 13 : i32
    %swap3A_638 = arith.index_cast %swap3A_637 : i32 to index
    %swap3A_639 = arith.constant 32 : index
    %swap3A_640 = tpu.vector_load %arg7[%swap3A_638, %swap3A_639] {strides = array<i32>} : memref<16x128xf32, #tpu.memory_space<vmem>>, vector<1x16xf32>,
    %swap3A_641 = vector.shape_cast %swap3A_640 : vector<1x16xf32> to vector<16xf32>
    %swap3A_642 = vector.shape_cast %broadcast_in_dim3A_1 : vector<16xf32> to vector<1x16xf32>
    tpu.vector_store %arg7[%swap3A_638, %swap3A_639], %swap3A_642 {strides = array<i32>} : memref<16x128xf32, #tpu.memory_space<vmem>>, vector<1x16xf32>,
    %swap3A_643 = arith.constant 13 : i32
    %swap3A_644 = arith.index_cast %swap3A_643 : i32 to index
    %swap3A_645 = arith.constant 48 : index
    %swap3A_646 = tpu.vector_load %arg7[%swap3A_644, %swap3A_645] {strides = array<i32>} : memref<16x128xf32, #tpu.memory_space<vmem>>, vector<1x16xf32>,
    %swap3A_647 = vector.shape_cast %swap3A_646 : vector<1x16xf32> to vector<16xf32>
    %swap3A_648 = vector.shape_cast %broadcast_in_dim3A_1 : vector<16xf32> to vector<1x16xf32>
    tpu.vector_store %arg7[%swap3A_644, %swap3A_645], %swap3A_648 {strides = array<i32>} : memref<16x128xf32, #tpu.memory_space<vmem>>, vector<1x16xf32>,
    %swap3A_649 = arith.constant 13 : i32
    %swap3A_650 = arith.index_cast %swap3A_649 : i32 to index
    %swap3A_651 = arith.constant 64 : index
    %swap3A_652 = tpu.vector_load %arg7[%swap3A_650, %swap3A_651] {strides = array<i32>} : memref<16x128xf32, #tpu.memory_space<vmem>>, vector<1x16xf32>,
    %swap3A_653 = vector.shape_cast %swap3A_652 : vector<1x16xf32> to vector<16xf32>
    %swap3A_654 = vector.shape_cast %broadcast_in_dim3A_1 : vector<16xf32> to vector<1x16xf32>
    tpu.vector_store %arg7[%swap3A_650, %swap3A_651], %swap3A_654 {strides = array<i32>} : memref<16x128xf32, #tpu.memory_space<vmem>>, vector<1x16xf32>,
    %swap3A_655 = arith.constant 13 : i32
    %swap3A_656 = arith.index_cast %swap3A_655 : i32 to index
    %swap3A_657 = arith.constant 80 : index
    %swap3A_658 = tpu.vector_load %arg7[%swap3A_656, %swap3A_657] {strides = array<i32>} : memref<16x128xf32, #tpu.memory_space<vmem>>, vector<1x16xf32>,
    %swap3A_659 = vector.shape_cast %swap3A_658 : vector<1x16xf32> to vector<16xf32>
    %swap3A_660 = vector.shape_cast %broadcast_in_dim3A_1 : vector<16xf32> to vector<1x16xf32>
    tpu.vector_store %arg7[%swap3A_656, %swap3A_657], %swap3A_660 {strides = array<i32>} : memref<16x128xf32, #tpu.memory_space<vmem>>, vector<1x16xf32>,
    %swap3A_661 = arith.constant 13 : i32
    %swap3A_662 = arith.index_cast %swap3A_661 : i32 to index
    %swap3A_663 = arith.constant 96 : index
    %swap3A_664 = tpu.vector_load %arg7[%swap3A_662, %swap3A_663] {strides = array<i32>} : memref<16x128xf32, #tpu.memory_space<vmem>>, vector<1x16xf32>,
    %swap3A_665 = vector.shape_cast %swap3A_664 : vector<1x16xf32> to vector<16xf32>
    %swap3A_666 = vector.shape_cast %broadcast_in_dim3A_1 : vector<16xf32> to vector<1x16xf32>
    tpu.vector_store %arg7[%swap3A_662, %swap3A_663], %swap3A_666 {strides = array<i32>} : memref<16x128xf32, #tpu.memory_space<vmem>>, vector<1x16xf32>,
    %swap3A_667 = arith.constant 13 : i32
    %swap3A_668 = arith.index_cast %swap3A_667 : i32 to index
    %swap3A_669 = arith.constant 112 : index
    %swap3A_670 = tpu.vector_load %arg7[%swap3A_668, %swap3A_669] {strides = array<i32>} : memref<16x128xf32, #tpu.memory_space<vmem>>, vector<1x16xf32>,
    %swap3A_671 = vector.shape_cast %swap3A_670 : vector<1x16xf32> to vector<16xf32>
    %swap3A_672 = vector.shape_cast %broadcast_in_dim3A_1 : vector<16xf32> to vector<1x16xf32>
    tpu.vector_store %arg7[%swap3A_668, %swap3A_669], %swap3A_672 {strides = array<i32>} : memref<16x128xf32, #tpu.memory_space<vmem>>, vector<1x16xf32>,
    %swap3A_673 = arith.constant 14 : i32
    %swap3A_674 = arith.index_cast %swap3A_673 : i32 to index
    %swap3A_675 = arith.constant 0 : index
    %swap3A_676 = tpu.vector_load %arg7[%swap3A_674, %swap3A_675] {strides = array<i32>} : memref<16x128xf32, #tpu.memory_space<vmem>>, vector<1x16xf32>,
    %swap3A_677 = vector.shape_cast %swap3A_676 : vector<1x16xf32> to vector<16xf32>
    %swap3A_678 = vector.shape_cast %broadcast_in_dim3A_1 : vector<16xf32> to vector<1x16xf32>
    tpu.vector_store %arg7[%swap3A_674, %swap3A_675], %swap3A_678 {strides = array<i32>} : memref<16x128xf32, #tpu.memory_space<vmem>>, vector<1x16xf32>,
    %swap3A_679 = arith.constant 14 : i32
    %swap3A_680 = arith.index_cast %swap3A_679 : i32 to index
    %swap3A_681 = arith.constant 16 : index
    %swap3A_682 = tpu.vector_load %arg7[%swap3A_680, %swap3A_681] {strides = array<i32>} : memref<16x128xf32, #tpu.memory_space<vmem>>, vector<1x16xf32>,
    %swap3A_683 = vector.shape_cast %swap3A_682 : vector<1x16xf32> to vector<16xf32>
    %swap3A_684 = vector.shape_cast %broadcast_in_dim3A_1 : vector<16xf32> to vector<1x16xf32>
    tpu.vector_store %arg7[%swap3A_680, %swap3A_681], %swap3A_684 {strides = array<i32>} : memref<16x128xf32, #tpu.memory_space<vmem>>, vector<1x16xf32>,
    %swap3A_685 = arith.constant 14 : i32
    %swap3A_686 = arith.index_cast %swap3A_685 : i32 to index
    %swap3A_687 = arith.constant 32 : index
    %swap3A_688 = tpu.vector_load %arg7[%swap3A_686, %swap3A_687] {strides = array<i32>} : memref<16x128xf32, #tpu.memory_space<vmem>>, vector<1x16xf32>,
    %swap3A_689 = vector.shape_cast %swap3A_688 : vector<1x16xf32> to vector<16xf32>
    %swap3A_690 = vector.shape_cast %broadcast_in_dim3A_1 : vector<16xf32> to vector<1x16xf32>
    tpu.vector_store %arg7[%swap3A_686, %swap3A_687], %swap3A_690 {strides = array<i32>} : memref<16x128xf32, #tpu.memory_space<vmem>>, vector<1x16xf32>,
    %swap3A_691 = arith.constant 14 : i32
    %swap3A_692 = arith.index_cast %swap3A_691 : i32 to index
    %swap3A_693 = arith.constant 48 : index
    %swap3A_694 = tpu.vector_load %arg7[%swap3A_692, %swap3A_693] {strides = array<i32>} : memref<16x128xf32, #tpu.memory_space<vmem>>, vector<1x16xf32>,
    %swap3A_695 = vector.shape_cast %swap3A_694 : vector<1x16xf32> to vector<16xf32>
    %swap3A_696 = vector.shape_cast %broadcast_in_dim3A_1 : vector<16xf32> to vector<1x16xf32>
    tpu.vector_store %arg7[%swap3A_692, %swap3A_693], %swap3A_696 {strides = array<i32>} : memref<16x128xf32, #tpu.memory_space<vmem>>, vector<1x16xf32>,
    %swap3A_697 = arith.constant 14 : i32
    %swap3A_698 = arith.index_cast %swap3A_697 : i32 to index
    %swap3A_699 = arith.constant 64 : index
    %swap3A_700 = tpu.vector_load %arg7[%swap3A_698, %swap3A_699] {strides = array<i32>} : memref<16x128xf32, #tpu.memory_space<vmem>>, vector<1x16xf32>,
    %swap3A_701 = vector.shape_cast %swap3A_700 : vector<1x16xf32> to vector<16xf32>
    %swap3A_702 = vector.shape_cast %broadcast_in_dim3A_1 : vector<16xf32> to vector<1x16xf32>
    tpu.vector_store %arg7[%swap3A_698, %swap3A_699], %swap3A_702 {strides = array<i32>} : memref<16x128xf32, #tpu.memory_space<vmem>>, vector<1x16xf32>,
    %swap3A_703 = arith.constant 14 : i32
    %swap3A_704 = arith.index_cast %swap3A_703 : i32 to index
    %swap3A_705 = arith.constant 80 : index
    %swap3A_706 = tpu.vector_load %arg7[%swap3A_704, %swap3A_705] {strides = array<i32>} : memref<16x128xf32, #tpu.memory_space<vmem>>, vector<1x16xf32>,
    %swap3A_707 = vector.shape_cast %swap3A_706 : vector<1x16xf32> to vector<16xf32>
    %swap3A_708 = vector.shape_cast %broadcast_in_dim3A_1 : vector<16xf32> to vector<1x16xf32>
    tpu.vector_store %arg7[%swap3A_704, %swap3A_705], %swap3A_708 {strides = array<i32>} : memref<16x128xf32, #tpu.memory_space<vmem>>, vector<1x16xf32>,
    %swap3A_709 = arith.constant 14 : i32
    %swap3A_710 = arith.index_cast %swap3A_709 : i32 to index
    %swap3A_711 = arith.constant 96 : index
    %swap3A_712 = tpu.vector_load %arg7[%swap3A_710, %swap3A_711] {strides = array<i32>} : memref<16x128xf32, #tpu.memory_space<vmem>>, vector<1x16xf32>,
    %swap3A_713 = vector.shape_cast %swap3A_712 : vector<1x16xf32> to vector<16xf32>
    %swap3A_714 = vector.shape_cast %broadcast_in_dim3A_1 : vector<16xf32> to vector<1x16xf32>
    tpu.vector_store %arg7[%swap3A_710, %swap3A_711], %swap3A_714 {strides = array<i32>} : memref<16x128xf32, #tpu.memory_space<vmem>>, vector<1x16xf32>,
    %swap3A_715 = arith.constant 14 : i32
    %swap3A_716 = arith.index_cast %swap3A_715 : i32 to index
    %swap3A_717 = arith.constant 112 : index
    %swap3A_718 = tpu.vector_load %arg7[%swap3A_716, %swap3A_717] {strides = array<i32>} : memref<16x128xf32, #tpu.memory_space<vmem>>, vector<1x16xf32>,
    %swap3A_719 = vector.shape_cast %swap3A_718 : vector<1x16xf32> to vector<16xf32>
    %swap3A_720 = vector.shape_cast %broadcast_in_dim3A_1 : vector<16xf32> to vector<1x16xf32>
    tpu.vector_store %arg7[%swap3A_716, %swap3A_717], %swap3A_720 {strides = array<i32>} : memref<16x128xf32, #tpu.memory_space<vmem>>, vector<1x16xf32>,
    %swap3A_721 = arith.constant 15 : i32
    %swap3A_722 = arith.index_cast %swap3A_721 : i32 to index
    %swap3A_723 = arith.constant 0 : index
    %swap3A_724 = tpu.vector_load %arg7[%swap3A_722, %swap3A_723] {strides = array<i32>} : memref<16x128xf32, #tpu.memory_space<vmem>>, vector<1x16xf32>,
    %swap3A_725 = vector.shape_cast %swap3A_724 : vector<1x16xf32> to vector<16xf32>
    %swap3A_726 = vector.shape_cast %broadcast_in_dim3A_1 : vector<16xf32> to vector<1x16xf32>
    tpu.vector_store %arg7[%swap3A_722, %swap3A_723], %swap3A_726 {strides = array<i32>} : memref<16x128xf32, #tpu.memory_space<vmem>>, vector<1x16xf32>,
    %swap3A_727 = arith.constant 15 : i32
    %swap3A_728 = arith.index_cast %swap3A_727 : i32 to index
    %swap3A_729 = arith.constant 16 : index
    %swap3A_730 = tpu.vector_load %arg7[%swap3A_728, %swap3A_729] {strides = array<i32>} : memref<16x128xf32, #tpu.memory_space<vmem>>, vector<1x16xf32>,
    %swap3A_731 = vector.shape_cast %swap3A_730 : vector<1x16xf32> to vector<16xf32>
    %swap3A_732 = vector.shape_cast %broadcast_in_dim3A_1 : vector<16xf32> to vector<1x16xf32>
    tpu.vector_store %arg7[%swap3A_728, %swap3A_729], %swap3A_732 {strides = array<i32>} : memref<16x128xf32, #tpu.memory_space<vmem>>, vector<1x16xf32>,
    %swap3A_733 = arith.constant 15 : i32
    %swap3A_734 = arith.index_cast %swap3A_733 : i32 to index
    %swap3A_735 = arith.constant 32 : index
    %swap3A_736 = tpu.vector_load %arg7[%swap3A_734, %swap3A_735] {strides = array<i32>} : memref<16x128xf32, #tpu.memory_space<vmem>>, vector<1x16xf32>,
    %swap3A_737 = vector.shape_cast %swap3A_736 : vector<1x16xf32> to vector<16xf32>
    %swap3A_738 = vector.shape_cast %broadcast_in_dim3A_1 : vector<16xf32> to vector<1x16xf32>
    tpu.vector_store %arg7[%swap3A_734, %swap3A_735], %swap3A_738 {strides = array<i32>} : memref<16x128xf32, #tpu.memory_space<vmem>>, vector<1x16xf32>,
    %swap3A_739 = arith.constant 15 : i32
    %swap3A_740 = arith.index_cast %swap3A_739 : i32 to index
    %swap3A_741 = arith.constant 48 : index
    %swap3A_742 = tpu.vector_load %arg7[%swap3A_740, %swap3A_741] {strides = array<i32>} : memref<16x128xf32, #tpu.memory_space<vmem>>, vector<1x16xf32>,
    %swap3A_743 = vector.shape_cast %swap3A_742 : vector<1x16xf32> to vector<16xf32>
    %swap3A_744 = vector.shape_cast %broadcast_in_dim3A_1 : vector<16xf32> to vector<1x16xf32>
    tpu.vector_store %arg7[%swap3A_740, %swap3A_741], %swap3A_744 {strides = array<i32>} : memref<16x128xf32, #tpu.memory_space<vmem>>, vector<1x16xf32>,
    %swap3A_745 = arith.constant 15 : i32
    %swap3A_746 = arith.index_cast %swap3A_745 : i32 to index
    %swap3A_747 = arith.constant 64 : index
    %swap3A_748 = tpu.vector_load %arg7[%swap3A_746, %swap3A_747] {strides = array<i32>} : memref<16x128xf32, #tpu.memory_space<vmem>>, vector<1x16xf32>,
    %swap3A_749 = vector.shape_cast %swap3A_748 : vector<1x16xf32> to vector<16xf32>
    %swap3A_750 = vector.shape_cast %broadcast_in_dim3A_1 : vector<16xf32> to vector<1x16xf32>
    tpu.vector_store %arg7[%swap3A_746, %swap3A_747], %swap3A_750 {strides = array<i32>} : memref<16x128xf32, #tpu.memory_space<vmem>>, vector<1x16xf32>,
    %swap3A_751 = arith.constant 15 : i32
    %swap3A_752 = arith.index_cast %swap3A_751 : i32 to index
    %swap3A_753 = arith.constant 80 : index
    %swap3A_754 = tpu.vector_load %arg7[%swap3A_752, %swap3A_753] {strides = array<i32>} : memref<16x128xf32, #tpu.memory_space<vmem>>, vector<1x16xf32>,
    %swap3A_755 = vector.shape_cast %swap3A_754 : vector<1x16xf32> to vector<16xf32>
    %swap3A_756 = vector.shape_cast %broadcast_in_dim3A_1 : vector<16xf32> to vector<1x16xf32>
    tpu.vector_store %arg7[%swap3A_752, %swap3A_753], %swap3A_756 {strides = array<i32>} : memref<16x128xf32, #tpu.memory_space<vmem>>, vector<1x16xf32>,
    %swap3A_757 = arith.constant 15 : i32
    %swap3A_758 = arith.index_cast %swap3A_757 : i32 to index
    %swap3A_759 = arith.constant 96 : index
    %swap3A_760 = tpu.vector_load %arg7[%swap3A_758, %swap3A_759] {strides = array<i32>} : memref<16x128xf32, #tpu.memory_space<vmem>>, vector<1x16xf32>,
    %swap3A_761 = vector.shape_cast %swap3A_760 : vector<1x16xf32> to vector<16xf32>
    %swap3A_762 = vector.shape_cast %broadcast_in_dim3A_1 : vector<16xf32> to vector<1x16xf32>
    tpu.vector_store %arg7[%swap3A_758, %swap3A_759], %swap3A_762 {strides = array<i32>} : memref<16x128xf32, #tpu.memory_space<vmem>>, vector<1x16xf32>,
    %swap3A_763 = arith.constant 15 : i32
    %swap3A_764 = arith.index_cast %swap3A_763 : i32 to index
    %swap3A_765 = arith.constant 112 : index
    %swap3A_766 = tpu.vector_load %arg7[%swap3A_764, %swap3A_765] {strides = array<i32>} : memref<16x128xf32, #tpu.memory_space<vmem>>, vector<1x16xf32>,
    %swap3A_767 = vector.shape_cast %swap3A_766 : vector<1x16xf32> to vector<16xf32>
    %swap3A_768 = vector.shape_cast %broadcast_in_dim3A_1 : vector<16xf32> to vector<1x16xf32>
    tpu.vector_store %arg7[%swap3A_764, %swap3A_765], %swap3A_768 {strides = array<i32>} : memref<16x128xf32, #tpu.memory_space<vmem>>, vector<1x16xf32>,
    %mul3A_769 = arith.constant 640 : i32
    %mul3A_770 = arith.muli %arg1, %mul3A_769 : i32
    %scan3A = arith.constant 0 : i32
    %scan3A_771 = arith.constant 0 : i32
    %scan3A_772 = arith.constant 40 : i32
    %scan3A_773 = arith.addi %scan3A_771, %scan3A_772 : i32
    %scan3A_774 = arith.constant 1 : i32
    scf.for %scan3A_811 = %scan3A_771 to %scan3A_773 step %scan3A_774  : i32 {
      %mul3A_812 = arith.constant 16 : i32
      %mul3A_813 = arith.muli %scan3A_811, %mul3A_812 : i32
      %add3A_814 = arith.addi %mul3A_770, %mul3A_813 : i32
      "tpu.region"() ({
        %run_scoped3A = tpu.sem_alloc : memref<!tpu.dma_semaphore, #tpu.memory_space<semaphore_mem>>
        %dma_start3A_815 = arith.constant 0 : i32
        %dma_start3A_816 = tpu.memref_slice %arg8[%add3A_814, %dma_start3A_815] : memref<10240x128xf32, #tpu.memory_space<vmem_shared>> -> memref<16x128xf32, #tpu.memory_space<vmem_shared>>
        %dma_start3A_817 = arith.constant 0 : i32
        %dma_start3A_818 = tpu.memref_slice %arg8[%add3A_814, %dma_start3A_817] : memref<10240x128xf32, #tpu.memory_space<vmem_shared>> -> memref<16x128xf32, #tpu.memory_space<vmem_shared>>
        tpu.enqueue_dma source(%arg7 : memref<16x128xf32, #tpu.memory_space<vmem>>) target(%dma_start3A_818 : memref<16x128xf32, #tpu.memory_space<vmem_shared>>) target_semaphore(%run_scoped3A : memref<!tpu.dma_semaphore, #tpu.memory_space<semaphore_mem>>)
        %dma_wait3A_819 = arith.constant 0 : i32
        %dma_wait3A_820 = tpu.memref_slice %arg8[%add3A_814, %dma_wait3A_819] : memref<10240x128xf32, #tpu.memory_space<vmem_shared>> -> memref<16x128xf32, #tpu.memory_space<vmem_shared>>
        %dma_wait3A_821 = arith.constant 0 : i32
        %dma_wait3A_822 = tpu.memref_slice %arg8[%add3A_814, %dma_wait3A_821] : memref<10240x128xf32, #tpu.memory_space<vmem_shared>> -> memref<16x128xf32, #tpu.memory_space<vmem_shared>>
        tpu.wait_dma2 semaphore(%run_scoped3A : memref<!tpu.dma_semaphore, #tpu.memory_space<semaphore_mem>>) src(%arg7 : memref<16x128xf32, #tpu.memory_space<vmem>>) dst(%dma_wait3A_822 : memref<16x128xf32, #tpu.memory_space<vmem_shared>>)
        tpu.yield
      }) : () -> ()
    }
    %scan3A_775 = arith.constant 40 : i32
    %barrier3A = arith.constant 0 : index
    tpu.barrier barrier_id(%barrier3A)
    "tpu.region"() ({
      %run_scoped3A = tpu.sem_alloc : memref<!tpu.dma_semaphore, #tpu.memory_space<semaphore_mem>>
      %dma_start3A_811 = arith.constant 0 : i32
      %dma_start3A_812 = arith.constant 0 : i32
      %dma_start3A_813 = tpu.memref_slice %arg3[%add3A, %dma_start3A_811, %dma_start3A_812] : memref<32x40x128xi32, #tpu.memory_space<hbm>> -> memref<1x40x128xi32, #tpu.memory_space<hbm>>
      %dma_start3A_814 = tpu.memref_squeeze %dma_start3A_813 : memref<1x40x128xi32, #tpu.memory_space<hbm>> -> memref<40x128xi32, #tpu.memory_space<hbm>>
      %dma_start3A_815 = arith.constant 0 : i32
      %dma_start3A_816 = arith.constant 0 : i32
      %dma_start3A_817 = tpu.memref_slice %arg3[%add3A, %dma_start3A_815, %dma_start3A_816] : memref<32x40x128xi32, #tpu.memory_space<hbm>> -> memref<1x40x128xi32, #tpu.memory_space<hbm>>
      %dma_start3A_818 = tpu.memref_squeeze %dma_start3A_817 : memref<1x40x128xi32, #tpu.memory_space<hbm>> -> memref<40x128xi32, #tpu.memory_space<hbm>>
      tpu.enqueue_dma source(%dma_start3A_818 : memref<40x128xi32, #tpu.memory_space<hbm>>) target(%arg5 : memref<40x128xi32, #tpu.memory_space<vmem>>) target_semaphore(%run_scoped3A : memref<!tpu.dma_semaphore, #tpu.memory_space<semaphore_mem>>)
      %dma_wait3A_819 = arith.constant 0 : i32
      %dma_wait3A_820 = arith.constant 0 : i32
      %dma_wait3A_821 = tpu.memref_slice %arg3[%add3A, %dma_wait3A_819, %dma_wait3A_820] : memref<32x40x128xi32, #tpu.memory_space<hbm>> -> memref<1x40x128xi32, #tpu.memory_space<hbm>>
      %dma_wait3A_822 = tpu.memref_squeeze %dma_wait3A_821 : memref<1x40x128xi32, #tpu.memory_space<hbm>> -> memref<40x128xi32, #tpu.memory_space<hbm>>
      %dma_wait3A_823 = arith.constant 0 : i32
      %dma_wait3A_824 = arith.constant 0 : i32
      %dma_wait3A_825 = tpu.memref_slice %arg3[%add3A, %dma_wait3A_823, %dma_wait3A_824] : memref<32x40x128xi32, #tpu.memory_space<hbm>> -> memref<1x40x128xi32, #tpu.memory_space<hbm>>
      %dma_wait3A_826 = tpu.memref_squeeze %dma_wait3A_825 : memref<1x40x128xi32, #tpu.memory_space<hbm>> -> memref<40x128xi32, #tpu.memory_space<hbm>>
      tpu.wait_dma2 semaphore(%run_scoped3A : memref<!tpu.dma_semaphore, #tpu.memory_space<semaphore_mem>>) src(%dma_wait3A_826 : memref<40x128xi32, #tpu.memory_space<hbm>>) dst(%arg5 : memref<40x128xi32, #tpu.memory_space<vmem>>)
      tpu.yield
    }) : () -> ()
    %mul3A_776 = arith.constant 5120 : i32
    %mul3A_777 = arith.muli %add3A, %mul3A_776 : i32
    %dma_start3A = arith.constant 0 : i32
    %dma_start3A_778 = arith.constant 0 : i32
    %dma_start3A_779 = tpu.memref_slice %arg6[%dma_start3A, %dma_start3A_778] : memref<256x128xf32, #tpu.memory_space<vmem>> -> memref<128x128xf32, #tpu.memory_space<vmem>>
    %dma_start3A_780 = arith.constant 0 : i32
    %dma_start3A_781 = tpu.memref_slice %arg2[%mul3A_777, %dma_start3A_780] : memref<163840x128xf32, #tpu.memory_space<hbm>> -> memref<128x128xf32, #tpu.memory_space<hbm>>
    %dma_start3A_782 = arith.constant 0 : i32
    %dma_start3A_783 = arith.constant 0 : i32
    %dma_start3A_784 = tpu.memref_slice %arg6[%dma_start3A_782, %dma_start3A_783] : memref<256x128xf32, #tpu.memory_space<vmem>> -> memref<128x128xf32, #tpu.memory_space<vmem>>
    %dma_start3A_785 = arith.constant 0 : i32
    %dma_start3A_786 = tpu.memref_slice %arg2[%mul3A_777, %dma_start3A_785] : memref<163840x128xf32, #tpu.memory_space<hbm>> -> memref<128x128xf32, #tpu.memory_space<hbm>>
    tpu.enqueue_dma source(%dma_start3A_786 : memref<128x128xf32, #tpu.memory_space<hbm>>) target(%dma_start3A_784 : memref<128x128xf32, #tpu.memory_space<vmem>>) target_semaphore(%arg9 : memref<!tpu.dma_semaphore, #tpu.memory_space<semaphore_mem>>)
    %scan3A_787 = arith.constant 0 : i32
    %scan3A_788 = arith.constant 0 : i32
    %scan3A_789 = arith.constant 40 : i32
    %scan3A_790 = arith.addi %scan3A_788, %scan3A_789 : i32
    %scan3A_791 = arith.constant 1 : i32
    scf.for %scan3A_811 = %scan3A_788 to %scan3A_790 step %scan3A_791  : i32 {
      %jit3A = arith.constant 2 : i32
      %eq3A = arith.constant 0 : i32
      %eq3A_812 = arith.cmpi eq, %jit3A, %eq3A : i32
      %jit3A_813 = arith.constant 1 : i32
      %select_n3A = arith.select %eq3A_812, %jit3A_813, %jit3A : i32
      %rem3A = arith.remsi %scan3A_811, %select_n3A : i32
      %ne3A = arith.constant 0 : i32
      %ne3A_814 = arith.cmpi ne, %rem3A, %ne3A : i32
      %lt3A = arith.constant 0 : i32
      %lt3A_815 = arith.cmpi slt, %rem3A, %lt3A : i32
      %lt3A_816 = arith.constant 0 : i32
      %lt3A_817 = arith.cmpi slt, %select_n3A, %lt3A_816 : i32
      %ne3A_818 = arith.xori %lt3A_815, %lt3A_817 : i1
      %and3A = arith.andi %ne3A_818, %ne3A_814 : i1
      %add3A_819 = arith.addi %rem3A, %select_n3A : i32
      %select_n3A_820 = arith.select %and3A, %add3A_819, %rem3A : i32
      %mul3A_821 = arith.constant 128 : i32
      %mul3A_822 = arith.muli %select_n3A_820, %mul3A_821 : i32
      %add3A_823 = arith.constant 1 : i32
      %add3A_824 = arith.addi %scan3A_811, %add3A_823 : i32
      %jit3A_825 = arith.constant 2 : i32
      %eq3A_826 = arith.constant 0 : i32
      %eq3A_827 = arith.cmpi eq, %jit3A_825, %eq3A_826 : i32
      %jit3A_828 = arith.constant 1 : i32
      %select_n3A_829 = arith.select %eq3A_827, %jit3A_828, %jit3A_825 : i32
      %rem3A_830 = arith.remsi %add3A_824, %select_n3A_829 : i32
      %ne3A_831 = arith.constant 0 : i32
      %ne3A_832 = arith.cmpi ne, %rem3A_830, %ne3A_831 : i32
      %lt3A_833 = arith.constant 0 : i32
      %lt3A_834 = arith.cmpi slt, %rem3A_830, %lt3A_833 : i32
      %lt3A_835 = arith.constant 0 : i32
      %lt3A_836 = arith.cmpi slt, %select_n3A_829, %lt3A_835 : i32
      %ne3A_837 = arith.xori %lt3A_834, %lt3A_836 : i1
      %and3A_838 = arith.andi %ne3A_837, %ne3A_832 : i1
      %add3A_839 = arith.addi %rem3A_830, %select_n3A_829 : i32
      %select_n3A_840 = arith.select %and3A_838, %add3A_839, %rem3A_830 : i32
      %mul3A_841 = arith.constant 128 : i32
      %mul3A_842 = arith.muli %select_n3A_840, %mul3A_841 : i32
      %ge3A = arith.constant 1 : i32
      %ge3A_843 = arith.cmpi sge, %scan3A_811, %ge3A : i32
      %convert_element_type3A = arith.extui %ge3A_843 : i1 to i32
      %cond3A = arith.constant 0 : i32
      %cond3A_844 = arith.cmpi ne, %convert_element_type3A, %cond3A : i32
      scf.if %cond3A_844 {
        %dma_wait3A_870 = arith.constant 0 : i32
        %dma_wait3A_871 = tpu.memref_slice %arg6[%mul3A_842, %dma_wait3A_870] : memref<256x128xf32, #tpu.memory_space<vmem>> -> memref<128x128xf32, #tpu.memory_space<vmem>>
        %dma_wait3A_872 = arith.constant 0 : i32
        %dma_wait3A_873 = arith.constant 0 : i32
        %dma_wait3A_874 = tpu.memref_slice %arg2[%dma_wait3A_872, %dma_wait3A_873] : memref<163840x128xf32, #tpu.memory_space<hbm>> -> memref<128x128xf32, #tpu.memory_space<hbm>>
        %dma_wait3A_875 = arith.constant 0 : i32
        %dma_wait3A_876 = tpu.memref_slice %arg6[%mul3A_842, %dma_wait3A_875] : memref<256x128xf32, #tpu.memory_space<vmem>> -> memref<128x128xf32, #tpu.memory_space<vmem>>
        %dma_wait3A_877 = arith.constant 0 : i32
        %dma_wait3A_878 = arith.constant 0 : i32
        %dma_wait3A_879 = tpu.memref_slice %arg2[%dma_wait3A_877, %dma_wait3A_878] : memref<163840x128xf32, #tpu.memory_space<hbm>> -> memref<128x128xf32, #tpu.memory_space<hbm>>
        tpu.wait_dma2 semaphore(%arg10 : memref<!tpu.dma_semaphore, #tpu.memory_space<semaphore_mem>>) src(%dma_wait3A_879 : memref<128x128xf32, #tpu.memory_space<hbm>>) dst(%dma_wait3A_876 : memref<128x128xf32, #tpu.memory_space<vmem>>)
      } else {
      }
      %add3A_845 = arith.constant 1 : i32
      %add3A_846 = arith.addi %scan3A_811, %add3A_845 : i32
      %lt3A_847 = arith.constant 40 : i32
      %lt3A_848 = arith.cmpi slt, %add3A_846, %lt3A_847 : i32
      %convert_element_type3A_849 = arith.extui %lt3A_848 : i1 to i32
      %cond3A_850 = arith.constant 0 : i32
      %cond3A_851 = arith.cmpi ne, %convert_element_type3A_849, %cond3A_850 : i32
      scf.if %cond3A_851 {
        %add3A_870 = arith.constant 1 : i32
        %add3A_871 = arith.addi %scan3A_811, %add3A_870 : i32
        %mul3A_872 = arith.constant 128 : i32
        %mul3A_873 = arith.muli %add3A_871, %mul3A_872 : i32
        %add3A_874 = arith.addi %mul3A_777, %mul3A_873 : i32
        %dma_start3A_875 = arith.constant 0 : i32
        %dma_start3A_876 = tpu.memref_slice %arg6[%mul3A_842, %dma_start3A_875] : memref<256x128xf32, #tpu.memory_space<vmem>> -> memref<128x128xf32, #tpu.memory_space<vmem>>
        %dma_start3A_877 = arith.constant 0 : i32
        %dma_start3A_878 = tpu.memref_slice %arg2[%add3A_874, %dma_start3A_877] : memref<163840x128xf32, #tpu.memory_space<hbm>> -> memref<128x128xf32, #tpu.memory_space<hbm>>
        %dma_start3A_879 = arith.constant 0 : i32
        %dma_start3A_880 = tpu.memref_slice %arg6[%mul3A_842, %dma_start3A_879] : memref<256x128xf32, #tpu.memory_space<vmem>> -> memref<128x128xf32, #tpu.memory_space<vmem>>
        %dma_start3A_881 = arith.constant 0 : i32
        %dma_start3A_882 = tpu.memref_slice %arg2[%add3A_874, %dma_start3A_881] : memref<163840x128xf32, #tpu.memory_space<hbm>> -> memref<128x128xf32, #tpu.memory_space<hbm>>
        tpu.enqueue_dma source(%dma_start3A_882 : memref<128x128xf32, #tpu.memory_space<hbm>>) target(%dma_start3A_880 : memref<128x128xf32, #tpu.memory_space<vmem>>) target_semaphore(%arg9 : memref<!tpu.dma_semaphore, #tpu.memory_space<semaphore_mem>>)
      } else {
      }
      %dma_wait3A_852 = arith.constant 0 : i32
      %dma_wait3A_853 = tpu.memref_slice %arg6[%mul3A_822, %dma_wait3A_852] : memref<256x128xf32, #tpu.memory_space<vmem>> -> memref<128x128xf32, #tpu.memory_space<vmem>>
      %dma_wait3A_854 = arith.constant 0 : i32
      %dma_wait3A_855 = arith.constant 0 : i32
      %dma_wait3A_856 = tpu.memref_slice %arg2[%dma_wait3A_854, %dma_wait3A_855] : memref<163840x128xf32, #tpu.memory_space<hbm>> -> memref<128x128xf32, #tpu.memory_space<hbm>>
      %dma_wait3A_857 = arith.constant 0 : i32
      %dma_wait3A_858 = tpu.memref_slice %arg6[%mul3A_822, %dma_wait3A_857] : memref<256x128xf32, #tpu.memory_space<vmem>> -> memref<128x128xf32, #tpu.memory_space<vmem>>
      %dma_wait3A_859 = arith.constant 0 : i32
      %dma_wait3A_860 = arith.constant 0 : i32
      %dma_wait3A_861 = tpu.memref_slice %arg2[%dma_wait3A_859, %dma_wait3A_860] : memref<163840x128xf32, #tpu.memory_space<hbm>> -> memref<128x128xf32, #tpu.memory_space<hbm>>
      tpu.wait_dma2 semaphore(%arg9 : memref<!tpu.dma_semaphore, #tpu.memory_space<semaphore_mem>>) src(%dma_wait3A_861 : memref<128x128xf32, #tpu.memory_space<hbm>>) dst(%dma_wait3A_858 : memref<128x128xf32, #tpu.memory_space<vmem>>)
      %dma_start3A_862 = arith.constant 0 : i32
      %dma_start3A_863 = tpu.memref_slice %arg6[%mul3A_822, %dma_start3A_862] : memref<256x128xf32, #tpu.memory_space<vmem>> -> memref<128x128xf32, #tpu.memory_space<vmem>>
      %dma_start3A_864 = arith.constant 0 : i32
      %dma_start3A_865 = tpu.memref_slice %arg5[%scan3A_811, %dma_start3A_864] : memref<40x128xi32, #tpu.memory_space<vmem>> -> memref<1x128xi32, #tpu.memory_space<vmem>>
      %dma_start3A_866 = tpu.memref_squeeze %dma_start3A_865 : memref<1x128xi32, #tpu.memory_space<vmem>> -> memref<128xi32, #tpu.memory_space<vmem>>
      %dma_start3A_867 = arith.constant 0 : i32
      %dma_start3A_868 = arith.constant 0 : i32
      %dma_start3A_869 = tpu.memref_slice %arg8[%dma_start3A_867, %dma_start3A_868] : memref<10240x128xf32, #tpu.memory_space<vmem_shared>> -> memref<10240x128xf32, #tpu.memory_space<vmem_shared>>
      tpu.enqueue_indirect_dma source(%dma_start3A_863 : memref<128x128xf32, #tpu.memory_space<vmem>>) target(%dma_start3A_869 : memref<10240x128xf32, #tpu.memory_space<vmem_shared>>) offsets(%dma_start3A_866 : memref<128xi32, #tpu.memory_space<vmem>>) semaphore(%arg10 : memref<!tpu.dma_semaphore, #tpu.memory_space<semaphore_mem>>) {add = true}
    }
    %scan3A_792 = arith.constant 40 : i32
    %dma_wait3A = arith.constant 0 : i32
    %dma_wait3A_793 = arith.constant 0 : i32
    %dma_wait3A_794 = tpu.memref_slice %arg6[%dma_wait3A, %dma_wait3A_793] : memref<256x128xf32, #tpu.memory_space<vmem>> -> memref<128x128xf32, #tpu.memory_space<vmem>>
    %dma_wait3A_795 = arith.constant 0 : i32
    %dma_wait3A_796 = arith.constant 0 : i32
    %dma_wait3A_797 = tpu.memref_slice %arg2[%dma_wait3A_795, %dma_wait3A_796] : memref<163840x128xf32, #tpu.memory_space<hbm>> -> memref<128x128xf32, #tpu.memory_space<hbm>>
    %dma_wait3A_798 = arith.constant 0 : i32
    %dma_wait3A_799 = arith.constant 0 : i32
    %dma_wait3A_800 = tpu.memref_slice %arg6[%dma_wait3A_798, %dma_wait3A_799] : memref<256x128xf32, #tpu.memory_space<vmem>> -> memref<128x128xf32, #tpu.memory_space<vmem>>
    %dma_wait3A_801 = arith.constant 0 : i32
    %dma_wait3A_802 = arith.constant 0 : i32
    %dma_wait3A_803 = tpu.memref_slice %arg2[%dma_wait3A_801, %dma_wait3A_802] : memref<163840x128xf32, #tpu.memory_space<hbm>> -> memref<128x128xf32, #tpu.memory_space<hbm>>
    tpu.wait_dma2 semaphore(%arg10 : memref<!tpu.dma_semaphore, #tpu.memory_space<semaphore_mem>>) src(%dma_wait3A_803 : memref<128x128xf32, #tpu.memory_space<hbm>>) dst(%dma_wait3A_800 : memref<128x128xf32, #tpu.memory_space<vmem>>)
    %barrier3A_804 = arith.constant 0 : index
    tpu.barrier barrier_id(%barrier3A_804)
    %scan3A_805 = arith.constant 0 : i32
    %scan3A_806 = arith.constant 0 : i32
    %scan3A_807 = arith.constant 5 : i32
    %scan3A_808 = arith.addi %scan3A_806, %scan3A_807 : i32
    %scan3A_809 = arith.constant 1 : i32
    scf.for %scan3A_811 = %scan3A_806 to %scan3A_808 step %scan3A_809  : i32 {
      %mul3A_812 = arith.constant 128 : i32
      %mul3A_813 = arith.muli %scan3A_811, %mul3A_812 : i32
      %add3A_814 = arith.addi %mul3A_770, %mul3A_813 : i32
      "tpu.region"() ({
        %run_scoped3A = tpu.sem_alloc : memref<!tpu.dma_semaphore, #tpu.memory_space<semaphore_mem>>
        %dma_start3A_818 = arith.constant 0 : i32
        %dma_start3A_819 = arith.constant 0 : i32
        %dma_start3A_820 = tpu.memref_slice %arg6[%dma_start3A_818, %dma_start3A_819] : memref<256x128xf32, #tpu.memory_space<vmem>> -> memref<128x128xf32, #tpu.memory_space<vmem>>
        %dma_start3A_821 = arith.constant 0 : i32
        %dma_start3A_822 = tpu.memref_slice %arg8[%add3A_814, %dma_start3A_821] : memref<10240x128xf32, #tpu.memory_space<vmem_shared>> -> memref<128x128xf32, #tpu.memory_space<vmem_shared>>
        %dma_start3A_823 = arith.constant 0 : i32
        %dma_start3A_824 = arith.constant 0 : i32
        %dma_start3A_825 = tpu.memref_slice %arg6[%dma_start3A_823, %dma_start3A_824] : memref<256x128xf32, #tpu.memory_space<vmem>> -> memref<128x128xf32, #tpu.memory_space<vmem>>
        %dma_start3A_826 = arith.constant 0 : i32
        %dma_start3A_827 = tpu.memref_slice %arg8[%add3A_814, %dma_start3A_826] : memref<10240x128xf32, #tpu.memory_space<vmem_shared>> -> memref<128x128xf32, #tpu.memory_space<vmem_shared>>
        tpu.enqueue_dma source(%dma_start3A_827 : memref<128x128xf32, #tpu.memory_space<vmem_shared>>) target(%dma_start3A_825 : memref<128x128xf32, #tpu.memory_space<vmem>>) target_semaphore(%run_scoped3A : memref<!tpu.dma_semaphore, #tpu.memory_space<semaphore_mem>>)
        %dma_wait3A_828 = arith.constant 0 : i32
        %dma_wait3A_829 = arith.constant 0 : i32
        %dma_wait3A_830 = tpu.memref_slice %arg6[%dma_wait3A_828, %dma_wait3A_829] : memref<256x128xf32, #tpu.memory_space<vmem>> -> memref<128x128xf32, #tpu.memory_space<vmem>>
        %dma_wait3A_831 = arith.constant 0 : i32
        %dma_wait3A_832 = tpu.memref_slice %arg8[%add3A_814, %dma_wait3A_831] : memref<10240x128xf32, #tpu.memory_space<vmem_shared>> -> memref<128x128xf32, #tpu.memory_space<vmem_shared>>
        %dma_wait3A_833 = arith.constant 0 : i32
        %dma_wait3A_834 = arith.constant 0 : i32
        %dma_wait3A_835 = tpu.memref_slice %arg6[%dma_wait3A_833, %dma_wait3A_834] : memref<256x128xf32, #tpu.memory_space<vmem>> -> memref<128x128xf32, #tpu.memory_space<vmem>>
        %dma_wait3A_836 = arith.constant 0 : i32
        %dma_wait3A_837 = tpu.memref_slice %arg8[%add3A_814, %dma_wait3A_836] : memref<10240x128xf32, #tpu.memory_space<vmem_shared>> -> memref<128x128xf32, #tpu.memory_space<vmem_shared>>
        tpu.wait_dma2 semaphore(%run_scoped3A : memref<!tpu.dma_semaphore, #tpu.memory_space<semaphore_mem>>) src(%dma_wait3A_837 : memref<128x128xf32, #tpu.memory_space<vmem_shared>>) dst(%dma_wait3A_835 : memref<128x128xf32, #tpu.memory_space<vmem>>)
        tpu.yield
      }) : () -> ()
      %mul3A_815 = arith.constant 128 : i32
      %mul3A_816 = arith.muli %scan3A_811, %mul3A_815 : i32
      %add3A_817 = arith.addi %mul3A_770, %mul3A_816 : i32
      "tpu.region"() ({
        %run_scoped3A = tpu.sem_alloc : memref<!tpu.dma_semaphore, #tpu.memory_space<semaphore_mem>>
        %dma_start3A_818 = arith.constant 0 : i32
        %dma_start3A_819 = arith.constant 0 : i32
        %dma_start3A_820 = tpu.memref_slice %arg6[%dma_start3A_818, %dma_start3A_819] : memref<256x128xf32, #tpu.memory_space<vmem>> -> memref<128x128xf32, #tpu.memory_space<vmem>>
        %dma_start3A_821 = arith.constant 0 : i32
        %dma_start3A_822 = tpu.memref_slice %arg4[%arg0, %add3A_817, %dma_start3A_821] : memref<2x10240x128xf32, #tpu.memory_space<hbm>> -> memref<1x128x128xf32, #tpu.memory_space<hbm>>
        %dma_start3A_823 = tpu.memref_squeeze %dma_start3A_822 : memref<1x128x128xf32, #tpu.memory_space<hbm>> -> memref<128x128xf32, #tpu.memory_space<hbm>>
        %dma_start3A_824 = arith.constant 0 : i32
        %dma_start3A_825 = tpu.memref_slice %arg4[%arg0, %add3A_817, %dma_start3A_824] : memref<2x10240x128xf32, #tpu.memory_space<hbm>> -> memref<1x128x128xf32, #tpu.memory_space<hbm>>
        %dma_start3A_826 = tpu.memref_squeeze %dma_start3A_825 : memref<1x128x128xf32, #tpu.memory_space<hbm>> -> memref<128x128xf32, #tpu.memory_space<hbm>>
        %dma_start3A_827 = arith.constant 0 : i32
        %dma_start3A_828 = arith.constant 0 : i32
        %dma_start3A_829 = tpu.memref_slice %arg6[%dma_start3A_827, %dma_start3A_828] : memref<256x128xf32, #tpu.memory_space<vmem>> -> memref<128x128xf32, #tpu.memory_space<vmem>>
        tpu.enqueue_dma source(%dma_start3A_829 : memref<128x128xf32, #tpu.memory_space<vmem>>) target(%dma_start3A_826 : memref<128x128xf32, #tpu.memory_space<hbm>>) target_semaphore(%run_scoped3A : memref<!tpu.dma_semaphore, #tpu.memory_space<semaphore_mem>>)
        %dma_wait3A_830 = arith.constant 0 : i32
        %dma_wait3A_831 = arith.constant 0 : i32
        %dma_wait3A_832 = tpu.memref_slice %arg6[%dma_wait3A_830, %dma_wait3A_831] : memref<256x128xf32, #tpu.memory_space<vmem>> -> memref<128x128xf32, #tpu.memory_space<vmem>>
        %dma_wait3A_833 = arith.constant 0 : i32
        %dma_wait3A_834 = tpu.memref_slice %arg4[%arg0, %add3A_817, %dma_wait3A_833] : memref<2x10240x128xf32, #tpu.memory_space<hbm>> -> memref<1x128x128xf32, #tpu.memory_space<hbm>>
        %dma_wait3A_835 = tpu.memref_squeeze %dma_wait3A_834 : memref<1x128x128xf32, #tpu.memory_space<hbm>> -> memref<128x128xf32, #tpu.memory_space<hbm>>
        %dma_wait3A_836 = arith.constant 0 : i32
        %dma_wait3A_837 = tpu.memref_slice %arg4[%arg0, %add3A_817, %dma_wait3A_836] : memref<2x10240x128xf32, #tpu.memory_space<hbm>> -> memref<1x128x128xf32, #tpu.memory_space<hbm>>
        %dma_wait3A_838 = tpu.memref_squeeze %dma_wait3A_837 : memref<1x128x128xf32, #tpu.memory_space<hbm>> -> memref<128x128xf32, #tpu.memory_space<hbm>>
        %dma_wait3A_839 = arith.constant 0 : i32
        %dma_wait3A_840 = arith.constant 0 : i32
        %dma_wait3A_841 = tpu.memref_slice %arg6[%dma_wait3A_839, %dma_wait3A_840] : memref<256x128xf32, #tpu.memory_space<vmem>> -> memref<128x128xf32, #tpu.memory_space<vmem>>
        tpu.wait_dma2 semaphore(%run_scoped3A : memref<!tpu.dma_semaphore, #tpu.memory_space<semaphore_mem>>) src(%dma_wait3A_841 : memref<128x128xf32, #tpu.memory_space<vmem>>) dst(%dma_wait3A_838 : memref<128x128xf32, #tpu.memory_space<hbm>>)
        tpu.yield
      }) : () -> ()
    }
    %scan3A_810 = arith.constant 5 : i32
    return
  }
}

#map = affine_map<(d0, d1) -> (0, 0)>
#map1 = affine_map<(d0, d1) -> (0, 0, 0)>
module attributes {stable_mosaic.version = 14 : i64} {
  func.func @_scatter_rows(%arg0: i32, %arg1: i32, %arg2: memref<163840x128xf32, #tpu.memory_space<hbm>>, %arg3: memref<32x40x128xi32, #tpu.memory_space<hbm>>, %arg4: memref<2x10240x128xf32, #tpu.memory_space<hbm>>, %arg5: memref<40x128xi32, #tpu.memory_space<vmem>>, %arg6: memref<256x128xf32, #tpu.memory_space<vmem>>, %arg7: memref<16x128xf32, #tpu.memory_space<vmem>>, %arg8: memref<10240x128xf32, #tpu.memory_space<vmem_shared>>, %arg9: memref<!tpu.dma_semaphore, #tpu.memory_space<semaphore_mem>>, %arg10: memref<!tpu.dma_semaphore, #tpu.memory_space<semaphore_mem>>) attributes {dimension_semantics = [#tpu.dimension_semantics<core_parallel>, #tpu.dimension_semantics<subcore_parallel>], iteration_bounds = array<i64: 2, 16>, scalar_prefetch = 0 : i64, scratch_operands = 6 : i64, tpu.core_type = #tpu.core_type<sc_vector_subcore>, window_params = [{transform_indices = #map}, {transform_indices = #map1}, {transform_indices = #map1}]} {
    %mul3A = arith.constant 2 : i32
    %mul3A_0 = arith.muli %arg1, %mul3A : i32
    %add3A = arith.addi %mul3A_0, %arg0 : i32
    %broadcast_in_dim3A = arith.constant 0.000000e+00 : f32
    %broadcast_in_dim3A_1 = vector.broadcast %broadcast_in_dim3A : f32 to vector<16xf32>
    %swap3A = arith.constant 0 : i32
    %swap3A_2 = arith.index_cast %swap3A : i32 to index
    %swap3A_3 = arith.constant 0 : index
    %swap3A_4 = tpu.vector_load %arg7[%swap3A_2, %swap3A_3] {strides = array<i32>} : memref<16x128xf32, #tpu.memory_space<vmem>>, vector<1x16xf32>,
    %swap3A_5 = vector.shape_cast %swap3A_4 : vector<1x16xf32> to vector<16xf32>
    %swap3A_6 = vector.shape_cast %broadcast_in_dim3A_1 : vector<16xf32> to vector<1x16xf32>
    tpu.vector_store %arg7[%swap3A_2, %swap3A_3], %swap3A_6 {strides = array<i32>} : memref<16x128xf32, #tpu.memory_space<vmem>>, vector<1x16xf32>,
    %swap3A_7 = arith.constant 0 : i32
    %swap3A_8 = arith.index_cast %swap3A_7 : i32 to index
    %swap3A_9 = arith.constant 16 : index
    %swap3A_10 = tpu.vector_load %arg7[%swap3A_8, %swap3A_9] {strides = array<i32>} : memref<16x128xf32, #tpu.memory_space<vmem>>, vector<1x16xf32>,
    %swap3A_11 = vector.shape_cast %swap3A_10 : vector<1x16xf32> to vector<16xf32>
    %swap3A_12 = vector.shape_cast %broadcast_in_dim3A_1 : vector<16xf32> to vector<1x16xf32>
    tpu.vector_store %arg7[%swap3A_8, %swap3A_9], %swap3A_12 {strides = array<i32>} : memref<16x128xf32, #tpu.memory_space<vmem>>, vector<1x16xf32>,
    %swap3A_13 = arith.constant 0 : i32
    %swap3A_14 = arith.index_cast %swap3A_13 : i32 to index
    %swap3A_15 = arith.constant 32 : index
    %swap3A_16 = tpu.vector_load %arg7[%swap3A_14, %swap3A_15] {strides = array<i32>} : memref<16x128xf32, #tpu.memory_space<vmem>>, vector<1x16xf32>,
    %swap3A_17 = vector.shape_cast %swap3A_16 : vector<1x16xf32> to vector<16xf32>
    %swap3A_18 = vector.shape_cast %broadcast_in_dim3A_1 : vector<16xf32> to vector<1x16xf32>
    tpu.vector_store %arg7[%swap3A_14, %swap3A_15], %swap3A_18 {strides = array<i32>} : memref<16x128xf32, #tpu.memory_space<vmem>>, vector<1x16xf32>,
    %swap3A_19 = arith.constant 0 : i32
    %swap3A_20 = arith.index_cast %swap3A_19 : i32 to index
    %swap3A_21 = arith.constant 48 : index
    %swap3A_22 = tpu.vector_load %arg7[%swap3A_20, %swap3A_21] {strides = array<i32>} : memref<16x128xf32, #tpu.memory_space<vmem>>, vector<1x16xf32>,
    %swap3A_23 = vector.shape_cast %swap3A_22 : vector<1x16xf32> to vector<16xf32>
    %swap3A_24 = vector.shape_cast %broadcast_in_dim3A_1 : vector<16xf32> to vector<1x16xf32>
    tpu.vector_store %arg7[%swap3A_20, %swap3A_21], %swap3A_24 {strides = array<i32>} : memref<16x128xf32, #tpu.memory_space<vmem>>, vector<1x16xf32>,
    %swap3A_25 = arith.constant 0 : i32
    %swap3A_26 = arith.index_cast %swap3A_25 : i32 to index
    %swap3A_27 = arith.constant 64 : index
    %swap3A_28 = tpu.vector_load %arg7[%swap3A_26, %swap3A_27] {strides = array<i32>} : memref<16x128xf32, #tpu.memory_space<vmem>>, vector<1x16xf32>,
    %swap3A_29 = vector.shape_cast %swap3A_28 : vector<1x16xf32> to vector<16xf32>
    %swap3A_30 = vector.shape_cast %broadcast_in_dim3A_1 : vector<16xf32> to vector<1x16xf32>
    tpu.vector_store %arg7[%swap3A_26, %swap3A_27], %swap3A_30 {strides = array<i32>} : memref<16x128xf32, #tpu.memory_space<vmem>>, vector<1x16xf32>,
    %swap3A_31 = arith.constant 0 : i32
    %swap3A_32 = arith.index_cast %swap3A_31 : i32 to index
    %swap3A_33 = arith.constant 80 : index
    %swap3A_34 = tpu.vector_load %arg7[%swap3A_32, %swap3A_33] {strides = array<i32>} : memref<16x128xf32, #tpu.memory_space<vmem>>, vector<1x16xf32>,
    %swap3A_35 = vector.shape_cast %swap3A_34 : vector<1x16xf32> to vector<16xf32>
    %swap3A_36 = vector.shape_cast %broadcast_in_dim3A_1 : vector<16xf32> to vector<1x16xf32>
    tpu.vector_store %arg7[%swap3A_32, %swap3A_33], %swap3A_36 {strides = array<i32>} : memref<16x128xf32, #tpu.memory_space<vmem>>, vector<1x16xf32>,
    %swap3A_37 = arith.constant 0 : i32
    %swap3A_38 = arith.index_cast %swap3A_37 : i32 to index
    %swap3A_39 = arith.constant 96 : index
    %swap3A_40 = tpu.vector_load %arg7[%swap3A_38, %swap3A_39] {strides = array<i32>} : memref<16x128xf32, #tpu.memory_space<vmem>>, vector<1x16xf32>,
    %swap3A_41 = vector.shape_cast %swap3A_40 : vector<1x16xf32> to vector<16xf32>
    %swap3A_42 = vector.shape_cast %broadcast_in_dim3A_1 : vector<16xf32> to vector<1x16xf32>
    tpu.vector_store %arg7[%swap3A_38, %swap3A_39], %swap3A_42 {strides = array<i32>} : memref<16x128xf32, #tpu.memory_space<vmem>>, vector<1x16xf32>,
    %swap3A_43 = arith.constant 0 : i32
    %swap3A_44 = arith.index_cast %swap3A_43 : i32 to index
    %swap3A_45 = arith.constant 112 : index
    %swap3A_46 = tpu.vector_load %arg7[%swap3A_44, %swap3A_45] {strides = array<i32>} : memref<16x128xf32, #tpu.memory_space<vmem>>, vector<1x16xf32>,
    %swap3A_47 = vector.shape_cast %swap3A_46 : vector<1x16xf32> to vector<16xf32>
    %swap3A_48 = vector.shape_cast %broadcast_in_dim3A_1 : vector<16xf32> to vector<1x16xf32>
    tpu.vector_store %arg7[%swap3A_44, %swap3A_45], %swap3A_48 {strides = array<i32>} : memref<16x128xf32, #tpu.memory_space<vmem>>, vector<1x16xf32>,
    %swap3A_49 = arith.constant 1 : i32
    %swap3A_50 = arith.index_cast %swap3A_49 : i32 to index
    %swap3A_51 = arith.constant 0 : index
    %swap3A_52 = tpu.vector_load %arg7[%swap3A_50, %swap3A_51] {strides = array<i32>} : memref<16x128xf32, #tpu.memory_space<vmem>>, vector<1x16xf32>,
    %swap3A_53 = vector.shape_cast %swap3A_52 : vector<1x16xf32> to vector<16xf32>
    %swap3A_54 = vector.shape_cast %broadcast_in_dim3A_1 : vector<16xf32> to vector<1x16xf32>
    tpu.vector_store %arg7[%swap3A_50, %swap3A_51], %swap3A_54 {strides = array<i32>} : memref<16x128xf32, #tpu.memory_space<vmem>>, vector<1x16xf32>,
    %swap3A_55 = arith.constant 1 : i32
    %swap3A_56 = arith.index_cast %swap3A_55 : i32 to index
    %swap3A_57 = arith.constant 16 : index
    %swap3A_58 = tpu.vector_load %arg7[%swap3A_56, %swap3A_57] {strides = array<i32>} : memref<16x128xf32, #tpu.memory_space<vmem>>, vector<1x16xf32>,
    %swap3A_59 = vector.shape_cast %swap3A_58 : vector<1x16xf32> to vector<16xf32>
    %swap3A_60 = vector.shape_cast %broadcast_in_dim3A_1 : vector<16xf32> to vector<1x16xf32>
    tpu.vector_store %arg7[%swap3A_56, %swap3A_57], %swap3A_60 {strides = array<i32>} : memref<16x128xf32, #tpu.memory_space<vmem>>, vector<1x16xf32>,
    %swap3A_61 = arith.constant 1 : i32
    %swap3A_62 = arith.index_cast %swap3A_61 : i32 to index
    %swap3A_63 = arith.constant 32 : index
    %swap3A_64 = tpu.vector_load %arg7[%swap3A_62, %swap3A_63] {strides = array<i32>} : memref<16x128xf32, #tpu.memory_space<vmem>>, vector<1x16xf32>,
    %swap3A_65 = vector.shape_cast %swap3A_64 : vector<1x16xf32> to vector<16xf32>
    %swap3A_66 = vector.shape_cast %broadcast_in_dim3A_1 : vector<16xf32> to vector<1x16xf32>
    tpu.vector_store %arg7[%swap3A_62, %swap3A_63], %swap3A_66 {strides = array<i32>} : memref<16x128xf32, #tpu.memory_space<vmem>>, vector<1x16xf32>,
    %swap3A_67 = arith.constant 1 : i32
    %swap3A_68 = arith.index_cast %swap3A_67 : i32 to index
    %swap3A_69 = arith.constant 48 : index
    %swap3A_70 = tpu.vector_load %arg7[%swap3A_68, %swap3A_69] {strides = array<i32>} : memref<16x128xf32, #tpu.memory_space<vmem>>, vector<1x16xf32>,
    %swap3A_71 = vector.shape_cast %swap3A_70 : vector<1x16xf32> to vector<16xf32>
    %swap3A_72 = vector.shape_cast %broadcast_in_dim3A_1 : vector<16xf32> to vector<1x16xf32>
    tpu.vector_store %arg7[%swap3A_68, %swap3A_69], %swap3A_72 {strides = array<i32>} : memref<16x128xf32, #tpu.memory_space<vmem>>, vector<1x16xf32>,
    %swap3A_73 = arith.constant 1 : i32
    %swap3A_74 = arith.index_cast %swap3A_73 : i32 to index
    %swap3A_75 = arith.constant 64 : index
    %swap3A_76 = tpu.vector_load %arg7[%swap3A_74, %swap3A_75] {strides = array<i32>} : memref<16x128xf32, #tpu.memory_space<vmem>>, vector<1x16xf32>,
    %swap3A_77 = vector.shape_cast %swap3A_76 : vector<1x16xf32> to vector<16xf32>
    %swap3A_78 = vector.shape_cast %broadcast_in_dim3A_1 : vector<16xf32> to vector<1x16xf32>
    tpu.vector_store %arg7[%swap3A_74, %swap3A_75], %swap3A_78 {strides = array<i32>} : memref<16x128xf32, #tpu.memory_space<vmem>>, vector<1x16xf32>,
    %swap3A_79 = arith.constant 1 : i32
    %swap3A_80 = arith.index_cast %swap3A_79 : i32 to index
    %swap3A_81 = arith.constant 80 : index
    %swap3A_82 = tpu.vector_load %arg7[%swap3A_80, %swap3A_81] {strides = array<i32>} : memref<16x128xf32, #tpu.memory_space<vmem>>, vector<1x16xf32>,
    %swap3A_83 = vector.shape_cast %swap3A_82 : vector<1x16xf32> to vector<16xf32>
    %swap3A_84 = vector.shape_cast %broadcast_in_dim3A_1 : vector<16xf32> to vector<1x16xf32>
    tpu.vector_store %arg7[%swap3A_80, %swap3A_81], %swap3A_84 {strides = array<i32>} : memref<16x128xf32, #tpu.memory_space<vmem>>, vector<1x16xf32>,
    %swap3A_85 = arith.constant 1 : i32
    %swap3A_86 = arith.index_cast %swap3A_85 : i32 to index
    %swap3A_87 = arith.constant 96 : index
    %swap3A_88 = tpu.vector_load %arg7[%swap3A_86, %swap3A_87] {strides = array<i32>} : memref<16x128xf32, #tpu.memory_space<vmem>>, vector<1x16xf32>,
    %swap3A_89 = vector.shape_cast %swap3A_88 : vector<1x16xf32> to vector<16xf32>
    %swap3A_90 = vector.shape_cast %broadcast_in_dim3A_1 : vector<16xf32> to vector<1x16xf32>
    tpu.vector_store %arg7[%swap3A_86, %swap3A_87], %swap3A_90 {strides = array<i32>} : memref<16x128xf32, #tpu.memory_space<vmem>>, vector<1x16xf32>,
    %swap3A_91 = arith.constant 1 : i32
    %swap3A_92 = arith.index_cast %swap3A_91 : i32 to index
    %swap3A_93 = arith.constant 112 : index
    %swap3A_94 = tpu.vector_load %arg7[%swap3A_92, %swap3A_93] {strides = array<i32>} : memref<16x128xf32, #tpu.memory_space<vmem>>, vector<1x16xf32>,
    %swap3A_95 = vector.shape_cast %swap3A_94 : vector<1x16xf32> to vector<16xf32>
    %swap3A_96 = vector.shape_cast %broadcast_in_dim3A_1 : vector<16xf32> to vector<1x16xf32>
    tpu.vector_store %arg7[%swap3A_92, %swap3A_93], %swap3A_96 {strides = array<i32>} : memref<16x128xf32, #tpu.memory_space<vmem>>, vector<1x16xf32>,
    %swap3A_97 = arith.constant 2 : i32
    %swap3A_98 = arith.index_cast %swap3A_97 : i32 to index
    %swap3A_99 = arith.constant 0 : index
    %swap3A_100 = tpu.vector_load %arg7[%swap3A_98, %swap3A_99] {strides = array<i32>} : memref<16x128xf32, #tpu.memory_space<vmem>>, vector<1x16xf32>,
    %swap3A_101 = vector.shape_cast %swap3A_100 : vector<1x16xf32> to vector<16xf32>
    %swap3A_102 = vector.shape_cast %broadcast_in_dim3A_1 : vector<16xf32> to vector<1x16xf32>
    tpu.vector_store %arg7[%swap3A_98, %swap3A_99], %swap3A_102 {strides = array<i32>} : memref<16x128xf32, #tpu.memory_space<vmem>>, vector<1x16xf32>,
    %swap3A_103 = arith.constant 2 : i32
    %swap3A_104 = arith.index_cast %swap3A_103 : i32 to index
    %swap3A_105 = arith.constant 16 : index
    %swap3A_106 = tpu.vector_load %arg7[%swap3A_104, %swap3A_105] {strides = array<i32>} : memref<16x128xf32, #tpu.memory_space<vmem>>, vector<1x16xf32>,
    %swap3A_107 = vector.shape_cast %swap3A_106 : vector<1x16xf32> to vector<16xf32>
    %swap3A_108 = vector.shape_cast %broadcast_in_dim3A_1 : vector<16xf32> to vector<1x16xf32>
    tpu.vector_store %arg7[%swap3A_104, %swap3A_105], %swap3A_108 {strides = array<i32>} : memref<16x128xf32, #tpu.memory_space<vmem>>, vector<1x16xf32>,
    %swap3A_109 = arith.constant 2 : i32
    %swap3A_110 = arith.index_cast %swap3A_109 : i32 to index
    %swap3A_111 = arith.constant 32 : index
    %swap3A_112 = tpu.vector_load %arg7[%swap3A_110, %swap3A_111] {strides = array<i32>} : memref<16x128xf32, #tpu.memory_space<vmem>>, vector<1x16xf32>,
    %swap3A_113 = vector.shape_cast %swap3A_112 : vector<1x16xf32> to vector<16xf32>
    %swap3A_114 = vector.shape_cast %broadcast_in_dim3A_1 : vector<16xf32> to vector<1x16xf32>
    tpu.vector_store %arg7[%swap3A_110, %swap3A_111], %swap3A_114 {strides = array<i32>} : memref<16x128xf32, #tpu.memory_space<vmem>>, vector<1x16xf32>,
    %swap3A_115 = arith.constant 2 : i32
    %swap3A_116 = arith.index_cast %swap3A_115 : i32 to index
    %swap3A_117 = arith.constant 48 : index
    %swap3A_118 = tpu.vector_load %arg7[%swap3A_116, %swap3A_117] {strides = array<i32>} : memref<16x128xf32, #tpu.memory_space<vmem>>, vector<1x16xf32>,
    %swap3A_119 = vector.shape_cast %swap3A_118 : vector<1x16xf32> to vector<16xf32>
    %swap3A_120 = vector.shape_cast %broadcast_in_dim3A_1 : vector<16xf32> to vector<1x16xf32>
    tpu.vector_store %arg7[%swap3A_116, %swap3A_117], %swap3A_120 {strides = array<i32>} : memref<16x128xf32, #tpu.memory_space<vmem>>, vector<1x16xf32>,
    %swap3A_121 = arith.constant 2 : i32
    %swap3A_122 = arith.index_cast %swap3A_121 : i32 to index
    %swap3A_123 = arith.constant 64 : index
    %swap3A_124 = tpu.vector_load %arg7[%swap3A_122, %swap3A_123] {strides = array<i32>} : memref<16x128xf32, #tpu.memory_space<vmem>>, vector<1x16xf32>,
    %swap3A_125 = vector.shape_cast %swap3A_124 : vector<1x16xf32> to vector<16xf32>
    %swap3A_126 = vector.shape_cast %broadcast_in_dim3A_1 : vector<16xf32> to vector<1x16xf32>
    tpu.vector_store %arg7[%swap3A_122, %swap3A_123], %swap3A_126 {strides = array<i32>} : memref<16x128xf32, #tpu.memory_space<vmem>>, vector<1x16xf32>,
    %swap3A_127 = arith.constant 2 : i32
    %swap3A_128 = arith.index_cast %swap3A_127 : i32 to index
    %swap3A_129 = arith.constant 80 : index
    %swap3A_130 = tpu.vector_load %arg7[%swap3A_128, %swap3A_129] {strides = array<i32>} : memref<16x128xf32, #tpu.memory_space<vmem>>, vector<1x16xf32>,
    %swap3A_131 = vector.shape_cast %swap3A_130 : vector<1x16xf32> to vector<16xf32>
    %swap3A_132 = vector.shape_cast %broadcast_in_dim3A_1 : vector<16xf32> to vector<1x16xf32>
    tpu.vector_store %arg7[%swap3A_128, %swap3A_129], %swap3A_132 {strides = array<i32>} : memref<16x128xf32, #tpu.memory_space<vmem>>, vector<1x16xf32>,
    %swap3A_133 = arith.constant 2 : i32
    %swap3A_134 = arith.index_cast %swap3A_133 : i32 to index
    %swap3A_135 = arith.constant 96 : index
    %swap3A_136 = tpu.vector_load %arg7[%swap3A_134, %swap3A_135] {strides = array<i32>} : memref<16x128xf32, #tpu.memory_space<vmem>>, vector<1x16xf32>,
    %swap3A_137 = vector.shape_cast %swap3A_136 : vector<1x16xf32> to vector<16xf32>
    %swap3A_138 = vector.shape_cast %broadcast_in_dim3A_1 : vector<16xf32> to vector<1x16xf32>
    tpu.vector_store %arg7[%swap3A_134, %swap3A_135], %swap3A_138 {strides = array<i32>} : memref<16x128xf32, #tpu.memory_space<vmem>>, vector<1x16xf32>,
    %swap3A_139 = arith.constant 2 : i32
    %swap3A_140 = arith.index_cast %swap3A_139 : i32 to index
    %swap3A_141 = arith.constant 112 : index
    %swap3A_142 = tpu.vector_load %arg7[%swap3A_140, %swap3A_141] {strides = array<i32>} : memref<16x128xf32, #tpu.memory_space<vmem>>, vector<1x16xf32>,
    %swap3A_143 = vector.shape_cast %swap3A_142 : vector<1x16xf32> to vector<16xf32>
    %swap3A_144 = vector.shape_cast %broadcast_in_dim3A_1 : vector<16xf32> to vector<1x16xf32>
    tpu.vector_store %arg7[%swap3A_140, %swap3A_141], %swap3A_144 {strides = array<i32>} : memref<16x128xf32, #tpu.memory_space<vmem>>, vector<1x16xf32>,
    %swap3A_145 = arith.constant 3 : i32
    %swap3A_146 = arith.index_cast %swap3A_145 : i32 to index
    %swap3A_147 = arith.constant 0 : index
    %swap3A_148 = tpu.vector_load %arg7[%swap3A_146, %swap3A_147] {strides = array<i32>} : memref<16x128xf32, #tpu.memory_space<vmem>>, vector<1x16xf32>,
    %swap3A_149 = vector.shape_cast %swap3A_148 : vector<1x16xf32> to vector<16xf32>
    %swap3A_150 = vector.shape_cast %broadcast_in_dim3A_1 : vector<16xf32> to vector<1x16xf32>
    tpu.vector_store %arg7[%swap3A_146, %swap3A_147], %swap3A_150 {strides = array<i32>} : memref<16x128xf32, #tpu.memory_space<vmem>>, vector<1x16xf32>,
    %swap3A_151 = arith.constant 3 : i32
    %swap3A_152 = arith.index_cast %swap3A_151 : i32 to index
    %swap3A_153 = arith.constant 16 : index
    %swap3A_154 = tpu.vector_load %arg7[%swap3A_152, %swap3A_153] {strides = array<i32>} : memref<16x128xf32, #tpu.memory_space<vmem>>, vector<1x16xf32>,
    %swap3A_155 = vector.shape_cast %swap3A_154 : vector<1x16xf32> to vector<16xf32>
    %swap3A_156 = vector.shape_cast %broadcast_in_dim3A_1 : vector<16xf32> to vector<1x16xf32>
    tpu.vector_store %arg7[%swap3A_152, %swap3A_153], %swap3A_156 {strides = array<i32>} : memref<16x128xf32, #tpu.memory_space<vmem>>, vector<1x16xf32>,
    %swap3A_157 = arith.constant 3 : i32
    %swap3A_158 = arith.index_cast %swap3A_157 : i32 to index
    %swap3A_159 = arith.constant 32 : index
    %swap3A_160 = tpu.vector_load %arg7[%swap3A_158, %swap3A_159] {strides = array<i32>} : memref<16x128xf32, #tpu.memory_space<vmem>>, vector<1x16xf32>,
    %swap3A_161 = vector.shape_cast %swap3A_160 : vector<1x16xf32> to vector<16xf32>
    %swap3A_162 = vector.shape_cast %broadcast_in_dim3A_1 : vector<16xf32> to vector<1x16xf32>
    tpu.vector_store %arg7[%swap3A_158, %swap3A_159], %swap3A_162 {strides = array<i32>} : memref<16x128xf32, #tpu.memory_space<vmem>>, vector<1x16xf32>,
    %swap3A_163 = arith.constant 3 : i32
    %swap3A_164 = arith.index_cast %swap3A_163 : i32 to index
    %swap3A_165 = arith.constant 48 : index
    %swap3A_166 = tpu.vector_load %arg7[%swap3A_164, %swap3A_165] {strides = array<i32>} : memref<16x128xf32, #tpu.memory_space<vmem>>, vector<1x16xf32>,
    %swap3A_167 = vector.shape_cast %swap3A_166 : vector<1x16xf32> to vector<16xf32>
    %swap3A_168 = vector.shape_cast %broadcast_in_dim3A_1 : vector<16xf32> to vector<1x16xf32>
    tpu.vector_store %arg7[%swap3A_164, %swap3A_165], %swap3A_168 {strides = array<i32>} : memref<16x128xf32, #tpu.memory_space<vmem>>, vector<1x16xf32>,
    %swap3A_169 = arith.constant 3 : i32
    %swap3A_170 = arith.index_cast %swap3A_169 : i32 to index
    %swap3A_171 = arith.constant 64 : index
    %swap3A_172 = tpu.vector_load %arg7[%swap3A_170, %swap3A_171] {strides = array<i32>} : memref<16x128xf32, #tpu.memory_space<vmem>>, vector<1x16xf32>,
    %swap3A_173 = vector.shape_cast %swap3A_172 : vector<1x16xf32> to vector<16xf32>
    %swap3A_174 = vector.shape_cast %broadcast_in_dim3A_1 : vector<16xf32> to vector<1x16xf32>
    tpu.vector_store %arg7[%swap3A_170, %swap3A_171], %swap3A_174 {strides = array<i32>} : memref<16x128xf32, #tpu.memory_space<vmem>>, vector<1x16xf32>,
    %swap3A_175 = arith.constant 3 : i32
    %swap3A_176 = arith.index_cast %swap3A_175 : i32 to index
    %swap3A_177 = arith.constant 80 : index
    %swap3A_178 = tpu.vector_load %arg7[%swap3A_176, %swap3A_177] {strides = array<i32>} : memref<16x128xf32, #tpu.memory_space<vmem>>, vector<1x16xf32>,
    %swap3A_179 = vector.shape_cast %swap3A_178 : vector<1x16xf32> to vector<16xf32>
    %swap3A_180 = vector.shape_cast %broadcast_in_dim3A_1 : vector<16xf32> to vector<1x16xf32>
    tpu.vector_store %arg7[%swap3A_176, %swap3A_177], %swap3A_180 {strides = array<i32>} : memref<16x128xf32, #tpu.memory_space<vmem>>, vector<1x16xf32>,
    %swap3A_181 = arith.constant 3 : i32
    %swap3A_182 = arith.index_cast %swap3A_181 : i32 to index
    %swap3A_183 = arith.constant 96 : index
    %swap3A_184 = tpu.vector_load %arg7[%swap3A_182, %swap3A_183] {strides = array<i32>} : memref<16x128xf32, #tpu.memory_space<vmem>>, vector<1x16xf32>,
    %swap3A_185 = vector.shape_cast %swap3A_184 : vector<1x16xf32> to vector<16xf32>
    %swap3A_186 = vector.shape_cast %broadcast_in_dim3A_1 : vector<16xf32> to vector<1x16xf32>
    tpu.vector_store %arg7[%swap3A_182, %swap3A_183], %swap3A_186 {strides = array<i32>} : memref<16x128xf32, #tpu.memory_space<vmem>>, vector<1x16xf32>,
    %swap3A_187 = arith.constant 3 : i32
    %swap3A_188 = arith.index_cast %swap3A_187 : i32 to index
    %swap3A_189 = arith.constant 112 : index
    %swap3A_190 = tpu.vector_load %arg7[%swap3A_188, %swap3A_189] {strides = array<i32>} : memref<16x128xf32, #tpu.memory_space<vmem>>, vector<1x16xf32>,
    %swap3A_191 = vector.shape_cast %swap3A_190 : vector<1x16xf32> to vector<16xf32>
    %swap3A_192 = vector.shape_cast %broadcast_in_dim3A_1 : vector<16xf32> to vector<1x16xf32>
    tpu.vector_store %arg7[%swap3A_188, %swap3A_189], %swap3A_192 {strides = array<i32>} : memref<16x128xf32, #tpu.memory_space<vmem>>, vector<1x16xf32>,
    %swap3A_193 = arith.constant 4 : i32
    %swap3A_194 = arith.index_cast %swap3A_193 : i32 to index
    %swap3A_195 = arith.constant 0 : index
    %swap3A_196 = tpu.vector_load %arg7[%swap3A_194, %swap3A_195] {strides = array<i32>} : memref<16x128xf32, #tpu.memory_space<vmem>>, vector<1x16xf32>,
    %swap3A_197 = vector.shape_cast %swap3A_196 : vector<1x16xf32> to vector<16xf32>
    %swap3A_198 = vector.shape_cast %broadcast_in_dim3A_1 : vector<16xf32> to vector<1x16xf32>
    tpu.vector_store %arg7[%swap3A_194, %swap3A_195], %swap3A_198 {strides = array<i32>} : memref<16x128xf32, #tpu.memory_space<vmem>>, vector<1x16xf32>,
    %swap3A_199 = arith.constant 4 : i32
    %swap3A_200 = arith.index_cast %swap3A_199 : i32 to index
    %swap3A_201 = arith.constant 16 : index
    %swap3A_202 = tpu.vector_load %arg7[%swap3A_200, %swap3A_201] {strides = array<i32>} : memref<16x128xf32, #tpu.memory_space<vmem>>, vector<1x16xf32>,
    %swap3A_203 = vector.shape_cast %swap3A_202 : vector<1x16xf32> to vector<16xf32>
    %swap3A_204 = vector.shape_cast %broadcast_in_dim3A_1 : vector<16xf32> to vector<1x16xf32>
    tpu.vector_store %arg7[%swap3A_200, %swap3A_201], %swap3A_204 {strides = array<i32>} : memref<16x128xf32, #tpu.memory_space<vmem>>, vector<1x16xf32>,
    %swap3A_205 = arith.constant 4 : i32
    %swap3A_206 = arith.index_cast %swap3A_205 : i32 to index
    %swap3A_207 = arith.constant 32 : index
    %swap3A_208 = tpu.vector_load %arg7[%swap3A_206, %swap3A_207] {strides = array<i32>} : memref<16x128xf32, #tpu.memory_space<vmem>>, vector<1x16xf32>,
    %swap3A_209 = vector.shape_cast %swap3A_208 : vector<1x16xf32> to vector<16xf32>
    %swap3A_210 = vector.shape_cast %broadcast_in_dim3A_1 : vector<16xf32> to vector<1x16xf32>
    tpu.vector_store %arg7[%swap3A_206, %swap3A_207], %swap3A_210 {strides = array<i32>} : memref<16x128xf32, #tpu.memory_space<vmem>>, vector<1x16xf32>,
    %swap3A_211 = arith.constant 4 : i32
    %swap3A_212 = arith.index_cast %swap3A_211 : i32 to index
    %swap3A_213 = arith.constant 48 : index
    %swap3A_214 = tpu.vector_load %arg7[%swap3A_212, %swap3A_213] {strides = array<i32>} : memref<16x128xf32, #tpu.memory_space<vmem>>, vector<1x16xf32>,
    %swap3A_215 = vector.shape_cast %swap3A_214 : vector<1x16xf32> to vector<16xf32>
    %swap3A_216 = vector.shape_cast %broadcast_in_dim3A_1 : vector<16xf32> to vector<1x16xf32>
    tpu.vector_store %arg7[%swap3A_212, %swap3A_213], %swap3A_216 {strides = array<i32>} : memref<16x128xf32, #tpu.memory_space<vmem>>, vector<1x16xf32>,
    %swap3A_217 = arith.constant 4 : i32
    %swap3A_218 = arith.index_cast %swap3A_217 : i32 to index
    %swap3A_219 = arith.constant 64 : index
    %swap3A_220 = tpu.vector_load %arg7[%swap3A_218, %swap3A_219] {strides = array<i32>} : memref<16x128xf32, #tpu.memory_space<vmem>>, vector<1x16xf32>,
    %swap3A_221 = vector.shape_cast %swap3A_220 : vector<1x16xf32> to vector<16xf32>
    %swap3A_222 = vector.shape_cast %broadcast_in_dim3A_1 : vector<16xf32> to vector<1x16xf32>
    tpu.vector_store %arg7[%swap3A_218, %swap3A_219], %swap3A_222 {strides = array<i32>} : memref<16x128xf32, #tpu.memory_space<vmem>>, vector<1x16xf32>,
    %swap3A_223 = arith.constant 4 : i32
    %swap3A_224 = arith.index_cast %swap3A_223 : i32 to index
    %swap3A_225 = arith.constant 80 : index
    %swap3A_226 = tpu.vector_load %arg7[%swap3A_224, %swap3A_225] {strides = array<i32>} : memref<16x128xf32, #tpu.memory_space<vmem>>, vector<1x16xf32>,
    %swap3A_227 = vector.shape_cast %swap3A_226 : vector<1x16xf32> to vector<16xf32>
    %swap3A_228 = vector.shape_cast %broadcast_in_dim3A_1 : vector<16xf32> to vector<1x16xf32>
    tpu.vector_store %arg7[%swap3A_224, %swap3A_225], %swap3A_228 {strides = array<i32>} : memref<16x128xf32, #tpu.memory_space<vmem>>, vector<1x16xf32>,
    %swap3A_229 = arith.constant 4 : i32
    %swap3A_230 = arith.index_cast %swap3A_229 : i32 to index
    %swap3A_231 = arith.constant 96 : index
    %swap3A_232 = tpu.vector_load %arg7[%swap3A_230, %swap3A_231] {strides = array<i32>} : memref<16x128xf32, #tpu.memory_space<vmem>>, vector<1x16xf32>,
    %swap3A_233 = vector.shape_cast %swap3A_232 : vector<1x16xf32> to vector<16xf32>
    %swap3A_234 = vector.shape_cast %broadcast_in_dim3A_1 : vector<16xf32> to vector<1x16xf32>
    tpu.vector_store %arg7[%swap3A_230, %swap3A_231], %swap3A_234 {strides = array<i32>} : memref<16x128xf32, #tpu.memory_space<vmem>>, vector<1x16xf32>,
    %swap3A_235 = arith.constant 4 : i32
    %swap3A_236 = arith.index_cast %swap3A_235 : i32 to index
    %swap3A_237 = arith.constant 112 : index
    %swap3A_238 = tpu.vector_load %arg7[%swap3A_236, %swap3A_237] {strides = array<i32>} : memref<16x128xf32, #tpu.memory_space<vmem>>, vector<1x16xf32>,
    %swap3A_239 = vector.shape_cast %swap3A_238 : vector<1x16xf32> to vector<16xf32>
    %swap3A_240 = vector.shape_cast %broadcast_in_dim3A_1 : vector<16xf32> to vector<1x16xf32>
    tpu.vector_store %arg7[%swap3A_236, %swap3A_237], %swap3A_240 {strides = array<i32>} : memref<16x128xf32, #tpu.memory_space<vmem>>, vector<1x16xf32>,
    %swap3A_241 = arith.constant 5 : i32
    %swap3A_242 = arith.index_cast %swap3A_241 : i32 to index
    %swap3A_243 = arith.constant 0 : index
    %swap3A_244 = tpu.vector_load %arg7[%swap3A_242, %swap3A_243] {strides = array<i32>} : memref<16x128xf32, #tpu.memory_space<vmem>>, vector<1x16xf32>,
    %swap3A_245 = vector.shape_cast %swap3A_244 : vector<1x16xf32> to vector<16xf32>
    %swap3A_246 = vector.shape_cast %broadcast_in_dim3A_1 : vector<16xf32> to vector<1x16xf32>
    tpu.vector_store %arg7[%swap3A_242, %swap3A_243], %swap3A_246 {strides = array<i32>} : memref<16x128xf32, #tpu.memory_space<vmem>>, vector<1x16xf32>,
    %swap3A_247 = arith.constant 5 : i32
    %swap3A_248 = arith.index_cast %swap3A_247 : i32 to index
    %swap3A_249 = arith.constant 16 : index
    %swap3A_250 = tpu.vector_load %arg7[%swap3A_248, %swap3A_249] {strides = array<i32>} : memref<16x128xf32, #tpu.memory_space<vmem>>, vector<1x16xf32>,
    %swap3A_251 = vector.shape_cast %swap3A_250 : vector<1x16xf32> to vector<16xf32>
    %swap3A_252 = vector.shape_cast %broadcast_in_dim3A_1 : vector<16xf32> to vector<1x16xf32>
    tpu.vector_store %arg7[%swap3A_248, %swap3A_249], %swap3A_252 {strides = array<i32>} : memref<16x128xf32, #tpu.memory_space<vmem>>, vector<1x16xf32>,
    %swap3A_253 = arith.constant 5 : i32
    %swap3A_254 = arith.index_cast %swap3A_253 : i32 to index
    %swap3A_255 = arith.constant 32 : index
    %swap3A_256 = tpu.vector_load %arg7[%swap3A_254, %swap3A_255] {strides = array<i32>} : memref<16x128xf32, #tpu.memory_space<vmem>>, vector<1x16xf32>,
    %swap3A_257 = vector.shape_cast %swap3A_256 : vector<1x16xf32> to vector<16xf32>
    %swap3A_258 = vector.shape_cast %broadcast_in_dim3A_1 : vector<16xf32> to vector<1x16xf32>
    tpu.vector_store %arg7[%swap3A_254, %swap3A_255], %swap3A_258 {strides = array<i32>} : memref<16x128xf32, #tpu.memory_space<vmem>>, vector<1x16xf32>,
    %swap3A_259 = arith.constant 5 : i32
    %swap3A_260 = arith.index_cast %swap3A_259 : i32 to index
    %swap3A_261 = arith.constant 48 : index
    %swap3A_262 = tpu.vector_load %arg7[%swap3A_260, %swap3A_261] {strides = array<i32>} : memref<16x128xf32, #tpu.memory_space<vmem>>, vector<1x16xf32>,
    %swap3A_263 = vector.shape_cast %swap3A_262 : vector<1x16xf32> to vector<16xf32>
    %swap3A_264 = vector.shape_cast %broadcast_in_dim3A_1 : vector<16xf32> to vector<1x16xf32>
    tpu.vector_store %arg7[%swap3A_260, %swap3A_261], %swap3A_264 {strides = array<i32>} : memref<16x128xf32, #tpu.memory_space<vmem>>, vector<1x16xf32>,
    %swap3A_265 = arith.constant 5 : i32
    %swap3A_266 = arith.index_cast %swap3A_265 : i32 to index
    %swap3A_267 = arith.constant 64 : index
    %swap3A_268 = tpu.vector_load %arg7[%swap3A_266, %swap3A_267] {strides = array<i32>} : memref<16x128xf32, #tpu.memory_space<vmem>>, vector<1x16xf32>,
    %swap3A_269 = vector.shape_cast %swap3A_268 : vector<1x16xf32> to vector<16xf32>
    %swap3A_270 = vector.shape_cast %broadcast_in_dim3A_1 : vector<16xf32> to vector<1x16xf32>
    tpu.vector_store %arg7[%swap3A_266, %swap3A_267], %swap3A_270 {strides = array<i32>} : memref<16x128xf32, #tpu.memory_space<vmem>>, vector<1x16xf32>,
    %swap3A_271 = arith.constant 5 : i32
    %swap3A_272 = arith.index_cast %swap3A_271 : i32 to index
    %swap3A_273 = arith.constant 80 : index
    %swap3A_274 = tpu.vector_load %arg7[%swap3A_272, %swap3A_273] {strides = array<i32>} : memref<16x128xf32, #tpu.memory_space<vmem>>, vector<1x16xf32>,
    %swap3A_275 = vector.shape_cast %swap3A_274 : vector<1x16xf32> to vector<16xf32>
    %swap3A_276 = vector.shape_cast %broadcast_in_dim3A_1 : vector<16xf32> to vector<1x16xf32>
    tpu.vector_store %arg7[%swap3A_272, %swap3A_273], %swap3A_276 {strides = array<i32>} : memref<16x128xf32, #tpu.memory_space<vmem>>, vector<1x16xf32>,
    %swap3A_277 = arith.constant 5 : i32
    %swap3A_278 = arith.index_cast %swap3A_277 : i32 to index
    %swap3A_279 = arith.constant 96 : index
    %swap3A_280 = tpu.vector_load %arg7[%swap3A_278, %swap3A_279] {strides = array<i32>} : memref<16x128xf32, #tpu.memory_space<vmem>>, vector<1x16xf32>,
    %swap3A_281 = vector.shape_cast %swap3A_280 : vector<1x16xf32> to vector<16xf32>
    %swap3A_282 = vector.shape_cast %broadcast_in_dim3A_1 : vector<16xf32> to vector<1x16xf32>
    tpu.vector_store %arg7[%swap3A_278, %swap3A_279], %swap3A_282 {strides = array<i32>} : memref<16x128xf32, #tpu.memory_space<vmem>>, vector<1x16xf32>,
    %swap3A_283 = arith.constant 5 : i32
    %swap3A_284 = arith.index_cast %swap3A_283 : i32 to index
    %swap3A_285 = arith.constant 112 : index
    %swap3A_286 = tpu.vector_load %arg7[%swap3A_284, %swap3A_285] {strides = array<i32>} : memref<16x128xf32, #tpu.memory_space<vmem>>, vector<1x16xf32>,
    %swap3A_287 = vector.shape_cast %swap3A_286 : vector<1x16xf32> to vector<16xf32>
    %swap3A_288 = vector.shape_cast %broadcast_in_dim3A_1 : vector<16xf32> to vector<1x16xf32>
    tpu.vector_store %arg7[%swap3A_284, %swap3A_285], %swap3A_288 {strides = array<i32>} : memref<16x128xf32, #tpu.memory_space<vmem>>, vector<1x16xf32>,
    %swap3A_289 = arith.constant 6 : i32
    %swap3A_290 = arith.index_cast %swap3A_289 : i32 to index
    %swap3A_291 = arith.constant 0 : index
    %swap3A_292 = tpu.vector_load %arg7[%swap3A_290, %swap3A_291] {strides = array<i32>} : memref<16x128xf32, #tpu.memory_space<vmem>>, vector<1x16xf32>,
    %swap3A_293 = vector.shape_cast %swap3A_292 : vector<1x16xf32> to vector<16xf32>
    %swap3A_294 = vector.shape_cast %broadcast_in_dim3A_1 : vector<16xf32> to vector<1x16xf32>
    tpu.vector_store %arg7[%swap3A_290, %swap3A_291], %swap3A_294 {strides = array<i32>} : memref<16x128xf32, #tpu.memory_space<vmem>>, vector<1x16xf32>,
    %swap3A_295 = arith.constant 6 : i32
    %swap3A_296 = arith.index_cast %swap3A_295 : i32 to index
    %swap3A_297 = arith.constant 16 : index
    %swap3A_298 = tpu.vector_load %arg7[%swap3A_296, %swap3A_297] {strides = array<i32>} : memref<16x128xf32, #tpu.memory_space<vmem>>, vector<1x16xf32>,
    %swap3A_299 = vector.shape_cast %swap3A_298 : vector<1x16xf32> to vector<16xf32>
    %swap3A_300 = vector.shape_cast %broadcast_in_dim3A_1 : vector<16xf32> to vector<1x16xf32>
    tpu.vector_store %arg7[%swap3A_296, %swap3A_297], %swap3A_300 {strides = array<i32>} : memref<16x128xf32, #tpu.memory_space<vmem>>, vector<1x16xf32>,
    %swap3A_301 = arith.constant 6 : i32
    %swap3A_302 = arith.index_cast %swap3A_301 : i32 to index
    %swap3A_303 = arith.constant 32 : index
    %swap3A_304 = tpu.vector_load %arg7[%swap3A_302, %swap3A_303] {strides = array<i32>} : memref<16x128xf32, #tpu.memory_space<vmem>>, vector<1x16xf32>,
    %swap3A_305 = vector.shape_cast %swap3A_304 : vector<1x16xf32> to vector<16xf32>
    %swap3A_306 = vector.shape_cast %broadcast_in_dim3A_1 : vector<16xf32> to vector<1x16xf32>
    tpu.vector_store %arg7[%swap3A_302, %swap3A_303], %swap3A_306 {strides = array<i32>} : memref<16x128xf32, #tpu.memory_space<vmem>>, vector<1x16xf32>,
    %swap3A_307 = arith.constant 6 : i32
    %swap3A_308 = arith.index_cast %swap3A_307 : i32 to index
    %swap3A_309 = arith.constant 48 : index
    %swap3A_310 = tpu.vector_load %arg7[%swap3A_308, %swap3A_309] {strides = array<i32>} : memref<16x128xf32, #tpu.memory_space<vmem>>, vector<1x16xf32>,
    %swap3A_311 = vector.shape_cast %swap3A_310 : vector<1x16xf32> to vector<16xf32>
    %swap3A_312 = vector.shape_cast %broadcast_in_dim3A_1 : vector<16xf32> to vector<1x16xf32>
    tpu.vector_store %arg7[%swap3A_308, %swap3A_309], %swap3A_312 {strides = array<i32>} : memref<16x128xf32, #tpu.memory_space<vmem>>, vector<1x16xf32>,
    %swap3A_313 = arith.constant 6 : i32
    %swap3A_314 = arith.index_cast %swap3A_313 : i32 to index
    %swap3A_315 = arith.constant 64 : index
    %swap3A_316 = tpu.vector_load %arg7[%swap3A_314, %swap3A_315] {strides = array<i32>} : memref<16x128xf32, #tpu.memory_space<vmem>>, vector<1x16xf32>,
    %swap3A_317 = vector.shape_cast %swap3A_316 : vector<1x16xf32> to vector<16xf32>
    %swap3A_318 = vector.shape_cast %broadcast_in_dim3A_1 : vector<16xf32> to vector<1x16xf32>
    tpu.vector_store %arg7[%swap3A_314, %swap3A_315], %swap3A_318 {strides = array<i32>} : memref<16x128xf32, #tpu.memory_space<vmem>>, vector<1x16xf32>,
    %swap3A_319 = arith.constant 6 : i32
    %swap3A_320 = arith.index_cast %swap3A_319 : i32 to index
    %swap3A_321 = arith.constant 80 : index
    %swap3A_322 = tpu.vector_load %arg7[%swap3A_320, %swap3A_321] {strides = array<i32>} : memref<16x128xf32, #tpu.memory_space<vmem>>, vector<1x16xf32>,
    %swap3A_323 = vector.shape_cast %swap3A_322 : vector<1x16xf32> to vector<16xf32>
    %swap3A_324 = vector.shape_cast %broadcast_in_dim3A_1 : vector<16xf32> to vector<1x16xf32>
    tpu.vector_store %arg7[%swap3A_320, %swap3A_321], %swap3A_324 {strides = array<i32>} : memref<16x128xf32, #tpu.memory_space<vmem>>, vector<1x16xf32>,
    %swap3A_325 = arith.constant 6 : i32
    %swap3A_326 = arith.index_cast %swap3A_325 : i32 to index
    %swap3A_327 = arith.constant 96 : index
    %swap3A_328 = tpu.vector_load %arg7[%swap3A_326, %swap3A_327] {strides = array<i32>} : memref<16x128xf32, #tpu.memory_space<vmem>>, vector<1x16xf32>,
    %swap3A_329 = vector.shape_cast %swap3A_328 : vector<1x16xf32> to vector<16xf32>
    %swap3A_330 = vector.shape_cast %broadcast_in_dim3A_1 : vector<16xf32> to vector<1x16xf32>
    tpu.vector_store %arg7[%swap3A_326, %swap3A_327], %swap3A_330 {strides = array<i32>} : memref<16x128xf32, #tpu.memory_space<vmem>>, vector<1x16xf32>,
    %swap3A_331 = arith.constant 6 : i32
    %swap3A_332 = arith.index_cast %swap3A_331 : i32 to index
    %swap3A_333 = arith.constant 112 : index
    %swap3A_334 = tpu.vector_load %arg7[%swap3A_332, %swap3A_333] {strides = array<i32>} : memref<16x128xf32, #tpu.memory_space<vmem>>, vector<1x16xf32>,
    %swap3A_335 = vector.shape_cast %swap3A_334 : vector<1x16xf32> to vector<16xf32>
    %swap3A_336 = vector.shape_cast %broadcast_in_dim3A_1 : vector<16xf32> to vector<1x16xf32>
    tpu.vector_store %arg7[%swap3A_332, %swap3A_333], %swap3A_336 {strides = array<i32>} : memref<16x128xf32, #tpu.memory_space<vmem>>, vector<1x16xf32>,
    %swap3A_337 = arith.constant 7 : i32
    %swap3A_338 = arith.index_cast %swap3A_337 : i32 to index
    %swap3A_339 = arith.constant 0 : index
    %swap3A_340 = tpu.vector_load %arg7[%swap3A_338, %swap3A_339] {strides = array<i32>} : memref<16x128xf32, #tpu.memory_space<vmem>>, vector<1x16xf32>,
    %swap3A_341 = vector.shape_cast %swap3A_340 : vector<1x16xf32> to vector<16xf32>
    %swap3A_342 = vector.shape_cast %broadcast_in_dim3A_1 : vector<16xf32> to vector<1x16xf32>
    tpu.vector_store %arg7[%swap3A_338, %swap3A_339], %swap3A_342 {strides = array<i32>} : memref<16x128xf32, #tpu.memory_space<vmem>>, vector<1x16xf32>,
    %swap3A_343 = arith.constant 7 : i32
    %swap3A_344 = arith.index_cast %swap3A_343 : i32 to index
    %swap3A_345 = arith.constant 16 : index
    %swap3A_346 = tpu.vector_load %arg7[%swap3A_344, %swap3A_345] {strides = array<i32>} : memref<16x128xf32, #tpu.memory_space<vmem>>, vector<1x16xf32>,
    %swap3A_347 = vector.shape_cast %swap3A_346 : vector<1x16xf32> to vector<16xf32>
    %swap3A_348 = vector.shape_cast %broadcast_in_dim3A_1 : vector<16xf32> to vector<1x16xf32>
    tpu.vector_store %arg7[%swap3A_344, %swap3A_345], %swap3A_348 {strides = array<i32>} : memref<16x128xf32, #tpu.memory_space<vmem>>, vector<1x16xf32>,
    %swap3A_349 = arith.constant 7 : i32
    %swap3A_350 = arith.index_cast %swap3A_349 : i32 to index
    %swap3A_351 = arith.constant 32 : index
    %swap3A_352 = tpu.vector_load %arg7[%swap3A_350, %swap3A_351] {strides = array<i32>} : memref<16x128xf32, #tpu.memory_space<vmem>>, vector<1x16xf32>,
    %swap3A_353 = vector.shape_cast %swap3A_352 : vector<1x16xf32> to vector<16xf32>
    %swap3A_354 = vector.shape_cast %broadcast_in_dim3A_1 : vector<16xf32> to vector<1x16xf32>
    tpu.vector_store %arg7[%swap3A_350, %swap3A_351], %swap3A_354 {strides = array<i32>} : memref<16x128xf32, #tpu.memory_space<vmem>>, vector<1x16xf32>,
    %swap3A_355 = arith.constant 7 : i32
    %swap3A_356 = arith.index_cast %swap3A_355 : i32 to index
    %swap3A_357 = arith.constant 48 : index
    %swap3A_358 = tpu.vector_load %arg7[%swap3A_356, %swap3A_357] {strides = array<i32>} : memref<16x128xf32, #tpu.memory_space<vmem>>, vector<1x16xf32>,
    %swap3A_359 = vector.shape_cast %swap3A_358 : vector<1x16xf32> to vector<16xf32>
    %swap3A_360 = vector.shape_cast %broadcast_in_dim3A_1 : vector<16xf32> to vector<1x16xf32>
    tpu.vector_store %arg7[%swap3A_356, %swap3A_357], %swap3A_360 {strides = array<i32>} : memref<16x128xf32, #tpu.memory_space<vmem>>, vector<1x16xf32>,
    %swap3A_361 = arith.constant 7 : i32
    %swap3A_362 = arith.index_cast %swap3A_361 : i32 to index
    %swap3A_363 = arith.constant 64 : index
    %swap3A_364 = tpu.vector_load %arg7[%swap3A_362, %swap3A_363] {strides = array<i32>} : memref<16x128xf32, #tpu.memory_space<vmem>>, vector<1x16xf32>,
    %swap3A_365 = vector.shape_cast %swap3A_364 : vector<1x16xf32> to vector<16xf32>
    %swap3A_366 = vector.shape_cast %broadcast_in_dim3A_1 : vector<16xf32> to vector<1x16xf32>
    tpu.vector_store %arg7[%swap3A_362, %swap3A_363], %swap3A_366 {strides = array<i32>} : memref<16x128xf32, #tpu.memory_space<vmem>>, vector<1x16xf32>,
    %swap3A_367 = arith.constant 7 : i32
    %swap3A_368 = arith.index_cast %swap3A_367 : i32 to index
    %swap3A_369 = arith.constant 80 : index
    %swap3A_370 = tpu.vector_load %arg7[%swap3A_368, %swap3A_369] {strides = array<i32>} : memref<16x128xf32, #tpu.memory_space<vmem>>, vector<1x16xf32>,
    %swap3A_371 = vector.shape_cast %swap3A_370 : vector<1x16xf32> to vector<16xf32>
    %swap3A_372 = vector.shape_cast %broadcast_in_dim3A_1 : vector<16xf32> to vector<1x16xf32>
    tpu.vector_store %arg7[%swap3A_368, %swap3A_369], %swap3A_372 {strides = array<i32>} : memref<16x128xf32, #tpu.memory_space<vmem>>, vector<1x16xf32>,
    %swap3A_373 = arith.constant 7 : i32
    %swap3A_374 = arith.index_cast %swap3A_373 : i32 to index
    %swap3A_375 = arith.constant 96 : index
    %swap3A_376 = tpu.vector_load %arg7[%swap3A_374, %swap3A_375] {strides = array<i32>} : memref<16x128xf32, #tpu.memory_space<vmem>>, vector<1x16xf32>,
    %swap3A_377 = vector.shape_cast %swap3A_376 : vector<1x16xf32> to vector<16xf32>
    %swap3A_378 = vector.shape_cast %broadcast_in_dim3A_1 : vector<16xf32> to vector<1x16xf32>
    tpu.vector_store %arg7[%swap3A_374, %swap3A_375], %swap3A_378 {strides = array<i32>} : memref<16x128xf32, #tpu.memory_space<vmem>>, vector<1x16xf32>,
    %swap3A_379 = arith.constant 7 : i32
    %swap3A_380 = arith.index_cast %swap3A_379 : i32 to index
    %swap3A_381 = arith.constant 112 : index
    %swap3A_382 = tpu.vector_load %arg7[%swap3A_380, %swap3A_381] {strides = array<i32>} : memref<16x128xf32, #tpu.memory_space<vmem>>, vector<1x16xf32>,
    %swap3A_383 = vector.shape_cast %swap3A_382 : vector<1x16xf32> to vector<16xf32>
    %swap3A_384 = vector.shape_cast %broadcast_in_dim3A_1 : vector<16xf32> to vector<1x16xf32>
    tpu.vector_store %arg7[%swap3A_380, %swap3A_381], %swap3A_384 {strides = array<i32>} : memref<16x128xf32, #tpu.memory_space<vmem>>, vector<1x16xf32>,
    %swap3A_385 = arith.constant 8 : i32
    %swap3A_386 = arith.index_cast %swap3A_385 : i32 to index
    %swap3A_387 = arith.constant 0 : index
    %swap3A_388 = tpu.vector_load %arg7[%swap3A_386, %swap3A_387] {strides = array<i32>} : memref<16x128xf32, #tpu.memory_space<vmem>>, vector<1x16xf32>,
    %swap3A_389 = vector.shape_cast %swap3A_388 : vector<1x16xf32> to vector<16xf32>
    %swap3A_390 = vector.shape_cast %broadcast_in_dim3A_1 : vector<16xf32> to vector<1x16xf32>
    tpu.vector_store %arg7[%swap3A_386, %swap3A_387], %swap3A_390 {strides = array<i32>} : memref<16x128xf32, #tpu.memory_space<vmem>>, vector<1x16xf32>,
    %swap3A_391 = arith.constant 8 : i32
    %swap3A_392 = arith.index_cast %swap3A_391 : i32 to index
    %swap3A_393 = arith.constant 16 : index
    %swap3A_394 = tpu.vector_load %arg7[%swap3A_392, %swap3A_393] {strides = array<i32>} : memref<16x128xf32, #tpu.memory_space<vmem>>, vector<1x16xf32>,
    %swap3A_395 = vector.shape_cast %swap3A_394 : vector<1x16xf32> to vector<16xf32>
    %swap3A_396 = vector.shape_cast %broadcast_in_dim3A_1 : vector<16xf32> to vector<1x16xf32>
    tpu.vector_store %arg7[%swap3A_392, %swap3A_393], %swap3A_396 {strides = array<i32>} : memref<16x128xf32, #tpu.memory_space<vmem>>, vector<1x16xf32>,
    %swap3A_397 = arith.constant 8 : i32
    %swap3A_398 = arith.index_cast %swap3A_397 : i32 to index
    %swap3A_399 = arith.constant 32 : index
    %swap3A_400 = tpu.vector_load %arg7[%swap3A_398, %swap3A_399] {strides = array<i32>} : memref<16x128xf32, #tpu.memory_space<vmem>>, vector<1x16xf32>,
    %swap3A_401 = vector.shape_cast %swap3A_400 : vector<1x16xf32> to vector<16xf32>
    %swap3A_402 = vector.shape_cast %broadcast_in_dim3A_1 : vector<16xf32> to vector<1x16xf32>
    tpu.vector_store %arg7[%swap3A_398, %swap3A_399], %swap3A_402 {strides = array<i32>} : memref<16x128xf32, #tpu.memory_space<vmem>>, vector<1x16xf32>,
    %swap3A_403 = arith.constant 8 : i32
    %swap3A_404 = arith.index_cast %swap3A_403 : i32 to index
    %swap3A_405 = arith.constant 48 : index
    %swap3A_406 = tpu.vector_load %arg7[%swap3A_404, %swap3A_405] {strides = array<i32>} : memref<16x128xf32, #tpu.memory_space<vmem>>, vector<1x16xf32>,
    %swap3A_407 = vector.shape_cast %swap3A_406 : vector<1x16xf32> to vector<16xf32>
    %swap3A_408 = vector.shape_cast %broadcast_in_dim3A_1 : vector<16xf32> to vector<1x16xf32>
    tpu.vector_store %arg7[%swap3A_404, %swap3A_405], %swap3A_408 {strides = array<i32>} : memref<16x128xf32, #tpu.memory_space<vmem>>, vector<1x16xf32>,
    %swap3A_409 = arith.constant 8 : i32
    %swap3A_410 = arith.index_cast %swap3A_409 : i32 to index
    %swap3A_411 = arith.constant 64 : index
    %swap3A_412 = tpu.vector_load %arg7[%swap3A_410, %swap3A_411] {strides = array<i32>} : memref<16x128xf32, #tpu.memory_space<vmem>>, vector<1x16xf32>,
    %swap3A_413 = vector.shape_cast %swap3A_412 : vector<1x16xf32> to vector<16xf32>
    %swap3A_414 = vector.shape_cast %broadcast_in_dim3A_1 : vector<16xf32> to vector<1x16xf32>
    tpu.vector_store %arg7[%swap3A_410, %swap3A_411], %swap3A_414 {strides = array<i32>} : memref<16x128xf32, #tpu.memory_space<vmem>>, vector<1x16xf32>,
    %swap3A_415 = arith.constant 8 : i32
    %swap3A_416 = arith.index_cast %swap3A_415 : i32 to index
    %swap3A_417 = arith.constant 80 : index
    %swap3A_418 = tpu.vector_load %arg7[%swap3A_416, %swap3A_417] {strides = array<i32>} : memref<16x128xf32, #tpu.memory_space<vmem>>, vector<1x16xf32>,
    %swap3A_419 = vector.shape_cast %swap3A_418 : vector<1x16xf32> to vector<16xf32>
    %swap3A_420 = vector.shape_cast %broadcast_in_dim3A_1 : vector<16xf32> to vector<1x16xf32>
    tpu.vector_store %arg7[%swap3A_416, %swap3A_417], %swap3A_420 {strides = array<i32>} : memref<16x128xf32, #tpu.memory_space<vmem>>, vector<1x16xf32>,
    %swap3A_421 = arith.constant 8 : i32
    %swap3A_422 = arith.index_cast %swap3A_421 : i32 to index
    %swap3A_423 = arith.constant 96 : index
    %swap3A_424 = tpu.vector_load %arg7[%swap3A_422, %swap3A_423] {strides = array<i32>} : memref<16x128xf32, #tpu.memory_space<vmem>>, vector<1x16xf32>,
    %swap3A_425 = vector.shape_cast %swap3A_424 : vector<1x16xf32> to vector<16xf32>
    %swap3A_426 = vector.shape_cast %broadcast_in_dim3A_1 : vector<16xf32> to vector<1x16xf32>
    tpu.vector_store %arg7[%swap3A_422, %swap3A_423], %swap3A_426 {strides = array<i32>} : memref<16x128xf32, #tpu.memory_space<vmem>>, vector<1x16xf32>,
    %swap3A_427 = arith.constant 8 : i32
    %swap3A_428 = arith.index_cast %swap3A_427 : i32 to index
    %swap3A_429 = arith.constant 112 : index
    %swap3A_430 = tpu.vector_load %arg7[%swap3A_428, %swap3A_429] {strides = array<i32>} : memref<16x128xf32, #tpu.memory_space<vmem>>, vector<1x16xf32>,
    %swap3A_431 = vector.shape_cast %swap3A_430 : vector<1x16xf32> to vector<16xf32>
    %swap3A_432 = vector.shape_cast %broadcast_in_dim3A_1 : vector<16xf32> to vector<1x16xf32>
    tpu.vector_store %arg7[%swap3A_428, %swap3A_429], %swap3A_432 {strides = array<i32>} : memref<16x128xf32, #tpu.memory_space<vmem>>, vector<1x16xf32>,
    %swap3A_433 = arith.constant 9 : i32
    %swap3A_434 = arith.index_cast %swap3A_433 : i32 to index
    %swap3A_435 = arith.constant 0 : index
    %swap3A_436 = tpu.vector_load %arg7[%swap3A_434, %swap3A_435] {strides = array<i32>} : memref<16x128xf32, #tpu.memory_space<vmem>>, vector<1x16xf32>,
    %swap3A_437 = vector.shape_cast %swap3A_436 : vector<1x16xf32> to vector<16xf32>
    %swap3A_438 = vector.shape_cast %broadcast_in_dim3A_1 : vector<16xf32> to vector<1x16xf32>
    tpu.vector_store %arg7[%swap3A_434, %swap3A_435], %swap3A_438 {strides = array<i32>} : memref<16x128xf32, #tpu.memory_space<vmem>>, vector<1x16xf32>,
    %swap3A_439 = arith.constant 9 : i32
    %swap3A_440 = arith.index_cast %swap3A_439 : i32 to index
    %swap3A_441 = arith.constant 16 : index
    %swap3A_442 = tpu.vector_load %arg7[%swap3A_440, %swap3A_441] {strides = array<i32>} : memref<16x128xf32, #tpu.memory_space<vmem>>, vector<1x16xf32>,
    %swap3A_443 = vector.shape_cast %swap3A_442 : vector<1x16xf32> to vector<16xf32>
    %swap3A_444 = vector.shape_cast %broadcast_in_dim3A_1 : vector<16xf32> to vector<1x16xf32>
    tpu.vector_store %arg7[%swap3A_440, %swap3A_441], %swap3A_444 {strides = array<i32>} : memref<16x128xf32, #tpu.memory_space<vmem>>, vector<1x16xf32>,
    %swap3A_445 = arith.constant 9 : i32
    %swap3A_446 = arith.index_cast %swap3A_445 : i32 to index
    %swap3A_447 = arith.constant 32 : index
    %swap3A_448 = tpu.vector_load %arg7[%swap3A_446, %swap3A_447] {strides = array<i32>} : memref<16x128xf32, #tpu.memory_space<vmem>>, vector<1x16xf32>,
    %swap3A_449 = vector.shape_cast %swap3A_448 : vector<1x16xf32> to vector<16xf32>
    %swap3A_450 = vector.shape_cast %broadcast_in_dim3A_1 : vector<16xf32> to vector<1x16xf32>
    tpu.vector_store %arg7[%swap3A_446, %swap3A_447], %swap3A_450 {strides = array<i32>} : memref<16x128xf32, #tpu.memory_space<vmem>>, vector<1x16xf32>,
    %swap3A_451 = arith.constant 9 : i32
    %swap3A_452 = arith.index_cast %swap3A_451 : i32 to index
    %swap3A_453 = arith.constant 48 : index
    %swap3A_454 = tpu.vector_load %arg7[%swap3A_452, %swap3A_453] {strides = array<i32>} : memref<16x128xf32, #tpu.memory_space<vmem>>, vector<1x16xf32>,
    %swap3A_455 = vector.shape_cast %swap3A_454 : vector<1x16xf32> to vector<16xf32>
    %swap3A_456 = vector.shape_cast %broadcast_in_dim3A_1 : vector<16xf32> to vector<1x16xf32>
    tpu.vector_store %arg7[%swap3A_452, %swap3A_453], %swap3A_456 {strides = array<i32>} : memref<16x128xf32, #tpu.memory_space<vmem>>, vector<1x16xf32>,
    %swap3A_457 = arith.constant 9 : i32
    %swap3A_458 = arith.index_cast %swap3A_457 : i32 to index
    %swap3A_459 = arith.constant 64 : index
    %swap3A_460 = tpu.vector_load %arg7[%swap3A_458, %swap3A_459] {strides = array<i32>} : memref<16x128xf32, #tpu.memory_space<vmem>>, vector<1x16xf32>,
    %swap3A_461 = vector.shape_cast %swap3A_460 : vector<1x16xf32> to vector<16xf32>
    %swap3A_462 = vector.shape_cast %broadcast_in_dim3A_1 : vector<16xf32> to vector<1x16xf32>
    tpu.vector_store %arg7[%swap3A_458, %swap3A_459], %swap3A_462 {strides = array<i32>} : memref<16x128xf32, #tpu.memory_space<vmem>>, vector<1x16xf32>,
    %swap3A_463 = arith.constant 9 : i32
    %swap3A_464 = arith.index_cast %swap3A_463 : i32 to index
    %swap3A_465 = arith.constant 80 : index
    %swap3A_466 = tpu.vector_load %arg7[%swap3A_464, %swap3A_465] {strides = array<i32>} : memref<16x128xf32, #tpu.memory_space<vmem>>, vector<1x16xf32>,
    %swap3A_467 = vector.shape_cast %swap3A_466 : vector<1x16xf32> to vector<16xf32>
    %swap3A_468 = vector.shape_cast %broadcast_in_dim3A_1 : vector<16xf32> to vector<1x16xf32>
    tpu.vector_store %arg7[%swap3A_464, %swap3A_465], %swap3A_468 {strides = array<i32>} : memref<16x128xf32, #tpu.memory_space<vmem>>, vector<1x16xf32>,
    %swap3A_469 = arith.constant 9 : i32
    %swap3A_470 = arith.index_cast %swap3A_469 : i32 to index
    %swap3A_471 = arith.constant 96 : index
    %swap3A_472 = tpu.vector_load %arg7[%swap3A_470, %swap3A_471] {strides = array<i32>} : memref<16x128xf32, #tpu.memory_space<vmem>>, vector<1x16xf32>,
    %swap3A_473 = vector.shape_cast %swap3A_472 : vector<1x16xf32> to vector<16xf32>
    %swap3A_474 = vector.shape_cast %broadcast_in_dim3A_1 : vector<16xf32> to vector<1x16xf32>
    tpu.vector_store %arg7[%swap3A_470, %swap3A_471], %swap3A_474 {strides = array<i32>} : memref<16x128xf32, #tpu.memory_space<vmem>>, vector<1x16xf32>,
    %swap3A_475 = arith.constant 9 : i32
    %swap3A_476 = arith.index_cast %swap3A_475 : i32 to index
    %swap3A_477 = arith.constant 112 : index
    %swap3A_478 = tpu.vector_load %arg7[%swap3A_476, %swap3A_477] {strides = array<i32>} : memref<16x128xf32, #tpu.memory_space<vmem>>, vector<1x16xf32>,
    %swap3A_479 = vector.shape_cast %swap3A_478 : vector<1x16xf32> to vector<16xf32>
    %swap3A_480 = vector.shape_cast %broadcast_in_dim3A_1 : vector<16xf32> to vector<1x16xf32>
    tpu.vector_store %arg7[%swap3A_476, %swap3A_477], %swap3A_480 {strides = array<i32>} : memref<16x128xf32, #tpu.memory_space<vmem>>, vector<1x16xf32>,
    %swap3A_481 = arith.constant 10 : i32
    %swap3A_482 = arith.index_cast %swap3A_481 : i32 to index
    %swap3A_483 = arith.constant 0 : index
    %swap3A_484 = tpu.vector_load %arg7[%swap3A_482, %swap3A_483] {strides = array<i32>} : memref<16x128xf32, #tpu.memory_space<vmem>>, vector<1x16xf32>,
    %swap3A_485 = vector.shape_cast %swap3A_484 : vector<1x16xf32> to vector<16xf32>
    %swap3A_486 = vector.shape_cast %broadcast_in_dim3A_1 : vector<16xf32> to vector<1x16xf32>
    tpu.vector_store %arg7[%swap3A_482, %swap3A_483], %swap3A_486 {strides = array<i32>} : memref<16x128xf32, #tpu.memory_space<vmem>>, vector<1x16xf32>,
    %swap3A_487 = arith.constant 10 : i32
    %swap3A_488 = arith.index_cast %swap3A_487 : i32 to index
    %swap3A_489 = arith.constant 16 : index
    %swap3A_490 = tpu.vector_load %arg7[%swap3A_488, %swap3A_489] {strides = array<i32>} : memref<16x128xf32, #tpu.memory_space<vmem>>, vector<1x16xf32>,
    %swap3A_491 = vector.shape_cast %swap3A_490 : vector<1x16xf32> to vector<16xf32>
    %swap3A_492 = vector.shape_cast %broadcast_in_dim3A_1 : vector<16xf32> to vector<1x16xf32>
    tpu.vector_store %arg7[%swap3A_488, %swap3A_489], %swap3A_492 {strides = array<i32>} : memref<16x128xf32, #tpu.memory_space<vmem>>, vector<1x16xf32>,
    %swap3A_493 = arith.constant 10 : i32
    %swap3A_494 = arith.index_cast %swap3A_493 : i32 to index
    %swap3A_495 = arith.constant 32 : index
    %swap3A_496 = tpu.vector_load %arg7[%swap3A_494, %swap3A_495] {strides = array<i32>} : memref<16x128xf32, #tpu.memory_space<vmem>>, vector<1x16xf32>,
    %swap3A_497 = vector.shape_cast %swap3A_496 : vector<1x16xf32> to vector<16xf32>
    %swap3A_498 = vector.shape_cast %broadcast_in_dim3A_1 : vector<16xf32> to vector<1x16xf32>
    tpu.vector_store %arg7[%swap3A_494, %swap3A_495], %swap3A_498 {strides = array<i32>} : memref<16x128xf32, #tpu.memory_space<vmem>>, vector<1x16xf32>,
    %swap3A_499 = arith.constant 10 : i32
    %swap3A_500 = arith.index_cast %swap3A_499 : i32 to index
    %swap3A_501 = arith.constant 48 : index
    %swap3A_502 = tpu.vector_load %arg7[%swap3A_500, %swap3A_501] {strides = array<i32>} : memref<16x128xf32, #tpu.memory_space<vmem>>, vector<1x16xf32>,
    %swap3A_503 = vector.shape_cast %swap3A_502 : vector<1x16xf32> to vector<16xf32>
    %swap3A_504 = vector.shape_cast %broadcast_in_dim3A_1 : vector<16xf32> to vector<1x16xf32>
    tpu.vector_store %arg7[%swap3A_500, %swap3A_501], %swap3A_504 {strides = array<i32>} : memref<16x128xf32, #tpu.memory_space<vmem>>, vector<1x16xf32>,
    %swap3A_505 = arith.constant 10 : i32
    %swap3A_506 = arith.index_cast %swap3A_505 : i32 to index
    %swap3A_507 = arith.constant 64 : index
    %swap3A_508 = tpu.vector_load %arg7[%swap3A_506, %swap3A_507] {strides = array<i32>} : memref<16x128xf32, #tpu.memory_space<vmem>>, vector<1x16xf32>,
    %swap3A_509 = vector.shape_cast %swap3A_508 : vector<1x16xf32> to vector<16xf32>
    %swap3A_510 = vector.shape_cast %broadcast_in_dim3A_1 : vector<16xf32> to vector<1x16xf32>
    tpu.vector_store %arg7[%swap3A_506, %swap3A_507], %swap3A_510 {strides = array<i32>} : memref<16x128xf32, #tpu.memory_space<vmem>>, vector<1x16xf32>,
    %swap3A_511 = arith.constant 10 : i32
    %swap3A_512 = arith.index_cast %swap3A_511 : i32 to index
    %swap3A_513 = arith.constant 80 : index
    %swap3A_514 = tpu.vector_load %arg7[%swap3A_512, %swap3A_513] {strides = array<i32>} : memref<16x128xf32, #tpu.memory_space<vmem>>, vector<1x16xf32>,
    %swap3A_515 = vector.shape_cast %swap3A_514 : vector<1x16xf32> to vector<16xf32>
    %swap3A_516 = vector.shape_cast %broadcast_in_dim3A_1 : vector<16xf32> to vector<1x16xf32>
    tpu.vector_store %arg7[%swap3A_512, %swap3A_513], %swap3A_516 {strides = array<i32>} : memref<16x128xf32, #tpu.memory_space<vmem>>, vector<1x16xf32>,
    %swap3A_517 = arith.constant 10 : i32
    %swap3A_518 = arith.index_cast %swap3A_517 : i32 to index
    %swap3A_519 = arith.constant 96 : index
    %swap3A_520 = tpu.vector_load %arg7[%swap3A_518, %swap3A_519] {strides = array<i32>} : memref<16x128xf32, #tpu.memory_space<vmem>>, vector<1x16xf32>,
    %swap3A_521 = vector.shape_cast %swap3A_520 : vector<1x16xf32> to vector<16xf32>
    %swap3A_522 = vector.shape_cast %broadcast_in_dim3A_1 : vector<16xf32> to vector<1x16xf32>
    tpu.vector_store %arg7[%swap3A_518, %swap3A_519], %swap3A_522 {strides = array<i32>} : memref<16x128xf32, #tpu.memory_space<vmem>>, vector<1x16xf32>,
    %swap3A_523 = arith.constant 10 : i32
    %swap3A_524 = arith.index_cast %swap3A_523 : i32 to index
    %swap3A_525 = arith.constant 112 : index
    %swap3A_526 = tpu.vector_load %arg7[%swap3A_524, %swap3A_525] {strides = array<i32>} : memref<16x128xf32, #tpu.memory_space<vmem>>, vector<1x16xf32>,
    %swap3A_527 = vector.shape_cast %swap3A_526 : vector<1x16xf32> to vector<16xf32>
    %swap3A_528 = vector.shape_cast %broadcast_in_dim3A_1 : vector<16xf32> to vector<1x16xf32>
    tpu.vector_store %arg7[%swap3A_524, %swap3A_525], %swap3A_528 {strides = array<i32>} : memref<16x128xf32, #tpu.memory_space<vmem>>, vector<1x16xf32>,
    %swap3A_529 = arith.constant 11 : i32
    %swap3A_530 = arith.index_cast %swap3A_529 : i32 to index
    %swap3A_531 = arith.constant 0 : index
    %swap3A_532 = tpu.vector_load %arg7[%swap3A_530, %swap3A_531] {strides = array<i32>} : memref<16x128xf32, #tpu.memory_space<vmem>>, vector<1x16xf32>,
    %swap3A_533 = vector.shape_cast %swap3A_532 : vector<1x16xf32> to vector<16xf32>
    %swap3A_534 = vector.shape_cast %broadcast_in_dim3A_1 : vector<16xf32> to vector<1x16xf32>
    tpu.vector_store %arg7[%swap3A_530, %swap3A_531], %swap3A_534 {strides = array<i32>} : memref<16x128xf32, #tpu.memory_space<vmem>>, vector<1x16xf32>,
    %swap3A_535 = arith.constant 11 : i32
    %swap3A_536 = arith.index_cast %swap3A_535 : i32 to index
    %swap3A_537 = arith.constant 16 : index
    %swap3A_538 = tpu.vector_load %arg7[%swap3A_536, %swap3A_537] {strides = array<i32>} : memref<16x128xf32, #tpu.memory_space<vmem>>, vector<1x16xf32>,
    %swap3A_539 = vector.shape_cast %swap3A_538 : vector<1x16xf32> to vector<16xf32>
    %swap3A_540 = vector.shape_cast %broadcast_in_dim3A_1 : vector<16xf32> to vector<1x16xf32>
    tpu.vector_store %arg7[%swap3A_536, %swap3A_537], %swap3A_540 {strides = array<i32>} : memref<16x128xf32, #tpu.memory_space<vmem>>, vector<1x16xf32>,
    %swap3A_541 = arith.constant 11 : i32
    %swap3A_542 = arith.index_cast %swap3A_541 : i32 to index
    %swap3A_543 = arith.constant 32 : index
    %swap3A_544 = tpu.vector_load %arg7[%swap3A_542, %swap3A_543] {strides = array<i32>} : memref<16x128xf32, #tpu.memory_space<vmem>>, vector<1x16xf32>,
    %swap3A_545 = vector.shape_cast %swap3A_544 : vector<1x16xf32> to vector<16xf32>
    %swap3A_546 = vector.shape_cast %broadcast_in_dim3A_1 : vector<16xf32> to vector<1x16xf32>
    tpu.vector_store %arg7[%swap3A_542, %swap3A_543], %swap3A_546 {strides = array<i32>} : memref<16x128xf32, #tpu.memory_space<vmem>>, vector<1x16xf32>,
    %swap3A_547 = arith.constant 11 : i32
    %swap3A_548 = arith.index_cast %swap3A_547 : i32 to index
    %swap3A_549 = arith.constant 48 : index
    %swap3A_550 = tpu.vector_load %arg7[%swap3A_548, %swap3A_549] {strides = array<i32>} : memref<16x128xf32, #tpu.memory_space<vmem>>, vector<1x16xf32>,
    %swap3A_551 = vector.shape_cast %swap3A_550 : vector<1x16xf32> to vector<16xf32>
    %swap3A_552 = vector.shape_cast %broadcast_in_dim3A_1 : vector<16xf32> to vector<1x16xf32>
    tpu.vector_store %arg7[%swap3A_548, %swap3A_549], %swap3A_552 {strides = array<i32>} : memref<16x128xf32, #tpu.memory_space<vmem>>, vector<1x16xf32>,
    %swap3A_553 = arith.constant 11 : i32
    %swap3A_554 = arith.index_cast %swap3A_553 : i32 to index
    %swap3A_555 = arith.constant 64 : index
    %swap3A_556 = tpu.vector_load %arg7[%swap3A_554, %swap3A_555] {strides = array<i32>} : memref<16x128xf32, #tpu.memory_space<vmem>>, vector<1x16xf32>,
    %swap3A_557 = vector.shape_cast %swap3A_556 : vector<1x16xf32> to vector<16xf32>
    %swap3A_558 = vector.shape_cast %broadcast_in_dim3A_1 : vector<16xf32> to vector<1x16xf32>
    tpu.vector_store %arg7[%swap3A_554, %swap3A_555], %swap3A_558 {strides = array<i32>} : memref<16x128xf32, #tpu.memory_space<vmem>>, vector<1x16xf32>,
    %swap3A_559 = arith.constant 11 : i32
    %swap3A_560 = arith.index_cast %swap3A_559 : i32 to index
    %swap3A_561 = arith.constant 80 : index
    %swap3A_562 = tpu.vector_load %arg7[%swap3A_560, %swap3A_561] {strides = array<i32>} : memref<16x128xf32, #tpu.memory_space<vmem>>, vector<1x16xf32>,
    %swap3A_563 = vector.shape_cast %swap3A_562 : vector<1x16xf32> to vector<16xf32>
    %swap3A_564 = vector.shape_cast %broadcast_in_dim3A_1 : vector<16xf32> to vector<1x16xf32>
    tpu.vector_store %arg7[%swap3A_560, %swap3A_561], %swap3A_564 {strides = array<i32>} : memref<16x128xf32, #tpu.memory_space<vmem>>, vector<1x16xf32>,
    %swap3A_565 = arith.constant 11 : i32
    %swap3A_566 = arith.index_cast %swap3A_565 : i32 to index
    %swap3A_567 = arith.constant 96 : index
    %swap3A_568 = tpu.vector_load %arg7[%swap3A_566, %swap3A_567] {strides = array<i32>} : memref<16x128xf32, #tpu.memory_space<vmem>>, vector<1x16xf32>,
    %swap3A_569 = vector.shape_cast %swap3A_568 : vector<1x16xf32> to vector<16xf32>
    %swap3A_570 = vector.shape_cast %broadcast_in_dim3A_1 : vector<16xf32> to vector<1x16xf32>
    tpu.vector_store %arg7[%swap3A_566, %swap3A_567], %swap3A_570 {strides = array<i32>} : memref<16x128xf32, #tpu.memory_space<vmem>>, vector<1x16xf32>,
    %swap3A_571 = arith.constant 11 : i32
    %swap3A_572 = arith.index_cast %swap3A_571 : i32 to index
    %swap3A_573 = arith.constant 112 : index
    %swap3A_574 = tpu.vector_load %arg7[%swap3A_572, %swap3A_573] {strides = array<i32>} : memref<16x128xf32, #tpu.memory_space<vmem>>, vector<1x16xf32>,
    %swap3A_575 = vector.shape_cast %swap3A_574 : vector<1x16xf32> to vector<16xf32>
    %swap3A_576 = vector.shape_cast %broadcast_in_dim3A_1 : vector<16xf32> to vector<1x16xf32>
    tpu.vector_store %arg7[%swap3A_572, %swap3A_573], %swap3A_576 {strides = array<i32>} : memref<16x128xf32, #tpu.memory_space<vmem>>, vector<1x16xf32>,
    %swap3A_577 = arith.constant 12 : i32
    %swap3A_578 = arith.index_cast %swap3A_577 : i32 to index
    %swap3A_579 = arith.constant 0 : index
    %swap3A_580 = tpu.vector_load %arg7[%swap3A_578, %swap3A_579] {strides = array<i32>} : memref<16x128xf32, #tpu.memory_space<vmem>>, vector<1x16xf32>,
    %swap3A_581 = vector.shape_cast %swap3A_580 : vector<1x16xf32> to vector<16xf32>
    %swap3A_582 = vector.shape_cast %broadcast_in_dim3A_1 : vector<16xf32> to vector<1x16xf32>
    tpu.vector_store %arg7[%swap3A_578, %swap3A_579], %swap3A_582 {strides = array<i32>} : memref<16x128xf32, #tpu.memory_space<vmem>>, vector<1x16xf32>,
    %swap3A_583 = arith.constant 12 : i32
    %swap3A_584 = arith.index_cast %swap3A_583 : i32 to index
    %swap3A_585 = arith.constant 16 : index
    %swap3A_586 = tpu.vector_load %arg7[%swap3A_584, %swap3A_585] {strides = array<i32>} : memref<16x128xf32, #tpu.memory_space<vmem>>, vector<1x16xf32>,
    %swap3A_587 = vector.shape_cast %swap3A_586 : vector<1x16xf32> to vector<16xf32>
    %swap3A_588 = vector.shape_cast %broadcast_in_dim3A_1 : vector<16xf32> to vector<1x16xf32>
    tpu.vector_store %arg7[%swap3A_584, %swap3A_585], %swap3A_588 {strides = array<i32>} : memref<16x128xf32, #tpu.memory_space<vmem>>, vector<1x16xf32>,
    %swap3A_589 = arith.constant 12 : i32
    %swap3A_590 = arith.index_cast %swap3A_589 : i32 to index
    %swap3A_591 = arith.constant 32 : index
    %swap3A_592 = tpu.vector_load %arg7[%swap3A_590, %swap3A_591] {strides = array<i32>} : memref<16x128xf32, #tpu.memory_space<vmem>>, vector<1x16xf32>,
    %swap3A_593 = vector.shape_cast %swap3A_592 : vector<1x16xf32> to vector<16xf32>
    %swap3A_594 = vector.shape_cast %broadcast_in_dim3A_1 : vector<16xf32> to vector<1x16xf32>
    tpu.vector_store %arg7[%swap3A_590, %swap3A_591], %swap3A_594 {strides = array<i32>} : memref<16x128xf32, #tpu.memory_space<vmem>>, vector<1x16xf32>,
    %swap3A_595 = arith.constant 12 : i32
    %swap3A_596 = arith.index_cast %swap3A_595 : i32 to index
    %swap3A_597 = arith.constant 48 : index
    %swap3A_598 = tpu.vector_load %arg7[%swap3A_596, %swap3A_597] {strides = array<i32>} : memref<16x128xf32, #tpu.memory_space<vmem>>, vector<1x16xf32>,
    %swap3A_599 = vector.shape_cast %swap3A_598 : vector<1x16xf32> to vector<16xf32>
    %swap3A_600 = vector.shape_cast %broadcast_in_dim3A_1 : vector<16xf32> to vector<1x16xf32>
    tpu.vector_store %arg7[%swap3A_596, %swap3A_597], %swap3A_600 {strides = array<i32>} : memref<16x128xf32, #tpu.memory_space<vmem>>, vector<1x16xf32>,
    %swap3A_601 = arith.constant 12 : i32
    %swap3A_602 = arith.index_cast %swap3A_601 : i32 to index
    %swap3A_603 = arith.constant 64 : index
    %swap3A_604 = tpu.vector_load %arg7[%swap3A_602, %swap3A_603] {strides = array<i32>} : memref<16x128xf32, #tpu.memory_space<vmem>>, vector<1x16xf32>,
    %swap3A_605 = vector.shape_cast %swap3A_604 : vector<1x16xf32> to vector<16xf32>
    %swap3A_606 = vector.shape_cast %broadcast_in_dim3A_1 : vector<16xf32> to vector<1x16xf32>
    tpu.vector_store %arg7[%swap3A_602, %swap3A_603], %swap3A_606 {strides = array<i32>} : memref<16x128xf32, #tpu.memory_space<vmem>>, vector<1x16xf32>,
    %swap3A_607 = arith.constant 12 : i32
    %swap3A_608 = arith.index_cast %swap3A_607 : i32 to index
    %swap3A_609 = arith.constant 80 : index
    %swap3A_610 = tpu.vector_load %arg7[%swap3A_608, %swap3A_609] {strides = array<i32>} : memref<16x128xf32, #tpu.memory_space<vmem>>, vector<1x16xf32>,
    %swap3A_611 = vector.shape_cast %swap3A_610 : vector<1x16xf32> to vector<16xf32>
    %swap3A_612 = vector.shape_cast %broadcast_in_dim3A_1 : vector<16xf32> to vector<1x16xf32>
    tpu.vector_store %arg7[%swap3A_608, %swap3A_609], %swap3A_612 {strides = array<i32>} : memref<16x128xf32, #tpu.memory_space<vmem>>, vector<1x16xf32>,
    %swap3A_613 = arith.constant 12 : i32
    %swap3A_614 = arith.index_cast %swap3A_613 : i32 to index
    %swap3A_615 = arith.constant 96 : index
    %swap3A_616 = tpu.vector_load %arg7[%swap3A_614, %swap3A_615] {strides = array<i32>} : memref<16x128xf32, #tpu.memory_space<vmem>>, vector<1x16xf32>,
    %swap3A_617 = vector.shape_cast %swap3A_616 : vector<1x16xf32> to vector<16xf32>
    %swap3A_618 = vector.shape_cast %broadcast_in_dim3A_1 : vector<16xf32> to vector<1x16xf32>
    tpu.vector_store %arg7[%swap3A_614, %swap3A_615], %swap3A_618 {strides = array<i32>} : memref<16x128xf32, #tpu.memory_space<vmem>>, vector<1x16xf32>,
    %swap3A_619 = arith.constant 12 : i32
    %swap3A_620 = arith.index_cast %swap3A_619 : i32 to index
    %swap3A_621 = arith.constant 112 : index
    %swap3A_622 = tpu.vector_load %arg7[%swap3A_620, %swap3A_621] {strides = array<i32>} : memref<16x128xf32, #tpu.memory_space<vmem>>, vector<1x16xf32>,
    %swap3A_623 = vector.shape_cast %swap3A_622 : vector<1x16xf32> to vector<16xf32>
    %swap3A_624 = vector.shape_cast %broadcast_in_dim3A_1 : vector<16xf32> to vector<1x16xf32>
    tpu.vector_store %arg7[%swap3A_620, %swap3A_621], %swap3A_624 {strides = array<i32>} : memref<16x128xf32, #tpu.memory_space<vmem>>, vector<1x16xf32>,
    %swap3A_625 = arith.constant 13 : i32
    %swap3A_626 = arith.index_cast %swap3A_625 : i32 to index
    %swap3A_627 = arith.constant 0 : index
    %swap3A_628 = tpu.vector_load %arg7[%swap3A_626, %swap3A_627] {strides = array<i32>} : memref<16x128xf32, #tpu.memory_space<vmem>>, vector<1x16xf32>,
    %swap3A_629 = vector.shape_cast %swap3A_628 : vector<1x16xf32> to vector<16xf32>
    %swap3A_630 = vector.shape_cast %broadcast_in_dim3A_1 : vector<16xf32> to vector<1x16xf32>
    tpu.vector_store %arg7[%swap3A_626, %swap3A_627], %swap3A_630 {strides = array<i32>} : memref<16x128xf32, #tpu.memory_space<vmem>>, vector<1x16xf32>,
    %swap3A_631 = arith.constant 13 : i32
    %swap3A_632 = arith.index_cast %swap3A_631 : i32 to index
    %swap3A_633 = arith.constant 16 : index
    %swap3A_634 = tpu.vector_load %arg7[%swap3A_632, %swap3A_633] {strides = array<i32>} : memref<16x128xf32, #tpu.memory_space<vmem>>, vector<1x16xf32>,
    %swap3A_635 = vector.shape_cast %swap3A_634 : vector<1x16xf32> to vector<16xf32>
    %swap3A_636 = vector.shape_cast %broadcast_in_dim3A_1 : vector<16xf32> to vector<1x16xf32>
    tpu.vector_store %arg7[%swap3A_632, %swap3A_633], %swap3A_636 {strides = array<i32>} : memref<16x128xf32, #tpu.memory_space<vmem>>, vector<1x16xf32>,
    %swap3A_637 = arith.constant 13 : i32
    %swap3A_638 = arith.index_cast %swap3A_637 : i32 to index
    %swap3A_639 = arith.constant 32 : index
    %swap3A_640 = tpu.vector_load %arg7[%swap3A_638, %swap3A_639] {strides = array<i32>} : memref<16x128xf32, #tpu.memory_space<vmem>>, vector<1x16xf32>,
    %swap3A_641 = vector.shape_cast %swap3A_640 : vector<1x16xf32> to vector<16xf32>
    %swap3A_642 = vector.shape_cast %broadcast_in_dim3A_1 : vector<16xf32> to vector<1x16xf32>
    tpu.vector_store %arg7[%swap3A_638, %swap3A_639], %swap3A_642 {strides = array<i32>} : memref<16x128xf32, #tpu.memory_space<vmem>>, vector<1x16xf32>,
    %swap3A_643 = arith.constant 13 : i32
    %swap3A_644 = arith.index_cast %swap3A_643 : i32 to index
    %swap3A_645 = arith.constant 48 : index
    %swap3A_646 = tpu.vector_load %arg7[%swap3A_644, %swap3A_645] {strides = array<i32>} : memref<16x128xf32, #tpu.memory_space<vmem>>, vector<1x16xf32>,
    %swap3A_647 = vector.shape_cast %swap3A_646 : vector<1x16xf32> to vector<16xf32>
    %swap3A_648 = vector.shape_cast %broadcast_in_dim3A_1 : vector<16xf32> to vector<1x16xf32>
    tpu.vector_store %arg7[%swap3A_644, %swap3A_645], %swap3A_648 {strides = array<i32>} : memref<16x128xf32, #tpu.memory_space<vmem>>, vector<1x16xf32>,
    %swap3A_649 = arith.constant 13 : i32
    %swap3A_650 = arith.index_cast %swap3A_649 : i32 to index
    %swap3A_651 = arith.constant 64 : index
    %swap3A_652 = tpu.vector_load %arg7[%swap3A_650, %swap3A_651] {strides = array<i32>} : memref<16x128xf32, #tpu.memory_space<vmem>>, vector<1x16xf32>,
    %swap3A_653 = vector.shape_cast %swap3A_652 : vector<1x16xf32> to vector<16xf32>
    %swap3A_654 = vector.shape_cast %broadcast_in_dim3A_1 : vector<16xf32> to vector<1x16xf32>
    tpu.vector_store %arg7[%swap3A_650, %swap3A_651], %swap3A_654 {strides = array<i32>} : memref<16x128xf32, #tpu.memory_space<vmem>>, vector<1x16xf32>,
    %swap3A_655 = arith.constant 13 : i32
    %swap3A_656 = arith.index_cast %swap3A_655 : i32 to index
    %swap3A_657 = arith.constant 80 : index
    %swap3A_658 = tpu.vector_load %arg7[%swap3A_656, %swap3A_657] {strides = array<i32>} : memref<16x128xf32, #tpu.memory_space<vmem>>, vector<1x16xf32>,
    %swap3A_659 = vector.shape_cast %swap3A_658 : vector<1x16xf32> to vector<16xf32>
    %swap3A_660 = vector.shape_cast %broadcast_in_dim3A_1 : vector<16xf32> to vector<1x16xf32>
    tpu.vector_store %arg7[%swap3A_656, %swap3A_657], %swap3A_660 {strides = array<i32>} : memref<16x128xf32, #tpu.memory_space<vmem>>, vector<1x16xf32>,
    %swap3A_661 = arith.constant 13 : i32
    %swap3A_662 = arith.index_cast %swap3A_661 : i32 to index
    %swap3A_663 = arith.constant 96 : index
    %swap3A_664 = tpu.vector_load %arg7[%swap3A_662, %swap3A_663] {strides = array<i32>} : memref<16x128xf32, #tpu.memory_space<vmem>>, vector<1x16xf32>,
    %swap3A_665 = vector.shape_cast %swap3A_664 : vector<1x16xf32> to vector<16xf32>
    %swap3A_666 = vector.shape_cast %broadcast_in_dim3A_1 : vector<16xf32> to vector<1x16xf32>
    tpu.vector_store %arg7[%swap3A_662, %swap3A_663], %swap3A_666 {strides = array<i32>} : memref<16x128xf32, #tpu.memory_space<vmem>>, vector<1x16xf32>,
    %swap3A_667 = arith.constant 13 : i32
    %swap3A_668 = arith.index_cast %swap3A_667 : i32 to index
    %swap3A_669 = arith.constant 112 : index
    %swap3A_670 = tpu.vector_load %arg7[%swap3A_668, %swap3A_669] {strides = array<i32>} : memref<16x128xf32, #tpu.memory_space<vmem>>, vector<1x16xf32>,
    %swap3A_671 = vector.shape_cast %swap3A_670 : vector<1x16xf32> to vector<16xf32>
    %swap3A_672 = vector.shape_cast %broadcast_in_dim3A_1 : vector<16xf32> to vector<1x16xf32>
    tpu.vector_store %arg7[%swap3A_668, %swap3A_669], %swap3A_672 {strides = array<i32>} : memref<16x128xf32, #tpu.memory_space<vmem>>, vector<1x16xf32>,
    %swap3A_673 = arith.constant 14 : i32
    %swap3A_674 = arith.index_cast %swap3A_673 : i32 to index
    %swap3A_675 = arith.constant 0 : index
    %swap3A_676 = tpu.vector_load %arg7[%swap3A_674, %swap3A_675] {strides = array<i32>} : memref<16x128xf32, #tpu.memory_space<vmem>>, vector<1x16xf32>,
    %swap3A_677 = vector.shape_cast %swap3A_676 : vector<1x16xf32> to vector<16xf32>
    %swap3A_678 = vector.shape_cast %broadcast_in_dim3A_1 : vector<16xf32> to vector<1x16xf32>
    tpu.vector_store %arg7[%swap3A_674, %swap3A_675], %swap3A_678 {strides = array<i32>} : memref<16x128xf32, #tpu.memory_space<vmem>>, vector<1x16xf32>,
    %swap3A_679 = arith.constant 14 : i32
    %swap3A_680 = arith.index_cast %swap3A_679 : i32 to index
    %swap3A_681 = arith.constant 16 : index
    %swap3A_682 = tpu.vector_load %arg7[%swap3A_680, %swap3A_681] {strides = array<i32>} : memref<16x128xf32, #tpu.memory_space<vmem>>, vector<1x16xf32>,
    %swap3A_683 = vector.shape_cast %swap3A_682 : vector<1x16xf32> to vector<16xf32>
    %swap3A_684 = vector.shape_cast %broadcast_in_dim3A_1 : vector<16xf32> to vector<1x16xf32>
    tpu.vector_store %arg7[%swap3A_680, %swap3A_681], %swap3A_684 {strides = array<i32>} : memref<16x128xf32, #tpu.memory_space<vmem>>, vector<1x16xf32>,
    %swap3A_685 = arith.constant 14 : i32
    %swap3A_686 = arith.index_cast %swap3A_685 : i32 to index
    %swap3A_687 = arith.constant 32 : index
    %swap3A_688 = tpu.vector_load %arg7[%swap3A_686, %swap3A_687] {strides = array<i32>} : memref<16x128xf32, #tpu.memory_space<vmem>>, vector<1x16xf32>,
    %swap3A_689 = vector.shape_cast %swap3A_688 : vector<1x16xf32> to vector<16xf32>
    %swap3A_690 = vector.shape_cast %broadcast_in_dim3A_1 : vector<16xf32> to vector<1x16xf32>
    tpu.vector_store %arg7[%swap3A_686, %swap3A_687], %swap3A_690 {strides = array<i32>} : memref<16x128xf32, #tpu.memory_space<vmem>>, vector<1x16xf32>,
    %swap3A_691 = arith.constant 14 : i32
    %swap3A_692 = arith.index_cast %swap3A_691 : i32 to index
    %swap3A_693 = arith.constant 48 : index
    %swap3A_694 = tpu.vector_load %arg7[%swap3A_692, %swap3A_693] {strides = array<i32>} : memref<16x128xf32, #tpu.memory_space<vmem>>, vector<1x16xf32>,
    %swap3A_695 = vector.shape_cast %swap3A_694 : vector<1x16xf32> to vector<16xf32>
    %swap3A_696 = vector.shape_cast %broadcast_in_dim3A_1 : vector<16xf32> to vector<1x16xf32>
    tpu.vector_store %arg7[%swap3A_692, %swap3A_693], %swap3A_696 {strides = array<i32>} : memref<16x128xf32, #tpu.memory_space<vmem>>, vector<1x16xf32>,
    %swap3A_697 = arith.constant 14 : i32
    %swap3A_698 = arith.index_cast %swap3A_697 : i32 to index
    %swap3A_699 = arith.constant 64 : index
    %swap3A_700 = tpu.vector_load %arg7[%swap3A_698, %swap3A_699] {strides = array<i32>} : memref<16x128xf32, #tpu.memory_space<vmem>>, vector<1x16xf32>,
    %swap3A_701 = vector.shape_cast %swap3A_700 : vector<1x16xf32> to vector<16xf32>
    %swap3A_702 = vector.shape_cast %broadcast_in_dim3A_1 : vector<16xf32> to vector<1x16xf32>
    tpu.vector_store %arg7[%swap3A_698, %swap3A_699], %swap3A_702 {strides = array<i32>} : memref<16x128xf32, #tpu.memory_space<vmem>>, vector<1x16xf32>,
    %swap3A_703 = arith.constant 14 : i32
    %swap3A_704 = arith.index_cast %swap3A_703 : i32 to index
    %swap3A_705 = arith.constant 80 : index
    %swap3A_706 = tpu.vector_load %arg7[%swap3A_704, %swap3A_705] {strides = array<i32>} : memref<16x128xf32, #tpu.memory_space<vmem>>, vector<1x16xf32>,
    %swap3A_707 = vector.shape_cast %swap3A_706 : vector<1x16xf32> to vector<16xf32>
    %swap3A_708 = vector.shape_cast %broadcast_in_dim3A_1 : vector<16xf32> to vector<1x16xf32>
    tpu.vector_store %arg7[%swap3A_704, %swap3A_705], %swap3A_708 {strides = array<i32>} : memref<16x128xf32, #tpu.memory_space<vmem>>, vector<1x16xf32>,
    %swap3A_709 = arith.constant 14 : i32
    %swap3A_710 = arith.index_cast %swap3A_709 : i32 to index
    %swap3A_711 = arith.constant 96 : index
    %swap3A_712 = tpu.vector_load %arg7[%swap3A_710, %swap3A_711] {strides = array<i32>} : memref<16x128xf32, #tpu.memory_space<vmem>>, vector<1x16xf32>,
    %swap3A_713 = vector.shape_cast %swap3A_712 : vector<1x16xf32> to vector<16xf32>
    %swap3A_714 = vector.shape_cast %broadcast_in_dim3A_1 : vector<16xf32> to vector<1x16xf32>
    tpu.vector_store %arg7[%swap3A_710, %swap3A_711], %swap3A_714 {strides = array<i32>} : memref<16x128xf32, #tpu.memory_space<vmem>>, vector<1x16xf32>,
    %swap3A_715 = arith.constant 14 : i32
    %swap3A_716 = arith.index_cast %swap3A_715 : i32 to index
    %swap3A_717 = arith.constant 112 : index
    %swap3A_718 = tpu.vector_load %arg7[%swap3A_716, %swap3A_717] {strides = array<i32>} : memref<16x128xf32, #tpu.memory_space<vmem>>, vector<1x16xf32>,
    %swap3A_719 = vector.shape_cast %swap3A_718 : vector<1x16xf32> to vector<16xf32>
    %swap3A_720 = vector.shape_cast %broadcast_in_dim3A_1 : vector<16xf32> to vector<1x16xf32>
    tpu.vector_store %arg7[%swap3A_716, %swap3A_717], %swap3A_720 {strides = array<i32>} : memref<16x128xf32, #tpu.memory_space<vmem>>, vector<1x16xf32>,
    %swap3A_721 = arith.constant 15 : i32
    %swap3A_722 = arith.index_cast %swap3A_721 : i32 to index
    %swap3A_723 = arith.constant 0 : index
    %swap3A_724 = tpu.vector_load %arg7[%swap3A_722, %swap3A_723] {strides = array<i32>} : memref<16x128xf32, #tpu.memory_space<vmem>>, vector<1x16xf32>,
    %swap3A_725 = vector.shape_cast %swap3A_724 : vector<1x16xf32> to vector<16xf32>
    %swap3A_726 = vector.shape_cast %broadcast_in_dim3A_1 : vector<16xf32> to vector<1x16xf32>
    tpu.vector_store %arg7[%swap3A_722, %swap3A_723], %swap3A_726 {strides = array<i32>} : memref<16x128xf32, #tpu.memory_space<vmem>>, vector<1x16xf32>,
    %swap3A_727 = arith.constant 15 : i32
    %swap3A_728 = arith.index_cast %swap3A_727 : i32 to index
    %swap3A_729 = arith.constant 16 : index
    %swap3A_730 = tpu.vector_load %arg7[%swap3A_728, %swap3A_729] {strides = array<i32>} : memref<16x128xf32, #tpu.memory_space<vmem>>, vector<1x16xf32>,
    %swap3A_731 = vector.shape_cast %swap3A_730 : vector<1x16xf32> to vector<16xf32>
    %swap3A_732 = vector.shape_cast %broadcast_in_dim3A_1 : vector<16xf32> to vector<1x16xf32>
    tpu.vector_store %arg7[%swap3A_728, %swap3A_729], %swap3A_732 {strides = array<i32>} : memref<16x128xf32, #tpu.memory_space<vmem>>, vector<1x16xf32>,
    %swap3A_733 = arith.constant 15 : i32
    %swap3A_734 = arith.index_cast %swap3A_733 : i32 to index
    %swap3A_735 = arith.constant 32 : index
    %swap3A_736 = tpu.vector_load %arg7[%swap3A_734, %swap3A_735] {strides = array<i32>} : memref<16x128xf32, #tpu.memory_space<vmem>>, vector<1x16xf32>,
    %swap3A_737 = vector.shape_cast %swap3A_736 : vector<1x16xf32> to vector<16xf32>
    %swap3A_738 = vector.shape_cast %broadcast_in_dim3A_1 : vector<16xf32> to vector<1x16xf32>
    tpu.vector_store %arg7[%swap3A_734, %swap3A_735], %swap3A_738 {strides = array<i32>} : memref<16x128xf32, #tpu.memory_space<vmem>>, vector<1x16xf32>,
    %swap3A_739 = arith.constant 15 : i32
    %swap3A_740 = arith.index_cast %swap3A_739 : i32 to index
    %swap3A_741 = arith.constant 48 : index
    %swap3A_742 = tpu.vector_load %arg7[%swap3A_740, %swap3A_741] {strides = array<i32>} : memref<16x128xf32, #tpu.memory_space<vmem>>, vector<1x16xf32>,
    %swap3A_743 = vector.shape_cast %swap3A_742 : vector<1x16xf32> to vector<16xf32>
    %swap3A_744 = vector.shape_cast %broadcast_in_dim3A_1 : vector<16xf32> to vector<1x16xf32>
    tpu.vector_store %arg7[%swap3A_740, %swap3A_741], %swap3A_744 {strides = array<i32>} : memref<16x128xf32, #tpu.memory_space<vmem>>, vector<1x16xf32>,
    %swap3A_745 = arith.constant 15 : i32
    %swap3A_746 = arith.index_cast %swap3A_745 : i32 to index
    %swap3A_747 = arith.constant 64 : index
    %swap3A_748 = tpu.vector_load %arg7[%swap3A_746, %swap3A_747] {strides = array<i32>} : memref<16x128xf32, #tpu.memory_space<vmem>>, vector<1x16xf32>,
    %swap3A_749 = vector.shape_cast %swap3A_748 : vector<1x16xf32> to vector<16xf32>
    %swap3A_750 = vector.shape_cast %broadcast_in_dim3A_1 : vector<16xf32> to vector<1x16xf32>
    tpu.vector_store %arg7[%swap3A_746, %swap3A_747], %swap3A_750 {strides = array<i32>} : memref<16x128xf32, #tpu.memory_space<vmem>>, vector<1x16xf32>,
    %swap3A_751 = arith.constant 15 : i32
    %swap3A_752 = arith.index_cast %swap3A_751 : i32 to index
    %swap3A_753 = arith.constant 80 : index
    %swap3A_754 = tpu.vector_load %arg7[%swap3A_752, %swap3A_753] {strides = array<i32>} : memref<16x128xf32, #tpu.memory_space<vmem>>, vector<1x16xf32>,
    %swap3A_755 = vector.shape_cast %swap3A_754 : vector<1x16xf32> to vector<16xf32>
    %swap3A_756 = vector.shape_cast %broadcast_in_dim3A_1 : vector<16xf32> to vector<1x16xf32>
    tpu.vector_store %arg7[%swap3A_752, %swap3A_753], %swap3A_756 {strides = array<i32>} : memref<16x128xf32, #tpu.memory_space<vmem>>, vector<1x16xf32>,
    %swap3A_757 = arith.constant 15 : i32
    %swap3A_758 = arith.index_cast %swap3A_757 : i32 to index
    %swap3A_759 = arith.constant 96 : index
    %swap3A_760 = tpu.vector_load %arg7[%swap3A_758, %swap3A_759] {strides = array<i32>} : memref<16x128xf32, #tpu.memory_space<vmem>>, vector<1x16xf32>,
    %swap3A_761 = vector.shape_cast %swap3A_760 : vector<1x16xf32> to vector<16xf32>
    %swap3A_762 = vector.shape_cast %broadcast_in_dim3A_1 : vector<16xf32> to vector<1x16xf32>
    tpu.vector_store %arg7[%swap3A_758, %swap3A_759], %swap3A_762 {strides = array<i32>} : memref<16x128xf32, #tpu.memory_space<vmem>>, vector<1x16xf32>,
    %swap3A_763 = arith.constant 15 : i32
    %swap3A_764 = arith.index_cast %swap3A_763 : i32 to index
    %swap3A_765 = arith.constant 112 : index
    %swap3A_766 = tpu.vector_load %arg7[%swap3A_764, %swap3A_765] {strides = array<i32>} : memref<16x128xf32, #tpu.memory_space<vmem>>, vector<1x16xf32>,
    %swap3A_767 = vector.shape_cast %swap3A_766 : vector<1x16xf32> to vector<16xf32>
    %swap3A_768 = vector.shape_cast %broadcast_in_dim3A_1 : vector<16xf32> to vector<1x16xf32>
    tpu.vector_store %arg7[%swap3A_764, %swap3A_765], %swap3A_768 {strides = array<i32>} : memref<16x128xf32, #tpu.memory_space<vmem>>, vector<1x16xf32>,
    %mul3A_769 = arith.constant 640 : i32
    %mul3A_770 = arith.muli %arg1, %mul3A_769 : i32
    %scan3A = arith.constant 0 : i32
    %scan3A_771 = arith.constant 0 : i32
    %scan3A_772 = arith.constant 40 : i32
    %scan3A_773 = arith.addi %scan3A_771, %scan3A_772 : i32
    %scan3A_774 = arith.constant 1 : i32
    scf.for %scan3A_811 = %scan3A_771 to %scan3A_773 step %scan3A_774  : i32 {
      %mul3A_812 = arith.constant 16 : i32
      %mul3A_813 = arith.muli %scan3A_811, %mul3A_812 : i32
      %add3A_814 = arith.addi %mul3A_770, %mul3A_813 : i32
      "tpu.region"() ({
        %run_scoped3A = tpu.sem_alloc : memref<!tpu.dma_semaphore, #tpu.memory_space<semaphore_mem>>
        %dma_start3A_815 = arith.constant 0 : i32
        %dma_start3A_816 = tpu.memref_slice %arg8[%add3A_814, %dma_start3A_815] : memref<10240x128xf32, #tpu.memory_space<vmem_shared>> -> memref<16x128xf32, #tpu.memory_space<vmem_shared>>
        %dma_start3A_817 = arith.constant 0 : i32
        %dma_start3A_818 = tpu.memref_slice %arg8[%add3A_814, %dma_start3A_817] : memref<10240x128xf32, #tpu.memory_space<vmem_shared>> -> memref<16x128xf32, #tpu.memory_space<vmem_shared>>
        tpu.enqueue_dma source(%arg7 : memref<16x128xf32, #tpu.memory_space<vmem>>) target(%dma_start3A_818 : memref<16x128xf32, #tpu.memory_space<vmem_shared>>) target_semaphore(%run_scoped3A : memref<!tpu.dma_semaphore, #tpu.memory_space<semaphore_mem>>)
        %dma_wait3A_819 = arith.constant 0 : i32
        %dma_wait3A_820 = tpu.memref_slice %arg8[%add3A_814, %dma_wait3A_819] : memref<10240x128xf32, #tpu.memory_space<vmem_shared>> -> memref<16x128xf32, #tpu.memory_space<vmem_shared>>
        %dma_wait3A_821 = arith.constant 0 : i32
        %dma_wait3A_822 = tpu.memref_slice %arg8[%add3A_814, %dma_wait3A_821] : memref<10240x128xf32, #tpu.memory_space<vmem_shared>> -> memref<16x128xf32, #tpu.memory_space<vmem_shared>>
        tpu.wait_dma2 semaphore(%run_scoped3A : memref<!tpu.dma_semaphore, #tpu.memory_space<semaphore_mem>>) src(%arg7 : memref<16x128xf32, #tpu.memory_space<vmem>>) dst(%dma_wait3A_822 : memref<16x128xf32, #tpu.memory_space<vmem_shared>>)
        tpu.yield
      }) : () -> ()
    }
    %scan3A_775 = arith.constant 40 : i32
    %barrier3A = arith.constant 0 : index
    tpu.barrier barrier_id(%barrier3A)
    "tpu.region"() ({
      %run_scoped3A = tpu.sem_alloc : memref<!tpu.dma_semaphore, #tpu.memory_space<semaphore_mem>>
      %dma_start3A_811 = arith.constant 0 : i32
      %dma_start3A_812 = arith.constant 0 : i32
      %dma_start3A_813 = tpu.memref_slice %arg3[%add3A, %dma_start3A_811, %dma_start3A_812] : memref<32x40x128xi32, #tpu.memory_space<hbm>> -> memref<1x40x128xi32, #tpu.memory_space<hbm>>
      %dma_start3A_814 = tpu.memref_squeeze %dma_start3A_813 : memref<1x40x128xi32, #tpu.memory_space<hbm>> -> memref<40x128xi32, #tpu.memory_space<hbm>>
      %dma_start3A_815 = arith.constant 0 : i32
      %dma_start3A_816 = arith.constant 0 : i32
      %dma_start3A_817 = tpu.memref_slice %arg3[%add3A, %dma_start3A_815, %dma_start3A_816] : memref<32x40x128xi32, #tpu.memory_space<hbm>> -> memref<1x40x128xi32, #tpu.memory_space<hbm>>
      %dma_start3A_818 = tpu.memref_squeeze %dma_start3A_817 : memref<1x40x128xi32, #tpu.memory_space<hbm>> -> memref<40x128xi32, #tpu.memory_space<hbm>>
      tpu.enqueue_dma source(%dma_start3A_818 : memref<40x128xi32, #tpu.memory_space<hbm>>) target(%arg5 : memref<40x128xi32, #tpu.memory_space<vmem>>) target_semaphore(%run_scoped3A : memref<!tpu.dma_semaphore, #tpu.memory_space<semaphore_mem>>)
      %dma_wait3A_819 = arith.constant 0 : i32
      %dma_wait3A_820 = arith.constant 0 : i32
      %dma_wait3A_821 = tpu.memref_slice %arg3[%add3A, %dma_wait3A_819, %dma_wait3A_820] : memref<32x40x128xi32, #tpu.memory_space<hbm>> -> memref<1x40x128xi32, #tpu.memory_space<hbm>>
      %dma_wait3A_822 = tpu.memref_squeeze %dma_wait3A_821 : memref<1x40x128xi32, #tpu.memory_space<hbm>> -> memref<40x128xi32, #tpu.memory_space<hbm>>
      %dma_wait3A_823 = arith.constant 0 : i32
      %dma_wait3A_824 = arith.constant 0 : i32
      %dma_wait3A_825 = tpu.memref_slice %arg3[%add3A, %dma_wait3A_823, %dma_wait3A_824] : memref<32x40x128xi32, #tpu.memory_space<hbm>> -> memref<1x40x128xi32, #tpu.memory_space<hbm>>
      %dma_wait3A_826 = tpu.memref_squeeze %dma_wait3A_825 : memref<1x40x128xi32, #tpu.memory_space<hbm>> -> memref<40x128xi32, #tpu.memory_space<hbm>>
      tpu.wait_dma2 semaphore(%run_scoped3A : memref<!tpu.dma_semaphore, #tpu.memory_space<semaphore_mem>>) src(%dma_wait3A_826 : memref<40x128xi32, #tpu.memory_space<hbm>>) dst(%arg5 : memref<40x128xi32, #tpu.memory_space<vmem>>)
      tpu.yield
    }) : () -> ()
    %mul3A_776 = arith.constant 5120 : i32
    %mul3A_777 = arith.muli %add3A, %mul3A_776 : i32
    %dma_start3A = arith.constant 0 : i32
    %dma_start3A_778 = arith.constant 0 : i32
    %dma_start3A_779 = tpu.memref_slice %arg6[%dma_start3A, %dma_start3A_778] : memref<256x128xf32, #tpu.memory_space<vmem>> -> memref<128x128xf32, #tpu.memory_space<vmem>>
    %dma_start3A_780 = arith.constant 0 : i32
    %dma_start3A_781 = tpu.memref_slice %arg2[%mul3A_777, %dma_start3A_780] : memref<163840x128xf32, #tpu.memory_space<hbm>> -> memref<128x128xf32, #tpu.memory_space<hbm>>
    %dma_start3A_782 = arith.constant 0 : i32
    %dma_start3A_783 = arith.constant 0 : i32
    %dma_start3A_784 = tpu.memref_slice %arg6[%dma_start3A_782, %dma_start3A_783] : memref<256x128xf32, #tpu.memory_space<vmem>> -> memref<128x128xf32, #tpu.memory_space<vmem>>
    %dma_start3A_785 = arith.constant 0 : i32
    %dma_start3A_786 = tpu.memref_slice %arg2[%mul3A_777, %dma_start3A_785] : memref<163840x128xf32, #tpu.memory_space<hbm>> -> memref<128x128xf32, #tpu.memory_space<hbm>>
    tpu.enqueue_dma source(%dma_start3A_786 : memref<128x128xf32, #tpu.memory_space<hbm>>) target(%dma_start3A_784 : memref<128x128xf32, #tpu.memory_space<vmem>>) target_semaphore(%arg9 : memref<!tpu.dma_semaphore, #tpu.memory_space<semaphore_mem>>)
    %scan3A_787 = arith.constant 0 : i32
    %scan3A_788 = arith.constant 0 : i32
    %scan3A_789 = arith.constant 40 : i32
    %scan3A_790 = arith.addi %scan3A_788, %scan3A_789 : i32
    %scan3A_791 = arith.constant 1 : i32
    scf.for %scan3A_811 = %scan3A_788 to %scan3A_790 step %scan3A_791  : i32 {
      %jit3A = arith.constant 2 : i32
      %eq3A = arith.constant 0 : i32
      %eq3A_812 = arith.cmpi eq, %jit3A, %eq3A : i32
      %jit3A_813 = arith.constant 1 : i32
      %select_n3A = arith.select %eq3A_812, %jit3A_813, %jit3A : i32
      %rem3A = arith.remsi %scan3A_811, %select_n3A : i32
      %ne3A = arith.constant 0 : i32
      %ne3A_814 = arith.cmpi ne, %rem3A, %ne3A : i32
      %lt3A = arith.constant 0 : i32
      %lt3A_815 = arith.cmpi slt, %rem3A, %lt3A : i32
      %lt3A_816 = arith.constant 0 : i32
      %lt3A_817 = arith.cmpi slt, %select_n3A, %lt3A_816 : i32
      %ne3A_818 = arith.xori %lt3A_815, %lt3A_817 : i1
      %and3A = arith.andi %ne3A_818, %ne3A_814 : i1
      %add3A_819 = arith.addi %rem3A, %select_n3A : i32
      %select_n3A_820 = arith.select %and3A, %add3A_819, %rem3A : i32
      %mul3A_821 = arith.constant 128 : i32
      %mul3A_822 = arith.muli %select_n3A_820, %mul3A_821 : i32
      %add3A_823 = arith.constant 1 : i32
      %add3A_824 = arith.addi %scan3A_811, %add3A_823 : i32
      %jit3A_825 = arith.constant 2 : i32
      %eq3A_826 = arith.constant 0 : i32
      %eq3A_827 = arith.cmpi eq, %jit3A_825, %eq3A_826 : i32
      %jit3A_828 = arith.constant 1 : i32
      %select_n3A_829 = arith.select %eq3A_827, %jit3A_828, %jit3A_825 : i32
      %rem3A_830 = arith.remsi %add3A_824, %select_n3A_829 : i32
      %ne3A_831 = arith.constant 0 : i32
      %ne3A_832 = arith.cmpi ne, %rem3A_830, %ne3A_831 : i32
      %lt3A_833 = arith.constant 0 : i32
      %lt3A_834 = arith.cmpi slt, %rem3A_830, %lt3A_833 : i32
      %lt3A_835 = arith.constant 0 : i32
      %lt3A_836 = arith.cmpi slt, %select_n3A_829, %lt3A_835 : i32
      %ne3A_837 = arith.xori %lt3A_834, %lt3A_836 : i1
      %and3A_838 = arith.andi %ne3A_837, %ne3A_832 : i1
      %add3A_839 = arith.addi %rem3A_830, %select_n3A_829 : i32
      %select_n3A_840 = arith.select %and3A_838, %add3A_839, %rem3A_830 : i32
      %mul3A_841 = arith.constant 128 : i32
      %mul3A_842 = arith.muli %select_n3A_840, %mul3A_841 : i32
      %ge3A = arith.constant 1 : i32
      %ge3A_843 = arith.cmpi sge, %scan3A_811, %ge3A : i32
      %convert_element_type3A = arith.extui %ge3A_843 : i1 to i32
      %cond3A = arith.constant 0 : i32
      %cond3A_844 = arith.cmpi ne, %convert_element_type3A, %cond3A : i32
      scf.if %cond3A_844 {
        %dma_wait3A_870 = arith.constant 0 : i32
        %dma_wait3A_871 = tpu.memref_slice %arg6[%mul3A_842, %dma_wait3A_870] : memref<256x128xf32, #tpu.memory_space<vmem>> -> memref<128x128xf32, #tpu.memory_space<vmem>>
        %dma_wait3A_872 = arith.constant 0 : i32
        %dma_wait3A_873 = arith.constant 0 : i32
        %dma_wait3A_874 = tpu.memref_slice %arg2[%dma_wait3A_872, %dma_wait3A_873] : memref<163840x128xf32, #tpu.memory_space<hbm>> -> memref<128x128xf32, #tpu.memory_space<hbm>>
        %dma_wait3A_875 = arith.constant 0 : i32
        %dma_wait3A_876 = tpu.memref_slice %arg6[%mul3A_842, %dma_wait3A_875] : memref<256x128xf32, #tpu.memory_space<vmem>> -> memref<128x128xf32, #tpu.memory_space<vmem>>
        %dma_wait3A_877 = arith.constant 0 : i32
        %dma_wait3A_878 = arith.constant 0 : i32
        %dma_wait3A_879 = tpu.memref_slice %arg2[%dma_wait3A_877, %dma_wait3A_878] : memref<163840x128xf32, #tpu.memory_space<hbm>> -> memref<128x128xf32, #tpu.memory_space<hbm>>
        tpu.wait_dma2 semaphore(%arg10 : memref<!tpu.dma_semaphore, #tpu.memory_space<semaphore_mem>>) src(%dma_wait3A_879 : memref<128x128xf32, #tpu.memory_space<hbm>>) dst(%dma_wait3A_876 : memref<128x128xf32, #tpu.memory_space<vmem>>)
      } else {
      }
      %add3A_845 = arith.constant 1 : i32
      %add3A_846 = arith.addi %scan3A_811, %add3A_845 : i32
      %lt3A_847 = arith.constant 40 : i32
      %lt3A_848 = arith.cmpi slt, %add3A_846, %lt3A_847 : i32
      %convert_element_type3A_849 = arith.extui %lt3A_848 : i1 to i32
      %cond3A_850 = arith.constant 0 : i32
      %cond3A_851 = arith.cmpi ne, %convert_element_type3A_849, %cond3A_850 : i32
      scf.if %cond3A_851 {
        %add3A_870 = arith.constant 1 : i32
        %add3A_871 = arith.addi %scan3A_811, %add3A_870 : i32
        %mul3A_872 = arith.constant 128 : i32
        %mul3A_873 = arith.muli %add3A_871, %mul3A_872 : i32
        %add3A_874 = arith.addi %mul3A_777, %mul3A_873 : i32
        %dma_start3A_875 = arith.constant 0 : i32
        %dma_start3A_876 = tpu.memref_slice %arg6[%mul3A_842, %dma_start3A_875] : memref<256x128xf32, #tpu.memory_space<vmem>> -> memref<128x128xf32, #tpu.memory_space<vmem>>
        %dma_start3A_877 = arith.constant 0 : i32
        %dma_start3A_878 = tpu.memref_slice %arg2[%add3A_874, %dma_start3A_877] : memref<163840x128xf32, #tpu.memory_space<hbm>> -> memref<128x128xf32, #tpu.memory_space<hbm>>
        %dma_start3A_879 = arith.constant 0 : i32
        %dma_start3A_880 = tpu.memref_slice %arg6[%mul3A_842, %dma_start3A_879] : memref<256x128xf32, #tpu.memory_space<vmem>> -> memref<128x128xf32, #tpu.memory_space<vmem>>
        %dma_start3A_881 = arith.constant 0 : i32
        %dma_start3A_882 = tpu.memref_slice %arg2[%add3A_874, %dma_start3A_881] : memref<163840x128xf32, #tpu.memory_space<hbm>> -> memref<128x128xf32, #tpu.memory_space<hbm>>
        tpu.enqueue_dma source(%dma_start3A_882 : memref<128x128xf32, #tpu.memory_space<hbm>>) target(%dma_start3A_880 : memref<128x128xf32, #tpu.memory_space<vmem>>) target_semaphore(%arg9 : memref<!tpu.dma_semaphore, #tpu.memory_space<semaphore_mem>>)
      } else {
      }
      %dma_wait3A_852 = arith.constant 0 : i32
      %dma_wait3A_853 = tpu.memref_slice %arg6[%mul3A_822, %dma_wait3A_852] : memref<256x128xf32, #tpu.memory_space<vmem>> -> memref<128x128xf32, #tpu.memory_space<vmem>>
      %dma_wait3A_854 = arith.constant 0 : i32
      %dma_wait3A_855 = arith.constant 0 : i32
      %dma_wait3A_856 = tpu.memref_slice %arg2[%dma_wait3A_854, %dma_wait3A_855] : memref<163840x128xf32, #tpu.memory_space<hbm>> -> memref<128x128xf32, #tpu.memory_space<hbm>>
      %dma_wait3A_857 = arith.constant 0 : i32
      %dma_wait3A_858 = tpu.memref_slice %arg6[%mul3A_822, %dma_wait3A_857] : memref<256x128xf32, #tpu.memory_space<vmem>> -> memref<128x128xf32, #tpu.memory_space<vmem>>
      %dma_wait3A_859 = arith.constant 0 : i32
      %dma_wait3A_860 = arith.constant 0 : i32
      %dma_wait3A_861 = tpu.memref_slice %arg2[%dma_wait3A_859, %dma_wait3A_860] : memref<163840x128xf32, #tpu.memory_space<hbm>> -> memref<128x128xf32, #tpu.memory_space<hbm>>
      tpu.wait_dma2 semaphore(%arg9 : memref<!tpu.dma_semaphore, #tpu.memory_space<semaphore_mem>>) src(%dma_wait3A_861 : memref<128x128xf32, #tpu.memory_space<hbm>>) dst(%dma_wait3A_858 : memref<128x128xf32, #tpu.memory_space<vmem>>)
      %dma_start3A_862 = arith.constant 0 : i32
      %dma_start3A_863 = tpu.memref_slice %arg6[%mul3A_822, %dma_start3A_862] : memref<256x128xf32, #tpu.memory_space<vmem>> -> memref<128x128xf32, #tpu.memory_space<vmem>>
      %dma_start3A_864 = arith.constant 0 : i32
      %dma_start3A_865 = tpu.memref_slice %arg5[%scan3A_811, %dma_start3A_864] : memref<40x128xi32, #tpu.memory_space<vmem>> -> memref<1x128xi32, #tpu.memory_space<vmem>>
      %dma_start3A_866 = tpu.memref_squeeze %dma_start3A_865 : memref<1x128xi32, #tpu.memory_space<vmem>> -> memref<128xi32, #tpu.memory_space<vmem>>
      %dma_start3A_867 = arith.constant 0 : i32
      %dma_start3A_868 = arith.constant 0 : i32
      %dma_start3A_869 = tpu.memref_slice %arg8[%dma_start3A_867, %dma_start3A_868] : memref<10240x128xf32, #tpu.memory_space<vmem_shared>> -> memref<10240x128xf32, #tpu.memory_space<vmem_shared>>
      tpu.enqueue_indirect_dma source(%dma_start3A_863 : memref<128x128xf32, #tpu.memory_space<vmem>>) target(%dma_start3A_869 : memref<10240x128xf32, #tpu.memory_space<vmem_shared>>) offsets(%dma_start3A_866 : memref<128xi32, #tpu.memory_space<vmem>>) semaphore(%arg10 : memref<!tpu.dma_semaphore, #tpu.memory_space<semaphore_mem>>) {add = true}
    }
    %scan3A_792 = arith.constant 40 : i32
    %dma_wait3A = arith.constant 0 : i32
    %dma_wait3A_793 = arith.constant 0 : i32
    %dma_wait3A_794 = tpu.memref_slice %arg6[%dma_wait3A, %dma_wait3A_793] : memref<256x128xf32, #tpu.memory_space<vmem>> -> memref<128x128xf32, #tpu.memory_space<vmem>>
    %dma_wait3A_795 = arith.constant 0 : i32
    %dma_wait3A_796 = arith.constant 0 : i32
    %dma_wait3A_797 = tpu.memref_slice %arg2[%dma_wait3A_795, %dma_wait3A_796] : memref<163840x128xf32, #tpu.memory_space<hbm>> -> memref<128x128xf32, #tpu.memory_space<hbm>>
    %dma_wait3A_798 = arith.constant 0 : i32
    %dma_wait3A_799 = arith.constant 0 : i32
    %dma_wait3A_800 = tpu.memref_slice %arg6[%dma_wait3A_798, %dma_wait3A_799] : memref<256x128xf32, #tpu.memory_space<vmem>> -> memref<128x128xf32, #tpu.memory_space<vmem>>
    %dma_wait3A_801 = arith.constant 0 : i32
    %dma_wait3A_802 = arith.constant 0 : i32
    %dma_wait3A_803 = tpu.memref_slice %arg2[%dma_wait3A_801, %dma_wait3A_802] : memref<163840x128xf32, #tpu.memory_space<hbm>> -> memref<128x128xf32, #tpu.memory_space<hbm>>
    tpu.wait_dma2 semaphore(%arg10 : memref<!tpu.dma_semaphore, #tpu.memory_space<semaphore_mem>>) src(%dma_wait3A_803 : memref<128x128xf32, #tpu.memory_space<hbm>>) dst(%dma_wait3A_800 : memref<128x128xf32, #tpu.memory_space<vmem>>)
    %barrier3A_804 = arith.constant 0 : index
    tpu.barrier barrier_id(%barrier3A_804)
    %scan3A_805 = arith.constant 0 : i32
    %scan3A_806 = arith.constant 0 : i32
    %scan3A_807 = arith.constant 5 : i32
    %scan3A_808 = arith.addi %scan3A_806, %scan3A_807 : i32
    %scan3A_809 = arith.constant 1 : i32
    scf.for %scan3A_811 = %scan3A_806 to %scan3A_808 step %scan3A_809  : i32 {
      %mul3A_812 = arith.constant 128 : i32
      %mul3A_813 = arith.muli %scan3A_811, %mul3A_812 : i32
      %add3A_814 = arith.addi %mul3A_770, %mul3A_813 : i32
      "tpu.region"() ({
        %run_scoped3A = tpu.sem_alloc : memref<!tpu.dma_semaphore, #tpu.memory_space<semaphore_mem>>
        %dma_start3A_818 = arith.constant 0 : i32
        %dma_start3A_819 = arith.constant 0 : i32
        %dma_start3A_820 = tpu.memref_slice %arg6[%dma_start3A_818, %dma_start3A_819] : memref<256x128xf32, #tpu.memory_space<vmem>> -> memref<128x128xf32, #tpu.memory_space<vmem>>
        %dma_start3A_821 = arith.constant 0 : i32
        %dma_start3A_822 = tpu.memref_slice %arg8[%add3A_814, %dma_start3A_821] : memref<10240x128xf32, #tpu.memory_space<vmem_shared>> -> memref<128x128xf32, #tpu.memory_space<vmem_shared>>
        %dma_start3A_823 = arith.constant 0 : i32
        %dma_start3A_824 = arith.constant 0 : i32
        %dma_start3A_825 = tpu.memref_slice %arg6[%dma_start3A_823, %dma_start3A_824] : memref<256x128xf32, #tpu.memory_space<vmem>> -> memref<128x128xf32, #tpu.memory_space<vmem>>
        %dma_start3A_826 = arith.constant 0 : i32
        %dma_start3A_827 = tpu.memref_slice %arg8[%add3A_814, %dma_start3A_826] : memref<10240x128xf32, #tpu.memory_space<vmem_shared>> -> memref<128x128xf32, #tpu.memory_space<vmem_shared>>
        tpu.enqueue_dma source(%dma_start3A_827 : memref<128x128xf32, #tpu.memory_space<vmem_shared>>) target(%dma_start3A_825 : memref<128x128xf32, #tpu.memory_space<vmem>>) target_semaphore(%run_scoped3A : memref<!tpu.dma_semaphore, #tpu.memory_space<semaphore_mem>>)
        %dma_wait3A_828 = arith.constant 0 : i32
        %dma_wait3A_829 = arith.constant 0 : i32
        %dma_wait3A_830 = tpu.memref_slice %arg6[%dma_wait3A_828, %dma_wait3A_829] : memref<256x128xf32, #tpu.memory_space<vmem>> -> memref<128x128xf32, #tpu.memory_space<vmem>>
        %dma_wait3A_831 = arith.constant 0 : i32
        %dma_wait3A_832 = tpu.memref_slice %arg8[%add3A_814, %dma_wait3A_831] : memref<10240x128xf32, #tpu.memory_space<vmem_shared>> -> memref<128x128xf32, #tpu.memory_space<vmem_shared>>
        %dma_wait3A_833 = arith.constant 0 : i32
        %dma_wait3A_834 = arith.constant 0 : i32
        %dma_wait3A_835 = tpu.memref_slice %arg6[%dma_wait3A_833, %dma_wait3A_834] : memref<256x128xf32, #tpu.memory_space<vmem>> -> memref<128x128xf32, #tpu.memory_space<vmem>>
        %dma_wait3A_836 = arith.constant 0 : i32
        %dma_wait3A_837 = tpu.memref_slice %arg8[%add3A_814, %dma_wait3A_836] : memref<10240x128xf32, #tpu.memory_space<vmem_shared>> -> memref<128x128xf32, #tpu.memory_space<vmem_shared>>
        tpu.wait_dma2 semaphore(%run_scoped3A : memref<!tpu.dma_semaphore, #tpu.memory_space<semaphore_mem>>) src(%dma_wait3A_837 : memref<128x128xf32, #tpu.memory_space<vmem_shared>>) dst(%dma_wait3A_835 : memref<128x128xf32, #tpu.memory_space<vmem>>)
        tpu.yield
      }) : () -> ()
      %mul3A_815 = arith.constant 128 : i32
      %mul3A_816 = arith.muli %scan3A_811, %mul3A_815 : i32
      %add3A_817 = arith.addi %mul3A_770, %mul3A_816 : i32
      "tpu.region"() ({
        %run_scoped3A = tpu.sem_alloc : memref<!tpu.dma_semaphore, #tpu.memory_space<semaphore_mem>>
        %dma_start3A_818 = arith.constant 0 : i32
        %dma_start3A_819 = arith.constant 0 : i32
        %dma_start3A_820 = tpu.memref_slice %arg6[%dma_start3A_818, %dma_start3A_819] : memref<256x128xf32, #tpu.memory_space<vmem>> -> memref<128x128xf32, #tpu.memory_space<vmem>>
        %dma_start3A_821 = arith.constant 0 : i32
        %dma_start3A_822 = tpu.memref_slice %arg4[%arg0, %add3A_817, %dma_start3A_821] : memref<2x10240x128xf32, #tpu.memory_space<hbm>> -> memref<1x128x128xf32, #tpu.memory_space<hbm>>
        %dma_start3A_823 = tpu.memref_squeeze %dma_start3A_822 : memref<1x128x128xf32, #tpu.memory_space<hbm>> -> memref<128x128xf32, #tpu.memory_space<hbm>>
        %dma_start3A_824 = arith.constant 0 : i32
        %dma_start3A_825 = tpu.memref_slice %arg4[%arg0, %add3A_817, %dma_start3A_824] : memref<2x10240x128xf32, #tpu.memory_space<hbm>> -> memref<1x128x128xf32, #tpu.memory_space<hbm>>
        %dma_start3A_826 = tpu.memref_squeeze %dma_start3A_825 : memref<1x128x128xf32, #tpu.memory_space<hbm>> -> memref<128x128xf32, #tpu.memory_space<hbm>>
        %dma_start3A_827 = arith.constant 0 : i32
        %dma_start3A_828 = arith.constant 0 : i32
        %dma_start3A_829 = tpu.memref_slice %arg6[%dma_start3A_827, %dma_start3A_828] : memref<256x128xf32, #tpu.memory_space<vmem>> -> memref<128x128xf32, #tpu.memory_space<vmem>>
        tpu.enqueue_dma source(%dma_start3A_829 : memref<128x128xf32, #tpu.memory_space<vmem>>) target(%dma_start3A_826 : memref<128x128xf32, #tpu.memory_space<hbm>>) target_semaphore(%run_scoped3A : memref<!tpu.dma_semaphore, #tpu.memory_space<semaphore_mem>>)
        %dma_wait3A_830 = arith.constant 0 : i32
        %dma_wait3A_831 = arith.constant 0 : i32
        %dma_wait3A_832 = tpu.memref_slice %arg6[%dma_wait3A_830, %dma_wait3A_831] : memref<256x128xf32, #tpu.memory_space<vmem>> -> memref<128x128xf32, #tpu.memory_space<vmem>>
        %dma_wait3A_833 = arith.constant 0 : i32
        %dma_wait3A_834 = tpu.memref_slice %arg4[%arg0, %add3A_817, %dma_wait3A_833] : memref<2x10240x128xf32, #tpu.memory_space<hbm>> -> memref<1x128x128xf32, #tpu.memory_space<hbm>>
        %dma_wait3A_835 = tpu.memref_squeeze %dma_wait3A_834 : memref<1x128x128xf32, #tpu.memory_space<hbm>> -> memref<128x128xf32, #tpu.memory_space<hbm>>
        %dma_wait3A_836 = arith.constant 0 : i32
        %dma_wait3A_837 = tpu.memref_slice %arg4[%arg0, %add3A_817, %dma_wait3A_836] : memref<2x10240x128xf32, #tpu.memory_space<hbm>> -> memref<1x128x128xf32, #tpu.memory_space<hbm>>
        %dma_wait3A_838 = tpu.memref_squeeze %dma_wait3A_837 : memref<1x128x128xf32, #tpu.memory_space<hbm>> -> memref<128x128xf32, #tpu.memory_space<hbm>>
        %dma_wait3A_839 = arith.constant 0 : i32
        %dma_wait3A_840 = arith.constant 0 : i32
        %dma_wait3A_841 = tpu.memref_slice %arg6[%dma_wait3A_839, %dma_wait3A_840] : memref<256x128xf32, #tpu.memory_space<vmem>> -> memref<128x128xf32, #tpu.memory_space<vmem>>
        tpu.wait_dma2 semaphore(%run_scoped3A : memref<!tpu.dma_semaphore, #tpu.memory_space<semaphore_mem>>) src(%dma_wait3A_841 : memref<128x128xf32, #tpu.memory_space<vmem>>) dst(%dma_wait3A_838 : memref<128x128xf32, #tpu.memory_space<hbm>>)
        tpu.yield
      }) : () -> ()
    }
    %scan3A_810 = arith.constant 5 : i32
    return
  }
}

module attributes {stable_mosaic.version = 14 : i64} {
  func.func @_edge_body(%arg0: i32, %arg1: memref<3200x32xf32, #tpu.memory_space<vmem>>, %arg2: memref<3200x96xf32, #tpu.memory_space<vmem>>, %arg3: memref<3200x32xf32, #tpu.memory_space<vmem>>, %arg4: memref<3200x96xf32, #tpu.memory_space<vmem>>, %arg5: memref<3200x128xf32, #tpu.memory_space<vmem>>, %arg6: memref<3200x128xf32, #tpu.memory_space<vmem>>, %arg7: memref<3200x128xf32, #tpu.memory_space<vmem>>) attributes {dimension_semantics = [#tpu.dimension_semantics<arbitrary>], iteration_bounds = array<i64: 50>, scalar_prefetch = 0 : i64, scratch_operands = 0 : i64, tpu.core_type = #tpu.core_type<tc>, window_params = [{transform_indices = @transform_0, window_bounds = array<i64: 3200, 32>}, {transform_indices = @transform_1, window_bounds = array<i64: 3200, 96>}, {transform_indices = @transform_2, window_bounds = array<i64: 3200, 32>}, {transform_indices = @transform_3, window_bounds = array<i64: 3200, 96>}, {transform_indices = @transform_4, window_bounds = array<i64: 3200, 128>}, {transform_indices = @transform_5, window_bounds = array<i64: 3200, 128>}, {transform_indices = @transform_6, window_bounds = array<i64: 3200, 128>}]} {
    %get3A = arith.constant 0 : index
    %get3A_0 = arith.constant 0 : index
    %get3A_1 = vector.load %arg5[%get3A, %get3A_0] : memref<3200x128xf32, #tpu.memory_space<vmem>>, vector<3200x128xf32>
    %get3A_2 = arith.constant 0 : index
    %get3A_3 = arith.constant 0 : index
    %get3A_4 = vector.load %arg1[%get3A_2, %get3A_3] : memref<3200x32xf32, #tpu.memory_space<vmem>>, vector<3200x32xf32>
    %slice3A = vector.extract_strided_slice %get3A_1 {offsets = [0, 0], sizes = [3200, 32], strides = [1, 1]} : vector<3200x128xf32> to vector<3200x32xf32>
    %mul3A = arith.mulf %get3A_4, %slice3A : vector<3200x32xf32>
    %get3A_5 = arith.constant 0 : index
    %get3A_6 = arith.constant 0 : index
    %get3A_7 = vector.load %arg2[%get3A_5, %get3A_6] : memref<3200x96xf32, #tpu.memory_space<vmem>>, vector<3200x96xf32>
    %slice3A_8 = vector.extract_strided_slice %get3A_1 {offsets = [0, 32], sizes = [3200, 96], strides = [1, 1]} : vector<3200x128xf32> to vector<3200x96xf32>
    %mul3A_9 = arith.mulf %get3A_7, %slice3A_8 : vector<3200x96xf32>
    %iota3A = tpu.iota {dimensions = array<i32: 0>} : vector<32x8xi32>
    %iota3A_10 = tpu.iota {dimensions = array<i32: 1>} : vector<32x8xi32>
    %jit3A = arith.constant 4 : i32
    %div3A = vector.broadcast %jit3A : i32 to vector<32x8xi32>
    %div3A_11 = arith.divsi %iota3A, %div3A : vector<32x8xi32>
    %sign3A = arith.constant 0 : i32
    %sign3A_12 = vector.broadcast %sign3A : i32 to vector<32x8xi32>
    %sign3A_13 = arith.cmpi sgt, %iota3A, %sign3A_12 : vector<32x8xi32>
    %sign3A_14 = arith.extui %sign3A_13 : vector<32x8xi1> to vector<32x8xi32>
    %sign3A_15 = arith.constant 0 : i32
    %sign3A_16 = vector.broadcast %sign3A_15 : i32 to vector<32x8xi32>
    %sign3A_17 = arith.cmpi slt, %iota3A, %sign3A_16 : vector<32x8xi32>
    %sign3A_18 = arith.extui %sign3A_17 : vector<32x8xi1> to vector<32x8xi32>
    %sign3A_19 = arith.subi %sign3A_14, %sign3A_18 : vector<32x8xi32>
    %sign3A_20 = arith.constant 0 : i32
    %sign3A_21 = arith.cmpi sgt, %jit3A, %sign3A_20 : i32
    %sign3A_22 = arith.extui %sign3A_21 : i1 to i32
    %sign3A_23 = arith.constant 0 : i32
    %sign3A_24 = arith.cmpi slt, %jit3A, %sign3A_23 : i32
    %sign3A_25 = arith.extui %sign3A_24 : i1 to i32
    %sign3A_26 = arith.subi %sign3A_22, %sign3A_25 : i32
    %ne3A = vector.broadcast %sign3A_26 : i32 to vector<32x8xi32>
    %ne3A_27 = arith.cmpi ne, %sign3A_19, %ne3A : vector<32x8xi32>
    %rem3A = vector.broadcast %jit3A : i32 to vector<32x8xi32>
    %rem3A_28 = arith.remsi %iota3A, %rem3A : vector<32x8xi32>
    %ne3A_29 = arith.constant 0 : i32
    %ne3A_30 = vector.broadcast %ne3A_29 : i32 to vector<32x8xi32>
    %ne3A_31 = arith.cmpi ne, %rem3A_28, %ne3A_30 : vector<32x8xi32>
    %and3A = arith.andi %ne3A_27, %ne3A_31 : vector<32x8xi1>
    %sub3A = arith.constant 1 : i32
    %sub3A_32 = vector.broadcast %sub3A : i32 to vector<32x8xi32>
    %sub3A_33 = arith.subi %div3A_11, %sub3A_32 : vector<32x8xi32>
    %select_n3A = arith.select %and3A, %sub3A_33, %div3A_11 : vector<32x8xi1>, vector<32x8xi32>
    %eq3A = arith.cmpi eq, %select_n3A, %iota3A_10 : vector<32x8xi32>
    %jit3A_34 = arith.constant 1.000000e+00 : f32
    %jit3A_35 = arith.constant 0.000000e+00 : f32
    %broadcast_in_dim3A = vector.broadcast %jit3A_34 : f32 to vector<32x8xf32>
    %broadcast_in_dim3A_36 = vector.broadcast %jit3A_35 : f32 to vector<32x8xf32>
    %select_n3A_37 = arith.select %eq3A, %broadcast_in_dim3A, %broadcast_in_dim3A_36 : vector<32x8xi1>, vector<32x8xf32>
    %iota3A_38 = tpu.iota {dimensions = array<i32: 0>} : vector<96x8xi32>
    %iota3A_39 = tpu.iota {dimensions = array<i32: 1>} : vector<96x8xi32>
    %jit3A_40 = arith.constant 12 : i32
    %div3A_41 = vector.broadcast %jit3A_40 : i32 to vector<96x8xi32>
    %div3A_42 = arith.divsi %iota3A_38, %div3A_41 : vector<96x8xi32>
    %sign3A_43 = arith.constant 0 : i32
    %sign3A_44 = vector.broadcast %sign3A_43 : i32 to vector<96x8xi32>
    %sign3A_45 = arith.cmpi sgt, %iota3A_38, %sign3A_44 : vector<96x8xi32>
    %sign3A_46 = arith.extui %sign3A_45 : vector<96x8xi1> to vector<96x8xi32>
    %sign3A_47 = arith.constant 0 : i32
    %sign3A_48 = vector.broadcast %sign3A_47 : i32 to vector<96x8xi32>
    %sign3A_49 = arith.cmpi slt, %iota3A_38, %sign3A_48 : vector<96x8xi32>
    %sign3A_50 = arith.extui %sign3A_49 : vector<96x8xi1> to vector<96x8xi32>
    %sign3A_51 = arith.subi %sign3A_46, %sign3A_50 : vector<96x8xi32>
    %sign3A_52 = arith.constant 0 : i32
    %sign3A_53 = arith.cmpi sgt, %jit3A_40, %sign3A_52 : i32
    %sign3A_54 = arith.extui %sign3A_53 : i1 to i32
    %sign3A_55 = arith.constant 0 : i32
    %sign3A_56 = arith.cmpi slt, %jit3A_40, %sign3A_55 : i32
    %sign3A_57 = arith.extui %sign3A_56 : i1 to i32
    %sign3A_58 = arith.subi %sign3A_54, %sign3A_57 : i32
    %ne3A_59 = vector.broadcast %sign3A_58 : i32 to vector<96x8xi32>
    %ne3A_60 = arith.cmpi ne, %sign3A_51, %ne3A_59 : vector<96x8xi32>
    %rem3A_61 = vector.broadcast %jit3A_40 : i32 to vector<96x8xi32>
    %rem3A_62 = arith.remsi %iota3A_38, %rem3A_61 : vector<96x8xi32>
    %ne3A_63 = arith.constant 0 : i32
    %ne3A_64 = vector.broadcast %ne3A_63 : i32 to vector<96x8xi32>
    %ne3A_65 = arith.cmpi ne, %rem3A_62, %ne3A_64 : vector<96x8xi32>
    %and3A_66 = arith.andi %ne3A_60, %ne3A_65 : vector<96x8xi1>
    %sub3A_67 = arith.constant 1 : i32
    %sub3A_68 = vector.broadcast %sub3A_67 : i32 to vector<96x8xi32>
    %sub3A_69 = arith.subi %div3A_42, %sub3A_68 : vector<96x8xi32>
    %select_n3A_70 = arith.select %and3A_66, %sub3A_69, %div3A_42 : vector<96x8xi1>, vector<96x8xi32>
    %eq3A_71 = arith.cmpi eq, %select_n3A_70, %iota3A_39 : vector<96x8xi32>
    %jit3A_72 = arith.constant 1.000000e+00 : f32
    %jit3A_73 = arith.constant 0.000000e+00 : f32
    %broadcast_in_dim3A_74 = vector.broadcast %jit3A_72 : f32 to vector<96x8xf32>
    %broadcast_in_dim3A_75 = vector.broadcast %jit3A_73 : f32 to vector<96x8xf32>
    %select_n3A_76 = arith.select %eq3A_71, %broadcast_in_dim3A_74, %broadcast_in_dim3A_75 : vector<96x8xi1>, vector<96x8xf32>
    %dot_general3A = arith.constant dense<0.000000e+00> : vector<3200x8xf32>
    %dot_general3A_77 = tpu.matmul %mul3A, %select_n3A_37, %dot_general3A {dimension_numbers = #tpu.dot_dimension_numbers<[1], [0], [0], [1], [0, 0, 1, 1], [], []>, transpose_lhs_hint = false} : vector<3200x32xf32>, vector<32x8xf32>, vector<3200x8xf32> -> vector<3200x8xf32>
    %dot_general3A_78 = arith.constant dense<0.000000e+00> : vector<3200x8xf32>
    %dot_general3A_79 = tpu.matmul %mul3A_9, %select_n3A_76, %dot_general3A_78 {dimension_numbers = #tpu.dot_dimension_numbers<[1], [0], [0], [1], [0, 0, 1, 1], [], []>, transpose_lhs_hint = false} : vector<3200x96xf32>, vector<96x8xf32>, vector<3200x8xf32> -> vector<3200x8xf32>
    %add3A = arith.addf %dot_general3A_77, %dot_general3A_79 : vector<3200x8xf32>
    %mul3A_80 = arith.constant 0.0883883461 : f32
    %mul3A_81 = vector.broadcast %mul3A_80 : f32 to vector<3200x8xf32>
    %mul3A_82 = arith.mulf %add3A, %mul3A_81 : vector<3200x8xf32>
    %exp3A = math.exp %mul3A_82 : vector<3200x8xf32>
    %transpose3A = tpu.transpose %select_n3A_37, [1, 0] : vector<32x8xf32> -> vector<8x32xf32>
    %dot_general3A_83 = arith.constant dense<0.000000e+00> : vector<3200x32xf32>
    %dot_general3A_84 = tpu.matmul %exp3A, %transpose3A, %dot_general3A_83 {dimension_numbers = #tpu.dot_dimension_numbers<[1], [0], [0], [1], [0, 0, 1, 1], [], []>, transpose_lhs_hint = false} : vector<3200x8xf32>, vector<8x32xf32>, vector<3200x32xf32> -> vector<3200x32xf32>
    %transpose3A_85 = tpu.transpose %select_n3A_76, [1, 0] : vector<96x8xf32> -> vector<8x96xf32>
    %dot_general3A_86 = arith.constant dense<0.000000e+00> : vector<3200x96xf32>
    %dot_general3A_87 = tpu.matmul %exp3A, %transpose3A_85, %dot_general3A_86 {dimension_numbers = #tpu.dot_dimension_numbers<[1], [0], [0], [1], [0, 0, 1, 1], [], []>, transpose_lhs_hint = false} : vector<3200x8xf32>, vector<8x96xf32>, vector<3200x96xf32> -> vector<3200x96xf32>
    %get3A_88 = arith.constant 0 : index
    %get3A_89 = arith.constant 0 : index
    %get3A_90 = vector.load %arg3[%get3A_88, %get3A_89] : memref<3200x32xf32, #tpu.memory_space<vmem>>, vector<3200x32xf32>
    %mul3A_91 = arith.mulf %dot_general3A_84, %get3A_90 : vector<3200x32xf32>
    %get3A_92 = arith.constant 0 : index
    %get3A_93 = arith.constant 0 : index
    %get3A_94 = vector.load %arg4[%get3A_92, %get3A_93] : memref<3200x96xf32, #tpu.memory_space<vmem>>, vector<3200x96xf32>
    %mul3A_95 = arith.mulf %dot_general3A_87, %get3A_94 : vector<3200x96xf32>
    %concatenate3A = tpu.concatenate %mul3A_91, %mul3A_95 in 1 : vector<3200x32xf32>, vector<3200x96xf32> -> vector<3200x128xf32>
    %swap3A = arith.constant 0 : index
    %swap3A_96 = arith.constant 0 : index
    %swap3A_97 = vector.load %arg6[%swap3A, %swap3A_96] : memref<3200x128xf32, #tpu.memory_space<vmem>>, vector<3200x128xf32>
    tpu.vector_store %arg6[%swap3A, %swap3A_96], %concatenate3A {strides = array<i32>} : memref<3200x128xf32, #tpu.memory_space<vmem>>, vector<3200x128xf32>,
    %concatenate3A_98 = tpu.concatenate %dot_general3A_84, %dot_general3A_87 in 1 : vector<3200x32xf32>, vector<3200x96xf32> -> vector<3200x128xf32>
    %swap3A_99 = arith.constant 0 : index
    %swap3A_100 = arith.constant 0 : index
    %swap3A_101 = vector.load %arg7[%swap3A_99, %swap3A_100] : memref<3200x128xf32, #tpu.memory_space<vmem>>, vector<3200x128xf32>
    tpu.vector_store %arg7[%swap3A_99, %swap3A_100], %concatenate3A_98 {strides = array<i32>} : memref<3200x128xf32, #tpu.memory_space<vmem>>, vector<3200x128xf32>,
    return
  }
  func.func @transform_0(%arg0: i32) -> (i32, i32) {
    %c0_i32 = arith.constant 0 : i32
    %c0_i32_0 = arith.constant 0 : i32
    return %arg0, %c0_i32 : i32, i32
  }
  func.func @transform_1(%arg0: i32) -> (i32, i32) {
    %c0_i32 = arith.constant 0 : i32
    %c0_i32_0 = arith.constant 0 : i32
    return %arg0, %c0_i32 : i32, i32
  }
  func.func @transform_2(%arg0: i32) -> (i32, i32) {
    %c0_i32 = arith.constant 0 : i32
    %c0_i32_0 = arith.constant 0 : i32
    return %arg0, %c0_i32 : i32, i32
  }
  func.func @transform_3(%arg0: i32) -> (i32, i32) {
    %c0_i32 = arith.constant 0 : i32
    %c0_i32_0 = arith.constant 0 : i32
    return %arg0, %c0_i32 : i32, i32
  }
  func.func @transform_4(%arg0: i32) -> (i32, i32) {
    %c0_i32 = arith.constant 0 : i32
    %c0_i32_0 = arith.constant 0 : i32
    return %arg0, %c0_i32 : i32, i32
  }
  func.func @transform_5(%arg0: i32) -> (i32, i32) {
    %c0_i32 = arith.constant 0 : i32
    %c0_i32_0 = arith.constant 0 : i32
    return %arg0, %c0_i32 : i32, i32
  }
  func.func @transform_6(%arg0: i32) -> (i32, i32) {
    %c0_i32 = arith.constant 0 : i32
    %c0_i32_0 = arith.constant 0 : i32
    return %arg0, %c0_i32 : i32, i32
  }
}

module attributes {stable_mosaic.version = 14 : i64} {
  func.func @_norm_body(%arg0: i32, %arg1: memref<2x1000x128xf32, #tpu.memory_space<vmem>>, %arg2: memref<2x1000x128xf32, #tpu.memory_space<vmem>>, %arg3: memref<1000x32xf32, #tpu.memory_space<vmem>>, %arg4: memref<1000x96xf32, #tpu.memory_space<vmem>>) attributes {dimension_semantics = [#tpu.dimension_semantics<arbitrary>], iteration_bounds = array<i64: 10>, scalar_prefetch = 0 : i64, scratch_operands = 0 : i64, tpu.core_type = #tpu.core_type<tc>, window_params = [{transform_indices = @transform_0, window_bounds = array<i64: 2, 1000, 128>}, {transform_indices = @transform_1, window_bounds = array<i64: 2, 1000, 128>}, {transform_indices = @transform_2, window_bounds = array<i64: 1000, 32>}, {transform_indices = @transform_3, window_bounds = array<i64: 1000, 96>}]} {
    %get3A = arith.constant 0 : index
    %get3A_0 = arith.constant 0 : index
    %get3A_1 = arith.constant 0 : index
    %get3A_2 = vector.load %arg1[%get3A, %get3A_0, %get3A_1] : memref<2x1000x128xf32, #tpu.memory_space<vmem>>, vector<1x1000x128xf32>
    %get3A_3 = vector.shape_cast %get3A_2 : vector<1x1000x128xf32> to vector<1000x128xf32>
    %get3A_4 = arith.constant 1 : index
    %get3A_5 = arith.constant 0 : index
    %get3A_6 = arith.constant 0 : index
    %get3A_7 = vector.load %arg1[%get3A_4, %get3A_5, %get3A_6] : memref<2x1000x128xf32, #tpu.memory_space<vmem>>, vector<1x1000x128xf32>
    %get3A_8 = vector.shape_cast %get3A_7 : vector<1x1000x128xf32> to vector<1000x128xf32>
    %add3A = arith.addf %get3A_3, %get3A_8 : vector<1000x128xf32>
    %get3A_9 = arith.constant 0 : index
    %get3A_10 = arith.constant 0 : index
    %get3A_11 = arith.constant 0 : index
    %get3A_12 = vector.load %arg2[%get3A_9, %get3A_10, %get3A_11] : memref<2x1000x128xf32, #tpu.memory_space<vmem>>, vector<1x1000x128xf32>
    %get3A_13 = vector.shape_cast %get3A_12 : vector<1x1000x128xf32> to vector<1000x128xf32>
    %get3A_14 = arith.constant 1 : index
    %get3A_15 = arith.constant 0 : index
    %get3A_16 = arith.constant 0 : index
    %get3A_17 = vector.load %arg2[%get3A_14, %get3A_15, %get3A_16] : memref<2x1000x128xf32, #tpu.memory_space<vmem>>, vector<1x1000x128xf32>
    %get3A_18 = vector.shape_cast %get3A_17 : vector<1x1000x128xf32> to vector<1000x128xf32>
    %add3A_19 = arith.addf %get3A_13, %get3A_18 : vector<1000x128xf32>
    %add3A_20 = arith.constant 9.99999971E-10 : f32
    %add3A_21 = vector.broadcast %add3A_20 : f32 to vector<1000x128xf32>
    %add3A_22 = arith.addf %add3A_19, %add3A_21 : vector<1000x128xf32>
    %div3A = arith.divf %add3A, %add3A_22 : vector<1000x128xf32>
    %slice3A = vector.extract_strided_slice %div3A {offsets = [0, 0], sizes = [1000, 32], strides = [1, 1]} : vector<1000x128xf32> to vector<1000x32xf32>
    %swap3A = arith.constant 0 : index
    %swap3A_23 = arith.constant 0 : index
    %swap3A_24 = vector.load %arg3[%swap3A, %swap3A_23] : memref<1000x32xf32, #tpu.memory_space<vmem>>, vector<1000x32xf32>
    tpu.vector_store %arg3[%swap3A, %swap3A_23], %slice3A {strides = array<i32>} : memref<1000x32xf32, #tpu.memory_space<vmem>>, vector<1000x32xf32>,
    %slice3A_25 = vector.extract_strided_slice %div3A {offsets = [0, 32], sizes = [1000, 96], strides = [1, 1]} : vector<1000x128xf32> to vector<1000x96xf32>
    %swap3A_26 = arith.constant 0 : index
    %swap3A_27 = arith.constant 0 : index
    %swap3A_28 = vector.load %arg4[%swap3A_26, %swap3A_27] : memref<1000x96xf32, #tpu.memory_space<vmem>>, vector<1000x96xf32>
    tpu.vector_store %arg4[%swap3A_26, %swap3A_27], %slice3A_25 {strides = array<i32>} : memref<1000x96xf32, #tpu.memory_space<vmem>>, vector<1000x96xf32>,
    return
  }
  func.func @transform_0(%arg0: i32) -> (i32, i32, i32) {
    %c0_i32 = arith.constant 0 : i32
    %c0_i32_0 = arith.constant 0 : i32
    %c0_i32_1 = arith.constant 0 : i32
    return %c0_i32, %arg0, %c0_i32_0 : i32, i32, i32
  }
  func.func @transform_1(%arg0: i32) -> (i32, i32, i32) {
    %c0_i32 = arith.constant 0 : i32
    %c0_i32_0 = arith.constant 0 : i32
    %c0_i32_1 = arith.constant 0 : i32
    return %c0_i32, %arg0, %c0_i32_0 : i32, i32, i32
  }
  func.func @transform_2(%arg0: i32) -> (i32, i32) {
    %c0_i32 = arith.constant 0 : i32
    %c0_i32_0 = arith.constant 0 : i32
    return %arg0, %c0_i32 : i32, i32
  }
  func.func @transform_3(%arg0: i32) -> (i32, i32) {
    %c0_i32 = arith.constant 0 : i32
    %c0_i32_0 = arith.constant 0 : i32
    return %arg0, %c0_i32 : i32, i32
  }
}

</mosaic_0001>

<sc_bundles>
// kernel: kernel.10.cloned.1.call-start
scs
__scs_entry_jumppad:
0x0: {  	(pc) =	sbr.rel $0x88, $3  }
0x1: {  	(tag) =	ssettag $0x0;
	lr =	simm.s32 $0x1  }
0x2: {  	[smem:$0x3F9A] =	sst lr;
	_ =	strace $0xD0000000  }
0x3: {  	_ = 	snop  }
0x4: {  	_ = 	snop  }
0x5: {  	_ = 	snop  }
0x6: {  	_ = 	snop  }
0x7: {  	_ = 	snop  }
__scs_overlays_trampoline_lowered:
0x8: {  	[smem:$0x3FA9] =	sst s0  }
0x9: {  	[smem:$0x3FAA] =	sst s1  }
0xa: {  	[smem:$0x3FAB] =	sst s2  }
0xb: {  	[smem:$0x3FAC] =	sst s3  }
0xc: {  	[smem:$0x3FAD] =	sst s4  }
0xd: {  	[smem:$0x3FAE] =	sst s5  }
0xe: {  	[smem:$0x3FAF] =	sst s6  }
0xf: {  	[smem:$0x3FB0] =	sst s7  }
0x10: {  	[smem:$0x3FB1] =	sst s8  }
0x11: {  	[smem:$0x3FB2] =	sst s9;
	s0 =	simm.s32 @!p0 $0x0  }
0x12: {  	s1 =	sld [smem:$0x3F98];
	s0 =	simm.s32 @p0 $0x1  }
0x13: {  	[smem:$0x3FB3] =	sst s0;
	s0 =	simm.s32 @!p1 $0x0  }
0x14: {  	s2 =	sld [smem:$0x3F97];
	s0 =	simm.s32 @p1 $0x1  }
0x15: {  	[smem:$0x3FB4] =	sst s0;
	s0 =	simm.s32 @!p2 $0x0  }
0x16: {  	s3 =	sld [smem:$0x3FDB];
	s0 =	simm.s32 @p2 $0x1  }
0x17: {  	s4 =	simm.s32 $0x1BF5;
	[smem:$0x3FB6] =	sst s0  }
0x18: {  	s0 =	sld [smem:$0x3F99];
	_ =	swait.ge [sflag:s4], $0x0  }
0x19: {  	s7 =	sld [smem:$0x3F9A]  }
0x1a: {  	s8 =	sadd.s32 $0xFFFFE003, lr  }
0x1b: {  	s9 =	sadd.s32 $0xFFFFFEF7, lr;
	s5 =	simm.s32 $0xFFFFFFFF;
	p2 =	slt.u32 s8, $0xFFFFF086  }
0x1c: {  	p1 =	slt.u32 s9, $0xF7A;
	s5 =	simm.s32 @!p2 $0x0  }
0x1d: {  	s5 =	simm.s32 @p1 $0x1;
	p0 =	seq.s32 s7, s2  }
0x1e: {  	s7 =	smul.u32 @!p0 $0xF7A, s2;
	p2 =	seq.s32 @!p0 s5, $0x0  }
0x1f: {  	s9 =	smul.u32 $0xF7A, s1;
	s8 =	simm.s32 @!p0 $0x1BF5;
	p2 =	por !p2, p0  }
0x20: {  	[sflag:s8] =	ssyncset.s32 @!p0 $0xFFFFF086;
	s6 =	sadd.s32 @!p0 s3, s7;
	s7 =	simm.s32 @!p0 $0x108  }
0x21: {  	s3 =	sadd.s32 s3, s9;
	s6 =	sadd.s32 @!p0 $0x88, s6;
	s7 =	simm.s32 @p2 $0x1082  }
0x22: {  	[simem:s7], [sflag:s8] =	dma.local @!p0 [hbm:s6], $0xF7A  }
0x23: {  	s9 =	sor.u32 $0xD0000000, s2;
	s6 =	simm.s32 $0x108;
	_ =	swait.ge @!p0 [sflag:s8], $0x0  }
0x24: {  	s3 =	sadd.s32 $0x88, s3;
	s6 =	simm.s32 @!p1 $0x1082;
	[sflag:s4] =	ssyncset.s32 $0xFFFFF086  }
0x25: {  	[simem:s6], [sflag:s4] =	dma.local [hbm:s3], $0xF7A  }
0x26: {  	[smem:$0x3F9A] =	sst s1;
	(tag) =	ssettag s2;
	_ =	strace s9  }
0x27: {  	s1 =	sld [smem:$0x3FAA]  }
0x28: {  	s2 =	sld [smem:$0x3FAB]  }
0x29: {  	s4 =	sld [smem:$0x3FAD]  }
0x2a: {  	p0 =	seq.s32 s5, $0x0;
	s5 =	sld [smem:$0x3FAE]  }
0x2b: {  	s6 =	sld [smem:$0x3FAF]  }
0x2c: {  	s7 =	sld [smem:$0x3FB0]  }
0x2d: {  	s3 =	simm.s32 $0x108;
	s8 =	sld [smem:$0x3FB1]  }
0x2e: {  	s3 =	simm.s32 @!p0 $0x1082;
	s9 =	sld [smem:$0x3FB2]  }
0x2f: {  	lr =	sadd.s32 s0, s3;
	s0 =	sld [smem:$0x3FA9]  }
0x30: {  	s3 =	sld [smem:$0x3FAC]  }
0x31: {  	[smem:$0x3FB5] =	sst s10  }
0x32: {  	s10 =	sld [smem:$0x3FB3];
	_ =	sdelay $0x3  }
0x33: {  	p0 =	seq.s32 s10, $0x1;
	s10 =	sld [smem:$0x3FB5];
	_ =	sdelay $0x3  }
0x34: {  	[smem:$0x3FB5] =	sst s10  }
0x35: {  	s10 =	sld [smem:$0x3FB4];
	_ =	sdelay $0x3  }
0x36: {  	p1 =	seq.s32 s10, $0x1;
	s10 =	sld [smem:$0x3FB5];
	_ =	sdelay $0x3  }
0x37: {  	[smem:$0x3FB5] =	sst s10  }
0x38: {  	s10 =	sld [smem:$0x3FB6]  }
0x39: {  	_ = 	snop;
	(pc) =	sbr.ind lr, $3  }
0x3a: {  	_ = 	snop  }
0x3b: {  	_ = 	snop  }
0x3c: {  	p2 =	seq.s32 s10, $0x1;
	s10 =	sld [smem:$0x3FB5]  }
0x3d: {  	_ =	shalt  }
0x3e: {  	_ =	shalt  }
0x3f: {  	_ =	shalt  }
0x40: {  	_ =	shalt  }
0x41: {  	_ =	shalt  }
0x42: {  	_ =	shalt  }
0x43: {  	_ =	shalt  }
0x44: {  	_ =	shalt  }
0x45: {  	_ =	shalt  }
0x46: {  	_ =	shalt  }
0x47: {  	_ =	shalt  }
0x48: {  	_ =	shalt  }
0x49: {  	_ =	shalt  }
0x4a: {  	_ =	shalt  }
0x4b: {  	_ =	shalt  }
0x4c: {  	_ =	shalt  }
0x4d: {  	_ =	shalt  }
0x4e: {  	_ =	shalt  }
0x4f: {  	_ =	shalt  }
0x50: {  	_ =	shalt  }
0x51: {  	_ =	shalt  }
0x52: {  	_ =	shalt  }
0x53: {  	_ =	shalt  }
0x54: {  	_ =	shalt  }
0x55: {  	_ =	shalt  }
0x56: {  	_ =	shalt  }
0x57: {  	_ =	shalt  }
0x58: {  	_ =	shalt  }
0x59: {  	_ =	shalt  }
0x5a: {  	_ =	shalt  }
0x5b: {  	_ =	shalt  }
0x5c: {  	_ =	shalt  }
0x5d: {  	_ =	shalt  }
0x5e: {  	_ =	shalt  }
0x5f: {  	_ =	shalt  }
0x60: {  	_ =	shalt  }
0x61: {  	_ =	shalt  }
0x62: {  	_ =	shalt  }
0x63: {  	_ =	shalt  }
0x64: {  	_ =	shalt  }
0x65: {  	_ =	shalt  }
0x66: {  	_ =	shalt  }
0x67: {  	_ =	shalt  }
0x68: {  	_ =	shalt  }
0x69: {  	_ =	shalt  }
0x6a: {  	_ =	shalt  }
0x6b: {  	_ =	shalt  }
0x6c: {  	_ =	shalt  }
0x6d: {  	_ =	shalt  }
0x6e: {  	_ =	shalt  }
0x6f: {  	_ =	shalt  }
0x70: {  	_ =	shalt  }
0x71: {  	_ =	shalt  }
0x72: {  	_ =	shalt  }
0x73: {  	_ =	shalt  }
0x74: {  	_ =	shalt  }
0x75: {  	_ =	shalt  }
0x76: {  	_ =	shalt  }
0x77: {  	_ =	shalt  }
0x78: {  	_ =	shalt  }
0x79: {  	_ =	shalt  }
0x7a: {  	_ =	shalt  }
0x7b: {  	_ =	shalt  }
0x7c: {  	_ =	shalt  }
0x7d: {  	_ =	shalt  }
0x7e: {  	_ =	shalt  }
0x7f: {  	_ =	shalt  }
0x80: {  	_ =	shalt  }
0x81: {  	_ =	shalt  }
0x82: {  	_ =	shalt  }
0x83: {  	_ =	shalt  }
0x84: {  	_ =	shalt  }
0x85: {  	_ =	shalt  }
0x86: {  	_ =	shalt  }
0x87: {  	_ =	shalt  }
.Lfunc_end0:
.L_simem_size_0:
called_computation.1_lowered:
.L_overlay_start_0:
0x88: {  	s2 =	sld [smem:$0x3FD9]  }
0x89: {  	s3 =	sld [smem:$0x3FFE];
	_ =	sdelay $0x1  }
0x8a: {  	s1 =	srdreg.scid  }
0x8b: {  	s0 =	sand.u32 $0x1, s1  }
0x8c: {  	s14 =	sshll.u32 s0, $0xA;
	s2 =	sadd.s32 s3, s2  }
0x8d: {  	s2 =	sadd.s32 s2, s14  }
0x8e: {  	[smem:$0x3FC1] =	sst s2  }
0x8f: {  	_ = 	snop  }
0x90: {  	s2 =	sld [smem:$0x3FD0];
	_ =	sdelay $0x2  }
0x91: {  	s15 =	simm.s32 $0xB;
	s4 =	simm.s32 $0x10  }
0x92: {  	[smem:s4], [sflag:s15] =	dma.local [hbm:s2], $0x1  }
0x93: {  	_ =	swait.eq [sflag:s15], $0x1  }
0x94: {  	[sflag:s15] =	ssyncset.done $0x0  }
0x95: {  	[sflag:s15] =	ssyncadd.s32 $0xFFFFFFFF  }
0x96: {  	s16 =	sld [smem:$0x10];
	(tm) =	ssettm $0x1  }
0x97: {  	s17 =	sld [smem:$0x3FFB];
	_ =	sdelay $0x3  }
0x98: {  	_ =	strace s17  }
0x99: {  	s3 =	sld [smem:$0x3FFC];
	_ =	sdelay $0x3  }
0x9a: {  	_ =	strace s3  }
0x9b: {  	s3 =	sld [smem:$0x3FFD];
	_ =	sdelay $0x3  }
0x9c: {  	_ =	strace s3  }
0x9d: {  	_ =	strace $0x8FFFFFFF  }
0x9e: {  	s18 =	sld [smem:$0x3FDB];
	_ =	sdelay $0x1  }
0x9f: {  	s19 =	simm.s32 $_scs_section_size  }
0xa0: {  	s5 =	simm.s32 $_size__tile_overlayer_lowered;
	s6 =	simm.s32 $_tile_overlayer_lowered  }
0xa1: {  	s22 =	simm.s32 $0x1BFF;
	s21 =	sshll.u32 s6, $0x1;
	s3 =	sadd.s32 s19, s18  }
0xa2: {  	s7 =	simm.s32 $0x0;
	s20 =	sshll.u32 s5, $0x1;
	s5 =	sadd.s32 s21, s3  }
0xa3: {  	[timem:s7], [sflag:s22] =	dma.local [hbm:s5], s20  }
0xa4: {  	_ =	swait.ge [sflag:s22], s20  }
0xa5: {  	s4 =	ssub.s32 $0x0, s20;
	[sflag:s22] =	ssyncset.done $0x0  }
0xa6: {  	[sflag:s22] =	ssyncadd.s32 s4;
	_ =	sdelay $0x1  }
0xa7: {  	s23 =	simm.s32 $0x1B8B  }
0xa8: {  	_ =	swait.ge [sflag:s23], $0x1  }
0xa9: {  	[sflag:s23] =	ssyncset.done $0x0  }
0xaa: {  	s25 =	simm.s32 $0x1B8E;
	s24 =	sld [smem:$0x3FFE];
	[sflag:s23] =	ssyncadd.s32 $0xFFFFFFFF  }
0xab: {  	s26 =	simm.s32 $execute0_lowered;
	[smem:$0x3FD2] =	sst s25  }
0xac: {  	s5 =	sshll.u32 s26, $0x1;
	_ =	strace $0x80000049;
	[dreg:$0x1] =	wrdreg $0xFFFFFFFF  }
0xad: {  	s28 =	simm.s32 $_size_execute0_lowered;
	s3 =	sadd.s32 s3, s5;
	[dreg:$0x0] =	wrdreg $0x0  }
0xae: {  	s5 =	sshll.u32 s28, $0x1;
	[dreg:$0x2] =	wrdreg s3  }
0xaf: {  	[dreg:$0x3] =	wrdreg s5  }
0xb0: {  	[dreg:$0x4] =	wrdreg $0xC0  }
0xb1: {  	_ =	task [dreg:s7], $0x5FFFF  }
0xb2: {  	[dreg:$0x1] =	wrdreg $0xFFFFFFFF  }
0xb3: {  	[dreg:$0x0] =	wrdreg $0x60  }
0xb4: {  	[dreg:$0x2] =	wrdreg s24  }
0xb5: {  	[dreg:$0x3] =	wrdreg s16  }
0xb6: {  	[dreg:$0x4] =	wrdreg $0x9C000  }
0xb7: {  	[dreg:$0x5] =	wrdreg $0x9  }
0xb8: {  	_ =	task.clear_ibuf [dreg:s7], $0x6FFFF;
	_ =	strace $0x90000049  }
0xb9: {  	s29 =	simm.s32 $0x9;
	_ =	strace $0x8000004B  }
0xba: {  	_ =	swait.ge [sflag:s29], $0x1  }
0xbb: {  	[sflag:s29] =	ssyncadd.s32 $0xFFFFFFFF  }
0xbc: {  	_ =	strace $0x9000004B  }
0xbd: {  	_ =	sfence  }
0xbe: {  	s30 =	sld [smem:$0x0];
	_ =	sdelay $0x2  }
0xbf: {  	s31 =	sshll.u32 s1, $0xD;
	s1 =	sshrl.u32 s1, $0x2  }
0xc0: {  	s3 =	sand.u32 $0x4000, s31;
	s1 =	sadd.s32 s1, s30  }
0xc1: {  	s0 =	sor.u32 s3, s0;
	s1 =	sshll.u32 s1, $0x11  }
0xc2: {  	s0 =	sor.u32 s1, s0  }
0xc3: {  	s0 =	sadd.s32 $0x8F2B, s0  }
0xc4: {  	[sflag:s0] =	ssyncadd.remote.s32 $0x1  }
0xc5: {  	_ =	sfence.sel $0xFFFF  }
0xc6: {  	[dreg:$0x0] =	wrdreg $0xFFFFFFFF;
	(pc) =	sbr.abs _section_cstart, $3  }
0xc7: {  	[dreg:$0x1] =	wrdreg $0xFFFFFFFF  }
0xc8: {  	_ =	task.clear_ibuf [dreg:s7], $0x2FFFF;
	_ =	strace $0x9FFFFFFF  }
0xc9: {  	(tm) =	ssettm $0x7FFFFFFF  }
tec
execute0_lowered:
.L_overlay_start_1:
0x0: {  	(tag) =	ssettag $0x1  }
0x1: {  	s0 =	rddreg [dreg:$0x0]  }
0x2: {  	s1 =	rddreg [dreg:$0x1];
	s14 =	stileid.u32  }
0x3: {  	s2 =	rddreg [dreg:$0x2];
	s5 =	smul.u32 $0x50000, s14  }
0x4: {  	s3 =	srdreg.scid;
	s16 =	smul.u32 $0x14000, s14  }
0x5: {  	s12 =	sand.u32 $0x1, s3;
	s4 =	sshll.u32 s14, $0x1;
	s17 =	smul.u32 $0x140000, s14  }
0x6: {  	s28 =	simm.s32 $0x0;
	s4 =	sor.u32 s12, s4;
	s15 =	smul.u32 $0x140000, s12  }
0x7: {  	s3 =	simm.s32 $0x0;
	s18 =	sadd.s32 $0xC6EC00, s0;
	s6 =	smul.u32 $0x280, s4  }
0x8: {  	s0 =	sadd.s32 $0x3A00, s0;
	[smem:$0x7FF] =	sst s3;
	s7 =	smul.u32 $0x14000, s4  }
0x9: {  	s8 =	ssub.s32 $0x2, s12;
	_ =	strace $0x8000004A;
	s9 =	smul.u32 $0xA0000, s4  }
0xa: {  	s19 =	sshrl.u32 s8, $0x1;
	s20 =	sshrl.u32 s5, $0x2;
	s10 =	sadd.s32 $0x4000, s16  }
0xb: {  	s13 =	sadd.s32 $0x8000, s16;
	s8 =	ssub.s32 s8, s19;
	s4 =	sadd.s32 s20, s2  }
0xc: {  	s22 =	sadd.s32 s15, s16;
	s24 =	sadd.s32 s15, s10;
	s10 =	sadd.s32 s10, s2  }
0xd: {  	s25 =	sadd.s32 s15, s13;
	s19 =	sadd.s32 $0xC000, s16;
	s20 =	smul.u32 $0xA0000, s12  }
0xe: {  	s12 =	sadd.s32 s13, s2;
	s16 =	sadd.s32 $0x10000, s16;
	s5 =	sadd.s32 s1, s6  }
0xf: {  	s6 =	sadd.s32 s18, s7;
	s7 =	smax.u32 s8, $0x1;
	s21 =	sshrl.u32 s9, $0x3  }
0x10: {  	s23 =	sshrl.u32 s22, $0x3;
	s14 =	sadd.s32 s19, s2;
	s26 =	sadd.s32 s15, s19  }
0x11: {  	s29 =	sadd.s32 s15, s16;
	s16 =	sadd.s32 s16, s2;
	s19 =	simm.s32 $0x9400  }
0x12: {  	s22 =	simm.s32 $0x5400;
	s1 =	sadd.s32 s21, s18;
	s9 =	sadd.s32 s0, s23  }
0x13: {  	s17 =	sadd.s32 s20, s17;
	s30 =	sshrl.u32 s29, $0x3;
	s20 =	simm.s32 $0x3  }
0x14: {  	s21 =	simm.s32 $0x1400;
	s23 =	simm.s32 $0x1;
	s8 =	sadd.s32 $0x800, s1  }
0x15: {  	s1 =	sshrl.u32 s24, $0x3;
	s17 =	sor.u32 $0x8000, s17;
	s24 =	simm.s32 $0x2  }
0x16: {  	s11 =	sadd.s32 s0, s1;
	s1 =	sshrl.u32 s25, $0x3;
	s31 =	sshrl.u32 s17, $0x3  }
0x17: {  	s17 =	sadd.s32 s0, s30;
	s13 =	sadd.s32 s0, s1;
	s1 =	sshrl.u32 s26, $0x3  }
0x18: {  	v0 =	vimm.f32 $0.0e+00;
	s25 =	simm.s32 $0x80;
	s18 =	sadd.s32 s31, s18;
	s15 =	sadd.s32 s0, s1  }
.LBB2_1:
0x19: {  	[tilespmem:$0x9400] =	vst v0  }
0x1a: {  	[tilespmem:$0x9410] =	vst v0  }
0x1b: {  	[tilespmem:$0x9420] =	vst v0  }
0x1c: {  	[tilespmem:$0x9430] =	vst v0  }
0x1d: {  	[tilespmem:$0x9440] =	vst v0  }
0x1e: {  	[tilespmem:$0x9450] =	vst v0  }
0x1f: {  	[tilespmem:$0x9460] =	vst v0  }
0x20: {  	[tilespmem:$0x9470] =	vst v0  }
0x21: {  	[tilespmem:$0x9480] =	vst v0  }
0x22: {  	[tilespmem:$0x9490] =	vst v0  }
0x23: {  	[tilespmem:$0x94A0] =	vst v0  }
0x24: {  	[tilespmem:$0x94B0] =	vst v0  }
0x25: {  	[tilespmem:$0x94C0] =	vst v0  }
0x26: {  	[tilespmem:$0x94D0] =	vst v0  }
0x27: {  	[tilespmem:$0x94E0] =	vst v0  }
0x28: {  	[tilespmem:$0x94F0] =	vst v0  }
0x29: {  	[tilespmem:$0x9500] =	vst v0  }
0x2a: {  	[tilespmem:$0x9510] =	vst v0  }
0x2b: {  	[tilespmem:$0x9520] =	vst v0  }
0x2c: {  	[tilespmem:$0x9530] =	vst v0  }
0x2d: {  	[tilespmem:$0x9540] =	vst v0  }
0x2e: {  	[tilespmem:$0x9550] =	vst v0  }
0x2f: {  	[tilespmem:$0x9560] =	vst v0  }
0x30: {  	[tilespmem:$0x9570] =	vst v0  }
0x31: {  	[tilespmem:$0x9580] =	vst v0  }
0x32: {  	[tilespmem:$0x9590] =	vst v0  }
0x33: {  	[tilespmem:$0x95A0] =	vst v0  }
0x34: {  	[tilespmem:$0x95B0] =	vst v0  }
0x35: {  	[tilespmem:$0x95C0] =	vst v0  }
0x36: {  	[tilespmem:$0x95D0] =	vst v0  }
0x37: {  	[tilespmem:$0x95E0] =	vst v0  }
0x38: {  	[tilespmem:$0x95F0] =	vst v0  }
0x39: {  	[tilespmem:$0x9600] =	vst v0  }
0x3a: {  	[tilespmem:$0x9610] =	vst v0  }
0x3b: {  	[tilespmem:$0x9620] =	vst v0  }
0x3c: {  	[tilespmem:$0x9630] =	vst v0  }
0x3d: {  	[tilespmem:$0x9640] =	vst v0  }
0x3e: {  	[tilespmem:$0x9650] =	vst v0  }
0x3f: {  	[tilespmem:$0x9660] =	vst v0  }
0x40: {  	[tilespmem:$0x9670] =	vst v0  }
0x41: {  	[tilespmem:$0x9680] =	vst v0  }
0x42: {  	[tilespmem:$0x9690] =	vst v0  }
0x43: {  	[tilespmem:$0x96A0] =	vst v0  }
0x44: {  	[tilespmem:$0x96B0] =	vst v0  }
0x45: {  	[tilespmem:$0x96C0] =	vst v0  }
0x46: {  	[tilespmem:$0x96D0] =	vst v0  }
0x47: {  	[tilespmem:$0x96E0] =	vst v0  }
0x48: {  	[tilespmem:$0x96F0] =	vst v0  }
0x49: {  	[tilespmem:$0x9700] =	vst v0  }
0x4a: {  	[tilespmem:$0x9710] =	vst v0  }
0x4b: {  	[tilespmem:$0x9720] =	vst v0  }
0x4c: {  	[tilespmem:$0x9730] =	vst v0  }
0x4d: {  	[tilespmem:$0x9740] =	vst v0  }
0x4e: {  	[tilespmem:$0x9750] =	vst v0  }
0x4f: {  	[tilespmem:$0x9760] =	vst v0  }
0x50: {  	[tilespmem:$0x9770] =	vst v0  }
0x51: {  	[tilespmem:$0x9780] =	vst v0  }
0x52: {  	[tilespmem:$0x9790] =	vst v0  }
0x53: {  	[tilespmem:$0x97A0] =	vst v0  }
0x54: {  	[tilespmem:$0x97B0] =	vst v0  }
0x55: {  	[tilespmem:$0x97C0] =	vst v0  }
0x56: {  	[tilespmem:$0x97D0] =	vst v0  }
0x57: {  	[tilespmem:$0x97E0] =	vst v0  }
0x58: {  	[tilespmem:$0x97F0] =	vst v0  }
0x59: {  	[tilespmem:$0x9800] =	vst v0  }
0x5a: {  	[tilespmem:$0x9810] =	vst v0  }
0x5b: {  	[tilespmem:$0x9820] =	vst v0  }
0x5c: {  	[tilespmem:$0x9830] =	vst v0  }
0x5d: {  	[tilespmem:$0x9840] =	vst v0  }
0x5e: {  	[tilespmem:$0x9850] =	vst v0  }
0x5f: {  	[tilespmem:$0x9860] =	vst v0  }
0x60: {  	[tilespmem:$0x9870] =	vst v0  }
0x61: {  	[tilespmem:$0x9880] =	vst v0  }
0x62: {  	[tilespmem:$0x9890] =	vst v0  }
0x63: {  	[tilespmem:$0x98A0] =	vst v0  }
0x64: {  	[tilespmem:$0x98B0] =	vst v0  }
0x65: {  	[tilespmem:$0x98C0] =	vst v0  }
0x66: {  	[tilespmem:$0x98D0] =	vst v0  }
0x67: {  	[tilespmem:$0x98E0] =	vst v0  }
0x68: {  	[tilespmem:$0x98F0] =	vst v0  }
0x69: {  	[tilespmem:$0x9900] =	vst v0  }
0x6a: {  	[tilespmem:$0x9910] =	vst v0  }
0x6b: {  	[tilespmem:$0x9920] =	vst v0  }
0x6c: {  	[tilespmem:$0x9930] =	vst v0  }
0x6d: {  	[tilespmem:$0x9940] =	vst v0  }
0x6e: {  	[tilespmem:$0x9950] =	vst v0  }
0x6f: {  	[tilespmem:$0x9960] =	vst v0  }
0x70: {  	[tilespmem:$0x9970] =	vst v0  }
0x71: {  	[tilespmem:$0x9980] =	vst v0  }
0x72: {  	[tilespmem:$0x9990] =	vst v0  }
0x73: {  	[tilespmem:$0x99A0] =	vst v0  }
0x74: {  	[tilespmem:$0x99B0] =	vst v0  }
0x75: {  	[tilespmem:$0x99C0] =	vst v0  }
0x76: {  	[tilespmem:$0x99D0] =	vst v0  }
0x77: {  	[tilespmem:$0x99E0] =	vst v0  }
0x78: {  	[tilespmem:$0x99F0] =	vst v0  }
0x79: {  	[tilespmem:$0x9A00] =	vst v0  }
0x7a: {  	[tilespmem:$0x9A10] =	vst v0  }
0x7b: {  	[tilespmem:$0x9A20] =	vst v0  }
0x7c: {  	[tilespmem:$0x9A30] =	vst v0  }
0x7d: {  	[tilespmem:$0x9A40] =	vst v0  }
0x7e: {  	[tilespmem:$0x9A50] =	vst v0  }
0x7f: {  	[tilespmem:$0x9A60] =	vst v0  }
0x80: {  	[tilespmem:$0x9A70] =	vst v0  }
0x81: {  	[tilespmem:$0x9A80] =	vst v0  }
0x82: {  	[tilespmem:$0x9A90] =	vst v0  }
0x83: {  	[tilespmem:$0x9AA0] =	vst v0  }
0x84: {  	[tilespmem:$0x9AB0] =	vst v0  }
0x85: {  	[tilespmem:$0x9AC0] =	vst v0  }
0x86: {  	[tilespmem:$0x9AD0] =	vst v0  }
0x87: {  	[tilespmem:$0x9AE0] =	vst v0  }
0x88: {  	[tilespmem:$0x9AF0] =	vst v0  }
0x89: {  	[tilespmem:$0x9B00] =	vst v0  }
0x8a: {  	[tilespmem:$0x9B10] =	vst v0  }
0x8b: {  	[tilespmem:$0x9B20] =	vst v0  }
0x8c: {  	[tilespmem:$0x9B30] =	vst v0  }
0x8d: {  	[tilespmem:$0x9B40] =	vst v0  }
0x8e: {  	[tilespmem:$0x9B50] =	vst v0  }
0x8f: {  	[tilespmem:$0x9B60] =	vst v0  }
0x90: {  	[tilespmem:$0x9B70] =	vst v0  }
0x91: {  	[tilespmem:$0x9B80] =	vst v0  }
0x92: {  	[tilespmem:$0x9B90] =	vst v0  }
0x93: {  	[tilespmem:$0x9BA0] =	vst v0  }
0x94: {  	[tilespmem:$0x9BB0] =	vst v0  }
0x95: {  	[tilespmem:$0x9BC0] =	vst v0  }
0x96: {  	[tilespmem:$0x9BD0] =	vst v0  }
0x97: {  	[tilespmem:$0x9BE0] =	vst v0  }
0x98: {  	[tilespmem:$0x9BF0] =	vst v0;
	s0 =	sadd.s32 $0x0, s4  }
0x99: {  	[spmem:s0] =	stream.linear.scatter [tilespmem:s19], [sflag:$0x3], $0x800, $0x38;
	[tilespmem:$0x1DC00] =	vst v63  }
0x9a: {  	s0 =	simm.s32 $0x2000;
	_ =	swait.ge [sflag:s20], $0x800  }
.LBB2_2:
0x9b: {  	s1 =	sshra.s32 s0, $0x2;
	[sflag:s20] =	ssyncset.done $0x0;
	p0 =	sne.s32 s0, $0x4E000  }
.Ltmp0:
0x9c: {  	s1 =	sadd.s32 s1, s4;
	[sflag:s20] =	ssyncadd.s32 $0xFFFFF800;
	(pc) =	sbr.rel @p0 .LBB2_2-.Ltmp0, $3  }
0x9d: {  	[spmem:s1] =	stream.linear.scatter [tilespmem:s19], [sflag:$0x3], $0x800, $0x38;
	[tilespmem:$0x1DC00] =	vst v63  }
0x9e: {  	s0 =	sadd.s32 $0x2000, s0;
	_ =	sdelay $0x1  }
0x9f: {  	_ =	swait.ge [sflag:s20], $0x800  }
0xa0: {  	[sflag:s20] =	ssyncset.done $0x0  }
0xa1: {  	[sflag:s20] =	ssyncadd.s32 $0xFFFFF800  }
0xa2: {  	[bflag:$0x0] =	sbarrier.arrive $0xFFFF  }
0xa3: {  	[tilespmem:s3], [sflag:$0x3] =	stream.linear.gather [hbm4b:s5+s3], $0x1400, $0x38;
	[tilespmem:$0x1DC00] =	vst v63  }
0xa4: {  	_ =	swait.ge [sflag:s20], $0x1400  }
0xa5: {  	[sflag:s20] =	ssyncset.done $0x0  }
0xa6: {  	[sflag:s20] =	ssyncadd.s32 $0xFFFFEC00  }
0xa7: {  	[tilespmem:s21], [sflag:$0x1] =	stream.linear.gather [hbm4b:s6+s3], $0x4000, $0x38;
	[tilespmem:$0x1DC00] =	vst v63  }
0xa8: {  	_ = 	snop  }
0xa9: {  	[tilespmem:s22], [sflag:$0x1] =	stream.linear.gather [hbm4b:s8+s3], $0x4000, $0x38;
	[tilespmem:$0x1DC00] =	vst v63  }
0xaa: {  	_ =	swait.ge [sflag:s23], $0x4000  }
0xab: {  	[sflag:s23] =	ssyncset.done $0x0  }
0xac: {  	s29 =	simm.s32 $0x80;
	[sflag:s23] =	ssyncadd.s32 $0xFFFFC000  }
0xad: {  	[spmem:s2] =	stream.indirect.scatter.add.f32 [tilespmem:s21], [sflag:$0x2], $0x80, s3, s29, $0xb8;
	[tilespmem:$0x1DC00] =	vst v63  }
0xae: {  	s0 =	simm.s32 $0x8000;
	_ =	swait.ge [sflag:s24], $0x4000  }
0xaf: {  	s0 =	sand.u32 $0x4000, s0;
	[sflag:s24] =	ssyncset.done $0x0  }
0xb0: {  	s0 =	sor.u32 $0x1400, s0;
	[sflag:s24] =	ssyncadd.s32 $0xFFFFC000  }
0xb1: {  	[tilespmem:s0], [sflag:$0x1] =	stream.linear.gather [hbm4b:s18+s3], $0x4000, $0x38;
	[tilespmem:$0x1DC00] =	vst v63  }
0xb2: {  	s30 =	simm.s32 $0xC000;
	s26 =	simm.s32 $0x4000;
	_ =	swait.ge [sflag:s23], $0x4000  }
0xb3: {  	s31 =	sadd.s32 $0x800, s18;
	s0 =	sand.u32 $0x4000, s26;
	[sflag:s23] =	ssyncset.done $0x0  }
0xb4: {  	s1 =	sor.u32 $0x1400, s0;
	s0 =	simm.s32 $0x100;
	[sflag:s23] =	ssyncadd.s32 $0xFFFFC000  }
.LBB2_4:
0xb5: {  	[spmem:s2] =	stream.indirect.scatter.add.f32 [tilespmem:s1], [sflag:$0x2], $0x80, s29, s25, $0xb8;
	[tilespmem:$0x1DC00] =	vst v63  }
0xb6: {  	s1 =	smov.u32 s30;
	s29 =	smov.u32 s0  }
0xb7: {  	p0 =	sne.s32 s30, $0x9C000;
	s30 =	sadd.s32 $0x4000, s30;
	_ =	swait.ge [sflag:s24], $0x4000  }
0xb8: {  	s26 =	sand.u32 $0x4000, s1;
	[sflag:s24] =	ssyncset.done $0x0  }
.Ltmp1:
0xb9: {  	s26 =	sor.u32 $0x1400, s26;
	[sflag:s24] =	ssyncadd.s32 $0xFFFFC000;
	(pc) =	sbr.rel @p0 .LBB2_4-.Ltmp1, $4  }
0xba: {  	[tilespmem:s26], [sflag:$0x1] =	stream.linear.gather [hbm4b:s31+s3], $0x4000, $0x38;
	[tilespmem:$0x1DC00] =	vst v63  }
0xbb: {  	s1 =	sadd.s32 $0xFFFFC000, s1;
	_ =	swait.ge [sflag:s23], $0x4000  }
0xbc: {  	s1 =	sand.u32 $0x4000, s1;
	s31 =	sadd.s32 $0x800, s31;
	[sflag:s23] =	ssyncset.done $0x0  }
0xbd: {  	s0 =	sadd.s32 $0x80, s0;
	s1 =	sor.u32 $0x1400, s1;
	[sflag:s23] =	ssyncadd.s32 $0xFFFFC000  }
0xbe: {  	[spmem:s2] =	stream.indirect.scatter.add.f32 [tilespmem:s1], [sflag:$0x2], $0x80, s29, s25, $0xb8;
	[tilespmem:$0x1DC00] =	vst v63  }
0xbf: {  	_ =	swait.ge [sflag:s24], $0x4000  }
0xc0: {  	[sflag:s24] =	ssyncset.done $0x0  }
0xc1: {  	[sflag:s24] =	ssyncadd.s32 $0xFFFFC000  }
0xc2: {  	_ =	swait.ge [sflag:s23], $0x4000  }
0xc3: {  	[sflag:s23] =	ssyncset.done $0x0  }
0xc4: {  	s0 =	simm.s32 $0x1380;
	[sflag:s23] =	ssyncadd.s32 $0xFFFFC000  }
0xc5: {  	[spmem:s2] =	stream.indirect.scatter.add.f32 [tilespmem:s22], [sflag:$0x2], $0x80, s0, s25, $0xb8;
	[tilespmem:$0x1DC00] =	vst v63  }
0xc6: {  	_ =	swait.ge [sflag:s24], $0x4000  }
0xc7: {  	[sflag:s24] =	ssyncset.done $0x0  }
0xc8: {  	[sflag:s24] =	ssyncadd.s32 $0xFFFFC000  }
0xc9: {  	[bflag:$0x0] =	sbarrier.arrive $0xFFFF  }
0xca: {  	[tilespmem:s21], [sflag:$0x3] =	stream.linear.gather [spmem:s4], $0x4000, $0x38;
	[tilespmem:$0x1DC00] =	vst v63  }
0xcb: {  	_ =	swait.ge [sflag:s20], $0x4000  }
0xcc: {  	[sflag:s20] =	ssyncset.done $0x0  }
0xcd: {  	[sflag:s20] =	ssyncadd.s32 $0xFFFFC000  }
0xce: {  	[hbm4b:s9+s3] =	stream.linear.scatter [tilespmem:s21], [sflag:$0x3], $0x4000, $0x38;
	[tilespmem:$0x1DC00] =	vst v63  }
0xcf: {  	_ =	swait.ge [sflag:s20], $0x4000  }
0xd0: {  	[sflag:s20] =	ssyncset.done $0x0  }
0xd1: {  	[sflag:s20] =	ssyncadd.s32 $0xFFFFC000  }
0xd2: {  	[tilespmem:s21], [sflag:$0x3] =	stream.linear.gather [spmem:s10], $0x4000, $0x38;
	[tilespmem:$0x1DC00] =	vst v63  }
0xd3: {  	_ =	swait.ge [sflag:s20], $0x4000  }
0xd4: {  	[sflag:s20] =	ssyncset.done $0x0  }
0xd5: {  	[sflag:s20] =	ssyncadd.s32 $0xFFFFC000  }
0xd6: {  	[hbm4b:s11+s3] =	stream.linear.scatter [tilespmem:s21], [sflag:$0x3], $0x4000, $0x38;
	[tilespmem:$0x1DC00] =	vst v63  }
0xd7: {  	_ =	swait.ge [sflag:s20], $0x4000  }
0xd8: {  	[sflag:s20] =	ssyncset.done $0x0  }
0xd9: {  	[sflag:s20] =	ssyncadd.s32 $0xFFFFC000  }
0xda: {  	[tilespmem:s21], [sflag:$0x3] =	stream.linear.gather [spmem:s12], $0x4000, $0x38;
	[tilespmem:$0x1DC00] =	vst v63  }
0xdb: {  	_ =	swait.ge [sflag:s20], $0x4000  }
0xdc: {  	[sflag:s20] =	ssyncset.done $0x0  }
0xdd: {  	[sflag:s20] =	ssyncadd.s32 $0xFFFFC000  }
0xde: {  	[hbm4b:s13+s3] =	stream.linear.scatter [tilespmem:s21], [sflag:$0x3], $0x4000, $0x38;
	[tilespmem:$0x1DC00] =	vst v63  }
0xdf: {  	_ =	swait.ge [sflag:s20], $0x4000  }
0xe0: {  	[sflag:s20] =	ssyncset.done $0x0  }
0xe1: {  	[sflag:s20] =	ssyncadd.s32 $0xFFFFC000  }
0xe2: {  	[tilespmem:s21], [sflag:$0x3] =	stream.linear.gather [spmem:s14], $0x4000, $0x38;
	[tilespmem:$0x1DC00] =	vst v63  }
0xe3: {  	_ =	swait.ge [sflag:s20], $0x4000  }
0xe4: {  	[sflag:s20] =	ssyncset.done $0x0  }
0xe5: {  	[sflag:s20] =	ssyncadd.s32 $0xFFFFC000  }
0xe6: {  	[hbm4b:s15+s3] =	stream.linear.scatter [tilespmem:s21], [sflag:$0x3], $0x4000, $0x38;
	[tilespmem:$0x1DC00] =	vst v63  }
0xe7: {  	_ =	swait.ge [sflag:s20], $0x4000  }
0xe8: {  	[sflag:s20] =	ssyncset.done $0x0  }
0xe9: {  	[sflag:s20] =	ssyncadd.s32 $0xFFFFC000  }
0xea: {  	[tilespmem:s21], [sflag:$0x3] =	stream.linear.gather [spmem:s16], $0x4000, $0x38;
	[tilespmem:$0x1DC00] =	vst v63  }
0xeb: {  	s28 =	sadd.s32 $0x1, s28;
	_ =	swait.ge [sflag:s20], $0x4000  }
0xec: {  	p0 =	sne.s32 s28, s7;
	[sflag:s20] =	ssyncset.done $0x0  }
.Ltmp2:
0xed: {  	[sflag:s20] =	ssyncadd.s32 $0xFFFFC000;
	(pc) =	sbr.rel @p0 .LBB2_1-.Ltmp2, $4  }
0xee: {  	[hbm4b:s17+s3] =	stream.linear.scatter [tilespmem:s21], [sflag:$0x3], $0x4000, $0x38;
	[tilespmem:$0x1DC00] =	vst v63  }
0xef: {  	_ =	swait.ge [sflag:s20], $0x4000  }
0xf0: {  	[sflag:s20] =	ssyncset.done $0x0  }
0xf1: {  	[sflag:s20] =	ssyncadd.s32 $0xFFFFC000  }
0xf2: {  	_ =	sfence.sel $0x180000  }
0xf3: {  	[bflag:$0x0] =	sbarrier.arrive $0xFFFF  }
0xf4: {  	_ =	strace $0x9000004A  }
0xf5: {  	s0 =	stileid.u32;
	[bflag:$0x2] =	sbarrier.arrive $0xFFFF  }
0xf6: {  	p0 =	sne.s32 s0, $0x0;
	s0 =	rddreg [dreg:$0x3]  }
0xf7: {  	s0 =	sadd.s32 @!p0 $0x100000, s0  }
0xf8: {  	[sflag:s0] =	ssyncadd.tile.s32 @!p0 $0x1;
	_ =	shalt  }
.Lfunc_end2:
_tile_overlayer_lowered:
.L_overlay_start_2:
0xf9: {  	(tag) =	ssettag $0x2  }
0xfa: {  	s0 =	rddreg [dreg:$0x0];
	s2 =	stileid.u32  }
0xfb: {  	s1 =	rddreg [dreg:$0x1];
	p0 =	sne.s32 s2, $0x0  }
0xfc: {  	s3 =	rddreg [dreg:$0x2];
	[bflag:$0x3] =	sbarrier.arrive $0xFFFF;
	s2 =	simm.s32 @!p0 $0x1C03  }
0xfd: {  	[timem:s3], [sflag:s2] =	dma.local @!p0 [hbm:s0], s1  }
0xfe: {  	s0 =	simm.s32 @!p0 $0x3  }
0xff: {  	_ =	swait.ge @!p0 [sflag:s0], s1  }
0x100: {  	s1 =	ssub.s32 @!p0 $0x0, s1;
	[sflag:s0] =	ssyncset.done @!p0 $0x0  }
0x101: {  	[sflag:s0] =	ssyncadd.s32 @!p0 s1  }
0x102: {  	[bflag:$0x3] =	sbarrier.arrive $0xFFFF  }
0x103: {  	_ =	shalt  }

// kernel: kernel.13.cloned.1.call-start
scs
__scs_entry_jumppad:
0x0: {  	(pc) =	sbr.rel $0x88, $3  }
0x1: {  	(tag) =	ssettag $0x0;
	lr =	simm.s32 $0x1  }
0x2: {  	[smem:$0x3F9A] =	sst lr;
	_ =	strace $0xD0000000  }
0x3: {  	_ = 	snop  }
0x4: {  	_ = 	snop  }
0x5: {  	_ = 	snop  }
0x6: {  	_ = 	snop  }
0x7: {  	_ = 	snop  }
__scs_overlays_trampoline_lowered:
0x8: {  	[smem:$0x3FA9] =	sst s0  }
0x9: {  	[smem:$0x3FAA] =	sst s1  }
0xa: {  	[smem:$0x3FAB] =	sst s2  }
0xb: {  	[smem:$0x3FAC] =	sst s3  }
0xc: {  	[smem:$0x3FAD] =	sst s4  }
0xd: {  	[smem:$0x3FAE] =	sst s5  }
0xe: {  	[smem:$0x3FAF] =	sst s6  }
0xf: {  	[smem:$0x3FB0] =	sst s7  }
0x10: {  	[smem:$0x3FB1] =	sst s8  }
0x11: {  	[smem:$0x3FB2] =	sst s9;
	s0 =	simm.s32 @!p0 $0x0  }
0x12: {  	s1 =	sld [smem:$0x3F98];
	s0 =	simm.s32 @p0 $0x1  }
0x13: {  	[smem:$0x3FB3] =	sst s0;
	s0 =	simm.s32 @!p1 $0x0  }
0x14: {  	s2 =	sld [smem:$0x3F97];
	s0 =	simm.s32 @p1 $0x1  }
0x15: {  	[smem:$0x3FB4] =	sst s0;
	s0 =	simm.s32 @!p2 $0x0  }
0x16: {  	s3 =	sld [smem:$0x3FDB];
	s0 =	simm.s32 @p2 $0x1  }
0x17: {  	s4 =	simm.s32 $0x1BF5;
	[smem:$0x3FB6] =	sst s0  }
0x18: {  	s0 =	sld [smem:$0x3F99];
	_ =	swait.ge [sflag:s4], $0x0  }
0x19: {  	s7 =	sld [smem:$0x3F9A]  }
0x1a: {  	s8 =	sadd.s32 $0xFFFFE003, lr  }
0x1b: {  	s9 =	sadd.s32 $0xFFFFFEF7, lr;
	s5 =	simm.s32 $0xFFFFFFFF;
	p2 =	slt.u32 s8, $0xFFFFF086  }
0x1c: {  	p1 =	slt.u32 s9, $0xF7A;
	s5 =	simm.s32 @!p2 $0x0  }
0x1d: {  	s5 =	simm.s32 @p1 $0x1;
	p0 =	seq.s32 s7, s2  }
0x1e: {  	s7 =	smul.u32 @!p0 $0xF7A, s2;
	p2 =	seq.s32 @!p0 s5, $0x0  }
0x1f: {  	s9 =	smul.u32 $0xF7A, s1;
	s8 =	simm.s32 @!p0 $0x1BF5;
	p2 =	por !p2, p0  }
0x20: {  	[sflag:s8] =	ssyncset.s32 @!p0 $0xFFFFF086;
	s6 =	sadd.s32 @!p0 s3, s7;
	s7 =	simm.s32 @!p0 $0x108  }
0x21: {  	s3 =	sadd.s32 s3, s9;
	s6 =	sadd.s32 @!p0 $0x88, s6;
	s7 =	simm.s32 @p2 $0x1082  }
0x22: {  	[simem:s7], [sflag:s8] =	dma.local @!p0 [hbm:s6], $0xF7A  }
0x23: {  	s9 =	sor.u32 $0xD0000000, s2;
	s6 =	simm.s32 $0x108;
	_ =	swait.ge @!p0 [sflag:s8], $0x0  }
0x24: {  	s3 =	sadd.s32 $0x88, s3;
	s6 =	simm.s32 @!p1 $0x1082;
	[sflag:s4] =	ssyncset.s32 $0xFFFFF086  }
0x25: {  	[simem:s6], [sflag:s4] =	dma.local [hbm:s3], $0xF7A  }
0x26: {  	[smem:$0x3F9A] =	sst s1;
	(tag) =	ssettag s2;
	_ =	strace s9  }
0x27: {  	s1 =	sld [smem:$0x3FAA]  }
0x28: {  	s2 =	sld [smem:$0x3FAB]  }
0x29: {  	s4 =	sld [smem:$0x3FAD]  }
0x2a: {  	p0 =	seq.s32 s5, $0x0;
	s5 =	sld [smem:$0x3FAE]  }
0x2b: {  	s6 =	sld [smem:$0x3FAF]  }
0x2c: {  	s7 =	sld [smem:$0x3FB0]  }
0x2d: {  	s3 =	simm.s32 $0x108;
	s8 =	sld [smem:$0x3FB1]  }
0x2e: {  	s3 =	simm.s32 @!p0 $0x1082;
	s9 =	sld [smem:$0x3FB2]  }
0x2f: {  	lr =	sadd.s32 s0, s3;
	s0 =	sld [smem:$0x3FA9]  }
0x30: {  	s3 =	sld [smem:$0x3FAC]  }
0x31: {  	[smem:$0x3FB5] =	sst s10  }
0x32: {  	s10 =	sld [smem:$0x3FB3];
	_ =	sdelay $0x3  }
0x33: {  	p0 =	seq.s32 s10, $0x1;
	s10 =	sld [smem:$0x3FB5];
	_ =	sdelay $0x3  }
0x34: {  	[smem:$0x3FB5] =	sst s10  }
0x35: {  	s10 =	sld [smem:$0x3FB4];
	_ =	sdelay $0x3  }
0x36: {  	p1 =	seq.s32 s10, $0x1;
	s10 =	sld [smem:$0x3FB5];
	_ =	sdelay $0x3  }
0x37: {  	[smem:$0x3FB5] =	sst s10  }
0x38: {  	s10 =	sld [smem:$0x3FB6]  }
0x39: {  	_ = 	snop;
	(pc) =	sbr.ind lr, $3  }
0x3a: {  	_ = 	snop  }
0x3b: {  	_ = 	snop  }
0x3c: {  	p2 =	seq.s32 s10, $0x1;
	s10 =	sld [smem:$0x3FB5]  }
0x3d: {  	_ =	shalt  }
0x3e: {  	_ =	shalt  }
0x3f: {  	_ =	shalt  }
0x40: {  	_ =	shalt  }
0x41: {  	_ =	shalt  }
0x42: {  	_ =	shalt  }
0x43: {  	_ =	shalt  }
0x44: {  	_ =	shalt  }
0x45: {  	_ =	shalt  }
0x46: {  	_ =	shalt  }
0x47: {  	_ =	shalt  }
0x48: {  	_ =	shalt  }
0x49: {  	_ =	shalt  }
0x4a: {  	_ =	shalt  }
0x4b: {  	_ =	shalt  }
0x4c: {  	_ =	shalt  }
0x4d: {  	_ =	shalt  }
0x4e: {  	_ =	shalt  }
0x4f: {  	_ =	shalt  }
0x50: {  	_ =	shalt  }
0x51: {  	_ =	shalt  }
0x52: {  	_ =	shalt  }
0x53: {  	_ =	shalt  }
0x54: {  	_ =	shalt  }
0x55: {  	_ =	shalt  }
0x56: {  	_ =	shalt  }
0x57: {  	_ =	shalt  }
0x58: {  	_ =	shalt  }
0x59: {  	_ =	shalt  }
0x5a: {  	_ =	shalt  }
0x5b: {  	_ =	shalt  }
0x5c: {  	_ =	shalt  }
0x5d: {  	_ =	shalt  }
0x5e: {  	_ =	shalt  }
0x5f: {  	_ =	shalt  }
0x60: {  	_ =	shalt  }
0x61: {  	_ =	shalt  }
0x62: {  	_ =	shalt  }
0x63: {  	_ =	shalt  }
0x64: {  	_ =	shalt  }
0x65: {  	_ =	shalt  }
0x66: {  	_ =	shalt  }
0x67: {  	_ =	shalt  }
0x68: {  	_ =	shalt  }
0x69: {  	_ =	shalt  }
0x6a: {  	_ =	shalt  }
0x6b: {  	_ =	shalt  }
0x6c: {  	_ =	shalt  }
0x6d: {  	_ =	shalt  }
0x6e: {  	_ =	shalt  }
0x6f: {  	_ =	shalt  }
0x70: {  	_ =	shalt  }
0x71: {  	_ =	shalt  }
0x72: {  	_ =	shalt  }
0x73: {  	_ =	shalt  }
0x74: {  	_ =	shalt  }
0x75: {  	_ =	shalt  }
0x76: {  	_ =	shalt  }
0x77: {  	_ =	shalt  }
0x78: {  	_ =	shalt  }
0x79: {  	_ =	shalt  }
0x7a: {  	_ =	shalt  }
0x7b: {  	_ =	shalt  }
0x7c: {  	_ =	shalt  }
0x7d: {  	_ =	shalt  }
0x7e: {  	_ =	shalt  }
0x7f: {  	_ =	shalt  }
0x80: {  	_ =	shalt  }
0x81: {  	_ =	shalt  }
0x82: {  	_ =	shalt  }
0x83: {  	_ =	shalt  }
0x84: {  	_ =	shalt  }
0x85: {  	_ =	shalt  }
0x86: {  	_ =	shalt  }
0x87: {  	_ =	shalt  }
.Lfunc_end0:
.L_simem_size_0:
called_computation.2_lowered:
.L_overlay_start_0:
0x88: {  	s2 =	sld [smem:$0x3FD9]  }
0x89: {  	s3 =	sld [smem:$0x3FFE];
	_ =	sdelay $0x1  }
0x8a: {  	s1 =	srdreg.scid  }
0x8b: {  	s0 =	sand.u32 $0x1, s1  }
0x8c: {  	s15 =	sshll.u32 s0, $0xA;
	s2 =	sadd.s32 s3, s2  }
0x8d: {  	s2 =	sadd.s32 s2, s15  }
0x8e: {  	[smem:$0x3FC1] =	sst s2  }
0x8f: {  	_ = 	snop  }
0x90: {  	s2 =	sld [smem:$0x3FD0];
	_ =	sdelay $0x2  }
0x91: {  	s16 =	simm.s32 $0xB;
	s4 =	simm.s32 $0x10  }
0x92: {  	[smem:s4], [sflag:s16] =	dma.local [hbm:s2], $0x1  }
0x93: {  	_ =	swait.eq [sflag:s16], $0x1  }
0x94: {  	[sflag:s16] =	ssyncset.done $0x0  }
0x95: {  	[sflag:s16] =	ssyncadd.s32 $0xFFFFFFFF  }
0x96: {  	s17 =	sld [smem:$0x10];
	(tm) =	ssettm $0x1  }
0x97: {  	s18 =	sld [smem:$0x3FFB];
	_ =	sdelay $0x3  }
0x98: {  	_ =	strace s18  }
0x99: {  	s2 =	sld [smem:$0x3FFC];
	_ =	sdelay $0x3  }
0x9a: {  	_ =	strace s2  }
0x9b: {  	s2 =	sld [smem:$0x3FFD];
	_ =	sdelay $0x3  }
0x9c: {  	_ =	strace s2  }
0x9d: {  	_ =	strace $0x8FFFFFFF  }
0x9e: {  	s19 =	sld [smem:$0x3FDB];
	_ =	sdelay $0x1  }
0x9f: {  	s20 =	simm.s32 $_scs_section_size  }
0xa0: {  	s5 =	simm.s32 $_size__tile_overlayer_lowered;
	s6 =	simm.s32 $_tile_overlayer_lowered  }
0xa1: {  	s7 =	simm.s32 $0x1BFF;
	s21 =	sshll.u32 s6, $0x1;
	s4 =	sadd.s32 s20, s19  }
0xa2: {  	s22 =	simm.s32 $0x0;
	s5 =	sshll.u32 s5, $0x1;
	s6 =	sadd.s32 s21, s4  }
0xa3: {  	[timem:s22], [sflag:s7] =	dma.local [hbm:s6], s5  }
0xa4: {  	_ =	swait.ge [sflag:s7], s5  }
0xa5: {  	s5 =	ssub.s32 $0x0, s5;
	[sflag:s7] =	ssyncset.done $0x0  }
0xa6: {  	[sflag:s7] =	ssyncadd.s32 s5;
	_ =	sdelay $0x1  }
0xa7: {  	s23 =	simm.s32 $0x1B8B  }
0xa8: {  	_ =	swait.ge [sflag:s23], $0x1  }
0xa9: {  	[sflag:s23] =	ssyncset.done $0x0  }
0xaa: {  	[sflag:s23] =	ssyncadd.s32 $0xFFFFFFFF  }
0xab: {  	s5 =	sld [smem:$0x0]  }
0xac: {  	s6 =	sand.u32 $0xFFFFFFFE, s1  }
0xad: {  	p0 =	sne.s32 s1, s6  }
0xae: {  	s6 =	sshll.u32 @p0 s6, $0xE  }
0xaf: {  	s6 =	sadd.s32 @p0 $0x11B8D, s6;
	s7 =	sshll.u32 @p0 s5, $0x11  }
0xb0: {  	s6 =	sor.u32 @p0 s7, s6  }
0xb1: {  	[sflag:s6] =	ssyncadd.remote.s32 @p0 $0x1;
	_ =	sdelay $0x1  }
0xb2: {  	s6 =	simm.s32 @p0 $0x1B8D  }
0xb3: {  	_ =	swait.eq @p0 [sflag:s6], $0x1  }
0xb4: {  	[sflag:s6] =	ssyncadd.s32 @p0 $0xFFFFFFFF  }
0xb5: {  	s7 =	sshll.u32 @!p0 s1, $0xE  }
0xb6: {  	s7 =	sor.u32 @!p0 $0x4000, s7;
	s6 =	simm.s32 @!p0 $0x1B8D  }
0xb7: {  	s5 =	sshll.u32 @!p0 s5, $0x11;
	s7 =	sadd.s32 @!p0 $0x11B8D, s7;
	_ =	swait.eq @!p0 [sflag:s6], $0x1  }
0xb8: {  	s5 =	sor.u32 @!p0 s5, s7;
	[sflag:s6] =	ssyncadd.s32 @!p0 $0xFFFFFFFF  }
0xb9: {  	s25 =	simm.s32 $0x1B8E;
	s24 =	sld [smem:$0x3FFE];
	[sflag:s5] =	ssyncadd.remote.s32 @!p0 $0x1  }
0xba: {  	s26 =	simm.s32 $execute0_lowered;
	[smem:$0x3FD2] =	sst s25  }
0xbb: {  	s6 =	sshll.u32 s26, $0x1;
	_ =	strace $0x8000004C;
	[dreg:$0x1] =	wrdreg $0xFFFFFFFF  }
0xbc: {  	s28 =	simm.s32 $_size_execute0_lowered;
	s4 =	sadd.s32 s4, s6;
	[dreg:$0x0] =	wrdreg $0x0  }
0xbd: {  	s6 =	sshll.u32 s28, $0x1;
	[dreg:$0x2] =	wrdreg s4  }
0xbe: {  	[dreg:$0x3] =	wrdreg s6  }
0xbf: {  	[dreg:$0x4] =	wrdreg $0xC0  }
0xc0: {  	_ =	task [dreg:s22], $0x5FFFF  }
0xc1: {  	[dreg:$0x1] =	wrdreg $0xFFFFFFFF  }
0xc2: {  	[dreg:$0x0] =	wrdreg $0x60  }
0xc3: {  	[dreg:$0x2] =	wrdreg s24  }
0xc4: {  	[dreg:$0x3] =	wrdreg s17  }
0xc5: {  	[dreg:$0x4] =	wrdreg $0x9C000  }
0xc6: {  	[dreg:$0x5] =	wrdreg $0xA  }
0xc7: {  	_ =	task.clear_ibuf [dreg:s22], $0x6FFFF;
	_ =	strace $0x9000004C  }
0xc8: {  	s29 =	simm.s32 $0xA;
	_ =	strace $0x8000004E  }
0xc9: {  	_ =	swait.ge [sflag:s29], $0x1  }
0xca: {  	[sflag:s29] =	ssyncadd.s32 $0xFFFFFFFF  }
0xcb: {  	_ =	strace $0x9000004E  }
0xcc: {  	_ =	sfence  }
0xcd: {  	s30 =	sld [smem:$0x0];
	_ =	sdelay $0x2  }
0xce: {  	s31 =	sshll.u32 s1, $0xD;
	s1 =	sshrl.u32 s1, $0x2  }
0xcf: {  	s4 =	sand.u32 $0x4000, s31;
	s1 =	sadd.s32 s1, s30  }
0xd0: {  	s0 =	sor.u32 s4, s0;
	s1 =	sshll.u32 s1, $0x11  }
0xd1: {  	s0 =	sor.u32 s1, s0  }
0xd2: {  	s0 =	sadd.s32 $0x8F2B, s0  }
0xd3: {  	[sflag:s0] =	ssyncadd.remote.s32 $0x1  }
0xd4: {  	_ =	sfence.sel $0xFFFF  }
0xd5: {  	[dreg:$0x0] =	wrdreg $0xFFFFFFFF;
	(pc) =	sbr.abs _section_cstart, $3  }
0xd6: {  	[dreg:$0x1] =	wrdreg $0xFFFFFFFF  }
0xd7: {  	_ =	task.clear_ibuf [dreg:s22], $0x2FFFF;
	_ =	strace $0x9FFFFFFF  }
0xd8: {  	(tm) =	ssettm $0x7FFFFFFF  }
0xd9: {  	_ =	shalt  }
tec
execute0_lowered:
.L_overlay_start_1:
0x0: {  	(tag) =	ssettag $0x1  }
0x1: {  	s0 =	rddreg [dreg:$0x0]  }
0x2: {  	s1 =	rddreg [dreg:$0x1];
	s14 =	stileid.u32  }
0x3: {  	s2 =	rddreg [dreg:$0x2];
	s5 =	smul.u32 $0x50000, s14  }
0x4: {  	s3 =	srdreg.scid;
	s16 =	smul.u32 $0x14000, s14  }
0x5: {  	s12 =	sand.u32 $0x1, s3;
	s4 =	sshll.u32 s14, $0x1;
	s17 =	smul.u32 $0x140000, s14  }
0x6: {  	s28 =	simm.s32 $0x0;
	s4 =	sor.u32 s12, s4;
	s15 =	smul.u32 $0x140000, s12  }
0x7: {  	s3 =	simm.s32 $0x0;
	s18 =	sadd.s32 $0xEEEC00, s0;
	s6 =	smul.u32 $0x280, s4  }
0x8: {  	s0 =	sadd.s32 $0x53A00, s0;
	[smem:$0x7FF] =	sst s3;
	s7 =	smul.u32 $0x14000, s4  }
0x9: {  	s8 =	ssub.s32 $0x2, s12;
	_ =	strace $0x8000004D;
	s9 =	smul.u32 $0xA0000, s4  }
0xa: {  	s19 =	sshrl.u32 s8, $0x1;
	s20 =	sshrl.u32 s5, $0x2;
	s10 =	sadd.s32 $0x4000, s16  }
0xb: {  	s13 =	sadd.s32 $0x8000, s16;
	s8 =	ssub.s32 s8, s19;
	s4 =	sadd.s32 s20, s2  }
0xc: {  	s22 =	sadd.s32 s15, s16;
	s24 =	sadd.s32 s15, s10;
	s10 =	sadd.s32 s10, s2  }
0xd: {  	s25 =	sadd.s32 s15, s13;
	s19 =	sadd.s32 $0xC000, s16;
	s20 =	smul.u32 $0xA0000, s12  }
0xe: {  	s12 =	sadd.s32 s13, s2;
	s16 =	sadd.s32 $0x10000, s16;
	s5 =	sadd.s32 s1, s6  }
0xf: {  	s6 =	sadd.s32 s18, s7;
	s7 =	smax.u32 s8, $0x1;
	s21 =	sshrl.u32 s9, $0x3  }
0x10: {  	s23 =	sshrl.u32 s22, $0x3;
	s14 =	sadd.s32 s19, s2;
	s26 =	sadd.s32 s15, s19  }
0x11: {  	s29 =	sadd.s32 s15, s16;
	s16 =	sadd.s32 s16, s2;
	s19 =	simm.s32 $0x9400  }
0x12: {  	s22 =	simm.s32 $0x5400;
	s1 =	sadd.s32 s21, s18;
	s9 =	sadd.s32 s0, s23  }
0x13: {  	s17 =	sadd.s32 s20, s17;
	s30 =	sshrl.u32 s29, $0x3;
	s20 =	simm.s32 $0x3  }
0x14: {  	s21 =	simm.s32 $0x1400;
	s23 =	simm.s32 $0x1;
	s8 =	sadd.s32 $0x800, s1  }
0x15: {  	s1 =	sshrl.u32 s24, $0x3;
	s17 =	sor.u32 $0x8000, s17;
	s24 =	simm.s32 $0x2  }
0x16: {  	s11 =	sadd.s32 s0, s1;
	s1 =	sshrl.u32 s25, $0x3;
	s31 =	sshrl.u32 s17, $0x3  }
0x17: {  	s17 =	sadd.s32 s0, s30;
	s13 =	sadd.s32 s0, s1;
	s1 =	sshrl.u32 s26, $0x3  }
0x18: {  	v0 =	vimm.f32 $0.0e+00;
	s25 =	simm.s32 $0x80;
	s18 =	sadd.s32 s31, s18;
	s15 =	sadd.s32 s0, s1  }
.LBB2_1:
0x19: {  	[tilespmem:$0x9400] =	vst v0  }
0x1a: {  	[tilespmem:$0x9410] =	vst v0  }
0x1b: {  	[tilespmem:$0x9420] =	vst v0  }
0x1c: {  	[tilespmem:$0x9430] =	vst v0  }
0x1d: {  	[tilespmem:$0x9440] =	vst v0  }
0x1e: {  	[tilespmem:$0x9450] =	vst v0  }
0x1f: {  	[tilespmem:$0x9460] =	vst v0  }
0x20: {  	[tilespmem:$0x9470] =	vst v0  }
0x21: {  	[tilespmem:$0x9480] =	vst v0  }
0x22: {  	[tilespmem:$0x9490] =	vst v0  }
0x23: {  	[tilespmem:$0x94A0] =	vst v0  }
0x24: {  	[tilespmem:$0x94B0] =	vst v0  }
0x25: {  	[tilespmem:$0x94C0] =	vst v0  }
0x26: {  	[tilespmem:$0x94D0] =	vst v0  }
0x27: {  	[tilespmem:$0x94E0] =	vst v0  }
0x28: {  	[tilespmem:$0x94F0] =	vst v0  }
0x29: {  	[tilespmem:$0x9500] =	vst v0  }
0x2a: {  	[tilespmem:$0x9510] =	vst v0  }
0x2b: {  	[tilespmem:$0x9520] =	vst v0  }
0x2c: {  	[tilespmem:$0x9530] =	vst v0  }
0x2d: {  	[tilespmem:$0x9540] =	vst v0  }
0x2e: {  	[tilespmem:$0x9550] =	vst v0  }
0x2f: {  	[tilespmem:$0x9560] =	vst v0  }
0x30: {  	[tilespmem:$0x9570] =	vst v0  }
0x31: {  	[tilespmem:$0x9580] =	vst v0  }
0x32: {  	[tilespmem:$0x9590] =	vst v0  }
0x33: {  	[tilespmem:$0x95A0] =	vst v0  }
0x34: {  	[tilespmem:$0x95B0] =	vst v0  }
0x35: {  	[tilespmem:$0x95C0] =	vst v0  }
0x36: {  	[tilespmem:$0x95D0] =	vst v0  }
0x37: {  	[tilespmem:$0x95E0] =	vst v0  }
0x38: {  	[tilespmem:$0x95F0] =	vst v0  }
0x39: {  	[tilespmem:$0x9600] =	vst v0  }
0x3a: {  	[tilespmem:$0x9610] =	vst v0  }
0x3b: {  	[tilespmem:$0x9620] =	vst v0  }
0x3c: {  	[tilespmem:$0x9630] =	vst v0  }
0x3d: {  	[tilespmem:$0x9640] =	vst v0  }
0x3e: {  	[tilespmem:$0x9650] =	vst v0  }
0x3f: {  	[tilespmem:$0x9660] =	vst v0  }
0x40: {  	[tilespmem:$0x9670] =	vst v0  }
0x41: {  	[tilespmem:$0x9680] =	vst v0  }
0x42: {  	[tilespmem:$0x9690] =	vst v0  }
0x43: {  	[tilespmem:$0x96A0] =	vst v0  }
0x44: {  	[tilespmem:$0x96B0] =	vst v0  }
0x45: {  	[tilespmem:$0x96C0] =	vst v0  }
0x46: {  	[tilespmem:$0x96D0] =	vst v0  }
0x47: {  	[tilespmem:$0x96E0] =	vst v0  }
0x48: {  	[tilespmem:$0x96F0] =	vst v0  }
0x49: {  	[tilespmem:$0x9700] =	vst v0  }
0x4a: {  	[tilespmem:$0x9710] =	vst v0  }
0x4b: {  	[tilespmem:$0x9720] =	vst v0  }
0x4c: {  	[tilespmem:$0x9730] =	vst v0  }
0x4d: {  	[tilespmem:$0x9740] =	vst v0  }
0x4e: {  	[tilespmem:$0x9750] =	vst v0  }
0x4f: {  	[tilespmem:$0x9760] =	vst v0  }
0x50: {  	[tilespmem:$0x9770] =	vst v0  }
0x51: {  	[tilespmem:$0x9780] =	vst v0  }
0x52: {  	[tilespmem:$0x9790] =	vst v0  }
0x53: {  	[tilespmem:$0x97A0] =	vst v0  }
0x54: {  	[tilespmem:$0x97B0] =	vst v0  }
0x55: {  	[tilespmem:$0x97C0] =	vst v0  }
0x56: {  	[tilespmem:$0x97D0] =	vst v0  }
0x57: {  	[tilespmem:$0x97E0] =	vst v0  }
0x58: {  	[tilespmem:$0x97F0] =	vst v0  }
0x59: {  	[tilespmem:$0x9800] =	vst v0  }
0x5a: {  	[tilespmem:$0x9810] =	vst v0  }
0x5b: {  	[tilespmem:$0x9820] =	vst v0  }
0x5c: {  	[tilespmem:$0x9830] =	vst v0  }
0x5d: {  	[tilespmem:$0x9840] =	vst v0  }
0x5e: {  	[tilespmem:$0x9850] =	vst v0  }
0x5f: {  	[tilespmem:$0x9860] =	vst v0  }
0x60: {  	[tilespmem:$0x9870] =	vst v0  }
0x61: {  	[tilespmem:$0x9880] =	vst v0  }
0x62: {  	[tilespmem:$0x9890] =	vst v0  }
0x63: {  	[tilespmem:$0x98A0] =	vst v0  }
0x64: {  	[tilespmem:$0x98B0] =	vst v0  }
0x65: {  	[tilespmem:$0x98C0] =	vst v0  }
0x66: {  	[tilespmem:$0x98D0] =	vst v0  }
0x67: {  	[tilespmem:$0x98E0] =	vst v0  }
0x68: {  	[tilespmem:$0x98F0] =	vst v0  }
0x69: {  	[tilespmem:$0x9900] =	vst v0  }
0x6a: {  	[tilespmem:$0x9910] =	vst v0  }
0x6b: {  	[tilespmem:$0x9920] =	vst v0  }
0x6c: {  	[tilespmem:$0x9930] =	vst v0  }
0x6d: {  	[tilespmem:$0x9940] =	vst v0  }
0x6e: {  	[tilespmem:$0x9950] =	vst v0  }
0x6f: {  	[tilespmem:$0x9960] =	vst v0  }
0x70: {  	[tilespmem:$0x9970] =	vst v0  }
0x71: {  	[tilespmem:$0x9980] =	vst v0  }
0x72: {  	[tilespmem:$0x9990] =	vst v0  }
0x73: {  	[tilespmem:$0x99A0] =	vst v0  }
0x74: {  	[tilespmem:$0x99B0] =	vst v0  }
0x75: {  	[tilespmem:$0x99C0] =	vst v0  }
0x76: {  	[tilespmem:$0x99D0] =	vst v0  }
0x77: {  	[tilespmem:$0x99E0] =	vst v0  }
0x78: {  	[tilespmem:$0x99F0] =	vst v0  }
0x79: {  	[tilespmem:$0x9A00] =	vst v0  }
0x7a: {  	[tilespmem:$0x9A10] =	vst v0  }
0x7b: {  	[tilespmem:$0x9A20] =	vst v0  }
0x7c: {  	[tilespmem:$0x9A30] =	vst v0  }
0x7d: {  	[tilespmem:$0x9A40] =	vst v0  }
0x7e: {  	[tilespmem:$0x9A50] =	vst v0  }
0x7f: {  	[tilespmem:$0x9A60] =	vst v0  }
0x80: {  	[tilespmem:$0x9A70] =	vst v0  }
0x81: {  	[tilespmem:$0x9A80] =	vst v0  }
0x82: {  	[tilespmem:$0x9A90] =	vst v0  }
0x83: {  	[tilespmem:$0x9AA0] =	vst v0  }
0x84: {  	[tilespmem:$0x9AB0] =	vst v0  }
0x85: {  	[tilespmem:$0x9AC0] =	vst v0  }
0x86: {  	[tilespmem:$0x9AD0] =	vst v0  }
0x87: {  	[tilespmem:$0x9AE0] =	vst v0  }
0x88: {  	[tilespmem:$0x9AF0] =	vst v0  }
0x89: {  	[tilespmem:$0x9B00] =	vst v0  }
0x8a: {  	[tilespmem:$0x9B10] =	vst v0  }
0x8b: {  	[tilespmem:$0x9B20] =	vst v0  }
0x8c: {  	[tilespmem:$0x9B30] =	vst v0  }
0x8d: {  	[tilespmem:$0x9B40] =	vst v0  }
0x8e: {  	[tilespmem:$0x9B50] =	vst v0  }
0x8f: {  	[tilespmem:$0x9B60] =	vst v0  }
0x90: {  	[tilespmem:$0x9B70] =	vst v0  }
0x91: {  	[tilespmem:$0x9B80] =	vst v0  }
0x92: {  	[tilespmem:$0x9B90] =	vst v0  }
0x93: {  	[tilespmem:$0x9BA0] =	vst v0  }
0x94: {  	[tilespmem:$0x9BB0] =	vst v0  }
0x95: {  	[tilespmem:$0x9BC0] =	vst v0  }
0x96: {  	[tilespmem:$0x9BD0] =	vst v0  }
0x97: {  	[tilespmem:$0x9BE0] =	vst v0  }
0x98: {  	[tilespmem:$0x9BF0] =	vst v0;
	s0 =	sadd.s32 $0x0, s4  }
0x99: {  	[spmem:s0] =	stream.linear.scatter [tilespmem:s19], [sflag:$0x3], $0x800, $0x38;
	[tilespmem:$0x1DC00] =	vst v63  }
0x9a: {  	s0 =	simm.s32 $0x2000;
	_ =	swait.ge [sflag:s20], $0x800  }
.LBB2_2:
0x9b: {  	s1 =	sshra.s32 s0, $0x2;
	[sflag:s20] =	ssyncset.done $0x0;
	p0 =	sne.s32 s0, $0x4E000  }
.Ltmp0:
0x9c: {  	s1 =	sadd.s32 s1, s4;
	[sflag:s20] =	ssyncadd.s32 $0xFFFFF800;
	(pc) =	sbr.rel @p0 .LBB2_2-.Ltmp0, $3  }
0x9d: {  	[spmem:s1] =	stream.linear.scatter [tilespmem:s19], [sflag:$0x3], $0x800, $0x38;
	[tilespmem:$0x1DC00] =	vst v63  }
0x9e: {  	s0 =	sadd.s32 $0x2000, s0;
	_ =	sdelay $0x1  }
0x9f: {  	_ =	swait.ge [sflag:s20], $0x800  }
0xa0: {  	[sflag:s20] =	ssyncset.done $0x0  }
0xa1: {  	[sflag:s20] =	ssyncadd.s32 $0xFFFFF800  }
0xa2: {  	[bflag:$0x0] =	sbarrier.arrive $0xFFFF  }
0xa3: {  	[tilespmem:s3], [sflag:$0x3] =	stream.linear.gather [hbm4b:s5+s3], $0x1400, $0x38;
	[tilespmem:$0x1DC00] =	vst v63  }
0xa4: {  	_ =	swait.ge [sflag:s20], $0x1400  }
0xa5: {  	[sflag:s20] =	ssyncset.done $0x0  }
0xa6: {  	[sflag:s20] =	ssyncadd.s32 $0xFFFFEC00  }
0xa7: {  	[tilespmem:s21], [sflag:$0x1] =	stream.linear.gather [hbm4b:s6+s3], $0x4000, $0x38;
	[tilespmem:$0x1DC00] =	vst v63  }
0xa8: {  	_ = 	snop  }
0xa9: {  	[tilespmem:s22], [sflag:$0x1] =	stream.linear.gather [hbm4b:s8+s3], $0x4000, $0x38;
	[tilespmem:$0x1DC00] =	vst v63  }
0xaa: {  	_ =	swait.ge [sflag:s23], $0x4000  }
0xab: {  	[sflag:s23] =	ssyncset.done $0x0  }
0xac: {  	s29 =	simm.s32 $0x80;
	[sflag:s23] =	ssyncadd.s32 $0xFFFFC000  }
0xad: {  	[spmem:s2] =	stream.indirect.scatter.add.f32 [tilespmem:s21], [sflag:$0x2], $0x80, s3, s29, $0xb8;
	[tilespmem:$0x1DC00] =	vst v63  }
0xae: {  	s0 =	simm.s32 $0x8000;
	_ =	swait.ge [sflag:s24], $0x4000  }
0xaf: {  	s0 =	sand.u32 $0x4000, s0;
	[sflag:s24] =	ssyncset.done $0x0  }
0xb0: {  	s0 =	sor.u32 $0x1400, s0;
	[sflag:s24] =	ssyncadd.s32 $0xFFFFC000  }
0xb1: {  	[tilespmem:s0], [sflag:$0x1] =	stream.linear.gather [hbm4b:s18+s3], $0x4000, $0x38;
	[tilespmem:$0x1DC00] =	vst v63  }
0xb2: {  	s30 =	simm.s32 $0xC000;
	s26 =	simm.s32 $0x4000;
	_ =	swait.ge [sflag:s23], $0x4000  }
0xb3: {  	s31 =	sadd.s32 $0x800, s18;
	s0 =	sand.u32 $0x4000, s26;
	[sflag:s23] =	ssyncset.done $0x0  }
0xb4: {  	s1 =	sor.u32 $0x1400, s0;
	s0 =	simm.s32 $0x100;
	[sflag:s23] =	ssyncadd.s32 $0xFFFFC000  }
.LBB2_4:
0xb5: {  	[spmem:s2] =	stream.indirect.scatter.add.f32 [tilespmem:s1], [sflag:$0x2], $0x80, s29, s25, $0xb8;
	[tilespmem:$0x1DC00] =	vst v63  }
0xb6: {  	s1 =	smov.u32 s30;
	s29 =	smov.u32 s0  }
0xb7: {  	p0 =	sne.s32 s30, $0x9C000;
	s30 =	sadd.s32 $0x4000, s30;
	_ =	swait.ge [sflag:s24], $0x4000  }
0xb8: {  	s26 =	sand.u32 $0x4000, s1;
	[sflag:s24] =	ssyncset.done $0x0  }
.Ltmp1:
0xb9: {  	s26 =	sor.u32 $0x1400, s26;
	[sflag:s24] =	ssyncadd.s32 $0xFFFFC000;
	(pc) =	sbr.rel @p0 .LBB2_4-.Ltmp1, $4  }
0xba: {  	[tilespmem:s26], [sflag:$0x1] =	stream.linear.gather [hbm4b:s31+s3], $0x4000, $0x38;
	[tilespmem:$0x1DC00] =	vst v63  }
0xbb: {  	s1 =	sadd.s32 $0xFFFFC000, s1;
	_ =	swait.ge [sflag:s23], $0x4000  }
0xbc: {  	s1 =	sand.u32 $0x4000, s1;
	s31 =	sadd.s32 $0x800, s31;
	[sflag:s23] =	ssyncset.done $0x0  }
0xbd: {  	s0 =	sadd.s32 $0x80, s0;
	s1 =	sor.u32 $0x1400, s1;
	[sflag:s23] =	ssyncadd.s32 $0xFFFFC000  }
0xbe: {  	[spmem:s2] =	stream.indirect.scatter.add.f32 [tilespmem:s1], [sflag:$0x2], $0x80, s29, s25, $0xb8;
	[tilespmem:$0x1DC00] =	vst v63  }
0xbf: {  	_ =	swait.ge [sflag:s24], $0x4000  }
0xc0: {  	[sflag:s24] =	ssyncset.done $0x0  }
0xc1: {  	[sflag:s24] =	ssyncadd.s32 $0xFFFFC000  }
0xc2: {  	_ =	swait.ge [sflag:s23], $0x4000  }
0xc3: {  	[sflag:s23] =	ssyncset.done $0x0  }
0xc4: {  	s0 =	simm.s32 $0x1380;
	[sflag:s23] =	ssyncadd.s32 $0xFFFFC000  }
0xc5: {  	[spmem:s2] =	stream.indirect.scatter.add.f32 [tilespmem:s22], [sflag:$0x2], $0x80, s0, s25, $0xb8;
	[tilespmem:$0x1DC00] =	vst v63  }
0xc6: {  	_ =	swait.ge [sflag:s24], $0x4000  }
0xc7: {  	[sflag:s24] =	ssyncset.done $0x0  }
0xc8: {  	[sflag:s24] =	ssyncadd.s32 $0xFFFFC000  }
0xc9: {  	[bflag:$0x0] =	sbarrier.arrive $0xFFFF  }
0xca: {  	[tilespmem:s21], [sflag:$0x3] =	stream.linear.gather [spmem:s4], $0x4000, $0x38;
	[tilespmem:$0x1DC00] =	vst v63  }
0xcb: {  	_ =	swait.ge [sflag:s20], $0x4000  }
0xcc: {  	[sflag:s20] =	ssyncset.done $0x0  }
0xcd: {  	[sflag:s20] =	ssyncadd.s32 $0xFFFFC000  }
0xce: {  	[hbm4b:s9+s3] =	stream.linear.scatter [tilespmem:s21], [sflag:$0x3], $0x4000, $0x38;
	[tilespmem:$0x1DC00] =	vst v63  }
0xcf: {  	_ =	swait.ge [sflag:s20], $0x4000  }
0xd0: {  	[sflag:s20] =	ssyncset.done $0x0  }
0xd1: {  	[sflag:s20] =	ssyncadd.s32 $0xFFFFC000  }
0xd2: {  	[tilespmem:s21], [sflag:$0x3] =	stream.linear.gather [spmem:s10], $0x4000, $0x38;
	[tilespmem:$0x1DC00] =	vst v63  }
0xd3: {  	_ =	swait.ge [sflag:s20], $0x4000  }
0xd4: {  	[sflag:s20] =	ssyncset.done $0x0  }
0xd5: {  	[sflag:s20] =	ssyncadd.s32 $0xFFFFC000  }
0xd6: {  	[hbm4b:s11+s3] =	stream.linear.scatter [tilespmem:s21], [sflag:$0x3], $0x4000, $0x38;
	[tilespmem:$0x1DC00] =	vst v63  }
0xd7: {  	_ =	swait.ge [sflag:s20], $0x4000  }
0xd8: {  	[sflag:s20] =	ssyncset.done $0x0  }
0xd9: {  	[sflag:s20] =	ssyncadd.s32 $0xFFFFC000  }
0xda: {  	[tilespmem:s21], [sflag:$0x3] =	stream.linear.gather [spmem:s12], $0x4000, $0x38;
	[tilespmem:$0x1DC00] =	vst v63  }
0xdb: {  	_ =	swait.ge [sflag:s20], $0x4000  }
0xdc: {  	[sflag:s20] =	ssyncset.done $0x0  }
0xdd: {  	[sflag:s20] =	ssyncadd.s32 $0xFFFFC000  }
0xde: {  	[hbm4b:s13+s3] =	stream.linear.scatter [tilespmem:s21], [sflag:$0x3], $0x4000, $0x38;
	[tilespmem:$0x1DC00] =	vst v63  }
0xdf: {  	_ =	swait.ge [sflag:s20], $0x4000  }
0xe0: {  	[sflag:s20] =	ssyncset.done $0x0  }
0xe1: {  	[sflag:s20] =	ssyncadd.s32 $0xFFFFC000  }
0xe2: {  	[tilespmem:s21], [sflag:$0x3] =	stream.linear.gather [spmem:s14], $0x4000, $0x38;
	[tilespmem:$0x1DC00] =	vst v63  }
0xe3: {  	_ =	swait.ge [sflag:s20], $0x4000  }
0xe4: {  	[sflag:s20] =	ssyncset.done $0x0  }
0xe5: {  	[sflag:s20] =	ssyncadd.s32 $0xFFFFC000  }
0xe6: {  	[hbm4b:s15+s3] =	stream.linear.scatter [tilespmem:s21], [sflag:$0x3], $0x4000, $0x38;
	[tilespmem:$0x1DC00] =	vst v63  }
0xe7: {  	_ =	swait.ge [sflag:s20], $0x4000  }
0xe8: {  	[sflag:s20] =	ssyncset.done $0x0  }
0xe9: {  	[sflag:s20] =	ssyncadd.s32 $0xFFFFC000  }
0xea: {  	[tilespmem:s21], [sflag:$0x3] =	stream.linear.gather [spmem:s16], $0x4000, $0x38;
	[tilespmem:$0x1DC00] =	vst v63  }
0xeb: {  	s28 =	sadd.s32 $0x1, s28;
	_ =	swait.ge [sflag:s20], $0x4000  }
0xec: {  	p0 =	sne.s32 s28, s7;
	[sflag:s20] =	ssyncset.done $0x0  }
.Ltmp2:
0xed: {  	[sflag:s20] =	ssyncadd.s32 $0xFFFFC000;
	(pc) =	sbr.rel @p0 .LBB2_1-.Ltmp2, $4  }
0xee: {  	[hbm4b:s17+s3] =	stream.linear.scatter [tilespmem:s21], [sflag:$0x3], $0x4000, $0x38;
	[tilespmem:$0x1DC00] =	vst v63  }
0xef: {  	_ =	swait.ge [sflag:s20], $0x4000  }
0xf0: {  	[sflag:s20] =	ssyncset.done $0x0  }
0xf1: {  	[sflag:s20] =	ssyncadd.s32 $0xFFFFC000  }
0xf2: {  	_ =	sfence.sel $0x180000  }
0xf3: {  	[bflag:$0x0] =	sbarrier.arrive $0xFFFF  }
0xf4: {  	_ =	strace $0x9000004D  }
0xf5: {  	s0 =	stileid.u32;
	[bflag:$0x2] =	sbarrier.arrive $0xFFFF  }
0xf6: {  	p0 =	sne.s32 s0, $0x0;
	s0 =	rddreg [dreg:$0x3]  }
0xf7: {  	s0 =	sadd.s32 @!p0 $0x100000, s0  }
0xf8: {  	[sflag:s0] =	ssyncadd.tile.s32 @!p0 $0x1;
	_ =	shalt  }
.Lfunc_end2:
_tile_overlayer_lowered:
.L_overlay_start_2:
0xf9: {  	(tag) =	ssettag $0x2  }
0xfa: {  	s0 =	rddreg [dreg:$0x0];
	s2 =	stileid.u32  }
0xfb: {  	s1 =	rddreg [dreg:$0x1];
	p0 =	sne.s32 s2, $0x0  }
0xfc: {  	s3 =	rddreg [dreg:$0x2];
	[bflag:$0x3] =	sbarrier.arrive $0xFFFF;
	s2 =	simm.s32 @!p0 $0x1C03  }
0xfd: {  	[timem:s3], [sflag:s2] =	dma.local @!p0 [hbm:s0], s1  }
0xfe: {  	s0 =	simm.s32 @!p0 $0x3  }
0xff: {  	_ =	swait.ge @!p0 [sflag:s0], s1  }
0x100: {  	s1 =	ssub.s32 @!p0 $0x0, s1;
	[sflag:s0] =	ssyncset.done @!p0 $0x0  }
0x101: {  	[sflag:s0] =	ssyncadd.s32 @!p0 s1  }
0x102: {  	[bflag:$0x3] =	sbarrier.arrive $0xFFFF  }
0x103: {  	_ =	shalt  }

// kernel: kernel.7.cloned.1.call-start
scs
__scs_entry_jumppad:
0x0: {  	(pc) =	sbr.rel $0x88, $3  }
0x1: {  	(tag) =	ssettag $0x0;
	lr =	simm.s32 $0x1  }
0x2: {  	[smem:$0x3F9A] =	sst lr;
	_ =	strace $0xD0000000  }
0x3: {  	_ = 	snop  }
0x4: {  	_ = 	snop  }
0x5: {  	_ = 	snop  }
0x6: {  	_ = 	snop  }
0x7: {  	_ = 	snop  }
__scs_overlays_trampoline_lowered:
0x8: {  	[smem:$0x3FA9] =	sst s0  }
0x9: {  	[smem:$0x3FAA] =	sst s1  }
0xa: {  	[smem:$0x3FAB] =	sst s2  }
0xb: {  	[smem:$0x3FAC] =	sst s3  }
0xc: {  	[smem:$0x3FAD] =	sst s4  }
0xd: {  	[smem:$0x3FAE] =	sst s5  }
0xe: {  	[smem:$0x3FAF] =	sst s6  }
0xf: {  	[smem:$0x3FB0] =	sst s7  }
0x10: {  	[smem:$0x3FB1] =	sst s8  }
0x11: {  	[smem:$0x3FB2] =	sst s9;
	s0 =	simm.s32 @!p0 $0x0  }
0x12: {  	s1 =	sld [smem:$0x3F98];
	s0 =	simm.s32 @p0 $0x1  }
0x13: {  	[smem:$0x3FB3] =	sst s0;
	s0 =	simm.s32 @!p1 $0x0  }
0x14: {  	s2 =	sld [smem:$0x3F97];
	s0 =	simm.s32 @p1 $0x1  }
0x15: {  	[smem:$0x3FB4] =	sst s0;
	s0 =	simm.s32 @!p2 $0x0  }
0x16: {  	s3 =	sld [smem:$0x3FDB];
	s0 =	simm.s32 @p2 $0x1  }
0x17: {  	s4 =	simm.s32 $0x1BF5;
	[smem:$0x3FB6] =	sst s0  }
0x18: {  	s0 =	sld [smem:$0x3F99];
	_ =	swait.ge [sflag:s4], $0x0  }
0x19: {  	s7 =	sld [smem:$0x3F9A]  }
0x1a: {  	s8 =	sadd.s32 $0xFFFFE003, lr  }
0x1b: {  	s9 =	sadd.s32 $0xFFFFFEF7, lr;
	s5 =	simm.s32 $0xFFFFFFFF;
	p2 =	slt.u32 s8, $0xFFFFF086  }
0x1c: {  	p1 =	slt.u32 s9, $0xF7A;
	s5 =	simm.s32 @!p2 $0x0  }
0x1d: {  	s5 =	simm.s32 @p1 $0x1;
	p0 =	seq.s32 s7, s2  }
0x1e: {  	s7 =	smul.u32 @!p0 $0xF7A, s2;
	p2 =	seq.s32 @!p0 s5, $0x0  }
0x1f: {  	s9 =	smul.u32 $0xF7A, s1;
	s8 =	simm.s32 @!p0 $0x1BF5;
	p2 =	por !p2, p0  }
0x20: {  	[sflag:s8] =	ssyncset.s32 @!p0 $0xFFFFF086;
	s6 =	sadd.s32 @!p0 s3, s7;
	s7 =	simm.s32 @!p0 $0x108  }
0x21: {  	s3 =	sadd.s32 s3, s9;
	s6 =	sadd.s32 @!p0 $0x88, s6;
	s7 =	simm.s32 @p2 $0x1082  }
0x22: {  	[simem:s7], [sflag:s8] =	dma.local @!p0 [hbm:s6], $0xF7A  }
0x23: {  	s9 =	sor.u32 $0xD0000000, s2;
	s6 =	simm.s32 $0x108;
	_ =	swait.ge @!p0 [sflag:s8], $0x0  }
0x24: {  	s3 =	sadd.s32 $0x88, s3;
	s6 =	simm.s32 @!p1 $0x1082;
	[sflag:s4] =	ssyncset.s32 $0xFFFFF086  }
0x25: {  	[simem:s6], [sflag:s4] =	dma.local [hbm:s3], $0xF7A  }
0x26: {  	[smem:$0x3F9A] =	sst s1;
	(tag) =	ssettag s2;
	_ =	strace s9  }
0x27: {  	s1 =	sld [smem:$0x3FAA]  }
0x28: {  	s2 =	sld [smem:$0x3FAB]  }
0x29: {  	s4 =	sld [smem:$0x3FAD]  }
0x2a: {  	p0 =	seq.s32 s5, $0x0;
	s5 =	sld [smem:$0x3FAE]  }
0x2b: {  	s6 =	sld [smem:$0x3FAF]  }
0x2c: {  	s7 =	sld [smem:$0x3FB0]  }
0x2d: {  	s3 =	simm.s32 $0x108;
	s8 =	sld [smem:$0x3FB1]  }
0x2e: {  	s3 =	simm.s32 @!p0 $0x1082;
	s9 =	sld [smem:$0x3FB2]  }
0x2f: {  	lr =	sadd.s32 s0, s3;
	s0 =	sld [smem:$0x3FA9]  }
0x30: {  	s3 =	sld [smem:$0x3FAC]  }
0x31: {  	[smem:$0x3FB5] =	sst s10  }
0x32: {  	s10 =	sld [smem:$0x3FB3];
	_ =	sdelay $0x3  }
0x33: {  	p0 =	seq.s32 s10, $0x1;
	s10 =	sld [smem:$0x3FB5];
	_ =	sdelay $0x3  }
0x34: {  	[smem:$0x3FB5] =	sst s10  }
0x35: {  	s10 =	sld [smem:$0x3FB4];
	_ =	sdelay $0x3  }
0x36: {  	p1 =	seq.s32 s10, $0x1;
	s10 =	sld [smem:$0x3FB5];
	_ =	sdelay $0x3  }
0x37: {  	[smem:$0x3FB5] =	sst s10  }
0x38: {  	s10 =	sld [smem:$0x3FB6]  }
0x39: {  	_ = 	snop;
	(pc) =	sbr.ind lr, $3  }
0x3a: {  	_ = 	snop  }
0x3b: {  	_ = 	snop  }
0x3c: {  	p2 =	seq.s32 s10, $0x1;
	s10 =	sld [smem:$0x3FB5]  }
0x3d: {  	_ =	shalt  }
0x3e: {  	_ =	shalt  }
0x3f: {  	_ =	shalt  }
0x40: {  	_ =	shalt  }
0x41: {  	_ =	shalt  }
0x42: {  	_ =	shalt  }
0x43: {  	_ =	shalt  }
0x44: {  	_ =	shalt  }
0x45: {  	_ =	shalt  }
0x46: {  	_ =	shalt  }
0x47: {  	_ =	shalt  }
0x48: {  	_ =	shalt  }
0x49: {  	_ =	shalt  }
0x4a: {  	_ =	shalt  }
0x4b: {  	_ =	shalt  }
0x4c: {  	_ =	shalt  }
0x4d: {  	_ =	shalt  }
0x4e: {  	_ =	shalt  }
0x4f: {  	_ =	shalt  }
0x50: {  	_ =	shalt  }
0x51: {  	_ =	shalt  }
0x52: {  	_ =	shalt  }
0x53: {  	_ =	shalt  }
0x54: {  	_ =	shalt  }
0x55: {  	_ =	shalt  }
0x56: {  	_ =	shalt  }
0x57: {  	_ =	shalt  }
0x58: {  	_ =	shalt  }
0x59: {  	_ =	shalt  }
0x5a: {  	_ =	shalt  }
0x5b: {  	_ =	shalt  }
0x5c: {  	_ =	shalt  }
0x5d: {  	_ =	shalt  }
0x5e: {  	_ =	shalt  }
0x5f: {  	_ =	shalt  }
0x60: {  	_ =	shalt  }
0x61: {  	_ =	shalt  }
0x62: {  	_ =	shalt  }
0x63: {  	_ =	shalt  }
0x64: {  	_ =	shalt  }
0x65: {  	_ =	shalt  }
0x66: {  	_ =	shalt  }
0x67: {  	_ =	shalt  }
0x68: {  	_ =	shalt  }
0x69: {  	_ =	shalt  }
0x6a: {  	_ =	shalt  }
0x6b: {  	_ =	shalt  }
0x6c: {  	_ =	shalt  }
0x6d: {  	_ =	shalt  }
0x6e: {  	_ =	shalt  }
0x6f: {  	_ =	shalt  }
0x70: {  	_ =	shalt  }
0x71: {  	_ =	shalt  }
0x72: {  	_ =	shalt  }
0x73: {  	_ =	shalt  }
0x74: {  	_ =	shalt  }
0x75: {  	_ =	shalt  }
0x76: {  	_ =	shalt  }
0x77: {  	_ =	shalt  }
0x78: {  	_ =	shalt  }
0x79: {  	_ =	shalt  }
0x7a: {  	_ =	shalt  }
0x7b: {  	_ =	shalt  }
0x7c: {  	_ =	shalt  }
0x7d: {  	_ =	shalt  }
0x7e: {  	_ =	shalt  }
0x7f: {  	_ =	shalt  }
0x80: {  	_ =	shalt  }
0x81: {  	_ =	shalt  }
0x82: {  	_ =	shalt  }
0x83: {  	_ =	shalt  }
0x84: {  	_ =	shalt  }
0x85: {  	_ =	shalt  }
0x86: {  	_ =	shalt  }
0x87: {  	_ =	shalt  }
.Lfunc_end0:
.L_simem_size_0:
called_computation_lowered:
.L_overlay_start_0:
0x88: {  	s2 =	sld [smem:$0x3FD9]  }
0x89: {  	s3 =	sld [smem:$0x3FFE];
	_ =	sdelay $0x1  }
0x8a: {  	s1 =	srdreg.scid  }
0x8b: {  	s0 =	sand.u32 $0x1, s1  }
0x8c: {  	s14 =	sshll.u32 s0, $0xA;
	s2 =	sadd.s32 s3, s2  }
0x8d: {  	s2 =	sadd.s32 s2, s14  }
0x8e: {  	[smem:$0x3FC1] =	sst s2  }
0x8f: {  	_ = 	snop  }
0x90: {  	s2 =	sld [smem:$0x3FD0];
	_ =	sdelay $0x2  }
0x91: {  	s15 =	simm.s32 $0xB;
	s4 =	simm.s32 $0x10  }
0x92: {  	[smem:s4], [sflag:s15] =	dma.local [hbm:s2], $0x1  }
0x93: {  	_ =	swait.eq [sflag:s15], $0x1  }
0x94: {  	[sflag:s15] =	ssyncset.done $0x0  }
0x95: {  	[sflag:s15] =	ssyncadd.s32 $0xFFFFFFFF  }
0x96: {  	s16 =	sld [smem:$0x11];
	(tm) =	ssettm $0x1  }
0x97: {  	s17 =	sld [smem:$0x3FFB];
	_ =	sdelay $0x3  }
0x98: {  	_ =	strace s17  }
0x99: {  	s3 =	sld [smem:$0x3FFC];
	_ =	sdelay $0x3  }
0x9a: {  	_ =	strace s3  }
0x9b: {  	s3 =	sld [smem:$0x3FFD];
	_ =	sdelay $0x3  }
0x9c: {  	_ =	strace s3  }
0x9d: {  	_ =	strace $0x8FFFFFFF  }
0x9e: {  	s18 =	sld [smem:$0x3FDB];
	_ =	sdelay $0x1  }
0x9f: {  	s19 =	simm.s32 $_scs_section_size  }
0xa0: {  	s5 =	simm.s32 $_size__tile_overlayer_lowered;
	s6 =	simm.s32 $_tile_overlayer_lowered  }
0xa1: {  	s22 =	simm.s32 $0x1BFF;
	s21 =	sshll.u32 s6, $0x1;
	s3 =	sadd.s32 s19, s18  }
0xa2: {  	s7 =	simm.s32 $0x0;
	s20 =	sshll.u32 s5, $0x1;
	s5 =	sadd.s32 s21, s3  }
0xa3: {  	[timem:s7], [sflag:s22] =	dma.local [hbm:s5], s20  }
0xa4: {  	_ =	swait.ge [sflag:s22], s20  }
0xa5: {  	s4 =	ssub.s32 $0x0, s20;
	[sflag:s22] =	ssyncset.done $0x0  }
0xa6: {  	[sflag:s22] =	ssyncadd.s32 s4;
	_ =	sdelay $0x1  }
0xa7: {  	s23 =	simm.s32 $0x1B8B  }
0xa8: {  	_ =	swait.ge [sflag:s23], $0x1  }
0xa9: {  	[sflag:s23] =	ssyncset.done $0x0  }
0xaa: {  	s25 =	simm.s32 $0x1B8E;
	s24 =	sld [smem:$0x3FFE];
	[sflag:s23] =	ssyncadd.s32 $0xFFFFFFFF  }
0xab: {  	s26 =	simm.s32 $execute0_lowered;
	[smem:$0x3FD2] =	sst s25  }
0xac: {  	s5 =	sshll.u32 s26, $0x1;
	_ =	strace $0x80000046;
	[dreg:$0x1] =	wrdreg $0xFFFFFFFF  }
0xad: {  	s28 =	simm.s32 $_size_execute0_lowered;
	s3 =	sadd.s32 s3, s5;
	[dreg:$0x0] =	wrdreg $0x0  }
0xae: {  	s5 =	sshll.u32 s28, $0x1;
	[dreg:$0x2] =	wrdreg s3  }
0xaf: {  	[dreg:$0x3] =	wrdreg s5  }
0xb0: {  	[dreg:$0x4] =	wrdreg $0xC0  }
0xb1: {  	_ =	task [dreg:s7], $0x5FFFF  }
0xb2: {  	[dreg:$0x1] =	wrdreg $0xFFFFFFFF  }
0xb3: {  	[dreg:$0x0] =	wrdreg $0x60  }
0xb4: {  	[dreg:$0x2] =	wrdreg s24  }
0xb5: {  	[dreg:$0x3] =	wrdreg s16  }
0xb6: {  	[dreg:$0x4] =	wrdreg $0x9  }
0xb7: {  	_ =	task.clear_ibuf [dreg:s7], $0x5FFFF;
	_ =	strace $0x90000046  }
0xb8: {  	s29 =	simm.s32 $0x9;
	_ =	strace $0x80000048  }
0xb9: {  	_ =	swait.ge [sflag:s29], $0x1  }
0xba: {  	[sflag:s29] =	ssyncadd.s32 $0xFFFFFFFF  }
0xbb: {  	_ =	strace $0x90000048  }
0xbc: {  	_ =	sfence  }
0xbd: {  	s30 =	sld [smem:$0x0];
	_ =	sdelay $0x2  }
0xbe: {  	s31 =	sshll.u32 s1, $0xD;
	s1 =	sshrl.u32 s1, $0x2  }
0xbf: {  	s3 =	sand.u32 $0x4000, s31;
	s1 =	sadd.s32 s1, s30  }
0xc0: {  	s0 =	sor.u32 s3, s0;
	s1 =	sshll.u32 s1, $0x11  }
0xc1: {  	s0 =	sor.u32 s1, s0  }
0xc2: {  	s0 =	sadd.s32 $0x8F2B, s0  }
0xc3: {  	[sflag:s0] =	ssyncadd.remote.s32 $0x1  }
0xc4: {  	_ =	sfence.sel $0xFFFF  }
0xc5: {  	[dreg:$0x0] =	wrdreg $0xFFFFFFFF;
	(pc) =	sbr.abs _section_cstart, $3  }
0xc6: {  	[dreg:$0x1] =	wrdreg $0xFFFFFFFF  }
0xc7: {  	_ =	task.clear_ibuf [dreg:s7], $0x2FFFF;
	_ =	strace $0x9FFFFFFF  }
0xc8: {  	(tm) =	ssettm $0x7FFFFFFF  }
0xc9: {  	_ =	shalt  }
tec
execute0_lowered:
.L_overlay_start_1:
0x0: {  	(tag) =	ssettag $0x1  }
0x1: {  	s1 =	srdreg.scid  }
0x2: {  	s0 =	stileid.u32;
	s4 =	rddreg [dreg:$0x0]  }
0x3: {  	s5 =	rddreg [dreg:$0x1];
	s2 =	simm.s32 $0x0;
	s13 =	simm.s32 $0x1  }
0x4: {  	s14 =	simm.s32 $0x2;
	s3 =	sand.u32 $0x1, s1;
	s1 =	rddreg [dreg:$0x2]  }
0x5: {  	s15 =	simm.s32 $0x0;
	s30 =	sshll.u32 s0, $0x1;
	[smem:$0x7FF] =	sst s2  }
0x6: {  	s8 =	smul.u32 $0x140000, s0;
	s12 =	sadd.s32 $0x2AC00, s4;
	s6 =	sor.u32 s3, s30  }
0x7: {  	_ =	strace $0x80000047;
	s9 =	ssub.s32 $0x2, s3;
	s10 =	smul.u32 $0xA0000, s3  }
0x8: {  	s3 =	sadd.s32 $0x3A00, s4;
	s7 =	smul.u32 $0x280, s6;
	s11 =	sshrl.u32 s9, $0x1  }
0x9: {  	s6 =	smul.u32 $0xA0000, s6;
	s9 =	ssub.s32 s9, s11;
	s8 =	sadd.s32 s10, s8  }
0xa: {  	s10 =	simm.s32 $0x80;
	s11 =	simm.s32 $0x1400;
	s4 =	sadd.s32 s5, s7  }
0xb: {  	s6 =	sshrl.u32 s6, $0x3;
	s31 =	sor.u32 $0x4000, s8;
	s5 =	smax.u32 s9, $0x1  }
0xc: {  	s9 =	simm.s32 $0x3;
	s6 =	sadd.s32 s12, s6;
	s8 =	sshrl.u32 s31, $0x3  }
0xd: {  	s7 =	sadd.s32 $0x13800, s6;
	s8 =	sadd.s32 s8, s12;
	s12 =	simm.s32 $0x5400  }
.LBB2_1:
0xe: {  	[tilespmem:s2], [sflag:$0x3] =	stream.linear.gather [hbm4b:s4+s2], $0x1400, $0x38;
	[tilespmem:$0x9400] =	vst v63  }
0xf: {  	_ =	swait.ge [sflag:s9], $0x1400  }
0x10: {  	[sflag:s9] =	ssyncset.done $0x0  }
0x11: {  	[sflag:s9] =	ssyncadd.s32 $0xFFFFEC00  }
0x12: {  	[tilespmem:s11], [sflag:$0x1] =	stream.indirect.gather [hbm4b:s3+s10], $0x80, s2, s10, $0xb8;
	[tilespmem:$0x9400] =	vst v63  }
0x13: {  	_ = 	snop  }
0x14: {  	[tilespmem:s12], [sflag:$0x1] =	stream.indirect.gather [hbm4b:s3+s10], $0x80, s10, s10, $0xb8;
	[tilespmem:$0x9400] =	vst v63  }
0x15: {  	_ =	swait.ge [sflag:s13], $0x4000  }
0x16: {  	[sflag:s13] =	ssyncset.done $0x0  }
0x17: {  	[sflag:s13] =	ssyncadd.s32 $0xFFFFC000  }
0x18: {  	[hbm4b:s6+s2] =	stream.linear.scatter [tilespmem:s11], [sflag:$0x2], $0x4000, $0x38;
	[tilespmem:$0x9400] =	vst v63  }
0x19: {  	s16 =	simm.s32 $0x8000;
	_ =	swait.ge [sflag:s14], $0x4000  }
0x1a: {  	s17 =	simm.s32 $0x100;
	s16 =	sand.u32 $0x4000, s16;
	[sflag:s14] =	ssyncset.done $0x0  }
0x1b: {  	s31 =	simm.s32 $0x4000;
	s16 =	sor.u32 $0x1400, s16;
	[sflag:s14] =	ssyncadd.s32 $0xFFFFC000  }
0x1c: {  	[tilespmem:s16], [sflag:$0x1] =	stream.indirect.gather [hbm4b:s3+s10], $0x80, s17, s10, $0xb8;
	[tilespmem:$0x9400] =	vst v63  }
0x1d: {  	s19 =	smov.u32 s8;
	s18 =	sand.u32 $0x4000, s31;
	_ =	swait.ge [sflag:s13], $0x4000  }
0x1e: {  	s20 =	sor.u32 $0x1400, s18;
	s18 =	simm.s32 $0x180;
	[sflag:s13] =	ssyncset.done $0x0  }
0x1f: {  	s16 =	simm.s32 $0xC000;
	s17 =	sadd.s32 $0x800, s8;
	[sflag:s13] =	ssyncadd.s32 $0xFFFFC000  }
.LBB2_2:
0x20: {  	[hbm4b:s19+s2] =	stream.linear.scatter [tilespmem:s20], [sflag:$0x2], $0x4000, $0x38;
	[tilespmem:$0x9400] =	vst v63  }
0x21: {  	s20 =	smov.u32 s16;
	s19 =	smov.u32 s17  }
0x22: {  	p0 =	sne.s32 s16, $0x9C000;
	s16 =	sadd.s32 $0x4000, s16;
	_ =	swait.ge [sflag:s14], $0x4000  }
0x23: {  	s21 =	sand.u32 $0x4000, s20;
	[sflag:s14] =	ssyncset.done $0x0  }
.Ltmp0:
0x24: {  	s21 =	sor.u32 $0x1400, s21;
	[sflag:s14] =	ssyncadd.s32 $0xFFFFC000;
	(pc) =	sbr.rel @p0 .LBB2_2-.Ltmp0, $4  }
0x25: {  	[tilespmem:s21], [sflag:$0x1] =	stream.indirect.gather [hbm4b:s3+s10], $0x80, s18, s10, $0xb8;
	[tilespmem:$0x9400] =	vst v63  }
0x26: {  	s20 =	sadd.s32 $0xFFFFC000, s20;
	_ =	swait.ge [sflag:s13], $0x4000  }
0x27: {  	s17 =	sadd.s32 $0x800, s17;
	s20 =	sand.u32 $0x4000, s20;
	[sflag:s13] =	ssyncset.done $0x0  }
0x28: {  	s20 =	sor.u32 $0x1400, s20;
	s18 =	sadd.s32 $0x80, s18;
	[sflag:s13] =	ssyncadd.s32 $0xFFFFC000  }
0x29: {  	[hbm4b:s19+s2] =	stream.linear.scatter [tilespmem:s20], [sflag:$0x2], $0x4000, $0x38;
	[tilespmem:$0x9400] =	vst v63  }
0x2a: {  	_ =	swait.ge [sflag:s14], $0x4000  }
0x2b: {  	[sflag:s14] =	ssyncset.done $0x0  }
0x2c: {  	[sflag:s14] =	ssyncadd.s32 $0xFFFFC000  }
0x2d: {  	s15 =	sadd.s32 $0x1, s15;
	_ =	swait.ge [sflag:s13], $0x4000  }
0x2e: {  	p0 =	sne.s32 s15, s5;
	[sflag:s13] =	ssyncset.done $0x0  }
.Ltmp1:
0x2f: {  	[sflag:s13] =	ssyncadd.s32 $0xFFFFC000;
	(pc) =	sbr.rel @p0 .LBB2_1-.Ltmp1, $4  }
0x30: {  	[hbm4b:s7+s2] =	stream.linear.scatter [tilespmem:s12], [sflag:$0x2], $0x4000, $0x38;
	[tilespmem:$0x9400] =	vst v63  }
0x31: {  	_ =	swait.ge [sflag:s14], $0x4000  }
0x32: {  	[sflag:s14] =	ssyncset.done $0x0  }
0x33: {  	[sflag:s14] =	ssyncadd.s32 $0xFFFFC000  }
0x34: {  	_ =	sfence.sel $0x180000  }
0x35: {  	[bflag:$0x0] =	sbarrier.arrive $0xFFFF  }
0x36: {  	p0 =	sne.s32 s0, $0x0;
	_ =	strace $0x90000047  }
0x37: {  	s0 =	sadd.s32 @!p0 $0x100000, s1;
	[bflag:$0x2] =	sbarrier.arrive $0xFFFF  }
0x38: {  	[sflag:s0] =	ssyncadd.tile.s32 @!p0 $0x1;
	_ =	shalt  }
.Lfunc_end2:
_tile_overlayer_lowered:
.L_overlay_start_2:
0x39: {  	(tag) =	ssettag $0x2  }
0x3a: {  	s0 =	rddreg [dreg:$0x0];
	s2 =	stileid.u32  }
0x3b: {  	s1 =	rddreg [dreg:$0x1];
	p0 =	sne.s32 s2, $0x0  }
0x3c: {  	s3 =	rddreg [dreg:$0x2];
	[bflag:$0x3] =	sbarrier.arrive $0xFFFF;
	s2 =	simm.s32 @!p0 $0x1C03  }
0x3d: {  	[timem:s3], [sflag:s2] =	dma.local @!p0 [hbm:s0], s1  }
0x3e: {  	s0 =	simm.s32 @!p0 $0x3  }
0x3f: {  	_ =	swait.ge @!p0 [sflag:s0], s1  }
0x40: {  	s1 =	ssub.s32 @!p0 $0x0, s1;
	[sflag:s0] =	ssyncset.done @!p0 $0x0  }
0x41: {  	[sflag:s0] =	ssyncadd.s32 @!p0 s1  }
0x42: {  	[bflag:$0x3] =	sbarrier.arrive $0xFFFF  }
0x43: {  	_ =	shalt  }

</sc_bundles>
